<compile_context>
chip_gen: v7x
topology: tpu7x:2x2x1
jax: 0.10.2.dev20260603
libtpu: 0.0.44.dev20260713+nightly
codegen_flags: <defaults>
</compile_context>

<pallas_src>
import jax
import jax.numpy as jnp
from jax import lax
from jax.experimental import pallas as pl
from jax.experimental.pallas import tpu as pltpu
from jax.experimental.pallas import tpu_sc as plsc

HIDDEN_DIM = 128
MAX_DEPTH = 64
BATCH = 128
MAX_NODES = 256
VALUE_LEN = 32

NC, NS, L = 2, 16, 16
NW = NC * NS
TOTAL_NODES = BATCH * MAX_NODES
NODES_PER_W = TOTAL_NODES // NW
GROUP = 8
GROUPS_PER_W = NODES_PER_W // GROUP
VROWS = GROUP * VALUE_LEN
VIDX_PER_W = NODES_PER_W * VALUE_LEN // 128
PACKED = HIDDEN_DIM // 2
BLOCKS = HIDDEN_DIM // 32
NBUF = 2


def _sc_body(nt_hbm, nv_hbm, dp_hbm, node_tab, val_tab, dep_tab, out_hbm,
             nidx, vidx, didx, vrows, nrows, drows, outv, sem0, sem1):
  wid = lax.axis_index("s") * NC + lax.axis_index("c")
  sems = (sem0, sem1)

  pltpu.sync_copy(nt_hbm.at[pl.ds(wid * NODES_PER_W, NODES_PER_W)], nidx)
  pltpu.sync_copy(dp_hbm.at[pl.ds(wid * NODES_PER_W, NODES_PER_W)], didx)
  pltpu.sync_copy(nv_hbm.at[pl.ds(wid * VIDX_PER_W, VIDX_PER_W)], vidx)

  def clamp_body(i, _):
    sl = pl.ds(i * L, L)
    didx[sl] = jnp.clip(didx[sl], 0, MAX_DEPTH - 1)
    return 0
  lax.fori_loop(0, NODES_PER_W // L, clamp_body, 0)

  def copies(g, b):
    cps = []
    for p in range(2):
      cps.append((val_tab.at[vidx.at[g * 2 + p]],
                  vrows.at[pl.ds((b * 2 + p) * 128, 128)]))
    cps.append((node_tab.at[nidx.at[pl.ds(g * GROUP, GROUP)]],
                nrows.at[pl.ds(b * GROUP, GROUP)]))
    cps.append((dep_tab.at[didx.at[pl.ds(g * GROUP, GROUP)]],
                drows.at[pl.ds(b * GROUP, GROUP)]))
    return cps

  def fire(g, b):
    for src, dst in copies(g, b):
      pltpu.async_copy(src, dst, sems[b])

  def drain(g, b):
    for src, dst in copies(g, b):
      pltpu.make_async_copy(src, dst, sems[b]).wait()

  fire(0, 0)
  fire(1, 1)

  def pair_body(t, _):
    for b in range(NBUF):
      g = t * NBUF + b
      drain(g, b)

      def node_body(i, _):
        ri = b * GROUP + i
        vbase = ri * VALUE_LEN
        for k in range(BLOCKS):
          slp = pl.ds(k * 16, 16)
          v0 = vrows[vbase, slp]
          lo = plsc.bitcast(v0 << 16, jnp.float32)
          hi = plsc.bitcast(v0 & jnp.int32(-65536), jnp.float32)
          for l in range(1, VALUE_LEN):
            v = vrows[vbase + l, slp]
            lo = lo + plsc.bitcast(v << 16, jnp.float32)
            hi = hi + plsc.bitcast(v & jnp.int32(-65536), jnp.float32)
          slA = pl.ds(k * 32, 16)
          slB = pl.ds(k * 32 + 16, 16)
          outv[ri, slA] = nrows[ri, slA] + drows[ri, slA] + lo * (1.0 / VALUE_LEN)
          outv[ri, slB] = nrows[ri, slB] + drows[ri, slB] + hi * (1.0 / VALUE_LEN)
        return 0
      lax.fori_loop(0, GROUP, node_body, 0)

      base = (wid * GROUPS_PER_W + g) * GROUP
      pltpu.sync_copy(outv.at[pl.ds(b * GROUP, GROUP)],
                      out_hbm.at[pl.ds(base, GROUP)])

      @pl.when(g + NBUF < GROUPS_PER_W)
      def _():
        fire(g + NBUF, b)
    return 0

  lax.fori_loop(0, GROUPS_PER_W // NBUF, pair_body, 0)


@jax.jit
def _tree_embed(nt, nv, dp, node_tab, val_tab, dep_tab):
  mesh = plsc.VectorSubcoreMesh(
      core_axis_name="c", subcore_axis_name="s", num_cores=NC, num_subcores=NS)
  return pl.kernel(
      _sc_body,
      out_type=jax.ShapeDtypeStruct((TOTAL_NODES, HIDDEN_DIM), jnp.float32),
      mesh=mesh,
      compiler_params=pltpu.CompilerParams(use_tc_tiling_on_sc=False, needs_layout_passes=False),
      scratch_types=[
          pltpu.VMEM((NODES_PER_W,), jnp.int32),
          pltpu.VMEM((VIDX_PER_W, 128), jnp.int32),
          pltpu.VMEM((NODES_PER_W,), jnp.int32),
          pltpu.VMEM((NBUF * VROWS, PACKED), jnp.int32),
          pltpu.VMEM((NBUF * GROUP, HIDDEN_DIM), jnp.float32),
          pltpu.VMEM((NBUF * GROUP, HIDDEN_DIM), jnp.float32),
          pltpu.VMEM((NBUF * GROUP, HIDDEN_DIM), jnp.float32),
          pltpu.SemaphoreType.DMA,
          pltpu.SemaphoreType.DMA,
      ],
  )(nt, nv, dp, node_tab, val_tab, dep_tab)


def kernel(node_types, node_values, depth, node_table, value_table, depth_table):
  nt = node_types.reshape(TOTAL_NODES).astype(jnp.int32)
  nv = node_values.reshape(TOTAL_NODES * VALUE_LEN // 128, 128).astype(jnp.int32)
  dp = depth.reshape(TOTAL_NODES).astype(jnp.int32)
  v = value_table.shape[0]
  vtp = value_table.astype(jnp.bfloat16).reshape(v, BLOCKS, 2, 16).swapaxes(2, 3)
  vt32 = lax.bitcast_convert_type(vtp, jnp.int32).reshape(v, PACKED)
  out = _tree_embed(nt, nv, dp, node_table, vt32, depth_table)
  return out.reshape(BATCH, MAX_NODES, HIDDEN_DIM)

# --- scband reference (transcript-rebuilt; emitter-appended) ---
"""Pipeline reference for scband-tree-embedding-9783935500869 (READ-ONLY COPY).

The authoritative reference and input builder live on the scoring server;
editing this copy changes nothing except your own understanding.
"""

import jax, jax.numpy as jnp
import numpy as np

HIDDEN_DIM = 128
NODE_VOCAB = 100000
VALUE_VOCAB = 100000
MAX_DEPTH = 64
BATCH = 128
MAX_NODES = 256
VALUE_LEN = 32


def setup_inputs(seed: int = 0) -> dict:
    key = jax.random.key(seed)
    k1, k2, k3, k4, k5, k6 = jax.random.split(key, 6)
    node_types = jax.random.randint(k1, (BATCH, MAX_NODES), 0, NODE_VOCAB, dtype=jnp.int64 if jax.config.jax_enable_x64 else jnp.int32)
    node_values = jax.random.randint(k2, (BATCH, MAX_NODES, VALUE_LEN), 0, VALUE_VOCAB, dtype=jnp.int64 if jax.config.jax_enable_x64 else jnp.int32)
    depth = jax.random.randint(k3, (BATCH, MAX_NODES), 0, 128, dtype=jnp.int64 if jax.config.jax_enable_x64 else jnp.int32)
    node_table = jax.random.normal(k4, (NODE_VOCAB, HIDDEN_DIM), dtype=jnp.float32) * 0.02
    value_table = jax.random.normal(k5, (VALUE_VOCAB, HIDDEN_DIM), dtype=jnp.float32) * 0.02
    depth_table = jax.random.normal(k6, (MAX_DEPTH, HIDDEN_DIM), dtype=jnp.float32) * 0.02
    return {
        "node_types": node_types,
        "node_values": node_values,
        "depth": depth,
        "node_table": node_table,
        "value_table": value_table,
        "depth_table": depth_table,
    }


def reference(node_types, node_values, depth, node_table, value_table, depth_table):
    # node type embedding: gather rows
    node_emb = jnp.take(node_table, node_types, axis=0)            # [B, N, D]
    # value embedding: gather then mean-pool over value tokens (ValueLen axis)
    value_emb = jnp.take(value_table, node_values, axis=0)          # [B, N, L, D]
    value_emb = jnp.mean(value_emb, axis=-2)                        # [B, N, D]
    # depth embedding with clamp to [0, max_depth-1]
    depth_clamped = jnp.clip(depth, 0, MAX_DEPTH - 1)
    depth_emb = jnp.take(depth_table, depth_clamped, axis=0)        # [B, N, D]
    return node_emb + value_emb + depth_emb

if __name__ == "__main__":
    import jax
    _d = setup_inputs()
    print(jax.jit(kernel)(*tuple(_d.values())))

</pallas_src>

<mosaic_0001>
#map = affine_map<(d0, d1) -> (0)>
#map1 = affine_map<(d0, d1) -> (0, 0)>
module attributes {stable_mosaic.version = 14 : i64} {
  func.func @_sc_body(%arg0: i32, %arg1: i32, %arg2: memref<32768xi32, #tpu.memory_space<hbm>>, %arg3: memref<8192x128xi32, #tpu.memory_space<hbm>>, %arg4: memref<32768xi32, #tpu.memory_space<hbm>>, %arg5: memref<100000x128xf32, #tpu.memory_space<hbm>>, %arg6: memref<100000x64xi32, #tpu.memory_space<hbm>>, %arg7: memref<64x128xf32, #tpu.memory_space<hbm>>, %arg8: memref<32768x128xf32, #tpu.memory_space<hbm>>, %arg9: memref<1024xi32, #tpu.memory_space<vmem>>, %arg10: memref<256x128xi32, #tpu.memory_space<vmem>>, %arg11: memref<1024xi32, #tpu.memory_space<vmem>>, %arg12: memref<512x64xi32, #tpu.memory_space<vmem>>, %arg13: memref<16x128xf32, #tpu.memory_space<vmem>>, %arg14: memref<16x128xf32, #tpu.memory_space<vmem>>, %arg15: memref<16x128xf32, #tpu.memory_space<vmem>>, %arg16: memref<!tpu.dma_semaphore, #tpu.memory_space<semaphore_mem>>, %arg17: memref<!tpu.dma_semaphore, #tpu.memory_space<semaphore_mem>>) attributes {dimension_semantics = [#tpu.dimension_semantics<core_parallel>, #tpu.dimension_semantics<subcore_parallel>], iteration_bounds = array<i64: 2, 16>, scalar_prefetch = 0 : i64, scratch_operands = 9 : i64, tpu.core_type = #tpu.core_type<sc_vector_subcore>, window_params = [{transform_indices = #map}, {transform_indices = #map1}, {transform_indices = #map}, {transform_indices = #map1}, {transform_indices = #map1}, {transform_indices = #map1}, {transform_indices = #map1}]} {
    %mul3A = arith.constant 2 : i32
    %mul3A_0 = arith.muli %arg1, %mul3A : i32
    %add3A = arith.addi %mul3A_0, %arg0 : i32
    %mul3A_1 = arith.constant 1024 : i32
    %mul3A_2 = arith.muli %add3A, %mul3A_1 : i32
    "tpu.region"() ({
      %run_scoped3A = tpu.sem_alloc : memref<!tpu.dma_semaphore, #tpu.memory_space<semaphore_mem>>
      %dma_start3A_91 = tpu.memref_slice %arg2[%mul3A_2] : memref<32768xi32, #tpu.memory_space<hbm>> -> memref<1024xi32, #tpu.memory_space<hbm>>
      %dma_start3A_92 = tpu.memref_slice %arg2[%mul3A_2] : memref<32768xi32, #tpu.memory_space<hbm>> -> memref<1024xi32, #tpu.memory_space<hbm>>
      tpu.enqueue_dma source(%dma_start3A_92 : memref<1024xi32, #tpu.memory_space<hbm>>) target(%arg9 : memref<1024xi32, #tpu.memory_space<vmem>>) target_semaphore(%run_scoped3A : memref<!tpu.dma_semaphore, #tpu.memory_space<semaphore_mem>>)
      %dma_wait3A = tpu.memref_slice %arg2[%mul3A_2] : memref<32768xi32, #tpu.memory_space<hbm>> -> memref<1024xi32, #tpu.memory_space<hbm>>
      %dma_wait3A_93 = tpu.memref_slice %arg2[%mul3A_2] : memref<32768xi32, #tpu.memory_space<hbm>> -> memref<1024xi32, #tpu.memory_space<hbm>>
      tpu.wait_dma2 semaphore(%run_scoped3A : memref<!tpu.dma_semaphore, #tpu.memory_space<semaphore_mem>>) src(%dma_wait3A_93 : memref<1024xi32, #tpu.memory_space<hbm>>) dst(%arg9 : memref<1024xi32, #tpu.memory_space<vmem>>)
      tpu.yield
    }) : () -> ()
    %mul3A_3 = arith.constant 1024 : i32
    %mul3A_4 = arith.muli %add3A, %mul3A_3 : i32
    "tpu.region"() ({
      %run_scoped3A = tpu.sem_alloc : memref<!tpu.dma_semaphore, #tpu.memory_space<semaphore_mem>>
      %dma_start3A_91 = tpu.memref_slice %arg4[%mul3A_4] : memref<32768xi32, #tpu.memory_space<hbm>> -> memref<1024xi32, #tpu.memory_space<hbm>>
      %dma_start3A_92 = tpu.memref_slice %arg4[%mul3A_4] : memref<32768xi32, #tpu.memory_space<hbm>> -> memref<1024xi32, #tpu.memory_space<hbm>>
      tpu.enqueue_dma source(%dma_start3A_92 : memref<1024xi32, #tpu.memory_space<hbm>>) target(%arg11 : memref<1024xi32, #tpu.memory_space<vmem>>) target_semaphore(%run_scoped3A : memref<!tpu.dma_semaphore, #tpu.memory_space<semaphore_mem>>)
      %dma_wait3A = tpu.memref_slice %arg4[%mul3A_4] : memref<32768xi32, #tpu.memory_space<hbm>> -> memref<1024xi32, #tpu.memory_space<hbm>>
      %dma_wait3A_93 = tpu.memref_slice %arg4[%mul3A_4] : memref<32768xi32, #tpu.memory_space<hbm>> -> memref<1024xi32, #tpu.memory_space<hbm>>
      tpu.wait_dma2 semaphore(%run_scoped3A : memref<!tpu.dma_semaphore, #tpu.memory_space<semaphore_mem>>) src(%dma_wait3A_93 : memref<1024xi32, #tpu.memory_space<hbm>>) dst(%arg11 : memref<1024xi32, #tpu.memory_space<vmem>>)
      tpu.yield
    }) : () -> ()
    %mul3A_5 = arith.constant 256 : i32
    %mul3A_6 = arith.muli %add3A, %mul3A_5 : i32
    "tpu.region"() ({
      %run_scoped3A = tpu.sem_alloc : memref<!tpu.dma_semaphore, #tpu.memory_space<semaphore_mem>>
      %dma_start3A_91 = arith.constant 0 : i32
      %dma_start3A_92 = tpu.memref_slice %arg3[%mul3A_6, %dma_start3A_91] : memref<8192x128xi32, #tpu.memory_space<hbm>> -> memref<256x128xi32, #tpu.memory_space<hbm>>
      %dma_start3A_93 = arith.constant 0 : i32
      %dma_start3A_94 = tpu.memref_slice %arg3[%mul3A_6, %dma_start3A_93] : memref<8192x128xi32, #tpu.memory_space<hbm>> -> memref<256x128xi32, #tpu.memory_space<hbm>>
      tpu.enqueue_dma source(%dma_start3A_94 : memref<256x128xi32, #tpu.memory_space<hbm>>) target(%arg10 : memref<256x128xi32, #tpu.memory_space<vmem>>) target_semaphore(%run_scoped3A : memref<!tpu.dma_semaphore, #tpu.memory_space<semaphore_mem>>)
      %dma_wait3A = arith.constant 0 : i32
      %dma_wait3A_95 = tpu.memref_slice %arg3[%mul3A_6, %dma_wait3A] : memref<8192x128xi32, #tpu.memory_space<hbm>> -> memref<256x128xi32, #tpu.memory_space<hbm>>
      %dma_wait3A_96 = arith.constant 0 : i32
      %dma_wait3A_97 = tpu.memref_slice %arg3[%mul3A_6, %dma_wait3A_96] : memref<8192x128xi32, #tpu.memory_space<hbm>> -> memref<256x128xi32, #tpu.memory_space<hbm>>
      tpu.wait_dma2 semaphore(%run_scoped3A : memref<!tpu.dma_semaphore, #tpu.memory_space<semaphore_mem>>) src(%dma_wait3A_97 : memref<256x128xi32, #tpu.memory_space<hbm>>) dst(%arg10 : memref<256x128xi32, #tpu.memory_space<vmem>>)
      tpu.yield
    }) : () -> ()
    %scan3A = arith.constant 0 : i32
    %scan3A_7 = arith.constant 0 : i32
    %scan3A_8 = arith.constant 64 : i32
    %scan3A_9 = arith.addi %scan3A_7, %scan3A_8 : i32
    %scan3A_10 = arith.constant 1 : i32
    %scan3A_11 = scf.for %scan3A_91 = %scan3A_7 to %scan3A_9 step %scan3A_10 iter_args(%scan3A_92 = %scan3A) -> (i32)  : i32 {
      %mul3A_93 = arith.constant 16 : i32
      %mul3A_94 = arith.muli %scan3A_91, %mul3A_93 : i32
      %get3A = arith.index_cast %mul3A_94 : i32 to index
      %get3A_95 = tpu.vector_load %arg11[%get3A] {strides = array<i32>} : memref<1024xi32, #tpu.memory_space<vmem>>, vector<16xi32>,
      %jit3A = arith.constant 0 : i32
      %jit3A_96 = arith.constant 63 : i32
      %max3A = vector.broadcast %jit3A : i32 to vector<16xi32>
      %max3A_97 = arith.maxsi %max3A, %get3A_95 : vector<16xi32>
      %min3A = vector.broadcast %jit3A_96 : i32 to vector<16xi32>
      %min3A_98 = arith.minsi %min3A, %max3A_97 : vector<16xi32>
      %swap3A = arith.index_cast %mul3A_94 : i32 to index
      %swap3A_99 = tpu.vector_load %arg11[%swap3A] {strides = array<i32>} : memref<1024xi32, #tpu.memory_space<vmem>>, vector<16xi32>,
      tpu.vector_store %arg11[%swap3A], %min3A_98 {strides = array<i32>} : memref<1024xi32, #tpu.memory_space<vmem>>, vector<16xi32>,
      %scan3A_100 = arith.constant 0 : i32
      scf.yield %scan3A_100 : i32
    }
    %scan3A_12 = arith.constant 64 : i32
    %dma_start3A = arith.constant 0 : i32
    %dma_start3A_13 = arith.constant 0 : i32
    %dma_start3A_14 = arith.constant 0 : i32
    %dma_start3A_15 = tpu.memref_slice %arg12[%dma_start3A_13, %dma_start3A_14] : memref<512x64xi32, #tpu.memory_space<vmem>> -> memref<128x64xi32, #tpu.memory_space<vmem>>
    %dma_start3A_16 = arith.constant 0 : i32
    %dma_start3A_17 = tpu.memref_slice %arg10[%dma_start3A, %dma_start3A_16] : memref<256x128xi32, #tpu.memory_space<vmem>> -> memref<1x128xi32, #tpu.memory_space<vmem>>
    %dma_start3A_18 = tpu.memref_squeeze %dma_start3A_17 : memref<1x128xi32, #tpu.memory_space<vmem>> -> memref<128xi32, #tpu.memory_space<vmem>>
    %dma_start3A_19 = arith.constant 0 : i32
    %dma_start3A_20 = arith.constant 0 : i32
    %dma_start3A_21 = tpu.memref_slice %arg6[%dma_start3A_19, %dma_start3A_20] : memref<100000x64xi32, #tpu.memory_space<hbm>> -> memref<100000x64xi32, #tpu.memory_space<hbm>>
    tpu.enqueue_indirect_dma source(%dma_start3A_21 : memref<100000x64xi32, #tpu.memory_space<hbm>>) target(%dma_start3A_15 : memref<128x64xi32, #tpu.memory_space<vmem>>) offsets(%dma_start3A_18 : memref<128xi32, #tpu.memory_space<vmem>>) semaphore(%arg16 : memref<!tpu.dma_semaphore, #tpu.memory_space<semaphore_mem>>)
    %dma_start3A_22 = arith.constant 1 : i32
    %dma_start3A_23 = arith.constant 128 : i32
    %dma_start3A_24 = arith.constant 0 : i32
    %dma_start3A_25 = tpu.memref_slice %arg12[%dma_start3A_23, %dma_start3A_24] : memref<512x64xi32, #tpu.memory_space<vmem>> -> memref<128x64xi32, #tpu.memory_space<vmem>>
    %dma_start3A_26 = arith.constant 0 : i32
    %dma_start3A_27 = tpu.memref_slice %arg10[%dma_start3A_22, %dma_start3A_26] : memref<256x128xi32, #tpu.memory_space<vmem>> -> memref<1x128xi32, #tpu.memory_space<vmem>>
    %dma_start3A_28 = tpu.memref_squeeze %dma_start3A_27 : memref<1x128xi32, #tpu.memory_space<vmem>> -> memref<128xi32, #tpu.memory_space<vmem>>
    %dma_start3A_29 = arith.constant 0 : i32
    %dma_start3A_30 = arith.constant 0 : i32
    %dma_start3A_31 = tpu.memref_slice %arg6[%dma_start3A_29, %dma_start3A_30] : memref<100000x64xi32, #tpu.memory_space<hbm>> -> memref<100000x64xi32, #tpu.memory_space<hbm>>
    tpu.enqueue_indirect_dma source(%dma_start3A_31 : memref<100000x64xi32, #tpu.memory_space<hbm>>) target(%dma_start3A_25 : memref<128x64xi32, #tpu.memory_space<vmem>>) offsets(%dma_start3A_28 : memref<128xi32, #tpu.memory_space<vmem>>) semaphore(%arg16 : memref<!tpu.dma_semaphore, #tpu.memory_space<semaphore_mem>>)
    %dma_start3A_32 = arith.constant 0 : i32
    %dma_start3A_33 = arith.constant 0 : i32
    %dma_start3A_34 = tpu.memref_slice %arg13[%dma_start3A_32, %dma_start3A_33] : memref<16x128xf32, #tpu.memory_space<vmem>> -> memref<8x128xf32, #tpu.memory_space<vmem>>
    %dma_start3A_35 = arith.constant 0 : i32
    %dma_start3A_36 = tpu.memref_slice %arg9[%dma_start3A_35] : memref<1024xi32, #tpu.memory_space<vmem>> -> memref<8xi32, #tpu.memory_space<vmem>>
    %dma_start3A_37 = arith.constant 0 : i32
    %dma_start3A_38 = arith.constant 0 : i32
    %dma_start3A_39 = tpu.memref_slice %arg5[%dma_start3A_37, %dma_start3A_38] : memref<100000x128xf32, #tpu.memory_space<hbm>> -> memref<100000x128xf32, #tpu.memory_space<hbm>>
    tpu.enqueue_indirect_dma source(%dma_start3A_39 : memref<100000x128xf32, #tpu.memory_space<hbm>>) target(%dma_start3A_34 : memref<8x128xf32, #tpu.memory_space<vmem>>) offsets(%dma_start3A_36 : memref<8xi32, #tpu.memory_space<vmem>>) semaphore(%arg16 : memref<!tpu.dma_semaphore, #tpu.memory_space<semaphore_mem>>)
    %dma_start3A_40 = arith.constant 0 : i32
    %dma_start3A_41 = arith.constant 0 : i32
    %dma_start3A_42 = tpu.memref_slice %arg14[%dma_start3A_40, %dma_start3A_41] : memref<16x128xf32, #tpu.memory_space<vmem>> -> memref<8x128xf32, #tpu.memory_space<vmem>>
    %dma_start3A_43 = arith.constant 0 : i32
    %dma_start3A_44 = tpu.memref_slice %arg11[%dma_start3A_43] : memref<1024xi32, #tpu.memory_space<vmem>> -> memref<8xi32, #tpu.memory_space<vmem>>
    %dma_start3A_45 = arith.constant 0 : i32
    %dma_start3A_46 = arith.constant 0 : i32
    %dma_start3A_47 = tpu.memref_slice %arg7[%dma_start3A_45, %dma_start3A_46] : memref<64x128xf32, #tpu.memory_space<hbm>> -> memref<64x128xf32, #tpu.memory_space<hbm>>
    tpu.enqueue_indirect_dma source(%dma_start3A_47 : memref<64x128xf32, #tpu.memory_space<hbm>>) target(%dma_start3A_42 : memref<8x128xf32, #tpu.memory_space<vmem>>) offsets(%dma_start3A_44 : memref<8xi32, #tpu.memory_space<vmem>>) semaphore(%arg16 : memref<!tpu.dma_semaphore, #tpu.memory_space<semaphore_mem>>)
    %dma_start3A_48 = arith.constant 2 : i32
    %dma_start3A_49 = arith.constant 256 : i32
    %dma_start3A_50 = arith.constant 0 : i32
    %dma_start3A_51 = tpu.memref_slice %arg12[%dma_start3A_49, %dma_start3A_50] : memref<512x64xi32, #tpu.memory_space<vmem>> -> memref<128x64xi32, #tpu.memory_space<vmem>>
    %dma_start3A_52 = arith.constant 0 : i32
    %dma_start3A_53 = tpu.memref_slice %arg10[%dma_start3A_48, %dma_start3A_52] : memref<256x128xi32, #tpu.memory_space<vmem>> -> memref<1x128xi32, #tpu.memory_space<vmem>>
    %dma_start3A_54 = tpu.memref_squeeze %dma_start3A_53 : memref<1x128xi32, #tpu.memory_space<vmem>> -> memref<128xi32, #tpu.memory_space<vmem>>
    %dma_start3A_55 = arith.constant 0 : i32
    %dma_start3A_56 = arith.constant 0 : i32
    %dma_start3A_57 = tpu.memref_slice %arg6[%dma_start3A_55, %dma_start3A_56] : memref<100000x64xi32, #tpu.memory_space<hbm>> -> memref<100000x64xi32, #tpu.memory_space<hbm>>
    tpu.enqueue_indirect_dma source(%dma_start3A_57 : memref<100000x64xi32, #tpu.memory_space<hbm>>) target(%dma_start3A_51 : memref<128x64xi32, #tpu.memory_space<vmem>>) offsets(%dma_start3A_54 : memref<128xi32, #tpu.memory_space<vmem>>) semaphore(%arg17 : memref<!tpu.dma_semaphore, #tpu.memory_space<semaphore_mem>>)
    %dma_start3A_58 = arith.constant 3 : i32
    %dma_start3A_59 = arith.constant 384 : i32
    %dma_start3A_60 = arith.constant 0 : i32
    %dma_start3A_61 = tpu.memref_slice %arg12[%dma_start3A_59, %dma_start3A_60] : memref<512x64xi32, #tpu.memory_space<vmem>> -> memref<128x64xi32, #tpu.memory_space<vmem>>
    %dma_start3A_62 = arith.constant 0 : i32
    %dma_start3A_63 = tpu.memref_slice %arg10[%dma_start3A_58, %dma_start3A_62] : memref<256x128xi32, #tpu.memory_space<vmem>> -> memref<1x128xi32, #tpu.memory_space<vmem>>
    %dma_start3A_64 = tpu.memref_squeeze %dma_start3A_63 : memref<1x128xi32, #tpu.memory_space<vmem>> -> memref<128xi32, #tpu.memory_space<vmem>>
    %dma_start3A_65 = arith.constant 0 : i32
    %dma_start3A_66 = arith.constant 0 : i32
    %dma_start3A_67 = tpu.memref_slice %arg6[%dma_start3A_65, %dma_start3A_66] : memref<100000x64xi32, #tpu.memory_space<hbm>> -> memref<100000x64xi32, #tpu.memory_space<hbm>>
    tpu.enqueue_indirect_dma source(%dma_start3A_67 : memref<100000x64xi32, #tpu.memory_space<hbm>>) target(%dma_start3A_61 : memref<128x64xi32, #tpu.memory_space<vmem>>) offsets(%dma_start3A_64 : memref<128xi32, #tpu.memory_space<vmem>>) semaphore(%arg17 : memref<!tpu.dma_semaphore, #tpu.memory_space<semaphore_mem>>)
    %dma_start3A_68 = arith.constant 8 : i32
    %dma_start3A_69 = arith.constant 0 : i32
    %dma_start3A_70 = tpu.memref_slice %arg13[%dma_start3A_68, %dma_start3A_69] : memref<16x128xf32, #tpu.memory_space<vmem>> -> memref<8x128xf32, #tpu.memory_space<vmem>>
    %dma_start3A_71 = arith.constant 8 : i32
    %dma_start3A_72 = tpu.memref_slice %arg9[%dma_start3A_71] : memref<1024xi32, #tpu.memory_space<vmem>> -> memref<8xi32, #tpu.memory_space<vmem>>
    %dma_start3A_73 = arith.constant 0 : i32
    %dma_start3A_74 = arith.constant 0 : i32
    %dma_start3A_75 = tpu.memref_slice %arg5[%dma_start3A_73, %dma_start3A_74] : memref<100000x128xf32, #tpu.memory_space<hbm>> -> memref<100000x128xf32, #tpu.memory_space<hbm>>
    tpu.enqueue_indirect_dma source(%dma_start3A_75 : memref<100000x128xf32, #tpu.memory_space<hbm>>) target(%dma_start3A_70 : memref<8x128xf32, #tpu.memory_space<vmem>>) offsets(%dma_start3A_72 : memref<8xi32, #tpu.memory_space<vmem>>) semaphore(%arg17 : memref<!tpu.dma_semaphore, #tpu.memory_space<semaphore_mem>>)
    %dma_start3A_76 = arith.constant 8 : i32
    %dma_start3A_77 = arith.constant 0 : i32
    %dma_start3A_78 = tpu.memref_slice %arg14[%dma_start3A_76, %dma_start3A_77] : memref<16x128xf32, #tpu.memory_space<vmem>> -> memref<8x128xf32, #tpu.memory_space<vmem>>
    %dma_start3A_79 = arith.constant 8 : i32
    %dma_start3A_80 = tpu.memref_slice %arg11[%dma_start3A_79] : memref<1024xi32, #tpu.memory_space<vmem>> -> memref<8xi32, #tpu.memory_space<vmem>>
    %dma_start3A_81 = arith.constant 0 : i32
    %dma_start3A_82 = arith.constant 0 : i32
    %dma_start3A_83 = tpu.memref_slice %arg7[%dma_start3A_81, %dma_start3A_82] : memref<64x128xf32, #tpu.memory_space<hbm>> -> memref<64x128xf32, #tpu.memory_space<hbm>>
    tpu.enqueue_indirect_dma source(%dma_start3A_83 : memref<64x128xf32, #tpu.memory_space<hbm>>) target(%dma_start3A_78 : memref<8x128xf32, #tpu.memory_space<vmem>>) offsets(%dma_start3A_80 : memref<8xi32, #tpu.memory_space<vmem>>) semaphore(%arg17 : memref<!tpu.dma_semaphore, #tpu.memory_space<semaphore_mem>>)
    %scan3A_84 = arith.constant 0 : i32
    %scan3A_85 = arith.constant 0 : i32
    %scan3A_86 = arith.constant 64 : i32
    %scan3A_87 = arith.addi %scan3A_85, %scan3A_86 : i32
    %scan3A_88 = arith.constant 1 : i32
    %scan3A_89 = scf.for %scan3A_91 = %scan3A_85 to %scan3A_87 step %scan3A_88 iter_args(%scan3A_92 = %scan3A_84) -> (i32)  : i32 {
      %mul3A_93 = arith.constant 2 : i32
      %mul3A_94 = arith.muli %scan3A_91, %mul3A_93 : i32
      %add3A_95 = arith.constant 0 : i32
      %add3A_96 = arith.addi %mul3A_94, %add3A_95 : i32
      %mul3A_97 = arith.constant 2 : i32
      %mul3A_98 = arith.muli %add3A_96, %mul3A_97 : i32
      %add3A_99 = arith.constant 0 : i32
      %add3A_100 = arith.addi %mul3A_98, %add3A_99 : i32
      %mul3A_101 = arith.constant 2 : i32
      %mul3A_102 = arith.muli %add3A_96, %mul3A_101 : i32
      %add3A_103 = arith.constant 1 : i32
      %add3A_104 = arith.addi %mul3A_102, %add3A_103 : i32
      %mul3A_105 = arith.constant 8 : i32
      %mul3A_106 = arith.muli %add3A_96, %mul3A_105 : i32
      %mul3A_107 = arith.constant 8 : i32
      %mul3A_108 = arith.muli %add3A_96, %mul3A_107 : i32
      %dma_wait3A = arith.constant 0 : i32
      %dma_wait3A_109 = arith.constant 0 : i32
      %dma_wait3A_110 = tpu.memref_slice %arg12[%dma_wait3A, %dma_wait3A_109] : memref<512x64xi32, #tpu.memory_space<vmem>> -> memref<128x64xi32, #tpu.memory_space<vmem>>
      %dma_wait3A_111 = arith.constant 0 : i32
      %dma_wait3A_112 = tpu.memref_slice %arg10[%add3A_100, %dma_wait3A_111] : memref<256x128xi32, #tpu.memory_space<vmem>> -> memref<1x128xi32, #tpu.memory_space<vmem>>
      %dma_wait3A_113 = tpu.memref_squeeze %dma_wait3A_112 : memref<1x128xi32, #tpu.memory_space<vmem>> -> memref<128xi32, #tpu.memory_space<vmem>>
      %dma_wait3A_114 = arith.constant 0 : i32
      %dma_wait3A_115 = arith.constant 0 : i32
      %dma_wait3A_116 = tpu.memref_slice %arg6[%dma_wait3A_114, %dma_wait3A_115] : memref<100000x64xi32, #tpu.memory_space<hbm>> -> memref<100000x64xi32, #tpu.memory_space<hbm>>
      tpu.wait_indirect_dma semaphore(%arg16 : memref<!tpu.dma_semaphore, #tpu.memory_space<semaphore_mem>>) src(%dma_wait3A_116 : memref<100000x64xi32, #tpu.memory_space<hbm>>) dst(%dma_wait3A_110 : memref<128x64xi32, #tpu.memory_space<vmem>>)
      %dma_wait3A_117 = arith.constant 128 : i32
      %dma_wait3A_118 = arith.constant 0 : i32
      %dma_wait3A_119 = tpu.memref_slice %arg12[%dma_wait3A_117, %dma_wait3A_118] : memref<512x64xi32, #tpu.memory_space<vmem>> -> memref<128x64xi32, #tpu.memory_space<vmem>>
      %dma_wait3A_120 = arith.constant 0 : i32
      %dma_wait3A_121 = tpu.memref_slice %arg10[%add3A_104, %dma_wait3A_120] : memref<256x128xi32, #tpu.memory_space<vmem>> -> memref<1x128xi32, #tpu.memory_space<vmem>>
      %dma_wait3A_122 = tpu.memref_squeeze %dma_wait3A_121 : memref<1x128xi32, #tpu.memory_space<vmem>> -> memref<128xi32, #tpu.memory_space<vmem>>
      %dma_wait3A_123 = arith.constant 0 : i32
      %dma_wait3A_124 = arith.constant 0 : i32
      %dma_wait3A_125 = tpu.memref_slice %arg6[%dma_wait3A_123, %dma_wait3A_124] : memref<100000x64xi32, #tpu.memory_space<hbm>> -> memref<100000x64xi32, #tpu.memory_space<hbm>>
      tpu.wait_indirect_dma semaphore(%arg16 : memref<!tpu.dma_semaphore, #tpu.memory_space<semaphore_mem>>) src(%dma_wait3A_125 : memref<100000x64xi32, #tpu.memory_space<hbm>>) dst(%dma_wait3A_119 : memref<128x64xi32, #tpu.memory_space<vmem>>)
      %dma_wait3A_126 = arith.constant 0 : i32
      %dma_wait3A_127 = arith.constant 0 : i32
      %dma_wait3A_128 = tpu.memref_slice %arg13[%dma_wait3A_126, %dma_wait3A_127] : memref<16x128xf32, #tpu.memory_space<vmem>> -> memref<8x128xf32, #tpu.memory_space<vmem>>
      %dma_wait3A_129 = tpu.memref_slice %arg9[%mul3A_106] : memref<1024xi32, #tpu.memory_space<vmem>> -> memref<8xi32, #tpu.memory_space<vmem>>
      %dma_wait3A_130 = arith.constant 0 : i32
      %dma_wait3A_131 = arith.constant 0 : i32
      %dma_wait3A_132 = tpu.memref_slice %arg5[%dma_wait3A_130, %dma_wait3A_131] : memref<100000x128xf32, #tpu.memory_space<hbm>> -> memref<100000x128xf32, #tpu.memory_space<hbm>>
      tpu.wait_indirect_dma semaphore(%arg16 : memref<!tpu.dma_semaphore, #tpu.memory_space<semaphore_mem>>) src(%dma_wait3A_132 : memref<100000x128xf32, #tpu.memory_space<hbm>>) dst(%dma_wait3A_128 : memref<8x128xf32, #tpu.memory_space<vmem>>)
      %dma_wait3A_133 = arith.constant 0 : i32
      %dma_wait3A_134 = arith.constant 0 : i32
      %dma_wait3A_135 = tpu.memref_slice %arg14[%dma_wait3A_133, %dma_wait3A_134] : memref<16x128xf32, #tpu.memory_space<vmem>> -> memref<8x128xf32, #tpu.memory_space<vmem>>
      %dma_wait3A_136 = tpu.memref_slice %arg11[%mul3A_108] : memref<1024xi32, #tpu.memory_space<vmem>> -> memref<8xi32, #tpu.memory_space<vmem>>
      %dma_wait3A_137 = arith.constant 0 : i32
      %dma_wait3A_138 = arith.constant 0 : i32
      %dma_wait3A_139 = tpu.memref_slice %arg7[%dma_wait3A_137, %dma_wait3A_138] : memref<64x128xf32, #tpu.memory_space<hbm>> -> memref<64x128xf32, #tpu.memory_space<hbm>>
      tpu.wait_indirect_dma semaphore(%arg16 : memref<!tpu.dma_semaphore, #tpu.memory_space<semaphore_mem>>) src(%dma_wait3A_139 : memref<64x128xf32, #tpu.memory_space<hbm>>) dst(%dma_wait3A_135 : memref<8x128xf32, #tpu.memory_space<vmem>>)
      %scan3A_140 = arith.constant 0 : i32
      %scan3A_141 = arith.constant 0 : i32
      %scan3A_142 = arith.constant 8 : i32
      %scan3A_143 = arith.addi %scan3A_141, %scan3A_142 : i32
      %scan3A_144 = arith.constant 1 : i32
      %scan3A_145 = scf.for %scan3A_224 = %scan3A_141 to %scan3A_143 step %scan3A_144 iter_args(%scan3A_225 = %scan3A_140) -> (i32)  : i32 {
        %add3A_226 = arith.constant 0 : i32
        %add3A_227 = arith.addi %add3A_226, %scan3A_224 : i32
        %mul3A_228 = arith.constant 32 : i32
        %mul3A_229 = arith.muli %add3A_227, %mul3A_228 : i32
        %get3A = arith.index_cast %mul3A_229 : i32 to index
        %get3A_230 = arith.constant 0 : index
        %get3A_231 = tpu.vector_load %arg12[%get3A, %get3A_230] {strides = array<i32>} : memref<512x64xi32, #tpu.memory_space<vmem>>, vector<16xi32>,
        %shift_left3A = arith.constant 16 : i32
        %shift_left3A_232 = vector.broadcast %shift_left3A : i32 to vector<16xi32>
        %shift_left3A_233 = arith.shli %get3A_231, %shift_left3A_232 : vector<16xi32>
        %bitcast3A = vector.bitcast %shift_left3A_233 : vector<16xi32> to vector<16xf32>
        %and3A = arith.constant -65536 : i32
        %and3A_234 = vector.broadcast %and3A : i32 to vector<16xi32>
        %and3A_235 = arith.andi %get3A_231, %and3A_234 : vector<16xi32>
        %bitcast3A_236 = vector.bitcast %and3A_235 : vector<16xi32> to vector<16xf32>
        %add3A_237 = arith.constant 1 : i32
        %add3A_238 = arith.addi %mul3A_229, %add3A_237 : i32
        %get3A_239 = arith.index_cast %add3A_238 : i32 to index
        %get3A_240 = arith.constant 0 : index
        %get3A_241 = tpu.vector_load %arg12[%get3A_239, %get3A_240] {strides = array<i32>} : memref<512x64xi32, #tpu.memory_space<vmem>>, vector<16xi32>,
        %shift_left3A_242 = arith.constant 16 : i32
        %shift_left3A_243 = vector.broadcast %shift_left3A_242 : i32 to vector<16xi32>
        %shift_left3A_244 = arith.shli %get3A_241, %shift_left3A_243 : vector<16xi32>
        %bitcast3A_245 = vector.bitcast %shift_left3A_244 : vector<16xi32> to vector<16xf32>
        %add3A_246 = arith.addf %bitcast3A, %bitcast3A_245 : vector<16xf32>
        %and3A_247 = arith.constant -65536 : i32
        %and3A_248 = vector.broadcast %and3A_247 : i32 to vector<16xi32>
        %and3A_249 = arith.andi %get3A_241, %and3A_248 : vector<16xi32>
        %bitcast3A_250 = vector.bitcast %and3A_249 : vector<16xi32> to vector<16xf32>
        %add3A_251 = arith.addf %bitcast3A_236, %bitcast3A_250 : vector<16xf32>
        %add3A_252 = arith.constant 2 : i32
        %add3A_253 = arith.addi %mul3A_229, %add3A_252 : i32
        %get3A_254 = arith.index_cast %add3A_253 : i32 to index
        %get3A_255 = arith.constant 0 : index
        %get3A_256 = tpu.vector_load %arg12[%get3A_254, %get3A_255] {strides = array<i32>} : memref<512x64xi32, #tpu.memory_space<vmem>>, vector<16xi32>,
        %shift_left3A_257 = arith.constant 16 : i32
        %shift_left3A_258 = vector.broadcast %shift_left3A_257 : i32 to vector<16xi32>
        %shift_left3A_259 = arith.shli %get3A_256, %shift_left3A_258 : vector<16xi32>
        %bitcast3A_260 = vector.bitcast %shift_left3A_259 : vector<16xi32> to vector<16xf32>
        %add3A_261 = arith.addf %add3A_246, %bitcast3A_260 : vector<16xf32>
        %and3A_262 = arith.constant -65536 : i32
        %and3A_263 = vector.broadcast %and3A_262 : i32 to vector<16xi32>
        %and3A_264 = arith.andi %get3A_256, %and3A_263 : vector<16xi32>
        %bitcast3A_265 = vector.bitcast %and3A_264 : vector<16xi32> to vector<16xf32>
        %add3A_266 = arith.addf %add3A_251, %bitcast3A_265 : vector<16xf32>
        %add3A_267 = arith.constant 3 : i32
        %add3A_268 = arith.addi %mul3A_229, %add3A_267 : i32
        %get3A_269 = arith.index_cast %add3A_268 : i32 to index
        %get3A_270 = arith.constant 0 : index
        %get3A_271 = tpu.vector_load %arg12[%get3A_269, %get3A_270] {strides = array<i32>} : memref<512x64xi32, #tpu.memory_space<vmem>>, vector<16xi32>,
        %shift_left3A_272 = arith.constant 16 : i32
        %shift_left3A_273 = vector.broadcast %shift_left3A_272 : i32 to vector<16xi32>
        %shift_left3A_274 = arith.shli %get3A_271, %shift_left3A_273 : vector<16xi32>
        %bitcast3A_275 = vector.bitcast %shift_left3A_274 : vector<16xi32> to vector<16xf32>
        %add3A_276 = arith.addf %add3A_261, %bitcast3A_275 : vector<16xf32>
        %and3A_277 = arith.constant -65536 : i32
        %and3A_278 = vector.broadcast %and3A_277 : i32 to vector<16xi32>
        %and3A_279 = arith.andi %get3A_271, %and3A_278 : vector<16xi32>
        %bitcast3A_280 = vector.bitcast %and3A_279 : vector<16xi32> to vector<16xf32>
        %add3A_281 = arith.addf %add3A_266, %bitcast3A_280 : vector<16xf32>
        %add3A_282 = arith.constant 4 : i32
        %add3A_283 = arith.addi %mul3A_229, %add3A_282 : i32
        %get3A_284 = arith.index_cast %add3A_283 : i32 to index
        %get3A_285 = arith.constant 0 : index
        %get3A_286 = tpu.vector_load %arg12[%get3A_284, %get3A_285] {strides = array<i32>} : memref<512x64xi32, #tpu.memory_space<vmem>>, vector<16xi32>,
        %shift_left3A_287 = arith.constant 16 : i32
        %shift_left3A_288 = vector.broadcast %shift_left3A_287 : i32 to vector<16xi32>
        %shift_left3A_289 = arith.shli %get3A_286, %shift_left3A_288 : vector<16xi32>
        %bitcast3A_290 = vector.bitcast %shift_left3A_289 : vector<16xi32> to vector<16xf32>
        %add3A_291 = arith.addf %add3A_276, %bitcast3A_290 : vector<16xf32>
        %and3A_292 = arith.constant -65536 : i32
        %and3A_293 = vector.broadcast %and3A_292 : i32 to vector<16xi32>
        %and3A_294 = arith.andi %get3A_286, %and3A_293 : vector<16xi32>
        %bitcast3A_295 = vector.bitcast %and3A_294 : vector<16xi32> to vector<16xf32>
        %add3A_296 = arith.addf %add3A_281, %bitcast3A_295 : vector<16xf32>
        %add3A_297 = arith.constant 5 : i32
        %add3A_298 = arith.addi %mul3A_229, %add3A_297 : i32
        %get3A_299 = arith.index_cast %add3A_298 : i32 to index
        %get3A_300 = arith.constant 0 : index
        %get3A_301 = tpu.vector_load %arg12[%get3A_299, %get3A_300] {strides = array<i32>} : memref<512x64xi32, #tpu.memory_space<vmem>>, vector<16xi32>,
        %shift_left3A_302 = arith.constant 16 : i32
        %shift_left3A_303 = vector.broadcast %shift_left3A_302 : i32 to vector<16xi32>
        %shift_left3A_304 = arith.shli %get3A_301, %shift_left3A_303 : vector<16xi32>
        %bitcast3A_305 = vector.bitcast %shift_left3A_304 : vector<16xi32> to vector<16xf32>
        %add3A_306 = arith.addf %add3A_291, %bitcast3A_305 : vector<16xf32>
        %and3A_307 = arith.constant -65536 : i32
        %and3A_308 = vector.broadcast %and3A_307 : i32 to vector<16xi32>
        %and3A_309 = arith.andi %get3A_301, %and3A_308 : vector<16xi32>
        %bitcast3A_310 = vector.bitcast %and3A_309 : vector<16xi32> to vector<16xf32>
        %add3A_311 = arith.addf %add3A_296, %bitcast3A_310 : vector<16xf32>
        %add3A_312 = arith.constant 6 : i32
        %add3A_313 = arith.addi %mul3A_229, %add3A_312 : i32
        %get3A_314 = arith.index_cast %add3A_313 : i32 to index
        %get3A_315 = arith.constant 0 : index
        %get3A_316 = tpu.vector_load %arg12[%get3A_314, %get3A_315] {strides = array<i32>} : memref<512x64xi32, #tpu.memory_space<vmem>>, vector<16xi32>,
        %shift_left3A_317 = arith.constant 16 : i32
        %shift_left3A_318 = vector.broadcast %shift_left3A_317 : i32 to vector<16xi32>
        %shift_left3A_319 = arith.shli %get3A_316, %shift_left3A_318 : vector<16xi32>
        %bitcast3A_320 = vector.bitcast %shift_left3A_319 : vector<16xi32> to vector<16xf32>
        %add3A_321 = arith.addf %add3A_306, %bitcast3A_320 : vector<16xf32>
        %and3A_322 = arith.constant -65536 : i32
        %and3A_323 = vector.broadcast %and3A_322 : i32 to vector<16xi32>
        %and3A_324 = arith.andi %get3A_316, %and3A_323 : vector<16xi32>
        %bitcast3A_325 = vector.bitcast %and3A_324 : vector<16xi32> to vector<16xf32>
        %add3A_326 = arith.addf %add3A_311, %bitcast3A_325 : vector<16xf32>
        %add3A_327 = arith.constant 7 : i32
        %add3A_328 = arith.addi %mul3A_229, %add3A_327 : i32
        %get3A_329 = arith.index_cast %add3A_328 : i32 to index
        %get3A_330 = arith.constant 0 : index
        %get3A_331 = tpu.vector_load %arg12[%get3A_329, %get3A_330] {strides = array<i32>} : memref<512x64xi32, #tpu.memory_space<vmem>>, vector<16xi32>,
        %shift_left3A_332 = arith.constant 16 : i32
        %shift_left3A_333 = vector.broadcast %shift_left3A_332 : i32 to vector<16xi32>
        %shift_left3A_334 = arith.shli %get3A_331, %shift_left3A_333 : vector<16xi32>
        %bitcast3A_335 = vector.bitcast %shift_left3A_334 : vector<16xi32> to vector<16xf32>
        %add3A_336 = arith.addf %add3A_321, %bitcast3A_335 : vector<16xf32>
        %and3A_337 = arith.constant -65536 : i32
        %and3A_338 = vector.broadcast %and3A_337 : i32 to vector<16xi32>
        %and3A_339 = arith.andi %get3A_331, %and3A_338 : vector<16xi32>
        %bitcast3A_340 = vector.bitcast %and3A_339 : vector<16xi32> to vector<16xf32>
        %add3A_341 = arith.addf %add3A_326, %bitcast3A_340 : vector<16xf32>
        %add3A_342 = arith.constant 8 : i32
        %add3A_343 = arith.addi %mul3A_229, %add3A_342 : i32
        %get3A_344 = arith.index_cast %add3A_343 : i32 to index
        %get3A_345 = arith.constant 0 : index
        %get3A_346 = tpu.vector_load %arg12[%get3A_344, %get3A_345] {strides = array<i32>} : memref<512x64xi32, #tpu.memory_space<vmem>>, vector<16xi32>,
        %shift_left3A_347 = arith.constant 16 : i32
        %shift_left3A_348 = vector.broadcast %shift_left3A_347 : i32 to vector<16xi32>
        %shift_left3A_349 = arith.shli %get3A_346, %shift_left3A_348 : vector<16xi32>
        %bitcast3A_350 = vector.bitcast %shift_left3A_349 : vector<16xi32> to vector<16xf32>
        %add3A_351 = arith.addf %add3A_336, %bitcast3A_350 : vector<16xf32>
        %and3A_352 = arith.constant -65536 : i32
        %and3A_353 = vector.broadcast %and3A_352 : i32 to vector<16xi32>
        %and3A_354 = arith.andi %get3A_346, %and3A_353 : vector<16xi32>
        %bitcast3A_355 = vector.bitcast %and3A_354 : vector<16xi32> to vector<16xf32>
        %add3A_356 = arith.addf %add3A_341, %bitcast3A_355 : vector<16xf32>
        %add3A_357 = arith.constant 9 : i32
        %add3A_358 = arith.addi %mul3A_229, %add3A_357 : i32
        %get3A_359 = arith.index_cast %add3A_358 : i32 to index
        %get3A_360 = arith.constant 0 : index
        %get3A_361 = tpu.vector_load %arg12[%get3A_359, %get3A_360] {strides = array<i32>} : memref<512x64xi32, #tpu.memory_space<vmem>>, vector<16xi32>,
        %shift_left3A_362 = arith.constant 16 : i32
        %shift_left3A_363 = vector.broadcast %shift_left3A_362 : i32 to vector<16xi32>
        %shift_left3A_364 = arith.shli %get3A_361, %shift_left3A_363 : vector<16xi32>
        %bitcast3A_365 = vector.bitcast %shift_left3A_364 : vector<16xi32> to vector<16xf32>
        %add3A_366 = arith.addf %add3A_351, %bitcast3A_365 : vector<16xf32>
        %and3A_367 = arith.constant -65536 : i32
        %and3A_368 = vector.broadcast %and3A_367 : i32 to vector<16xi32>
        %and3A_369 = arith.andi %get3A_361, %and3A_368 : vector<16xi32>
        %bitcast3A_370 = vector.bitcast %and3A_369 : vector<16xi32> to vector<16xf32>
        %add3A_371 = arith.addf %add3A_356, %bitcast3A_370 : vector<16xf32>
        %add3A_372 = arith.constant 10 : i32
        %add3A_373 = arith.addi %mul3A_229, %add3A_372 : i32
        %get3A_374 = arith.index_cast %add3A_373 : i32 to index
        %get3A_375 = arith.constant 0 : index
        %get3A_376 = tpu.vector_load %arg12[%get3A_374, %get3A_375] {strides = array<i32>} : memref<512x64xi32, #tpu.memory_space<vmem>>, vector<16xi32>,
        %shift_left3A_377 = arith.constant 16 : i32
        %shift_left3A_378 = vector.broadcast %shift_left3A_377 : i32 to vector<16xi32>
        %shift_left3A_379 = arith.shli %get3A_376, %shift_left3A_378 : vector<16xi32>
        %bitcast3A_380 = vector.bitcast %shift_left3A_379 : vector<16xi32> to vector<16xf32>
        %add3A_381 = arith.addf %add3A_366, %bitcast3A_380 : vector<16xf32>
        %and3A_382 = arith.constant -65536 : i32
        %and3A_383 = vector.broadcast %and3A_382 : i32 to vector<16xi32>
        %and3A_384 = arith.andi %get3A_376, %and3A_383 : vector<16xi32>
        %bitcast3A_385 = vector.bitcast %and3A_384 : vector<16xi32> to vector<16xf32>
        %add3A_386 = arith.addf %add3A_371, %bitcast3A_385 : vector<16xf32>
        %add3A_387 = arith.constant 11 : i32
        %add3A_388 = arith.addi %mul3A_229, %add3A_387 : i32
        %get3A_389 = arith.index_cast %add3A_388 : i32 to index
        %get3A_390 = arith.constant 0 : index
        %get3A_391 = tpu.vector_load %arg12[%get3A_389, %get3A_390] {strides = array<i32>} : memref<512x64xi32, #tpu.memory_space<vmem>>, vector<16xi32>,
        %shift_left3A_392 = arith.constant 16 : i32
        %shift_left3A_393 = vector.broadcast %shift_left3A_392 : i32 to vector<16xi32>
        %shift_left3A_394 = arith.shli %get3A_391, %shift_left3A_393 : vector<16xi32>
        %bitcast3A_395 = vector.bitcast %shift_left3A_394 : vector<16xi32> to vector<16xf32>
        %add3A_396 = arith.addf %add3A_381, %bitcast3A_395 : vector<16xf32>
        %and3A_397 = arith.constant -65536 : i32
        %and3A_398 = vector.broadcast %and3A_397 : i32 to vector<16xi32>
        %and3A_399 = arith.andi %get3A_391, %and3A_398 : vector<16xi32>
        %bitcast3A_400 = vector.bitcast %and3A_399 : vector<16xi32> to vector<16xf32>
        %add3A_401 = arith.addf %add3A_386, %bitcast3A_400 : vector<16xf32>
        %add3A_402 = arith.constant 12 : i32
        %add3A_403 = arith.addi %mul3A_229, %add3A_402 : i32
        %get3A_404 = arith.index_cast %add3A_403 : i32 to index
        %get3A_405 = arith.constant 0 : index
        %get3A_406 = tpu.vector_load %arg12[%get3A_404, %get3A_405] {strides = array<i32>} : memref<512x64xi32, #tpu.memory_space<vmem>>, vector<16xi32>,
        %shift_left3A_407 = arith.constant 16 : i32
        %shift_left3A_408 = vector.broadcast %shift_left3A_407 : i32 to vector<16xi32>
        %shift_left3A_409 = arith.shli %get3A_406, %shift_left3A_408 : vector<16xi32>
        %bitcast3A_410 = vector.bitcast %shift_left3A_409 : vector<16xi32> to vector<16xf32>
        %add3A_411 = arith.addf %add3A_396, %bitcast3A_410 : vector<16xf32>
        %and3A_412 = arith.constant -65536 : i32
        %and3A_413 = vector.broadcast %and3A_412 : i32 to vector<16xi32>
        %and3A_414 = arith.andi %get3A_406, %and3A_413 : vector<16xi32>
        %bitcast3A_415 = vector.bitcast %and3A_414 : vector<16xi32> to vector<16xf32>
        %add3A_416 = arith.addf %add3A_401, %bitcast3A_415 : vector<16xf32>
        %add3A_417 = arith.constant 13 : i32
        %add3A_418 = arith.addi %mul3A_229, %add3A_417 : i32
        %get3A_419 = arith.index_cast %add3A_418 : i32 to index
        %get3A_420 = arith.constant 0 : index
        %get3A_421 = tpu.vector_load %arg12[%get3A_419, %get3A_420] {strides = array<i32>} : memref<512x64xi32, #tpu.memory_space<vmem>>, vector<16xi32>,
        %shift_left3A_422 = arith.constant 16 : i32
        %shift_left3A_423 = vector.broadcast %shift_left3A_422 : i32 to vector<16xi32>
        %shift_left3A_424 = arith.shli %get3A_421, %shift_left3A_423 : vector<16xi32>
        %bitcast3A_425 = vector.bitcast %shift_left3A_424 : vector<16xi32> to vector<16xf32>
        %add3A_426 = arith.addf %add3A_411, %bitcast3A_425 : vector<16xf32>
        %and3A_427 = arith.constant -65536 : i32
        %and3A_428 = vector.broadcast %and3A_427 : i32 to vector<16xi32>
        %and3A_429 = arith.andi %get3A_421, %and3A_428 : vector<16xi32>
        %bitcast3A_430 = vector.bitcast %and3A_429 : vector<16xi32> to vector<16xf32>
        %add3A_431 = arith.addf %add3A_416, %bitcast3A_430 : vector<16xf32>
        %add3A_432 = arith.constant 14 : i32
        %add3A_433 = arith.addi %mul3A_229, %add3A_432 : i32
        %get3A_434 = arith.index_cast %add3A_433 : i32 to index
        %get3A_435 = arith.constant 0 : index
        %get3A_436 = tpu.vector_load %arg12[%get3A_434, %get3A_435] {strides = array<i32>} : memref<512x64xi32, #tpu.memory_space<vmem>>, vector<16xi32>,
        %shift_left3A_437 = arith.constant 16 : i32
        %shift_left3A_438 = vector.broadcast %shift_left3A_437 : i32 to vector<16xi32>
        %shift_left3A_439 = arith.shli %get3A_436, %shift_left3A_438 : vector<16xi32>
        %bitcast3A_440 = vector.bitcast %shift_left3A_439 : vector<16xi32> to vector<16xf32>
        %add3A_441 = arith.addf %add3A_426, %bitcast3A_440 : vector<16xf32>
        %and3A_442 = arith.constant -65536 : i32
        %and3A_443 = vector.broadcast %and3A_442 : i32 to vector<16xi32>
        %and3A_444 = arith.andi %get3A_436, %and3A_443 : vector<16xi32>
        %bitcast3A_445 = vector.bitcast %and3A_444 : vector<16xi32> to vector<16xf32>
        %add3A_446 = arith.addf %add3A_431, %bitcast3A_445 : vector<16xf32>
        %add3A_447 = arith.constant 15 : i32
        %add3A_448 = arith.addi %mul3A_229, %add3A_447 : i32
        %get3A_449 = arith.index_cast %add3A_448 : i32 to index
        %get3A_450 = arith.constant 0 : index
        %get3A_451 = tpu.vector_load %arg12[%get3A_449, %get3A_450] {strides = array<i32>} : memref<512x64xi32, #tpu.memory_space<vmem>>, vector<16xi32>,
        %shift_left3A_452 = arith.constant 16 : i32
        %shift_left3A_453 = vector.broadcast %shift_left3A_452 : i32 to vector<16xi32>
        %shift_left3A_454 = arith.shli %get3A_451, %shift_left3A_453 : vector<16xi32>
        %bitcast3A_455 = vector.bitcast %shift_left3A_454 : vector<16xi32> to vector<16xf32>
        %add3A_456 = arith.addf %add3A_441, %bitcast3A_455 : vector<16xf32>
        %and3A_457 = arith.constant -65536 : i32
        %and3A_458 = vector.broadcast %and3A_457 : i32 to vector<16xi32>
        %and3A_459 = arith.andi %get3A_451, %and3A_458 : vector<16xi32>
        %bitcast3A_460 = vector.bitcast %and3A_459 : vector<16xi32> to vector<16xf32>
        %add3A_461 = arith.addf %add3A_446, %bitcast3A_460 : vector<16xf32>
        %add3A_462 = arith.constant 16 : i32
        %add3A_463 = arith.addi %mul3A_229, %add3A_462 : i32
        %get3A_464 = arith.index_cast %add3A_463 : i32 to index
        %get3A_465 = arith.constant 0 : index
        %get3A_466 = tpu.vector_load %arg12[%get3A_464, %get3A_465] {strides = array<i32>} : memref<512x64xi32, #tpu.memory_space<vmem>>, vector<16xi32>,
        %shift_left3A_467 = arith.constant 16 : i32
        %shift_left3A_468 = vector.broadcast %shift_left3A_467 : i32 to vector<16xi32>
        %shift_left3A_469 = arith.shli %get3A_466, %shift_left3A_468 : vector<16xi32>
        %bitcast3A_470 = vector.bitcast %shift_left3A_469 : vector<16xi32> to vector<16xf32>
        %add3A_471 = arith.addf %add3A_456, %bitcast3A_470 : vector<16xf32>
        %and3A_472 = arith.constant -65536 : i32
        %and3A_473 = vector.broadcast %and3A_472 : i32 to vector<16xi32>
        %and3A_474 = arith.andi %get3A_466, %and3A_473 : vector<16xi32>
        %bitcast3A_475 = vector.bitcast %and3A_474 : vector<16xi32> to vector<16xf32>
        %add3A_476 = arith.addf %add3A_461, %bitcast3A_475 : vector<16xf32>
        %add3A_477 = arith.constant 17 : i32
        %add3A_478 = arith.addi %mul3A_229, %add3A_477 : i32
        %get3A_479 = arith.index_cast %add3A_478 : i32 to index
        %get3A_480 = arith.constant 0 : index
        %get3A_481 = tpu.vector_load %arg12[%get3A_479, %get3A_480] {strides = array<i32>} : memref<512x64xi32, #tpu.memory_space<vmem>>, vector<16xi32>,
        %shift_left3A_482 = arith.constant 16 : i32
        %shift_left3A_483 = vector.broadcast %shift_left3A_482 : i32 to vector<16xi32>
        %shift_left3A_484 = arith.shli %get3A_481, %shift_left3A_483 : vector<16xi32>
        %bitcast3A_485 = vector.bitcast %shift_left3A_484 : vector<16xi32> to vector<16xf32>
        %add3A_486 = arith.addf %add3A_471, %bitcast3A_485 : vector<16xf32>
        %and3A_487 = arith.constant -65536 : i32
        %and3A_488 = vector.broadcast %and3A_487 : i32 to vector<16xi32>
        %and3A_489 = arith.andi %get3A_481, %and3A_488 : vector<16xi32>
        %bitcast3A_490 = vector.bitcast %and3A_489 : vector<16xi32> to vector<16xf32>
        %add3A_491 = arith.addf %add3A_476, %bitcast3A_490 : vector<16xf32>
        %add3A_492 = arith.constant 18 : i32
        %add3A_493 = arith.addi %mul3A_229, %add3A_492 : i32
        %get3A_494 = arith.index_cast %add3A_493 : i32 to index
        %get3A_495 = arith.constant 0 : index
        %get3A_496 = tpu.vector_load %arg12[%get3A_494, %get3A_495] {strides = array<i32>} : memref<512x64xi32, #tpu.memory_space<vmem>>, vector<16xi32>,
        %shift_left3A_497 = arith.constant 16 : i32
        %shift_left3A_498 = vector.broadcast %shift_left3A_497 : i32 to vector<16xi32>
        %shift_left3A_499 = arith.shli %get3A_496, %shift_left3A_498 : vector<16xi32>
        %bitcast3A_500 = vector.bitcast %shift_left3A_499 : vector<16xi32> to vector<16xf32>
        %add3A_501 = arith.addf %add3A_486, %bitcast3A_500 : vector<16xf32>
        %and3A_502 = arith.constant -65536 : i32
        %and3A_503 = vector.broadcast %and3A_502 : i32 to vector<16xi32>
        %and3A_504 = arith.andi %get3A_496, %and3A_503 : vector<16xi32>
        %bitcast3A_505 = vector.bitcast %and3A_504 : vector<16xi32> to vector<16xf32>
        %add3A_506 = arith.addf %add3A_491, %bitcast3A_505 : vector<16xf32>
        %add3A_507 = arith.constant 19 : i32
        %add3A_508 = arith.addi %mul3A_229, %add3A_507 : i32
        %get3A_509 = arith.index_cast %add3A_508 : i32 to index
        %get3A_510 = arith.constant 0 : index
        %get3A_511 = tpu.vector_load %arg12[%get3A_509, %get3A_510] {strides = array<i32>} : memref<512x64xi32, #tpu.memory_space<vmem>>, vector<16xi32>,
        %shift_left3A_512 = arith.constant 16 : i32
        %shift_left3A_513 = vector.broadcast %shift_left3A_512 : i32 to vector<16xi32>
        %shift_left3A_514 = arith.shli %get3A_511, %shift_left3A_513 : vector<16xi32>
        %bitcast3A_515 = vector.bitcast %shift_left3A_514 : vector<16xi32> to vector<16xf32>
        %add3A_516 = arith.addf %add3A_501, %bitcast3A_515 : vector<16xf32>
        %and3A_517 = arith.constant -65536 : i32
        %and3A_518 = vector.broadcast %and3A_517 : i32 to vector<16xi32>
        %and3A_519 = arith.andi %get3A_511, %and3A_518 : vector<16xi32>
        %bitcast3A_520 = vector.bitcast %and3A_519 : vector<16xi32> to vector<16xf32>
        %add3A_521 = arith.addf %add3A_506, %bitcast3A_520 : vector<16xf32>
        %add3A_522 = arith.constant 20 : i32
        %add3A_523 = arith.addi %mul3A_229, %add3A_522 : i32
        %get3A_524 = arith.index_cast %add3A_523 : i32 to index
        %get3A_525 = arith.constant 0 : index
        %get3A_526 = tpu.vector_load %arg12[%get3A_524, %get3A_525] {strides = array<i32>} : memref<512x64xi32, #tpu.memory_space<vmem>>, vector<16xi32>,
        %shift_left3A_527 = arith.constant 16 : i32
        %shift_left3A_528 = vector.broadcast %shift_left3A_527 : i32 to vector<16xi32>
        %shift_left3A_529 = arith.shli %get3A_526, %shift_left3A_528 : vector<16xi32>
        %bitcast3A_530 = vector.bitcast %shift_left3A_529 : vector<16xi32> to vector<16xf32>
        %add3A_531 = arith.addf %add3A_516, %bitcast3A_530 : vector<16xf32>
        %and3A_532 = arith.constant -65536 : i32
        %and3A_533 = vector.broadcast %and3A_532 : i32 to vector<16xi32>
        %and3A_534 = arith.andi %get3A_526, %and3A_533 : vector<16xi32>
        %bitcast3A_535 = vector.bitcast %and3A_534 : vector<16xi32> to vector<16xf32>
        %add3A_536 = arith.addf %add3A_521, %bitcast3A_535 : vector<16xf32>
        %add3A_537 = arith.constant 21 : i32
        %add3A_538 = arith.addi %mul3A_229, %add3A_537 : i32
        %get3A_539 = arith.index_cast %add3A_538 : i32 to index
        %get3A_540 = arith.constant 0 : index
        %get3A_541 = tpu.vector_load %arg12[%get3A_539, %get3A_540] {strides = array<i32>} : memref<512x64xi32, #tpu.memory_space<vmem>>, vector<16xi32>,
        %shift_left3A_542 = arith.constant 16 : i32
        %shift_left3A_543 = vector.broadcast %shift_left3A_542 : i32 to vector<16xi32>
        %shift_left3A_544 = arith.shli %get3A_541, %shift_left3A_543 : vector<16xi32>
        %bitcast3A_545 = vector.bitcast %shift_left3A_544 : vector<16xi32> to vector<16xf32>
        %add3A_546 = arith.addf %add3A_531, %bitcast3A_545 : vector<16xf32>
        %and3A_547 = arith.constant -65536 : i32
        %and3A_548 = vector.broadcast %and3A_547 : i32 to vector<16xi32>
        %and3A_549 = arith.andi %get3A_541, %and3A_548 : vector<16xi32>
        %bitcast3A_550 = vector.bitcast %and3A_549 : vector<16xi32> to vector<16xf32>
        %add3A_551 = arith.addf %add3A_536, %bitcast3A_550 : vector<16xf32>
        %add3A_552 = arith.constant 22 : i32
        %add3A_553 = arith.addi %mul3A_229, %add3A_552 : i32
        %get3A_554 = arith.index_cast %add3A_553 : i32 to index
        %get3A_555 = arith.constant 0 : index
        %get3A_556 = tpu.vector_load %arg12[%get3A_554, %get3A_555] {strides = array<i32>} : memref<512x64xi32, #tpu.memory_space<vmem>>, vector<16xi32>,
        %shift_left3A_557 = arith.constant 16 : i32
        %shift_left3A_558 = vector.broadcast %shift_left3A_557 : i32 to vector<16xi32>
        %shift_left3A_559 = arith.shli %get3A_556, %shift_left3A_558 : vector<16xi32>
        %bitcast3A_560 = vector.bitcast %shift_left3A_559 : vector<16xi32> to vector<16xf32>
        %add3A_561 = arith.addf %add3A_546, %bitcast3A_560 : vector<16xf32>
        %and3A_562 = arith.constant -65536 : i32
        %and3A_563 = vector.broadcast %and3A_562 : i32 to vector<16xi32>
        %and3A_564 = arith.andi %get3A_556, %and3A_563 : vector<16xi32>
        %bitcast3A_565 = vector.bitcast %and3A_564 : vector<16xi32> to vector<16xf32>
        %add3A_566 = arith.addf %add3A_551, %bitcast3A_565 : vector<16xf32>
        %add3A_567 = arith.constant 23 : i32
        %add3A_568 = arith.addi %mul3A_229, %add3A_567 : i32
        %get3A_569 = arith.index_cast %add3A_568 : i32 to index
        %get3A_570 = arith.constant 0 : index
        %get3A_571 = tpu.vector_load %arg12[%get3A_569, %get3A_570] {strides = array<i32>} : memref<512x64xi32, #tpu.memory_space<vmem>>, vector<16xi32>,
        %shift_left3A_572 = arith.constant 16 : i32
        %shift_left3A_573 = vector.broadcast %shift_left3A_572 : i32 to vector<16xi32>
        %shift_left3A_574 = arith.shli %get3A_571, %shift_left3A_573 : vector<16xi32>
        %bitcast3A_575 = vector.bitcast %shift_left3A_574 : vector<16xi32> to vector<16xf32>
        %add3A_576 = arith.addf %add3A_561, %bitcast3A_575 : vector<16xf32>
        %and3A_577 = arith.constant -65536 : i32
        %and3A_578 = vector.broadcast %and3A_577 : i32 to vector<16xi32>
        %and3A_579 = arith.andi %get3A_571, %and3A_578 : vector<16xi32>
        %bitcast3A_580 = vector.bitcast %and3A_579 : vector<16xi32> to vector<16xf32>
        %add3A_581 = arith.addf %add3A_566, %bitcast3A_580 : vector<16xf32>
        %add3A_582 = arith.constant 24 : i32
        %add3A_583 = arith.addi %mul3A_229, %add3A_582 : i32
        %get3A_584 = arith.index_cast %add3A_583 : i32 to index
        %get3A_585 = arith.constant 0 : index
        %get3A_586 = tpu.vector_load %arg12[%get3A_584, %get3A_585] {strides = array<i32>} : memref<512x64xi32, #tpu.memory_space<vmem>>, vector<16xi32>,
        %shift_left3A_587 = arith.constant 16 : i32
        %shift_left3A_588 = vector.broadcast %shift_left3A_587 : i32 to vector<16xi32>
        %shift_left3A_589 = arith.shli %get3A_586, %shift_left3A_588 : vector<16xi32>
        %bitcast3A_590 = vector.bitcast %shift_left3A_589 : vector<16xi32> to vector<16xf32>
        %add3A_591 = arith.addf %add3A_576, %bitcast3A_590 : vector<16xf32>
        %and3A_592 = arith.constant -65536 : i32
        %and3A_593 = vector.broadcast %and3A_592 : i32 to vector<16xi32>
        %and3A_594 = arith.andi %get3A_586, %and3A_593 : vector<16xi32>
        %bitcast3A_595 = vector.bitcast %and3A_594 : vector<16xi32> to vector<16xf32>
        %add3A_596 = arith.addf %add3A_581, %bitcast3A_595 : vector<16xf32>
        %add3A_597 = arith.constant 25 : i32
        %add3A_598 = arith.addi %mul3A_229, %add3A_597 : i32
        %get3A_599 = arith.index_cast %add3A_598 : i32 to index
        %get3A_600 = arith.constant 0 : index
        %get3A_601 = tpu.vector_load %arg12[%get3A_599, %get3A_600] {strides = array<i32>} : memref<512x64xi32, #tpu.memory_space<vmem>>, vector<16xi32>,
        %shift_left3A_602 = arith.constant 16 : i32
        %shift_left3A_603 = vector.broadcast %shift_left3A_602 : i32 to vector<16xi32>
        %shift_left3A_604 = arith.shli %get3A_601, %shift_left3A_603 : vector<16xi32>
        %bitcast3A_605 = vector.bitcast %shift_left3A_604 : vector<16xi32> to vector<16xf32>
        %add3A_606 = arith.addf %add3A_591, %bitcast3A_605 : vector<16xf32>
        %and3A_607 = arith.constant -65536 : i32
        %and3A_608 = vector.broadcast %and3A_607 : i32 to vector<16xi32>
        %and3A_609 = arith.andi %get3A_601, %and3A_608 : vector<16xi32>
        %bitcast3A_610 = vector.bitcast %and3A_609 : vector<16xi32> to vector<16xf32>
        %add3A_611 = arith.addf %add3A_596, %bitcast3A_610 : vector<16xf32>
        %add3A_612 = arith.constant 26 : i32
        %add3A_613 = arith.addi %mul3A_229, %add3A_612 : i32
        %get3A_614 = arith.index_cast %add3A_613 : i32 to index
        %get3A_615 = arith.constant 0 : index
        %get3A_616 = tpu.vector_load %arg12[%get3A_614, %get3A_615] {strides = array<i32>} : memref<512x64xi32, #tpu.memory_space<vmem>>, vector<16xi32>,
        %shift_left3A_617 = arith.constant 16 : i32
        %shift_left3A_618 = vector.broadcast %shift_left3A_617 : i32 to vector<16xi32>
        %shift_left3A_619 = arith.shli %get3A_616, %shift_left3A_618 : vector<16xi32>
        %bitcast3A_620 = vector.bitcast %shift_left3A_619 : vector<16xi32> to vector<16xf32>
        %add3A_621 = arith.addf %add3A_606, %bitcast3A_620 : vector<16xf32>
        %and3A_622 = arith.constant -65536 : i32
        %and3A_623 = vector.broadcast %and3A_622 : i32 to vector<16xi32>
        %and3A_624 = arith.andi %get3A_616, %and3A_623 : vector<16xi32>
        %bitcast3A_625 = vector.bitcast %and3A_624 : vector<16xi32> to vector<16xf32>
        %add3A_626 = arith.addf %add3A_611, %bitcast3A_625 : vector<16xf32>
        %add3A_627 = arith.constant 27 : i32
        %add3A_628 = arith.addi %mul3A_229, %add3A_627 : i32
        %get3A_629 = arith.index_cast %add3A_628 : i32 to index
        %get3A_630 = arith.constant 0 : index
        %get3A_631 = tpu.vector_load %arg12[%get3A_629, %get3A_630] {strides = array<i32>} : memref<512x64xi32, #tpu.memory_space<vmem>>, vector<16xi32>,
        %shift_left3A_632 = arith.constant 16 : i32
        %shift_left3A_633 = vector.broadcast %shift_left3A_632 : i32 to vector<16xi32>
        %shift_left3A_634 = arith.shli %get3A_631, %shift_left3A_633 : vector<16xi32>
        %bitcast3A_635 = vector.bitcast %shift_left3A_634 : vector<16xi32> to vector<16xf32>
        %add3A_636 = arith.addf %add3A_621, %bitcast3A_635 : vector<16xf32>
        %and3A_637 = arith.constant -65536 : i32
        %and3A_638 = vector.broadcast %and3A_637 : i32 to vector<16xi32>
        %and3A_639 = arith.andi %get3A_631, %and3A_638 : vector<16xi32>
        %bitcast3A_640 = vector.bitcast %and3A_639 : vector<16xi32> to vector<16xf32>
        %add3A_641 = arith.addf %add3A_626, %bitcast3A_640 : vector<16xf32>
        %add3A_642 = arith.constant 28 : i32
        %add3A_643 = arith.addi %mul3A_229, %add3A_642 : i32
        %get3A_644 = arith.index_cast %add3A_643 : i32 to index
        %get3A_645 = arith.constant 0 : index
        %get3A_646 = tpu.vector_load %arg12[%get3A_644, %get3A_645] {strides = array<i32>} : memref<512x64xi32, #tpu.memory_space<vmem>>, vector<16xi32>,
        %shift_left3A_647 = arith.constant 16 : i32
        %shift_left3A_648 = vector.broadcast %shift_left3A_647 : i32 to vector<16xi32>
        %shift_left3A_649 = arith.shli %get3A_646, %shift_left3A_648 : vector<16xi32>
        %bitcast3A_650 = vector.bitcast %shift_left3A_649 : vector<16xi32> to vector<16xf32>
        %add3A_651 = arith.addf %add3A_636, %bitcast3A_650 : vector<16xf32>
        %and3A_652 = arith.constant -65536 : i32
        %and3A_653 = vector.broadcast %and3A_652 : i32 to vector<16xi32>
        %and3A_654 = arith.andi %get3A_646, %and3A_653 : vector<16xi32>
        %bitcast3A_655 = vector.bitcast %and3A_654 : vector<16xi32> to vector<16xf32>
        %add3A_656 = arith.addf %add3A_641, %bitcast3A_655 : vector<16xf32>
        %add3A_657 = arith.constant 29 : i32
        %add3A_658 = arith.addi %mul3A_229, %add3A_657 : i32
        %get3A_659 = arith.index_cast %add3A_658 : i32 to index
        %get3A_660 = arith.constant 0 : index
        %get3A_661 = tpu.vector_load %arg12[%get3A_659, %get3A_660] {strides = array<i32>} : memref<512x64xi32, #tpu.memory_space<vmem>>, vector<16xi32>,
        %shift_left3A_662 = arith.constant 16 : i32
        %shift_left3A_663 = vector.broadcast %shift_left3A_662 : i32 to vector<16xi32>
        %shift_left3A_664 = arith.shli %get3A_661, %shift_left3A_663 : vector<16xi32>
        %bitcast3A_665 = vector.bitcast %shift_left3A_664 : vector<16xi32> to vector<16xf32>
        %add3A_666 = arith.addf %add3A_651, %bitcast3A_665 : vector<16xf32>
        %and3A_667 = arith.constant -65536 : i32
        %and3A_668 = vector.broadcast %and3A_667 : i32 to vector<16xi32>
        %and3A_669 = arith.andi %get3A_661, %and3A_668 : vector<16xi32>
        %bitcast3A_670 = vector.bitcast %and3A_669 : vector<16xi32> to vector<16xf32>
        %add3A_671 = arith.addf %add3A_656, %bitcast3A_670 : vector<16xf32>
        %add3A_672 = arith.constant 30 : i32
        %add3A_673 = arith.addi %mul3A_229, %add3A_672 : i32
        %get3A_674 = arith.index_cast %add3A_673 : i32 to index
        %get3A_675 = arith.constant 0 : index
        %get3A_676 = tpu.vector_load %arg12[%get3A_674, %get3A_675] {strides = array<i32>} : memref<512x64xi32, #tpu.memory_space<vmem>>, vector<16xi32>,
        %shift_left3A_677 = arith.constant 16 : i32
        %shift_left3A_678 = vector.broadcast %shift_left3A_677 : i32 to vector<16xi32>
        %shift_left3A_679 = arith.shli %get3A_676, %shift_left3A_678 : vector<16xi32>
        %bitcast3A_680 = vector.bitcast %shift_left3A_679 : vector<16xi32> to vector<16xf32>
        %add3A_681 = arith.addf %add3A_666, %bitcast3A_680 : vector<16xf32>
        %and3A_682 = arith.constant -65536 : i32
        %and3A_683 = vector.broadcast %and3A_682 : i32 to vector<16xi32>
        %and3A_684 = arith.andi %get3A_676, %and3A_683 : vector<16xi32>
        %bitcast3A_685 = vector.bitcast %and3A_684 : vector<16xi32> to vector<16xf32>
        %add3A_686 = arith.addf %add3A_671, %bitcast3A_685 : vector<16xf32>
        %add3A_687 = arith.constant 31 : i32
        %add3A_688 = arith.addi %mul3A_229, %add3A_687 : i32
        %get3A_689 = arith.index_cast %add3A_688 : i32 to index
        %get3A_690 = arith.constant 0 : index
        %get3A_691 = tpu.vector_load %arg12[%get3A_689, %get3A_690] {strides = array<i32>} : memref<512x64xi32, #tpu.memory_space<vmem>>, vector<16xi32>,
        %shift_left3A_692 = arith.constant 16 : i32
        %shift_left3A_693 = vector.broadcast %shift_left3A_692 : i32 to vector<16xi32>
        %shift_left3A_694 = arith.shli %get3A_691, %shift_left3A_693 : vector<16xi32>
        %bitcast3A_695 = vector.bitcast %shift_left3A_694 : vector<16xi32> to vector<16xf32>
        %add3A_696 = arith.addf %add3A_681, %bitcast3A_695 : vector<16xf32>
        %and3A_697 = arith.constant -65536 : i32
        %and3A_698 = vector.broadcast %and3A_697 : i32 to vector<16xi32>
        %and3A_699 = arith.andi %get3A_691, %and3A_698 : vector<16xi32>
        %bitcast3A_700 = vector.bitcast %and3A_699 : vector<16xi32> to vector<16xf32>
        %add3A_701 = arith.addf %add3A_686, %bitcast3A_700 : vector<16xf32>
        %get3A_702 = arith.index_cast %add3A_227 : i32 to index
        %get3A_703 = arith.constant 0 : index
        %get3A_704 = tpu.vector_load %arg13[%get3A_702, %get3A_703] {strides = array<i32>} : memref<16x128xf32, #tpu.memory_space<vmem>>, vector<16xf32>,
        %get3A_705 = arith.index_cast %add3A_227 : i32 to index
        %get3A_706 = arith.constant 0 : index
        %get3A_707 = tpu.vector_load %arg14[%get3A_705, %get3A_706] {strides = array<i32>} : memref<16x128xf32, #tpu.memory_space<vmem>>, vector<16xf32>,
        %add3A_708 = arith.addf %get3A_704, %get3A_707 : vector<16xf32>
        %mul3A_709 = arith.constant 3.125000e-02 : f32
        %mul3A_710 = vector.broadcast %mul3A_709 : f32 to vector<16xf32>
        %mul3A_711 = arith.mulf %add3A_696, %mul3A_710 : vector<16xf32>
        %add3A_712 = arith.addf %add3A_708, %mul3A_711 : vector<16xf32>
        %swap3A = arith.index_cast %add3A_227 : i32 to index
        %swap3A_713 = arith.constant 0 : index
        %swap3A_714 = tpu.vector_load %arg15[%swap3A, %swap3A_713] {strides = array<i32>} : memref<16x128xf32, #tpu.memory_space<vmem>>, vector<16xf32>,
        tpu.vector_store %arg15[%swap3A, %swap3A_713], %add3A_712 {strides = array<i32>} : memref<16x128xf32, #tpu.memory_space<vmem>>, vector<16xf32>,
        %get3A_715 = arith.index_cast %add3A_227 : i32 to index
        %get3A_716 = arith.constant 16 : index
        %get3A_717 = tpu.vector_load %arg13[%get3A_715, %get3A_716] {strides = array<i32>} : memref<16x128xf32, #tpu.memory_space<vmem>>, vector<16xf32>,
        %get3A_718 = arith.index_cast %add3A_227 : i32 to index
        %get3A_719 = arith.constant 16 : index
        %get3A_720 = tpu.vector_load %arg14[%get3A_718, %get3A_719] {strides = array<i32>} : memref<16x128xf32, #tpu.memory_space<vmem>>, vector<16xf32>,
        %add3A_721 = arith.addf %get3A_717, %get3A_720 : vector<16xf32>
        %mul3A_722 = arith.constant 3.125000e-02 : f32
        %mul3A_723 = vector.broadcast %mul3A_722 : f32 to vector<16xf32>
        %mul3A_724 = arith.mulf %add3A_701, %mul3A_723 : vector<16xf32>
        %add3A_725 = arith.addf %add3A_721, %mul3A_724 : vector<16xf32>
        %swap3A_726 = arith.index_cast %add3A_227 : i32 to index
        %swap3A_727 = arith.constant 16 : index
        %swap3A_728 = tpu.vector_load %arg15[%swap3A_726, %swap3A_727] {strides = array<i32>} : memref<16x128xf32, #tpu.memory_space<vmem>>, vector<16xf32>,
        tpu.vector_store %arg15[%swap3A_726, %swap3A_727], %add3A_725 {strides = array<i32>} : memref<16x128xf32, #tpu.memory_space<vmem>>, vector<16xf32>,
        %get3A_729 = arith.index_cast %mul3A_229 : i32 to index
        %get3A_730 = arith.constant 16 : index
        %get3A_731 = tpu.vector_load %arg12[%get3A_729, %get3A_730] {strides = array<i32>} : memref<512x64xi32, #tpu.memory_space<vmem>>, vector<16xi32>,
        %shift_left3A_732 = arith.constant 16 : i32
        %shift_left3A_733 = vector.broadcast %shift_left3A_732 : i32 to vector<16xi32>
        %shift_left3A_734 = arith.shli %get3A_731, %shift_left3A_733 : vector<16xi32>
        %bitcast3A_735 = vector.bitcast %shift_left3A_734 : vector<16xi32> to vector<16xf32>
        %and3A_736 = arith.constant -65536 : i32
        %and3A_737 = vector.broadcast %and3A_736 : i32 to vector<16xi32>
        %and3A_738 = arith.andi %get3A_731, %and3A_737 : vector<16xi32>
        %bitcast3A_739 = vector.bitcast %and3A_738 : vector<16xi32> to vector<16xf32>
        %add3A_740 = arith.constant 1 : i32
        %add3A_741 = arith.addi %mul3A_229, %add3A_740 : i32
        %get3A_742 = arith.index_cast %add3A_741 : i32 to index
        %get3A_743 = arith.constant 16 : index
        %get3A_744 = tpu.vector_load %arg12[%get3A_742, %get3A_743] {strides = array<i32>} : memref<512x64xi32, #tpu.memory_space<vmem>>, vector<16xi32>,
        %shift_left3A_745 = arith.constant 16 : i32
        %shift_left3A_746 = vector.broadcast %shift_left3A_745 : i32 to vector<16xi32>
        %shift_left3A_747 = arith.shli %get3A_744, %shift_left3A_746 : vector<16xi32>
        %bitcast3A_748 = vector.bitcast %shift_left3A_747 : vector<16xi32> to vector<16xf32>
        %add3A_749 = arith.addf %bitcast3A_735, %bitcast3A_748 : vector<16xf32>
        %and3A_750 = arith.constant -65536 : i32
        %and3A_751 = vector.broadcast %and3A_750 : i32 to vector<16xi32>
        %and3A_752 = arith.andi %get3A_744, %and3A_751 : vector<16xi32>
        %bitcast3A_753 = vector.bitcast %and3A_752 : vector<16xi32> to vector<16xf32>
        %add3A_754 = arith.addf %bitcast3A_739, %bitcast3A_753 : vector<16xf32>
        %add3A_755 = arith.constant 2 : i32
        %add3A_756 = arith.addi %mul3A_229, %add3A_755 : i32
        %get3A_757 = arith.index_cast %add3A_756 : i32 to index
        %get3A_758 = arith.constant 16 : index
        %get3A_759 = tpu.vector_load %arg12[%get3A_757, %get3A_758] {strides = array<i32>} : memref<512x64xi32, #tpu.memory_space<vmem>>, vector<16xi32>,
        %shift_left3A_760 = arith.constant 16 : i32
        %shift_left3A_761 = vector.broadcast %shift_left3A_760 : i32 to vector<16xi32>
        %shift_left3A_762 = arith.shli %get3A_759, %shift_left3A_761 : vector<16xi32>
        %bitcast3A_763 = vector.bitcast %shift_left3A_762 : vector<16xi32> to vector<16xf32>
        %add3A_764 = arith.addf %add3A_749, %bitcast3A_763 : vector<16xf32>
        %and3A_765 = arith.constant -65536 : i32
        %and3A_766 = vector.broadcast %and3A_765 : i32 to vector<16xi32>
        %and3A_767 = arith.andi %get3A_759, %and3A_766 : vector<16xi32>
        %bitcast3A_768 = vector.bitcast %and3A_767 : vector<16xi32> to vector<16xf32>
        %add3A_769 = arith.addf %add3A_754, %bitcast3A_768 : vector<16xf32>
        %add3A_770 = arith.constant 3 : i32
        %add3A_771 = arith.addi %mul3A_229, %add3A_770 : i32
        %get3A_772 = arith.index_cast %add3A_771 : i32 to index
        %get3A_773 = arith.constant 16 : index
        %get3A_774 = tpu.vector_load %arg12[%get3A_772, %get3A_773] {strides = array<i32>} : memref<512x64xi32, #tpu.memory_space<vmem>>, vector<16xi32>,
        %shift_left3A_775 = arith.constant 16 : i32
        %shift_left3A_776 = vector.broadcast %shift_left3A_775 : i32 to vector<16xi32>
        %shift_left3A_777 = arith.shli %get3A_774, %shift_left3A_776 : vector<16xi32>
        %bitcast3A_778 = vector.bitcast %shift_left3A_777 : vector<16xi32> to vector<16xf32>
        %add3A_779 = arith.addf %add3A_764, %bitcast3A_778 : vector<16xf32>
        %and3A_780 = arith.constant -65536 : i32
        %and3A_781 = vector.broadcast %and3A_780 : i32 to vector<16xi32>
        %and3A_782 = arith.andi %get3A_774, %and3A_781 : vector<16xi32>
        %bitcast3A_783 = vector.bitcast %and3A_782 : vector<16xi32> to vector<16xf32>
        %add3A_784 = arith.addf %add3A_769, %bitcast3A_783 : vector<16xf32>
        %add3A_785 = arith.constant 4 : i32
        %add3A_786 = arith.addi %mul3A_229, %add3A_785 : i32
        %get3A_787 = arith.index_cast %add3A_786 : i32 to index
        %get3A_788 = arith.constant 16 : index
        %get3A_789 = tpu.vector_load %arg12[%get3A_787, %get3A_788] {strides = array<i32>} : memref<512x64xi32, #tpu.memory_space<vmem>>, vector<16xi32>,
        %shift_left3A_790 = arith.constant 16 : i32
        %shift_left3A_791 = vector.broadcast %shift_left3A_790 : i32 to vector<16xi32>
        %shift_left3A_792 = arith.shli %get3A_789, %shift_left3A_791 : vector<16xi32>
        %bitcast3A_793 = vector.bitcast %shift_left3A_792 : vector<16xi32> to vector<16xf32>
        %add3A_794 = arith.addf %add3A_779, %bitcast3A_793 : vector<16xf32>
        %and3A_795 = arith.constant -65536 : i32
        %and3A_796 = vector.broadcast %and3A_795 : i32 to vector<16xi32>
        %and3A_797 = arith.andi %get3A_789, %and3A_796 : vector<16xi32>
        %bitcast3A_798 = vector.bitcast %and3A_797 : vector<16xi32> to vector<16xf32>
        %add3A_799 = arith.addf %add3A_784, %bitcast3A_798 : vector<16xf32>
        %add3A_800 = arith.constant 5 : i32
        %add3A_801 = arith.addi %mul3A_229, %add3A_800 : i32
        %get3A_802 = arith.index_cast %add3A_801 : i32 to index
        %get3A_803 = arith.constant 16 : index
        %get3A_804 = tpu.vector_load %arg12[%get3A_802, %get3A_803] {strides = array<i32>} : memref<512x64xi32, #tpu.memory_space<vmem>>, vector<16xi32>,
        %shift_left3A_805 = arith.constant 16 : i32
        %shift_left3A_806 = vector.broadcast %shift_left3A_805 : i32 to vector<16xi32>
        %shift_left3A_807 = arith.shli %get3A_804, %shift_left3A_806 : vector<16xi32>
        %bitcast3A_808 = vector.bitcast %shift_left3A_807 : vector<16xi32> to vector<16xf32>
        %add3A_809 = arith.addf %add3A_794, %bitcast3A_808 : vector<16xf32>
        %and3A_810 = arith.constant -65536 : i32
        %and3A_811 = vector.broadcast %and3A_810 : i32 to vector<16xi32>
        %and3A_812 = arith.andi %get3A_804, %and3A_811 : vector<16xi32>
        %bitcast3A_813 = vector.bitcast %and3A_812 : vector<16xi32> to vector<16xf32>
        %add3A_814 = arith.addf %add3A_799, %bitcast3A_813 : vector<16xf32>
        %add3A_815 = arith.constant 6 : i32
        %add3A_816 = arith.addi %mul3A_229, %add3A_815 : i32
        %get3A_817 = arith.index_cast %add3A_816 : i32 to index
        %get3A_818 = arith.constant 16 : index
        %get3A_819 = tpu.vector_load %arg12[%get3A_817, %get3A_818] {strides = array<i32>} : memref<512x64xi32, #tpu.memory_space<vmem>>, vector<16xi32>,
        %shift_left3A_820 = arith.constant 16 : i32
        %shift_left3A_821 = vector.broadcast %shift_left3A_820 : i32 to vector<16xi32>
        %shift_left3A_822 = arith.shli %get3A_819, %shift_left3A_821 : vector<16xi32>
        %bitcast3A_823 = vector.bitcast %shift_left3A_822 : vector<16xi32> to vector<16xf32>
        %add3A_824 = arith.addf %add3A_809, %bitcast3A_823 : vector<16xf32>
        %and3A_825 = arith.constant -65536 : i32
        %and3A_826 = vector.broadcast %and3A_825 : i32 to vector<16xi32>
        %and3A_827 = arith.andi %get3A_819, %and3A_826 : vector<16xi32>
        %bitcast3A_828 = vector.bitcast %and3A_827 : vector<16xi32> to vector<16xf32>
        %add3A_829 = arith.addf %add3A_814, %bitcast3A_828 : vector<16xf32>
        %add3A_830 = arith.constant 7 : i32
        %add3A_831 = arith.addi %mul3A_229, %add3A_830 : i32
        %get3A_832 = arith.index_cast %add3A_831 : i32 to index
        %get3A_833 = arith.constant 16 : index
        %get3A_834 = tpu.vector_load %arg12[%get3A_832, %get3A_833] {strides = array<i32>} : memref<512x64xi32, #tpu.memory_space<vmem>>, vector<16xi32>,
        %shift_left3A_835 = arith.constant 16 : i32
        %shift_left3A_836 = vector.broadcast %shift_left3A_835 : i32 to vector<16xi32>
        %shift_left3A_837 = arith.shli %get3A_834, %shift_left3A_836 : vector<16xi32>
        %bitcast3A_838 = vector.bitcast %shift_left3A_837 : vector<16xi32> to vector<16xf32>
        %add3A_839 = arith.addf %add3A_824, %bitcast3A_838 : vector<16xf32>
        %and3A_840 = arith.constant -65536 : i32
        %and3A_841 = vector.broadcast %and3A_840 : i32 to vector<16xi32>
        %and3A_842 = arith.andi %get3A_834, %and3A_841 : vector<16xi32>
        %bitcast3A_843 = vector.bitcast %and3A_842 : vector<16xi32> to vector<16xf32>
        %add3A_844 = arith.addf %add3A_829, %bitcast3A_843 : vector<16xf32>
        %add3A_845 = arith.constant 8 : i32
        %add3A_846 = arith.addi %mul3A_229, %add3A_845 : i32
        %get3A_847 = arith.index_cast %add3A_846 : i32 to index
        %get3A_848 = arith.constant 16 : index
        %get3A_849 = tpu.vector_load %arg12[%get3A_847, %get3A_848] {strides = array<i32>} : memref<512x64xi32, #tpu.memory_space<vmem>>, vector<16xi32>,
        %shift_left3A_850 = arith.constant 16 : i32
        %shift_left3A_851 = vector.broadcast %shift_left3A_850 : i32 to vector<16xi32>
        %shift_left3A_852 = arith.shli %get3A_849, %shift_left3A_851 : vector<16xi32>
        %bitcast3A_853 = vector.bitcast %shift_left3A_852 : vector<16xi32> to vector<16xf32>
        %add3A_854 = arith.addf %add3A_839, %bitcast3A_853 : vector<16xf32>
        %and3A_855 = arith.constant -65536 : i32
        %and3A_856 = vector.broadcast %and3A_855 : i32 to vector<16xi32>
        %and3A_857 = arith.andi %get3A_849, %and3A_856 : vector<16xi32>
        %bitcast3A_858 = vector.bitcast %and3A_857 : vector<16xi32> to vector<16xf32>
        %add3A_859 = arith.addf %add3A_844, %bitcast3A_858 : vector<16xf32>
        %add3A_860 = arith.constant 9 : i32
        %add3A_861 = arith.addi %mul3A_229, %add3A_860 : i32
        %get3A_862 = arith.index_cast %add3A_861 : i32 to index
        %get3A_863 = arith.constant 16 : index
        %get3A_864 = tpu.vector_load %arg12[%get3A_862, %get3A_863] {strides = array<i32>} : memref<512x64xi32, #tpu.memory_space<vmem>>, vector<16xi32>,
        %shift_left3A_865 = arith.constant 16 : i32
        %shift_left3A_866 = vector.broadcast %shift_left3A_865 : i32 to vector<16xi32>
        %shift_left3A_867 = arith.shli %get3A_864, %shift_left3A_866 : vector<16xi32>
        %bitcast3A_868 = vector.bitcast %shift_left3A_867 : vector<16xi32> to vector<16xf32>
        %add3A_869 = arith.addf %add3A_854, %bitcast3A_868 : vector<16xf32>
        %and3A_870 = arith.constant -65536 : i32
        %and3A_871 = vector.broadcast %and3A_870 : i32 to vector<16xi32>
        %and3A_872 = arith.andi %get3A_864, %and3A_871 : vector<16xi32>
        %bitcast3A_873 = vector.bitcast %and3A_872 : vector<16xi32> to vector<16xf32>
        %add3A_874 = arith.addf %add3A_859, %bitcast3A_873 : vector<16xf32>
        %add3A_875 = arith.constant 10 : i32
        %add3A_876 = arith.addi %mul3A_229, %add3A_875 : i32
        %get3A_877 = arith.index_cast %add3A_876 : i32 to index
        %get3A_878 = arith.constant 16 : index
        %get3A_879 = tpu.vector_load %arg12[%get3A_877, %get3A_878] {strides = array<i32>} : memref<512x64xi32, #tpu.memory_space<vmem>>, vector<16xi32>,
        %shift_left3A_880 = arith.constant 16 : i32
        %shift_left3A_881 = vector.broadcast %shift_left3A_880 : i32 to vector<16xi32>
        %shift_left3A_882 = arith.shli %get3A_879, %shift_left3A_881 : vector<16xi32>
        %bitcast3A_883 = vector.bitcast %shift_left3A_882 : vector<16xi32> to vector<16xf32>
        %add3A_884 = arith.addf %add3A_869, %bitcast3A_883 : vector<16xf32>
        %and3A_885 = arith.constant -65536 : i32
        %and3A_886 = vector.broadcast %and3A_885 : i32 to vector<16xi32>
        %and3A_887 = arith.andi %get3A_879, %and3A_886 : vector<16xi32>
        %bitcast3A_888 = vector.bitcast %and3A_887 : vector<16xi32> to vector<16xf32>
        %add3A_889 = arith.addf %add3A_874, %bitcast3A_888 : vector<16xf32>
        %add3A_890 = arith.constant 11 : i32
        %add3A_891 = arith.addi %mul3A_229, %add3A_890 : i32
        %get3A_892 = arith.index_cast %add3A_891 : i32 to index
        %get3A_893 = arith.constant 16 : index
        %get3A_894 = tpu.vector_load %arg12[%get3A_892, %get3A_893] {strides = array<i32>} : memref<512x64xi32, #tpu.memory_space<vmem>>, vector<16xi32>,
        %shift_left3A_895 = arith.constant 16 : i32
        %shift_left3A_896 = vector.broadcast %shift_left3A_895 : i32 to vector<16xi32>
        %shift_left3A_897 = arith.shli %get3A_894, %shift_left3A_896 : vector<16xi32>
        %bitcast3A_898 = vector.bitcast %shift_left3A_897 : vector<16xi32> to vector<16xf32>
        %add3A_899 = arith.addf %add3A_884, %bitcast3A_898 : vector<16xf32>
        %and3A_900 = arith.constant -65536 : i32
        %and3A_901 = vector.broadcast %and3A_900 : i32 to vector<16xi32>
        %and3A_902 = arith.andi %get3A_894, %and3A_901 : vector<16xi32>
        %bitcast3A_903 = vector.bitcast %and3A_902 : vector<16xi32> to vector<16xf32>
        %add3A_904 = arith.addf %add3A_889, %bitcast3A_903 : vector<16xf32>
        %add3A_905 = arith.constant 12 : i32
        %add3A_906 = arith.addi %mul3A_229, %add3A_905 : i32
        %get3A_907 = arith.index_cast %add3A_906 : i32 to index
        %get3A_908 = arith.constant 16 : index
        %get3A_909 = tpu.vector_load %arg12[%get3A_907, %get3A_908] {strides = array<i32>} : memref<512x64xi32, #tpu.memory_space<vmem>>, vector<16xi32>,
        %shift_left3A_910 = arith.constant 16 : i32
        %shift_left3A_911 = vector.broadcast %shift_left3A_910 : i32 to vector<16xi32>
        %shift_left3A_912 = arith.shli %get3A_909, %shift_left3A_911 : vector<16xi32>
        %bitcast3A_913 = vector.bitcast %shift_left3A_912 : vector<16xi32> to vector<16xf32>
        %add3A_914 = arith.addf %add3A_899, %bitcast3A_913 : vector<16xf32>
        %and3A_915 = arith.constant -65536 : i32
        %and3A_916 = vector.broadcast %and3A_915 : i32 to vector<16xi32>
        %and3A_917 = arith.andi %get3A_909, %and3A_916 : vector<16xi32>
        %bitcast3A_918 = vector.bitcast %and3A_917 : vector<16xi32> to vector<16xf32>
        %add3A_919 = arith.addf %add3A_904, %bitcast3A_918 : vector<16xf32>
        %add3A_920 = arith.constant 13 : i32
        %add3A_921 = arith.addi %mul3A_229, %add3A_920 : i32
        %get3A_922 = arith.index_cast %add3A_921 : i32 to index
        %get3A_923 = arith.constant 16 : index
        %get3A_924 = tpu.vector_load %arg12[%get3A_922, %get3A_923] {strides = array<i32>} : memref<512x64xi32, #tpu.memory_space<vmem>>, vector<16xi32>,
        %shift_left3A_925 = arith.constant 16 : i32
        %shift_left3A_926 = vector.broadcast %shift_left3A_925 : i32 to vector<16xi32>
        %shift_left3A_927 = arith.shli %get3A_924, %shift_left3A_926 : vector<16xi32>
        %bitcast3A_928 = vector.bitcast %shift_left3A_927 : vector<16xi32> to vector<16xf32>
        %add3A_929 = arith.addf %add3A_914, %bitcast3A_928 : vector<16xf32>
        %and3A_930 = arith.constant -65536 : i32
        %and3A_931 = vector.broadcast %and3A_930 : i32 to vector<16xi32>
        %and3A_932 = arith.andi %get3A_924, %and3A_931 : vector<16xi32>
        %bitcast3A_933 = vector.bitcast %and3A_932 : vector<16xi32> to vector<16xf32>
        %add3A_934 = arith.addf %add3A_919, %bitcast3A_933 : vector<16xf32>
        %add3A_935 = arith.constant 14 : i32
        %add3A_936 = arith.addi %mul3A_229, %add3A_935 : i32
        %get3A_937 = arith.index_cast %add3A_936 : i32 to index
        %get3A_938 = arith.constant 16 : index
        %get3A_939 = tpu.vector_load %arg12[%get3A_937, %get3A_938] {strides = array<i32>} : memref<512x64xi32, #tpu.memory_space<vmem>>, vector<16xi32>,
        %shift_left3A_940 = arith.constant 16 : i32
        %shift_left3A_941 = vector.broadcast %shift_left3A_940 : i32 to vector<16xi32>
        %shift_left3A_942 = arith.shli %get3A_939, %shift_left3A_941 : vector<16xi32>
        %bitcast3A_943 = vector.bitcast %shift_left3A_942 : vector<16xi32> to vector<16xf32>
        %add3A_944 = arith.addf %add3A_929, %bitcast3A_943 : vector<16xf32>
        %and3A_945 = arith.constant -65536 : i32
        %and3A_946 = vector.broadcast %and3A_945 : i32 to vector<16xi32>
        %and3A_947 = arith.andi %get3A_939, %and3A_946 : vector<16xi32>
        %bitcast3A_948 = vector.bitcast %and3A_947 : vector<16xi32> to vector<16xf32>
        %add3A_949 = arith.addf %add3A_934, %bitcast3A_948 : vector<16xf32>
        %add3A_950 = arith.constant 15 : i32
        %add3A_951 = arith.addi %mul3A_229, %add3A_950 : i32
        %get3A_952 = arith.index_cast %add3A_951 : i32 to index
        %get3A_953 = arith.constant 16 : index
        %get3A_954 = tpu.vector_load %arg12[%get3A_952, %get3A_953] {strides = array<i32>} : memref<512x64xi32, #tpu.memory_space<vmem>>, vector<16xi32>,
        %shift_left3A_955 = arith.constant 16 : i32
        %shift_left3A_956 = vector.broadcast %shift_left3A_955 : i32 to vector<16xi32>
        %shift_left3A_957 = arith.shli %get3A_954, %shift_left3A_956 : vector<16xi32>
        %bitcast3A_958 = vector.bitcast %shift_left3A_957 : vector<16xi32> to vector<16xf32>
        %add3A_959 = arith.addf %add3A_944, %bitcast3A_958 : vector<16xf32>
        %and3A_960 = arith.constant -65536 : i32
        %and3A_961 = vector.broadcast %and3A_960 : i32 to vector<16xi32>
        %and3A_962 = arith.andi %get3A_954, %and3A_961 : vector<16xi32>
        %bitcast3A_963 = vector.bitcast %and3A_962 : vector<16xi32> to vector<16xf32>
        %add3A_964 = arith.addf %add3A_949, %bitcast3A_963 : vector<16xf32>
        %add3A_965 = arith.constant 16 : i32
        %add3A_966 = arith.addi %mul3A_229, %add3A_965 : i32
        %get3A_967 = arith.index_cast %add3A_966 : i32 to index
        %get3A_968 = arith.constant 16 : index
        %get3A_969 = tpu.vector_load %arg12[%get3A_967, %get3A_968] {strides = array<i32>} : memref<512x64xi32, #tpu.memory_space<vmem>>, vector<16xi32>,
        %shift_left3A_970 = arith.constant 16 : i32
        %shift_left3A_971 = vector.broadcast %shift_left3A_970 : i32 to vector<16xi32>
        %shift_left3A_972 = arith.shli %get3A_969, %shift_left3A_971 : vector<16xi32>
        %bitcast3A_973 = vector.bitcast %shift_left3A_972 : vector<16xi32> to vector<16xf32>
        %add3A_974 = arith.addf %add3A_959, %bitcast3A_973 : vector<16xf32>
        %and3A_975 = arith.constant -65536 : i32
        %and3A_976 = vector.broadcast %and3A_975 : i32 to vector<16xi32>
        %and3A_977 = arith.andi %get3A_969, %and3A_976 : vector<16xi32>
        %bitcast3A_978 = vector.bitcast %and3A_977 : vector<16xi32> to vector<16xf32>
        %add3A_979 = arith.addf %add3A_964, %bitcast3A_978 : vector<16xf32>
        %add3A_980 = arith.constant 17 : i32
        %add3A_981 = arith.addi %mul3A_229, %add3A_980 : i32
        %get3A_982 = arith.index_cast %add3A_981 : i32 to index
        %get3A_983 = arith.constant 16 : index
        %get3A_984 = tpu.vector_load %arg12[%get3A_982, %get3A_983] {strides = array<i32>} : memref<512x64xi32, #tpu.memory_space<vmem>>, vector<16xi32>,
        %shift_left3A_985 = arith.constant 16 : i32
        %shift_left3A_986 = vector.broadcast %shift_left3A_985 : i32 to vector<16xi32>
        %shift_left3A_987 = arith.shli %get3A_984, %shift_left3A_986 : vector<16xi32>
        %bitcast3A_988 = vector.bitcast %shift_left3A_987 : vector<16xi32> to vector<16xf32>
        %add3A_989 = arith.addf %add3A_974, %bitcast3A_988 : vector<16xf32>
        %and3A_990 = arith.constant -65536 : i32
        %and3A_991 = vector.broadcast %and3A_990 : i32 to vector<16xi32>
        %and3A_992 = arith.andi %get3A_984, %and3A_991 : vector<16xi32>
        %bitcast3A_993 = vector.bitcast %and3A_992 : vector<16xi32> to vector<16xf32>
        %add3A_994 = arith.addf %add3A_979, %bitcast3A_993 : vector<16xf32>
        %add3A_995 = arith.constant 18 : i32
        %add3A_996 = arith.addi %mul3A_229, %add3A_995 : i32
        %get3A_997 = arith.index_cast %add3A_996 : i32 to index
        %get3A_998 = arith.constant 16 : index
        %get3A_999 = tpu.vector_load %arg12[%get3A_997, %get3A_998] {strides = array<i32>} : memref<512x64xi32, #tpu.memory_space<vmem>>, vector<16xi32>,
        %shift_left3A_1000 = arith.constant 16 : i32
        %shift_left3A_1001 = vector.broadcast %shift_left3A_1000 : i32 to vector<16xi32>
        %shift_left3A_1002 = arith.shli %get3A_999, %shift_left3A_1001 : vector<16xi32>
        %bitcast3A_1003 = vector.bitcast %shift_left3A_1002 : vector<16xi32> to vector<16xf32>
        %add3A_1004 = arith.addf %add3A_989, %bitcast3A_1003 : vector<16xf32>
        %and3A_1005 = arith.constant -65536 : i32
        %and3A_1006 = vector.broadcast %and3A_1005 : i32 to vector<16xi32>
        %and3A_1007 = arith.andi %get3A_999, %and3A_1006 : vector<16xi32>
        %bitcast3A_1008 = vector.bitcast %and3A_1007 : vector<16xi32> to vector<16xf32>
        %add3A_1009 = arith.addf %add3A_994, %bitcast3A_1008 : vector<16xf32>
        %add3A_1010 = arith.constant 19 : i32
        %add3A_1011 = arith.addi %mul3A_229, %add3A_1010 : i32
        %get3A_1012 = arith.index_cast %add3A_1011 : i32 to index
        %get3A_1013 = arith.constant 16 : index
        %get3A_1014 = tpu.vector_load %arg12[%get3A_1012, %get3A_1013] {strides = array<i32>} : memref<512x64xi32, #tpu.memory_space<vmem>>, vector<16xi32>,
        %shift_left3A_1015 = arith.constant 16 : i32
        %shift_left3A_1016 = vector.broadcast %shift_left3A_1015 : i32 to vector<16xi32>
        %shift_left3A_1017 = arith.shli %get3A_1014, %shift_left3A_1016 : vector<16xi32>
        %bitcast3A_1018 = vector.bitcast %shift_left3A_1017 : vector<16xi32> to vector<16xf32>
        %add3A_1019 = arith.addf %add3A_1004, %bitcast3A_1018 : vector<16xf32>
        %and3A_1020 = arith.constant -65536 : i32
        %and3A_1021 = vector.broadcast %and3A_1020 : i32 to vector<16xi32>
        %and3A_1022 = arith.andi %get3A_1014, %and3A_1021 : vector<16xi32>
        %bitcast3A_1023 = vector.bitcast %and3A_1022 : vector<16xi32> to vector<16xf32>
        %add3A_1024 = arith.addf %add3A_1009, %bitcast3A_1023 : vector<16xf32>
        %add3A_1025 = arith.constant 20 : i32
        %add3A_1026 = arith.addi %mul3A_229, %add3A_1025 : i32
        %get3A_1027 = arith.index_cast %add3A_1026 : i32 to index
        %get3A_1028 = arith.constant 16 : index
        %get3A_1029 = tpu.vector_load %arg12[%get3A_1027, %get3A_1028] {strides = array<i32>} : memref<512x64xi32, #tpu.memory_space<vmem>>, vector<16xi32>,
        %shift_left3A_1030 = arith.constant 16 : i32
        %shift_left3A_1031 = vector.broadcast %shift_left3A_1030 : i32 to vector<16xi32>
        %shift_left3A_1032 = arith.shli %get3A_1029, %shift_left3A_1031 : vector<16xi32>
        %bitcast3A_1033 = vector.bitcast %shift_left3A_1032 : vector<16xi32> to vector<16xf32>
        %add3A_1034 = arith.addf %add3A_1019, %bitcast3A_1033 : vector<16xf32>
        %and3A_1035 = arith.constant -65536 : i32
        %and3A_1036 = vector.broadcast %and3A_1035 : i32 to vector<16xi32>
        %and3A_1037 = arith.andi %get3A_1029, %and3A_1036 : vector<16xi32>
        %bitcast3A_1038 = vector.bitcast %and3A_1037 : vector<16xi32> to vector<16xf32>
        %add3A_1039 = arith.addf %add3A_1024, %bitcast3A_1038 : vector<16xf32>
        %add3A_1040 = arith.constant 21 : i32
        %add3A_1041 = arith.addi %mul3A_229, %add3A_1040 : i32
        %get3A_1042 = arith.index_cast %add3A_1041 : i32 to index
        %get3A_1043 = arith.constant 16 : index
        %get3A_1044 = tpu.vector_load %arg12[%get3A_1042, %get3A_1043] {strides = array<i32>} : memref<512x64xi32, #tpu.memory_space<vmem>>, vector<16xi32>,
        %shift_left3A_1045 = arith.constant 16 : i32
        %shift_left3A_1046 = vector.broadcast %shift_left3A_1045 : i32 to vector<16xi32>
        %shift_left3A_1047 = arith.shli %get3A_1044, %shift_left3A_1046 : vector<16xi32>
        %bitcast3A_1048 = vector.bitcast %shift_left3A_1047 : vector<16xi32> to vector<16xf32>
        %add3A_1049 = arith.addf %add3A_1034, %bitcast3A_1048 : vector<16xf32>
        %and3A_1050 = arith.constant -65536 : i32
        %and3A_1051 = vector.broadcast %and3A_1050 : i32 to vector<16xi32>
        %and3A_1052 = arith.andi %get3A_1044, %and3A_1051 : vector<16xi32>
        %bitcast3A_1053 = vector.bitcast %and3A_1052 : vector<16xi32> to vector<16xf32>
        %add3A_1054 = arith.addf %add3A_1039, %bitcast3A_1053 : vector<16xf32>
        %add3A_1055 = arith.constant 22 : i32
        %add3A_1056 = arith.addi %mul3A_229, %add3A_1055 : i32
        %get3A_1057 = arith.index_cast %add3A_1056 : i32 to index
        %get3A_1058 = arith.constant 16 : index
        %get3A_1059 = tpu.vector_load %arg12[%get3A_1057, %get3A_1058] {strides = array<i32>} : memref<512x64xi32, #tpu.memory_space<vmem>>, vector<16xi32>,
        %shift_left3A_1060 = arith.constant 16 : i32
        %shift_left3A_1061 = vector.broadcast %shift_left3A_1060 : i32 to vector<16xi32>
        %shift_left3A_1062 = arith.shli %get3A_1059, %shift_left3A_1061 : vector<16xi32>
        %bitcast3A_1063 = vector.bitcast %shift_left3A_1062 : vector<16xi32> to vector<16xf32>
        %add3A_1064 = arith.addf %add3A_1049, %bitcast3A_1063 : vector<16xf32>
        %and3A_1065 = arith.constant -65536 : i32
        %and3A_1066 = vector.broadcast %and3A_1065 : i32 to vector<16xi32>
        %and3A_1067 = arith.andi %get3A_1059, %and3A_1066 : vector<16xi32>
        %bitcast3A_1068 = vector.bitcast %and3A_1067 : vector<16xi32> to vector<16xf32>
        %add3A_1069 = arith.addf %add3A_1054, %bitcast3A_1068 : vector<16xf32>
        %add3A_1070 = arith.constant 23 : i32
        %add3A_1071 = arith.addi %mul3A_229, %add3A_1070 : i32
        %get3A_1072 = arith.index_cast %add3A_1071 : i32 to index
        %get3A_1073 = arith.constant 16 : index
        %get3A_1074 = tpu.vector_load %arg12[%get3A_1072, %get3A_1073] {strides = array<i32>} : memref<512x64xi32, #tpu.memory_space<vmem>>, vector<16xi32>,
        %shift_left3A_1075 = arith.constant 16 : i32
        %shift_left3A_1076 = vector.broadcast %shift_left3A_1075 : i32 to vector<16xi32>
        %shift_left3A_1077 = arith.shli %get3A_1074, %shift_left3A_1076 : vector<16xi32>
        %bitcast3A_1078 = vector.bitcast %shift_left3A_1077 : vector<16xi32> to vector<16xf32>
        %add3A_1079 = arith.addf %add3A_1064, %bitcast3A_1078 : vector<16xf32>
        %and3A_1080 = arith.constant -65536 : i32
        %and3A_1081 = vector.broadcast %and3A_1080 : i32 to vector<16xi32>
        %and3A_1082 = arith.andi %get3A_1074, %and3A_1081 : vector<16xi32>
        %bitcast3A_1083 = vector.bitcast %and3A_1082 : vector<16xi32> to vector<16xf32>
        %add3A_1084 = arith.addf %add3A_1069, %bitcast3A_1083 : vector<16xf32>
        %add3A_1085 = arith.constant 24 : i32
        %add3A_1086 = arith.addi %mul3A_229, %add3A_1085 : i32
        %get3A_1087 = arith.index_cast %add3A_1086 : i32 to index
        %get3A_1088 = arith.constant 16 : index
        %get3A_1089 = tpu.vector_load %arg12[%get3A_1087, %get3A_1088] {strides = array<i32>} : memref<512x64xi32, #tpu.memory_space<vmem>>, vector<16xi32>,
        %shift_left3A_1090 = arith.constant 16 : i32
        %shift_left3A_1091 = vector.broadcast %shift_left3A_1090 : i32 to vector<16xi32>
        %shift_left3A_1092 = arith.shli %get3A_1089, %shift_left3A_1091 : vector<16xi32>
        %bitcast3A_1093 = vector.bitcast %shift_left3A_1092 : vector<16xi32> to vector<16xf32>
        %add3A_1094 = arith.addf %add3A_1079, %bitcast3A_1093 : vector<16xf32>
        %and3A_1095 = arith.constant -65536 : i32
        %and3A_1096 = vector.broadcast %and3A_1095 : i32 to vector<16xi32>
        %and3A_1097 = arith.andi %get3A_1089, %and3A_1096 : vector<16xi32>
        %bitcast3A_1098 = vector.bitcast %and3A_1097 : vector<16xi32> to vector<16xf32>
        %add3A_1099 = arith.addf %add3A_1084, %bitcast3A_1098 : vector<16xf32>
        %add3A_1100 = arith.constant 25 : i32
        %add3A_1101 = arith.addi %mul3A_229, %add3A_1100 : i32
        %get3A_1102 = arith.index_cast %add3A_1101 : i32 to index
        %get3A_1103 = arith.constant 16 : index
        %get3A_1104 = tpu.vector_load %arg12[%get3A_1102, %get3A_1103] {strides = array<i32>} : memref<512x64xi32, #tpu.memory_space<vmem>>, vector<16xi32>,
        %shift_left3A_1105 = arith.constant 16 : i32
        %shift_left3A_1106 = vector.broadcast %shift_left3A_1105 : i32 to vector<16xi32>
        %shift_left3A_1107 = arith.shli %get3A_1104, %shift_left3A_1106 : vector<16xi32>
        %bitcast3A_1108 = vector.bitcast %shift_left3A_1107 : vector<16xi32> to vector<16xf32>
        %add3A_1109 = arith.addf %add3A_1094, %bitcast3A_1108 : vector<16xf32>
        %and3A_1110 = arith.constant -65536 : i32
        %and3A_1111 = vector.broadcast %and3A_1110 : i32 to vector<16xi32>
        %and3A_1112 = arith.andi %get3A_1104, %and3A_1111 : vector<16xi32>
        %bitcast3A_1113 = vector.bitcast %and3A_1112 : vector<16xi32> to vector<16xf32>
        %add3A_1114 = arith.addf %add3A_1099, %bitcast3A_1113 : vector<16xf32>
        %add3A_1115 = arith.constant 26 : i32
        %add3A_1116 = arith.addi %mul3A_229, %add3A_1115 : i32
        %get3A_1117 = arith.index_cast %add3A_1116 : i32 to index
        %get3A_1118 = arith.constant 16 : index
        %get3A_1119 = tpu.vector_load %arg12[%get3A_1117, %get3A_1118] {strides = array<i32>} : memref<512x64xi32, #tpu.memory_space<vmem>>, vector<16xi32>,
        %shift_left3A_1120 = arith.constant 16 : i32
        %shift_left3A_1121 = vector.broadcast %shift_left3A_1120 : i32 to vector<16xi32>
        %shift_left3A_1122 = arith.shli %get3A_1119, %shift_left3A_1121 : vector<16xi32>
        %bitcast3A_1123 = vector.bitcast %shift_left3A_1122 : vector<16xi32> to vector<16xf32>
        %add3A_1124 = arith.addf %add3A_1109, %bitcast3A_1123 : vector<16xf32>
        %and3A_1125 = arith.constant -65536 : i32
        %and3A_1126 = vector.broadcast %and3A_1125 : i32 to vector<16xi32>
        %and3A_1127 = arith.andi %get3A_1119, %and3A_1126 : vector<16xi32>
        %bitcast3A_1128 = vector.bitcast %and3A_1127 : vector<16xi32> to vector<16xf32>
        %add3A_1129 = arith.addf %add3A_1114, %bitcast3A_1128 : vector<16xf32>
        %add3A_1130 = arith.constant 27 : i32
        %add3A_1131 = arith.addi %mul3A_229, %add3A_1130 : i32
        %get3A_1132 = arith.index_cast %add3A_1131 : i32 to index
        %get3A_1133 = arith.constant 16 : index
        %get3A_1134 = tpu.vector_load %arg12[%get3A_1132, %get3A_1133] {strides = array<i32>} : memref<512x64xi32, #tpu.memory_space<vmem>>, vector<16xi32>,
        %shift_left3A_1135 = arith.constant 16 : i32
        %shift_left3A_1136 = vector.broadcast %shift_left3A_1135 : i32 to vector<16xi32>
        %shift_left3A_1137 = arith.shli %get3A_1134, %shift_left3A_1136 : vector<16xi32>
        %bitcast3A_1138 = vector.bitcast %shift_left3A_1137 : vector<16xi32> to vector<16xf32>
        %add3A_1139 = arith.addf %add3A_1124, %bitcast3A_1138 : vector<16xf32>
        %and3A_1140 = arith.constant -65536 : i32
        %and3A_1141 = vector.broadcast %and3A_1140 : i32 to vector<16xi32>
        %and3A_1142 = arith.andi %get3A_1134, %and3A_1141 : vector<16xi32>
        %bitcast3A_1143 = vector.bitcast %and3A_1142 : vector<16xi32> to vector<16xf32>
        %add3A_1144 = arith.addf %add3A_1129, %bitcast3A_1143 : vector<16xf32>
        %add3A_1145 = arith.constant 28 : i32
        %add3A_1146 = arith.addi %mul3A_229, %add3A_1145 : i32
        %get3A_1147 = arith.index_cast %add3A_1146 : i32 to index
        %get3A_1148 = arith.constant 16 : index
        %get3A_1149 = tpu.vector_load %arg12[%get3A_1147, %get3A_1148] {strides = array<i32>} : memref<512x64xi32, #tpu.memory_space<vmem>>, vector<16xi32>,
        %shift_left3A_1150 = arith.constant 16 : i32
        %shift_left3A_1151 = vector.broadcast %shift_left3A_1150 : i32 to vector<16xi32>
        %shift_left3A_1152 = arith.shli %get3A_1149, %shift_left3A_1151 : vector<16xi32>
        %bitcast3A_1153 = vector.bitcast %shift_left3A_1152 : vector<16xi32> to vector<16xf32>
        %add3A_1154 = arith.addf %add3A_1139, %bitcast3A_1153 : vector<16xf32>
        %and3A_1155 = arith.constant -65536 : i32
        %and3A_1156 = vector.broadcast %and3A_1155 : i32 to vector<16xi32>
        %and3A_1157 = arith.andi %get3A_1149, %and3A_1156 : vector<16xi32>
        %bitcast3A_1158 = vector.bitcast %and3A_1157 : vector<16xi32> to vector<16xf32>
        %add3A_1159 = arith.addf %add3A_1144, %bitcast3A_1158 : vector<16xf32>
        %add3A_1160 = arith.constant 29 : i32
        %add3A_1161 = arith.addi %mul3A_229, %add3A_1160 : i32
        %get3A_1162 = arith.index_cast %add3A_1161 : i32 to index
        %get3A_1163 = arith.constant 16 : index
        %get3A_1164 = tpu.vector_load %arg12[%get3A_1162, %get3A_1163] {strides = array<i32>} : memref<512x64xi32, #tpu.memory_space<vmem>>, vector<16xi32>,
        %shift_left3A_1165 = arith.constant 16 : i32
        %shift_left3A_1166 = vector.broadcast %shift_left3A_1165 : i32 to vector<16xi32>
        %shift_left3A_1167 = arith.shli %get3A_1164, %shift_left3A_1166 : vector<16xi32>
        %bitcast3A_1168 = vector.bitcast %shift_left3A_1167 : vector<16xi32> to vector<16xf32>
        %add3A_1169 = arith.addf %add3A_1154, %bitcast3A_1168 : vector<16xf32>
        %and3A_1170 = arith.constant -65536 : i32
        %and3A_1171 = vector.broadcast %and3A_1170 : i32 to vector<16xi32>
        %and3A_1172 = arith.andi %get3A_1164, %and3A_1171 : vector<16xi32>
        %bitcast3A_1173 = vector.bitcast %and3A_1172 : vector<16xi32> to vector<16xf32>
        %add3A_1174 = arith.addf %add3A_1159, %bitcast3A_1173 : vector<16xf32>
        %add3A_1175 = arith.constant 30 : i32
        %add3A_1176 = arith.addi %mul3A_229, %add3A_1175 : i32
        %get3A_1177 = arith.index_cast %add3A_1176 : i32 to index
        %get3A_1178 = arith.constant 16 : index
        %get3A_1179 = tpu.vector_load %arg12[%get3A_1177, %get3A_1178] {strides = array<i32>} : memref<512x64xi32, #tpu.memory_space<vmem>>, vector<16xi32>,
        %shift_left3A_1180 = arith.constant 16 : i32
        %shift_left3A_1181 = vector.broadcast %shift_left3A_1180 : i32 to vector<16xi32>
        %shift_left3A_1182 = arith.shli %get3A_1179, %shift_left3A_1181 : vector<16xi32>
        %bitcast3A_1183 = vector.bitcast %shift_left3A_1182 : vector<16xi32> to vector<16xf32>
        %add3A_1184 = arith.addf %add3A_1169, %bitcast3A_1183 : vector<16xf32>
        %and3A_1185 = arith.constant -65536 : i32
        %and3A_1186 = vector.broadcast %and3A_1185 : i32 to vector<16xi32>
        %and3A_1187 = arith.andi %get3A_1179, %and3A_1186 : vector<16xi32>
        %bitcast3A_1188 = vector.bitcast %and3A_1187 : vector<16xi32> to vector<16xf32>
        %add3A_1189 = arith.addf %add3A_1174, %bitcast3A_1188 : vector<16xf32>
        %add3A_1190 = arith.constant 31 : i32
        %add3A_1191 = arith.addi %mul3A_229, %add3A_1190 : i32
        %get3A_1192 = arith.index_cast %add3A_1191 : i32 to index
        %get3A_1193 = arith.constant 16 : index
        %get3A_1194 = tpu.vector_load %arg12[%get3A_1192, %get3A_1193] {strides = array<i32>} : memref<512x64xi32, #tpu.memory_space<vmem>>, vector<16xi32>,
        %shift_left3A_1195 = arith.constant 16 : i32
        %shift_left3A_1196 = vector.broadcast %shift_left3A_1195 : i32 to vector<16xi32>
        %shift_left3A_1197 = arith.shli %get3A_1194, %shift_left3A_1196 : vector<16xi32>
        %bitcast3A_1198 = vector.bitcast %shift_left3A_1197 : vector<16xi32> to vector<16xf32>
        %add3A_1199 = arith.addf %add3A_1184, %bitcast3A_1198 : vector<16xf32>
        %and3A_1200 = arith.constant -65536 : i32
        %and3A_1201 = vector.broadcast %and3A_1200 : i32 to vector<16xi32>
        %and3A_1202 = arith.andi %get3A_1194, %and3A_1201 : vector<16xi32>
        %bitcast3A_1203 = vector.bitcast %and3A_1202 : vector<16xi32> to vector<16xf32>
        %add3A_1204 = arith.addf %add3A_1189, %bitcast3A_1203 : vector<16xf32>
        %get3A_1205 = arith.index_cast %add3A_227 : i32 to index
        %get3A_1206 = arith.constant 32 : index
        %get3A_1207 = tpu.vector_load %arg13[%get3A_1205, %get3A_1206] {strides = array<i32>} : memref<16x128xf32, #tpu.memory_space<vmem>>, vector<16xf32>,
        %get3A_1208 = arith.index_cast %add3A_227 : i32 to index
        %get3A_1209 = arith.constant 32 : index
        %get3A_1210 = tpu.vector_load %arg14[%get3A_1208, %get3A_1209] {strides = array<i32>} : memref<16x128xf32, #tpu.memory_space<vmem>>, vector<16xf32>,
        %add3A_1211 = arith.addf %get3A_1207, %get3A_1210 : vector<16xf32>
        %mul3A_1212 = arith.constant 3.125000e-02 : f32
        %mul3A_1213 = vector.broadcast %mul3A_1212 : f32 to vector<16xf32>
        %mul3A_1214 = arith.mulf %add3A_1199, %mul3A_1213 : vector<16xf32>
        %add3A_1215 = arith.addf %add3A_1211, %mul3A_1214 : vector<16xf32>
        %swap3A_1216 = arith.index_cast %add3A_227 : i32 to index
        %swap3A_1217 = arith.constant 32 : index
        %swap3A_1218 = tpu.vector_load %arg15[%swap3A_1216, %swap3A_1217] {strides = array<i32>} : memref<16x128xf32, #tpu.memory_space<vmem>>, vector<16xf32>,
        tpu.vector_store %arg15[%swap3A_1216, %swap3A_1217], %add3A_1215 {strides = array<i32>} : memref<16x128xf32, #tpu.memory_space<vmem>>, vector<16xf32>,
        %get3A_1219 = arith.index_cast %add3A_227 : i32 to index
        %get3A_1220 = arith.constant 48 : index
        %get3A_1221 = tpu.vector_load %arg13[%get3A_1219, %get3A_1220] {strides = array<i32>} : memref<16x128xf32, #tpu.memory_space<vmem>>, vector<16xf32>,
        %get3A_1222 = arith.index_cast %add3A_227 : i32 to index
        %get3A_1223 = arith.constant 48 : index
        %get3A_1224 = tpu.vector_load %arg14[%get3A_1222, %get3A_1223] {strides = array<i32>} : memref<16x128xf32, #tpu.memory_space<vmem>>, vector<16xf32>,
        %add3A_1225 = arith.addf %get3A_1221, %get3A_1224 : vector<16xf32>
        %mul3A_1226 = arith.constant 3.125000e-02 : f32
        %mul3A_1227 = vector.broadcast %mul3A_1226 : f32 to vector<16xf32>
        %mul3A_1228 = arith.mulf %add3A_1204, %mul3A_1227 : vector<16xf32>
        %add3A_1229 = arith.addf %add3A_1225, %mul3A_1228 : vector<16xf32>
        %swap3A_1230 = arith.index_cast %add3A_227 : i32 to index
        %swap3A_1231 = arith.constant 48 : index
        %swap3A_1232 = tpu.vector_load %arg15[%swap3A_1230, %swap3A_1231] {strides = array<i32>} : memref<16x128xf32, #tpu.memory_space<vmem>>, vector<16xf32>,
        tpu.vector_store %arg15[%swap3A_1230, %swap3A_1231], %add3A_1229 {strides = array<i32>} : memref<16x128xf32, #tpu.memory_space<vmem>>, vector<16xf32>,
        %get3A_1233 = arith.index_cast %mul3A_229 : i32 to index
        %get3A_1234 = arith.constant 32 : index
        %get3A_1235 = tpu.vector_load %arg12[%get3A_1233, %get3A_1234] {strides = array<i32>} : memref<512x64xi32, #tpu.memory_space<vmem>>, vector<16xi32>,
        %shift_left3A_1236 = arith.constant 16 : i32
        %shift_left3A_1237 = vector.broadcast %shift_left3A_1236 : i32 to vector<16xi32>
        %shift_left3A_1238 = arith.shli %get3A_1235, %shift_left3A_1237 : vector<16xi32>
        %bitcast3A_1239 = vector.bitcast %shift_left3A_1238 : vector<16xi32> to vector<16xf32>
        %and3A_1240 = arith.constant -65536 : i32
        %and3A_1241 = vector.broadcast %and3A_1240 : i32 to vector<16xi32>
        %and3A_1242 = arith.andi %get3A_1235, %and3A_1241 : vector<16xi32>
        %bitcast3A_1243 = vector.bitcast %and3A_1242 : vector<16xi32> to vector<16xf32>
        %add3A_1244 = arith.constant 1 : i32
        %add3A_1245 = arith.addi %mul3A_229, %add3A_1244 : i32
        %get3A_1246 = arith.index_cast %add3A_1245 : i32 to index
        %get3A_1247 = arith.constant 32 : index
        %get3A_1248 = tpu.vector_load %arg12[%get3A_1246, %get3A_1247] {strides = array<i32>} : memref<512x64xi32, #tpu.memory_space<vmem>>, vector<16xi32>,
        %shift_left3A_1249 = arith.constant 16 : i32
        %shift_left3A_1250 = vector.broadcast %shift_left3A_1249 : i32 to vector<16xi32>
        %shift_left3A_1251 = arith.shli %get3A_1248, %shift_left3A_1250 : vector<16xi32>
        %bitcast3A_1252 = vector.bitcast %shift_left3A_1251 : vector<16xi32> to vector<16xf32>
        %add3A_1253 = arith.addf %bitcast3A_1239, %bitcast3A_1252 : vector<16xf32>
        %and3A_1254 = arith.constant -65536 : i32
        %and3A_1255 = vector.broadcast %and3A_1254 : i32 to vector<16xi32>
        %and3A_1256 = arith.andi %get3A_1248, %and3A_1255 : vector<16xi32>
        %bitcast3A_1257 = vector.bitcast %and3A_1256 : vector<16xi32> to vector<16xf32>
        %add3A_1258 = arith.addf %bitcast3A_1243, %bitcast3A_1257 : vector<16xf32>
        %add3A_1259 = arith.constant 2 : i32
        %add3A_1260 = arith.addi %mul3A_229, %add3A_1259 : i32
        %get3A_1261 = arith.index_cast %add3A_1260 : i32 to index
        %get3A_1262 = arith.constant 32 : index
        %get3A_1263 = tpu.vector_load %arg12[%get3A_1261, %get3A_1262] {strides = array<i32>} : memref<512x64xi32, #tpu.memory_space<vmem>>, vector<16xi32>,
        %shift_left3A_1264 = arith.constant 16 : i32
        %shift_left3A_1265 = vector.broadcast %shift_left3A_1264 : i32 to vector<16xi32>
        %shift_left3A_1266 = arith.shli %get3A_1263, %shift_left3A_1265 : vector<16xi32>
        %bitcast3A_1267 = vector.bitcast %shift_left3A_1266 : vector<16xi32> to vector<16xf32>
        %add3A_1268 = arith.addf %add3A_1253, %bitcast3A_1267 : vector<16xf32>
        %and3A_1269 = arith.constant -65536 : i32
        %and3A_1270 = vector.broadcast %and3A_1269 : i32 to vector<16xi32>
        %and3A_1271 = arith.andi %get3A_1263, %and3A_1270 : vector<16xi32>
        %bitcast3A_1272 = vector.bitcast %and3A_1271 : vector<16xi32> to vector<16xf32>
        %add3A_1273 = arith.addf %add3A_1258, %bitcast3A_1272 : vector<16xf32>
        %add3A_1274 = arith.constant 3 : i32
        %add3A_1275 = arith.addi %mul3A_229, %add3A_1274 : i32
        %get3A_1276 = arith.index_cast %add3A_1275 : i32 to index
        %get3A_1277 = arith.constant 32 : index
        %get3A_1278 = tpu.vector_load %arg12[%get3A_1276, %get3A_1277] {strides = array<i32>} : memref<512x64xi32, #tpu.memory_space<vmem>>, vector<16xi32>,
        %shift_left3A_1279 = arith.constant 16 : i32
        %shift_left3A_1280 = vector.broadcast %shift_left3A_1279 : i32 to vector<16xi32>
        %shift_left3A_1281 = arith.shli %get3A_1278, %shift_left3A_1280 : vector<16xi32>
        %bitcast3A_1282 = vector.bitcast %shift_left3A_1281 : vector<16xi32> to vector<16xf32>
        %add3A_1283 = arith.addf %add3A_1268, %bitcast3A_1282 : vector<16xf32>
        %and3A_1284 = arith.constant -65536 : i32
        %and3A_1285 = vector.broadcast %and3A_1284 : i32 to vector<16xi32>
        %and3A_1286 = arith.andi %get3A_1278, %and3A_1285 : vector<16xi32>
        %bitcast3A_1287 = vector.bitcast %and3A_1286 : vector<16xi32> to vector<16xf32>
        %add3A_1288 = arith.addf %add3A_1273, %bitcast3A_1287 : vector<16xf32>
        %add3A_1289 = arith.constant 4 : i32
        %add3A_1290 = arith.addi %mul3A_229, %add3A_1289 : i32
        %get3A_1291 = arith.index_cast %add3A_1290 : i32 to index
        %get3A_1292 = arith.constant 32 : index
        %get3A_1293 = tpu.vector_load %arg12[%get3A_1291, %get3A_1292] {strides = array<i32>} : memref<512x64xi32, #tpu.memory_space<vmem>>, vector<16xi32>,
        %shift_left3A_1294 = arith.constant 16 : i32
        %shift_left3A_1295 = vector.broadcast %shift_left3A_1294 : i32 to vector<16xi32>
        %shift_left3A_1296 = arith.shli %get3A_1293, %shift_left3A_1295 : vector<16xi32>
        %bitcast3A_1297 = vector.bitcast %shift_left3A_1296 : vector<16xi32> to vector<16xf32>
        %add3A_1298 = arith.addf %add3A_1283, %bitcast3A_1297 : vector<16xf32>
        %and3A_1299 = arith.constant -65536 : i32
        %and3A_1300 = vector.broadcast %and3A_1299 : i32 to vector<16xi32>
        %and3A_1301 = arith.andi %get3A_1293, %and3A_1300 : vector<16xi32>
        %bitcast3A_1302 = vector.bitcast %and3A_1301 : vector<16xi32> to vector<16xf32>
        %add3A_1303 = arith.addf %add3A_1288, %bitcast3A_1302 : vector<16xf32>
        %add3A_1304 = arith.constant 5 : i32
        %add3A_1305 = arith.addi %mul3A_229, %add3A_1304 : i32
        %get3A_1306 = arith.index_cast %add3A_1305 : i32 to index
        %get3A_1307 = arith.constant 32 : index
        %get3A_1308 = tpu.vector_load %arg12[%get3A_1306, %get3A_1307] {strides = array<i32>} : memref<512x64xi32, #tpu.memory_space<vmem>>, vector<16xi32>,
        %shift_left3A_1309 = arith.constant 16 : i32
        %shift_left3A_1310 = vector.broadcast %shift_left3A_1309 : i32 to vector<16xi32>
        %shift_left3A_1311 = arith.shli %get3A_1308, %shift_left3A_1310 : vector<16xi32>
        %bitcast3A_1312 = vector.bitcast %shift_left3A_1311 : vector<16xi32> to vector<16xf32>
        %add3A_1313 = arith.addf %add3A_1298, %bitcast3A_1312 : vector<16xf32>
        %and3A_1314 = arith.constant -65536 : i32
        %and3A_1315 = vector.broadcast %and3A_1314 : i32 to vector<16xi32>
        %and3A_1316 = arith.andi %get3A_1308, %and3A_1315 : vector<16xi32>
        %bitcast3A_1317 = vector.bitcast %and3A_1316 : vector<16xi32> to vector<16xf32>
        %add3A_1318 = arith.addf %add3A_1303, %bitcast3A_1317 : vector<16xf32>
        %add3A_1319 = arith.constant 6 : i32
        %add3A_1320 = arith.addi %mul3A_229, %add3A_1319 : i32
        %get3A_1321 = arith.index_cast %add3A_1320 : i32 to index
        %get3A_1322 = arith.constant 32 : index
        %get3A_1323 = tpu.vector_load %arg12[%get3A_1321, %get3A_1322] {strides = array<i32>} : memref<512x64xi32, #tpu.memory_space<vmem>>, vector<16xi32>,
        %shift_left3A_1324 = arith.constant 16 : i32
        %shift_left3A_1325 = vector.broadcast %shift_left3A_1324 : i32 to vector<16xi32>
        %shift_left3A_1326 = arith.shli %get3A_1323, %shift_left3A_1325 : vector<16xi32>
        %bitcast3A_1327 = vector.bitcast %shift_left3A_1326 : vector<16xi32> to vector<16xf32>
        %add3A_1328 = arith.addf %add3A_1313, %bitcast3A_1327 : vector<16xf32>
        %and3A_1329 = arith.constant -65536 : i32
        %and3A_1330 = vector.broadcast %and3A_1329 : i32 to vector<16xi32>
        %and3A_1331 = arith.andi %get3A_1323, %and3A_1330 : vector<16xi32>
        %bitcast3A_1332 = vector.bitcast %and3A_1331 : vector<16xi32> to vector<16xf32>
        %add3A_1333 = arith.addf %add3A_1318, %bitcast3A_1332 : vector<16xf32>
        %add3A_1334 = arith.constant 7 : i32
        %add3A_1335 = arith.addi %mul3A_229, %add3A_1334 : i32
        %get3A_1336 = arith.index_cast %add3A_1335 : i32 to index
        %get3A_1337 = arith.constant 32 : index
        %get3A_1338 = tpu.vector_load %arg12[%get3A_1336, %get3A_1337] {strides = array<i32>} : memref<512x64xi32, #tpu.memory_space<vmem>>, vector<16xi32>,
        %shift_left3A_1339 = arith.constant 16 : i32
        %shift_left3A_1340 = vector.broadcast %shift_left3A_1339 : i32 to vector<16xi32>
        %shift_left3A_1341 = arith.shli %get3A_1338, %shift_left3A_1340 : vector<16xi32>
        %bitcast3A_1342 = vector.bitcast %shift_left3A_1341 : vector<16xi32> to vector<16xf32>
        %add3A_1343 = arith.addf %add3A_1328, %bitcast3A_1342 : vector<16xf32>
        %and3A_1344 = arith.constant -65536 : i32
        %and3A_1345 = vector.broadcast %and3A_1344 : i32 to vector<16xi32>
        %and3A_1346 = arith.andi %get3A_1338, %and3A_1345 : vector<16xi32>
        %bitcast3A_1347 = vector.bitcast %and3A_1346 : vector<16xi32> to vector<16xf32>
        %add3A_1348 = arith.addf %add3A_1333, %bitcast3A_1347 : vector<16xf32>
        %add3A_1349 = arith.constant 8 : i32
        %add3A_1350 = arith.addi %mul3A_229, %add3A_1349 : i32
        %get3A_1351 = arith.index_cast %add3A_1350 : i32 to index
        %get3A_1352 = arith.constant 32 : index
        %get3A_1353 = tpu.vector_load %arg12[%get3A_1351, %get3A_1352] {strides = array<i32>} : memref<512x64xi32, #tpu.memory_space<vmem>>, vector<16xi32>,
        %shift_left3A_1354 = arith.constant 16 : i32
        %shift_left3A_1355 = vector.broadcast %shift_left3A_1354 : i32 to vector<16xi32>
        %shift_left3A_1356 = arith.shli %get3A_1353, %shift_left3A_1355 : vector<16xi32>
        %bitcast3A_1357 = vector.bitcast %shift_left3A_1356 : vector<16xi32> to vector<16xf32>
        %add3A_1358 = arith.addf %add3A_1343, %bitcast3A_1357 : vector<16xf32>
        %and3A_1359 = arith.constant -65536 : i32
        %and3A_1360 = vector.broadcast %and3A_1359 : i32 to vector<16xi32>
        %and3A_1361 = arith.andi %get3A_1353, %and3A_1360 : vector<16xi32>
        %bitcast3A_1362 = vector.bitcast %and3A_1361 : vector<16xi32> to vector<16xf32>
        %add3A_1363 = arith.addf %add3A_1348, %bitcast3A_1362 : vector<16xf32>
        %add3A_1364 = arith.constant 9 : i32
        %add3A_1365 = arith.addi %mul3A_229, %add3A_1364 : i32
        %get3A_1366 = arith.index_cast %add3A_1365 : i32 to index
        %get3A_1367 = arith.constant 32 : index
        %get3A_1368 = tpu.vector_load %arg12[%get3A_1366, %get3A_1367] {strides = array<i32>} : memref<512x64xi32, #tpu.memory_space<vmem>>, vector<16xi32>,
        %shift_left3A_1369 = arith.constant 16 : i32
        %shift_left3A_1370 = vector.broadcast %shift_left3A_1369 : i32 to vector<16xi32>
        %shift_left3A_1371 = arith.shli %get3A_1368, %shift_left3A_1370 : vector<16xi32>
        %bitcast3A_1372 = vector.bitcast %shift_left3A_1371 : vector<16xi32> to vector<16xf32>
        %add3A_1373 = arith.addf %add3A_1358, %bitcast3A_1372 : vector<16xf32>
        %and3A_1374 = arith.constant -65536 : i32
        %and3A_1375 = vector.broadcast %and3A_1374 : i32 to vector<16xi32>
        %and3A_1376 = arith.andi %get3A_1368, %and3A_1375 : vector<16xi32>
        %bitcast3A_1377 = vector.bitcast %and3A_1376 : vector<16xi32> to vector<16xf32>
        %add3A_1378 = arith.addf %add3A_1363, %bitcast3A_1377 : vector<16xf32>
        %add3A_1379 = arith.constant 10 : i32
        %add3A_1380 = arith.addi %mul3A_229, %add3A_1379 : i32
        %get3A_1381 = arith.index_cast %add3A_1380 : i32 to index
        %get3A_1382 = arith.constant 32 : index
        %get3A_1383 = tpu.vector_load %arg12[%get3A_1381, %get3A_1382] {strides = array<i32>} : memref<512x64xi32, #tpu.memory_space<vmem>>, vector<16xi32>,
        %shift_left3A_1384 = arith.constant 16 : i32
        %shift_left3A_1385 = vector.broadcast %shift_left3A_1384 : i32 to vector<16xi32>
        %shift_left3A_1386 = arith.shli %get3A_1383, %shift_left3A_1385 : vector<16xi32>
        %bitcast3A_1387 = vector.bitcast %shift_left3A_1386 : vector<16xi32> to vector<16xf32>
        %add3A_1388 = arith.addf %add3A_1373, %bitcast3A_1387 : vector<16xf32>
        %and3A_1389 = arith.constant -65536 : i32
        %and3A_1390 = vector.broadcast %and3A_1389 : i32 to vector<16xi32>
        %and3A_1391 = arith.andi %get3A_1383, %and3A_1390 : vector<16xi32>
        %bitcast3A_1392 = vector.bitcast %and3A_1391 : vector<16xi32> to vector<16xf32>
        %add3A_1393 = arith.addf %add3A_1378, %bitcast3A_1392 : vector<16xf32>
        %add3A_1394 = arith.constant 11 : i32
        %add3A_1395 = arith.addi %mul3A_229, %add3A_1394 : i32
        %get3A_1396 = arith.index_cast %add3A_1395 : i32 to index
        %get3A_1397 = arith.constant 32 : index
        %get3A_1398 = tpu.vector_load %arg12[%get3A_1396, %get3A_1397] {strides = array<i32>} : memref<512x64xi32, #tpu.memory_space<vmem>>, vector<16xi32>,
        %shift_left3A_1399 = arith.constant 16 : i32
        %shift_left3A_1400 = vector.broadcast %shift_left3A_1399 : i32 to vector<16xi32>
        %shift_left3A_1401 = arith.shli %get3A_1398, %shift_left3A_1400 : vector<16xi32>
        %bitcast3A_1402 = vector.bitcast %shift_left3A_1401 : vector<16xi32> to vector<16xf32>
        %add3A_1403 = arith.addf %add3A_1388, %bitcast3A_1402 : vector<16xf32>
        %and3A_1404 = arith.constant -65536 : i32
        %and3A_1405 = vector.broadcast %and3A_1404 : i32 to vector<16xi32>
        %and3A_1406 = arith.andi %get3A_1398, %and3A_1405 : vector<16xi32>
        %bitcast3A_1407 = vector.bitcast %and3A_1406 : vector<16xi32> to vector<16xf32>
        %add3A_1408 = arith.addf %add3A_1393, %bitcast3A_1407 : vector<16xf32>
        %add3A_1409 = arith.constant 12 : i32
        %add3A_1410 = arith.addi %mul3A_229, %add3A_1409 : i32
        %get3A_1411 = arith.index_cast %add3A_1410 : i32 to index
        %get3A_1412 = arith.constant 32 : index
        %get3A_1413 = tpu.vector_load %arg12[%get3A_1411, %get3A_1412] {strides = array<i32>} : memref<512x64xi32, #tpu.memory_space<vmem>>, vector<16xi32>,
        %shift_left3A_1414 = arith.constant 16 : i32
        %shift_left3A_1415 = vector.broadcast %shift_left3A_1414 : i32 to vector<16xi32>
        %shift_left3A_1416 = arith.shli %get3A_1413, %shift_left3A_1415 : vector<16xi32>
        %bitcast3A_1417 = vector.bitcast %shift_left3A_1416 : vector<16xi32> to vector<16xf32>
        %add3A_1418 = arith.addf %add3A_1403, %bitcast3A_1417 : vector<16xf32>
        %and3A_1419 = arith.constant -65536 : i32
        %and3A_1420 = vector.broadcast %and3A_1419 : i32 to vector<16xi32>
        %and3A_1421 = arith.andi %get3A_1413, %and3A_1420 : vector<16xi32>
        %bitcast3A_1422 = vector.bitcast %and3A_1421 : vector<16xi32> to vector<16xf32>
        %add3A_1423 = arith.addf %add3A_1408, %bitcast3A_1422 : vector<16xf32>
        %add3A_1424 = arith.constant 13 : i32
        %add3A_1425 = arith.addi %mul3A_229, %add3A_1424 : i32
        %get3A_1426 = arith.index_cast %add3A_1425 : i32 to index
        %get3A_1427 = arith.constant 32 : index
        %get3A_1428 = tpu.vector_load %arg12[%get3A_1426, %get3A_1427] {strides = array<i32>} : memref<512x64xi32, #tpu.memory_space<vmem>>, vector<16xi32>,
        %shift_left3A_1429 = arith.constant 16 : i32
        %shift_left3A_1430 = vector.broadcast %shift_left3A_1429 : i32 to vector<16xi32>
        %shift_left3A_1431 = arith.shli %get3A_1428, %shift_left3A_1430 : vector<16xi32>
        %bitcast3A_1432 = vector.bitcast %shift_left3A_1431 : vector<16xi32> to vector<16xf32>
        %add3A_1433 = arith.addf %add3A_1418, %bitcast3A_1432 : vector<16xf32>
        %and3A_1434 = arith.constant -65536 : i32
        %and3A_1435 = vector.broadcast %and3A_1434 : i32 to vector<16xi32>
        %and3A_1436 = arith.andi %get3A_1428, %and3A_1435 : vector<16xi32>
        %bitcast3A_1437 = vector.bitcast %and3A_1436 : vector<16xi32> to vector<16xf32>
        %add3A_1438 = arith.addf %add3A_1423, %bitcast3A_1437 : vector<16xf32>
        %add3A_1439 = arith.constant 14 : i32
        %add3A_1440 = arith.addi %mul3A_229, %add3A_1439 : i32
        %get3A_1441 = arith.index_cast %add3A_1440 : i32 to index
        %get3A_1442 = arith.constant 32 : index
        %get3A_1443 = tpu.vector_load %arg12[%get3A_1441, %get3A_1442] {strides = array<i32>} : memref<512x64xi32, #tpu.memory_space<vmem>>, vector<16xi32>,
        %shift_left3A_1444 = arith.constant 16 : i32
        %shift_left3A_1445 = vector.broadcast %shift_left3A_1444 : i32 to vector<16xi32>
        %shift_left3A_1446 = arith.shli %get3A_1443, %shift_left3A_1445 : vector<16xi32>
        %bitcast3A_1447 = vector.bitcast %shift_left3A_1446 : vector<16xi32> to vector<16xf32>
        %add3A_1448 = arith.addf %add3A_1433, %bitcast3A_1447 : vector<16xf32>
        %and3A_1449 = arith.constant -65536 : i32
        %and3A_1450 = vector.broadcast %and3A_1449 : i32 to vector<16xi32>
        %and3A_1451 = arith.andi %get3A_1443, %and3A_1450 : vector<16xi32>
        %bitcast3A_1452 = vector.bitcast %and3A_1451 : vector<16xi32> to vector<16xf32>
        %add3A_1453 = arith.addf %add3A_1438, %bitcast3A_1452 : vector<16xf32>
        %add3A_1454 = arith.constant 15 : i32
        %add3A_1455 = arith.addi %mul3A_229, %add3A_1454 : i32
        %get3A_1456 = arith.index_cast %add3A_1455 : i32 to index
        %get3A_1457 = arith.constant 32 : index
        %get3A_1458 = tpu.vector_load %arg12[%get3A_1456, %get3A_1457] {strides = array<i32>} : memref<512x64xi32, #tpu.memory_space<vmem>>, vector<16xi32>,
        %shift_left3A_1459 = arith.constant 16 : i32
        %shift_left3A_1460 = vector.broadcast %shift_left3A_1459 : i32 to vector<16xi32>
        %shift_left3A_1461 = arith.shli %get3A_1458, %shift_left3A_1460 : vector<16xi32>
        %bitcast3A_1462 = vector.bitcast %shift_left3A_1461 : vector<16xi32> to vector<16xf32>
        %add3A_1463 = arith.addf %add3A_1448, %bitcast3A_1462 : vector<16xf32>
        %and3A_1464 = arith.constant -65536 : i32
        %and3A_1465 = vector.broadcast %and3A_1464 : i32 to vector<16xi32>
        %and3A_1466 = arith.andi %get3A_1458, %and3A_1465 : vector<16xi32>
        %bitcast3A_1467 = vector.bitcast %and3A_1466 : vector<16xi32> to vector<16xf32>
        %add3A_1468 = arith.addf %add3A_1453, %bitcast3A_1467 : vector<16xf32>
        %add3A_1469 = arith.constant 16 : i32
        %add3A_1470 = arith.addi %mul3A_229, %add3A_1469 : i32
        %get3A_1471 = arith.index_cast %add3A_1470 : i32 to index
        %get3A_1472 = arith.constant 32 : index
        %get3A_1473 = tpu.vector_load %arg12[%get3A_1471, %get3A_1472] {strides = array<i32>} : memref<512x64xi32, #tpu.memory_space<vmem>>, vector<16xi32>,
        %shift_left3A_1474 = arith.constant 16 : i32
        %shift_left3A_1475 = vector.broadcast %shift_left3A_1474 : i32 to vector<16xi32>
        %shift_left3A_1476 = arith.shli %get3A_1473, %shift_left3A_1475 : vector<16xi32>
        %bitcast3A_1477 = vector.bitcast %shift_left3A_1476 : vector<16xi32> to vector<16xf32>
        %add3A_1478 = arith.addf %add3A_1463, %bitcast3A_1477 : vector<16xf32>
        %and3A_1479 = arith.constant -65536 : i32
        %and3A_1480 = vector.broadcast %and3A_1479 : i32 to vector<16xi32>
        %and3A_1481 = arith.andi %get3A_1473, %and3A_1480 : vector<16xi32>
        %bitcast3A_1482 = vector.bitcast %and3A_1481 : vector<16xi32> to vector<16xf32>
        %add3A_1483 = arith.addf %add3A_1468, %bitcast3A_1482 : vector<16xf32>
        %add3A_1484 = arith.constant 17 : i32
        %add3A_1485 = arith.addi %mul3A_229, %add3A_1484 : i32
        %get3A_1486 = arith.index_cast %add3A_1485 : i32 to index
        %get3A_1487 = arith.constant 32 : index
        %get3A_1488 = tpu.vector_load %arg12[%get3A_1486, %get3A_1487] {strides = array<i32>} : memref<512x64xi32, #tpu.memory_space<vmem>>, vector<16xi32>,
        %shift_left3A_1489 = arith.constant 16 : i32
        %shift_left3A_1490 = vector.broadcast %shift_left3A_1489 : i32 to vector<16xi32>
        %shift_left3A_1491 = arith.shli %get3A_1488, %shift_left3A_1490 : vector<16xi32>
        %bitcast3A_1492 = vector.bitcast %shift_left3A_1491 : vector<16xi32> to vector<16xf32>
        %add3A_1493 = arith.addf %add3A_1478, %bitcast3A_1492 : vector<16xf32>
        %and3A_1494 = arith.constant -65536 : i32
        %and3A_1495 = vector.broadcast %and3A_1494 : i32 to vector<16xi32>
        %and3A_1496 = arith.andi %get3A_1488, %and3A_1495 : vector<16xi32>
        %bitcast3A_1497 = vector.bitcast %and3A_1496 : vector<16xi32> to vector<16xf32>
        %add3A_1498 = arith.addf %add3A_1483, %bitcast3A_1497 : vector<16xf32>
        %add3A_1499 = arith.constant 18 : i32
        %add3A_1500 = arith.addi %mul3A_229, %add3A_1499 : i32
        %get3A_1501 = arith.index_cast %add3A_1500 : i32 to index
        %get3A_1502 = arith.constant 32 : index
        %get3A_1503 = tpu.vector_load %arg12[%get3A_1501, %get3A_1502] {strides = array<i32>} : memref<512x64xi32, #tpu.memory_space<vmem>>, vector<16xi32>,
        %shift_left3A_1504 = arith.constant 16 : i32
        %shift_left3A_1505 = vector.broadcast %shift_left3A_1504 : i32 to vector<16xi32>
        %shift_left3A_1506 = arith.shli %get3A_1503, %shift_left3A_1505 : vector<16xi32>
        %bitcast3A_1507 = vector.bitcast %shift_left3A_1506 : vector<16xi32> to vector<16xf32>
        %add3A_1508 = arith.addf %add3A_1493, %bitcast3A_1507 : vector<16xf32>
        %and3A_1509 = arith.constant -65536 : i32
        %and3A_1510 = vector.broadcast %and3A_1509 : i32 to vector<16xi32>
        %and3A_1511 = arith.andi %get3A_1503, %and3A_1510 : vector<16xi32>
        %bitcast3A_1512 = vector.bitcast %and3A_1511 : vector<16xi32> to vector<16xf32>
        %add3A_1513 = arith.addf %add3A_1498, %bitcast3A_1512 : vector<16xf32>
        %add3A_1514 = arith.constant 19 : i32
        %add3A_1515 = arith.addi %mul3A_229, %add3A_1514 : i32
        %get3A_1516 = arith.index_cast %add3A_1515 : i32 to index
        %get3A_1517 = arith.constant 32 : index
        %get3A_1518 = tpu.vector_load %arg12[%get3A_1516, %get3A_1517] {strides = array<i32>} : memref<512x64xi32, #tpu.memory_space<vmem>>, vector<16xi32>,
        %shift_left3A_1519 = arith.constant 16 : i32
        %shift_left3A_1520 = vector.broadcast %shift_left3A_1519 : i32 to vector<16xi32>
        %shift_left3A_1521 = arith.shli %get3A_1518, %shift_left3A_1520 : vector<16xi32>
        %bitcast3A_1522 = vector.bitcast %shift_left3A_1521 : vector<16xi32> to vector<16xf32>
        %add3A_1523 = arith.addf %add3A_1508, %bitcast3A_1522 : vector<16xf32>
        %and3A_1524 = arith.constant -65536 : i32
        %and3A_1525 = vector.broadcast %and3A_1524 : i32 to vector<16xi32>
        %and3A_1526 = arith.andi %get3A_1518, %and3A_1525 : vector<16xi32>
        %bitcast3A_1527 = vector.bitcast %and3A_1526 : vector<16xi32> to vector<16xf32>
        %add3A_1528 = arith.addf %add3A_1513, %bitcast3A_1527 : vector<16xf32>
        %add3A_1529 = arith.constant 20 : i32
        %add3A_1530 = arith.addi %mul3A_229, %add3A_1529 : i32
        %get3A_1531 = arith.index_cast %add3A_1530 : i32 to index
        %get3A_1532 = arith.constant 32 : index
        %get3A_1533 = tpu.vector_load %arg12[%get3A_1531, %get3A_1532] {strides = array<i32>} : memref<512x64xi32, #tpu.memory_space<vmem>>, vector<16xi32>,
        %shift_left3A_1534 = arith.constant 16 : i32
        %shift_left3A_1535 = vector.broadcast %shift_left3A_1534 : i32 to vector<16xi32>
        %shift_left3A_1536 = arith.shli %get3A_1533, %shift_left3A_1535 : vector<16xi32>
        %bitcast3A_1537 = vector.bitcast %shift_left3A_1536 : vector<16xi32> to vector<16xf32>
        %add3A_1538 = arith.addf %add3A_1523, %bitcast3A_1537 : vector<16xf32>
        %and3A_1539 = arith.constant -65536 : i32
        %and3A_1540 = vector.broadcast %and3A_1539 : i32 to vector<16xi32>
        %and3A_1541 = arith.andi %get3A_1533, %and3A_1540 : vector<16xi32>
        %bitcast3A_1542 = vector.bitcast %and3A_1541 : vector<16xi32> to vector<16xf32>
        %add3A_1543 = arith.addf %add3A_1528, %bitcast3A_1542 : vector<16xf32>
        %add3A_1544 = arith.constant 21 : i32
        %add3A_1545 = arith.addi %mul3A_229, %add3A_1544 : i32
        %get3A_1546 = arith.index_cast %add3A_1545 : i32 to index
        %get3A_1547 = arith.constant 32 : index
        %get3A_1548 = tpu.vector_load %arg12[%get3A_1546, %get3A_1547] {strides = array<i32>} : memref<512x64xi32, #tpu.memory_space<vmem>>, vector<16xi32>,
        %shift_left3A_1549 = arith.constant 16 : i32
        %shift_left3A_1550 = vector.broadcast %shift_left3A_1549 : i32 to vector<16xi32>
        %shift_left3A_1551 = arith.shli %get3A_1548, %shift_left3A_1550 : vector<16xi32>
        %bitcast3A_1552 = vector.bitcast %shift_left3A_1551 : vector<16xi32> to vector<16xf32>
        %add3A_1553 = arith.addf %add3A_1538, %bitcast3A_1552 : vector<16xf32>
        %and3A_1554 = arith.constant -65536 : i32
        %and3A_1555 = vector.broadcast %and3A_1554 : i32 to vector<16xi32>
        %and3A_1556 = arith.andi %get3A_1548, %and3A_1555 : vector<16xi32>
        %bitcast3A_1557 = vector.bitcast %and3A_1556 : vector<16xi32> to vector<16xf32>
        %add3A_1558 = arith.addf %add3A_1543, %bitcast3A_1557 : vector<16xf32>
        %add3A_1559 = arith.constant 22 : i32
        %add3A_1560 = arith.addi %mul3A_229, %add3A_1559 : i32
        %get3A_1561 = arith.index_cast %add3A_1560 : i32 to index
        %get3A_1562 = arith.constant 32 : index
        %get3A_1563 = tpu.vector_load %arg12[%get3A_1561, %get3A_1562] {strides = array<i32>} : memref<512x64xi32, #tpu.memory_space<vmem>>, vector<16xi32>,
        %shift_left3A_1564 = arith.constant 16 : i32
        %shift_left3A_1565 = vector.broadcast %shift_left3A_1564 : i32 to vector<16xi32>
        %shift_left3A_1566 = arith.shli %get3A_1563, %shift_left3A_1565 : vector<16xi32>
        %bitcast3A_1567 = vector.bitcast %shift_left3A_1566 : vector<16xi32> to vector<16xf32>
        %add3A_1568 = arith.addf %add3A_1553, %bitcast3A_1567 : vector<16xf32>
        %and3A_1569 = arith.constant -65536 : i32
        %and3A_1570 = vector.broadcast %and3A_1569 : i32 to vector<16xi32>
        %and3A_1571 = arith.andi %get3A_1563, %and3A_1570 : vector<16xi32>
        %bitcast3A_1572 = vector.bitcast %and3A_1571 : vector<16xi32> to vector<16xf32>
        %add3A_1573 = arith.addf %add3A_1558, %bitcast3A_1572 : vector<16xf32>
        %add3A_1574 = arith.constant 23 : i32
        %add3A_1575 = arith.addi %mul3A_229, %add3A_1574 : i32
        %get3A_1576 = arith.index_cast %add3A_1575 : i32 to index
        %get3A_1577 = arith.constant 32 : index
        %get3A_1578 = tpu.vector_load %arg12[%get3A_1576, %get3A_1577] {strides = array<i32>} : memref<512x64xi32, #tpu.memory_space<vmem>>, vector<16xi32>,
        %shift_left3A_1579 = arith.constant 16 : i32
        %shift_left3A_1580 = vector.broadcast %shift_left3A_1579 : i32 to vector<16xi32>
        %shift_left3A_1581 = arith.shli %get3A_1578, %shift_left3A_1580 : vector<16xi32>
        %bitcast3A_1582 = vector.bitcast %shift_left3A_1581 : vector<16xi32> to vector<16xf32>
        %add3A_1583 = arith.addf %add3A_1568, %bitcast3A_1582 : vector<16xf32>
        %and3A_1584 = arith.constant -65536 : i32
        %and3A_1585 = vector.broadcast %and3A_1584 : i32 to vector<16xi32>
        %and3A_1586 = arith.andi %get3A_1578, %and3A_1585 : vector<16xi32>
        %bitcast3A_1587 = vector.bitcast %and3A_1586 : vector<16xi32> to vector<16xf32>
        %add3A_1588 = arith.addf %add3A_1573, %bitcast3A_1587 : vector<16xf32>
        %add3A_1589 = arith.constant 24 : i32
        %add3A_1590 = arith.addi %mul3A_229, %add3A_1589 : i32
        %get3A_1591 = arith.index_cast %add3A_1590 : i32 to index
        %get3A_1592 = arith.constant 32 : index
        %get3A_1593 = tpu.vector_load %arg12[%get3A_1591, %get3A_1592] {strides = array<i32>} : memref<512x64xi32, #tpu.memory_space<vmem>>, vector<16xi32>,
        %shift_left3A_1594 = arith.constant 16 : i32
        %shift_left3A_1595 = vector.broadcast %shift_left3A_1594 : i32 to vector<16xi32>
        %shift_left3A_1596 = arith.shli %get3A_1593, %shift_left3A_1595 : vector<16xi32>
        %bitcast3A_1597 = vector.bitcast %shift_left3A_1596 : vector<16xi32> to vector<16xf32>
        %add3A_1598 = arith.addf %add3A_1583, %bitcast3A_1597 : vector<16xf32>
        %and3A_1599 = arith.constant -65536 : i32
        %and3A_1600 = vector.broadcast %and3A_1599 : i32 to vector<16xi32>
        %and3A_1601 = arith.andi %get3A_1593, %and3A_1600 : vector<16xi32>
        %bitcast3A_1602 = vector.bitcast %and3A_1601 : vector<16xi32> to vector<16xf32>
        %add3A_1603 = arith.addf %add3A_1588, %bitcast3A_1602 : vector<16xf32>
        %add3A_1604 = arith.constant 25 : i32
        %add3A_1605 = arith.addi %mul3A_229, %add3A_1604 : i32
        %get3A_1606 = arith.index_cast %add3A_1605 : i32 to index
        %get3A_1607 = arith.constant 32 : index
        %get3A_1608 = tpu.vector_load %arg12[%get3A_1606, %get3A_1607] {strides = array<i32>} : memref<512x64xi32, #tpu.memory_space<vmem>>, vector<16xi32>,
        %shift_left3A_1609 = arith.constant 16 : i32
        %shift_left3A_1610 = vector.broadcast %shift_left3A_1609 : i32 to vector<16xi32>
        %shift_left3A_1611 = arith.shli %get3A_1608, %shift_left3A_1610 : vector<16xi32>
        %bitcast3A_1612 = vector.bitcast %shift_left3A_1611 : vector<16xi32> to vector<16xf32>
        %add3A_1613 = arith.addf %add3A_1598, %bitcast3A_1612 : vector<16xf32>
        %and3A_1614 = arith.constant -65536 : i32
        %and3A_1615 = vector.broadcast %and3A_1614 : i32 to vector<16xi32>
        %and3A_1616 = arith.andi %get3A_1608, %and3A_1615 : vector<16xi32>
        %bitcast3A_1617 = vector.bitcast %and3A_1616 : vector<16xi32> to vector<16xf32>
        %add3A_1618 = arith.addf %add3A_1603, %bitcast3A_1617 : vector<16xf32>
        %add3A_1619 = arith.constant 26 : i32
        %add3A_1620 = arith.addi %mul3A_229, %add3A_1619 : i32
        %get3A_1621 = arith.index_cast %add3A_1620 : i32 to index
        %get3A_1622 = arith.constant 32 : index
        %get3A_1623 = tpu.vector_load %arg12[%get3A_1621, %get3A_1622] {strides = array<i32>} : memref<512x64xi32, #tpu.memory_space<vmem>>, vector<16xi32>,
        %shift_left3A_1624 = arith.constant 16 : i32
        %shift_left3A_1625 = vector.broadcast %shift_left3A_1624 : i32 to vector<16xi32>
        %shift_left3A_1626 = arith.shli %get3A_1623, %shift_left3A_1625 : vector<16xi32>
        %bitcast3A_1627 = vector.bitcast %shift_left3A_1626 : vector<16xi32> to vector<16xf32>
        %add3A_1628 = arith.addf %add3A_1613, %bitcast3A_1627 : vector<16xf32>
        %and3A_1629 = arith.constant -65536 : i32
        %and3A_1630 = vector.broadcast %and3A_1629 : i32 to vector<16xi32>
        %and3A_1631 = arith.andi %get3A_1623, %and3A_1630 : vector<16xi32>
        %bitcast3A_1632 = vector.bitcast %and3A_1631 : vector<16xi32> to vector<16xf32>
        %add3A_1633 = arith.addf %add3A_1618, %bitcast3A_1632 : vector<16xf32>
        %add3A_1634 = arith.constant 27 : i32
        %add3A_1635 = arith.addi %mul3A_229, %add3A_1634 : i32
        %get3A_1636 = arith.index_cast %add3A_1635 : i32 to index
        %get3A_1637 = arith.constant 32 : index
        %get3A_1638 = tpu.vector_load %arg12[%get3A_1636, %get3A_1637] {strides = array<i32>} : memref<512x64xi32, #tpu.memory_space<vmem>>, vector<16xi32>,
        %shift_left3A_1639 = arith.constant 16 : i32
        %shift_left3A_1640 = vector.broadcast %shift_left3A_1639 : i32 to vector<16xi32>
        %shift_left3A_1641 = arith.shli %get3A_1638, %shift_left3A_1640 : vector<16xi32>
        %bitcast3A_1642 = vector.bitcast %shift_left3A_1641 : vector<16xi32> to vector<16xf32>
        %add3A_1643 = arith.addf %add3A_1628, %bitcast3A_1642 : vector<16xf32>
        %and3A_1644 = arith.constant -65536 : i32
        %and3A_1645 = vector.broadcast %and3A_1644 : i32 to vector<16xi32>
        %and3A_1646 = arith.andi %get3A_1638, %and3A_1645 : vector<16xi32>
        %bitcast3A_1647 = vector.bitcast %and3A_1646 : vector<16xi32> to vector<16xf32>
        %add3A_1648 = arith.addf %add3A_1633, %bitcast3A_1647 : vector<16xf32>
        %add3A_1649 = arith.constant 28 : i32
        %add3A_1650 = arith.addi %mul3A_229, %add3A_1649 : i32
        %get3A_1651 = arith.index_cast %add3A_1650 : i32 to index
        %get3A_1652 = arith.constant 32 : index
        %get3A_1653 = tpu.vector_load %arg12[%get3A_1651, %get3A_1652] {strides = array<i32>} : memref<512x64xi32, #tpu.memory_space<vmem>>, vector<16xi32>,
        %shift_left3A_1654 = arith.constant 16 : i32
        %shift_left3A_1655 = vector.broadcast %shift_left3A_1654 : i32 to vector<16xi32>
        %shift_left3A_1656 = arith.shli %get3A_1653, %shift_left3A_1655 : vector<16xi32>
        %bitcast3A_1657 = vector.bitcast %shift_left3A_1656 : vector<16xi32> to vector<16xf32>
        %add3A_1658 = arith.addf %add3A_1643, %bitcast3A_1657 : vector<16xf32>
        %and3A_1659 = arith.constant -65536 : i32
        %and3A_1660 = vector.broadcast %and3A_1659 : i32 to vector<16xi32>
        %and3A_1661 = arith.andi %get3A_1653, %and3A_1660 : vector<16xi32>
        %bitcast3A_1662 = vector.bitcast %and3A_1661 : vector<16xi32> to vector<16xf32>
        %add3A_1663 = arith.addf %add3A_1648, %bitcast3A_1662 : vector<16xf32>
        %add3A_1664 = arith.constant 29 : i32
        %add3A_1665 = arith.addi %mul3A_229, %add3A_1664 : i32
        %get3A_1666 = arith.index_cast %add3A_1665 : i32 to index
        %get3A_1667 = arith.constant 32 : index
        %get3A_1668 = tpu.vector_load %arg12[%get3A_1666, %get3A_1667] {strides = array<i32>} : memref<512x64xi32, #tpu.memory_space<vmem>>, vector<16xi32>,
        %shift_left3A_1669 = arith.constant 16 : i32
        %shift_left3A_1670 = vector.broadcast %shift_left3A_1669 : i32 to vector<16xi32>
        %shift_left3A_1671 = arith.shli %get3A_1668, %shift_left3A_1670 : vector<16xi32>
        %bitcast3A_1672 = vector.bitcast %shift_left3A_1671 : vector<16xi32> to vector<16xf32>
        %add3A_1673 = arith.addf %add3A_1658, %bitcast3A_1672 : vector<16xf32>
        %and3A_1674 = arith.constant -65536 : i32
        %and3A_1675 = vector.broadcast %and3A_1674 : i32 to vector<16xi32>
        %and3A_1676 = arith.andi %get3A_1668, %and3A_1675 : vector<16xi32>
        %bitcast3A_1677 = vector.bitcast %and3A_1676 : vector<16xi32> to vector<16xf32>
        %add3A_1678 = arith.addf %add3A_1663, %bitcast3A_1677 : vector<16xf32>
        %add3A_1679 = arith.constant 30 : i32
        %add3A_1680 = arith.addi %mul3A_229, %add3A_1679 : i32
        %get3A_1681 = arith.index_cast %add3A_1680 : i32 to index
        %get3A_1682 = arith.constant 32 : index
        %get3A_1683 = tpu.vector_load %arg12[%get3A_1681, %get3A_1682] {strides = array<i32>} : memref<512x64xi32, #tpu.memory_space<vmem>>, vector<16xi32>,
        %shift_left3A_1684 = arith.constant 16 : i32
        %shift_left3A_1685 = vector.broadcast %shift_left3A_1684 : i32 to vector<16xi32>
        %shift_left3A_1686 = arith.shli %get3A_1683, %shift_left3A_1685 : vector<16xi32>
        %bitcast3A_1687 = vector.bitcast %shift_left3A_1686 : vector<16xi32> to vector<16xf32>
        %add3A_1688 = arith.addf %add3A_1673, %bitcast3A_1687 : vector<16xf32>
        %and3A_1689 = arith.constant -65536 : i32
        %and3A_1690 = vector.broadcast %and3A_1689 : i32 to vector<16xi32>
        %and3A_1691 = arith.andi %get3A_1683, %and3A_1690 : vector<16xi32>
        %bitcast3A_1692 = vector.bitcast %and3A_1691 : vector<16xi32> to vector<16xf32>
        %add3A_1693 = arith.addf %add3A_1678, %bitcast3A_1692 : vector<16xf32>
        %add3A_1694 = arith.constant 31 : i32
        %add3A_1695 = arith.addi %mul3A_229, %add3A_1694 : i32
        %get3A_1696 = arith.index_cast %add3A_1695 : i32 to index
        %get3A_1697 = arith.constant 32 : index
        %get3A_1698 = tpu.vector_load %arg12[%get3A_1696, %get3A_1697] {strides = array<i32>} : memref<512x64xi32, #tpu.memory_space<vmem>>, vector<16xi32>,
        %shift_left3A_1699 = arith.constant 16 : i32
        %shift_left3A_1700 = vector.broadcast %shift_left3A_1699 : i32 to vector<16xi32>
        %shift_left3A_1701 = arith.shli %get3A_1698, %shift_left3A_1700 : vector<16xi32>
        %bitcast3A_1702 = vector.bitcast %shift_left3A_1701 : vector<16xi32> to vector<16xf32>
        %add3A_1703 = arith.addf %add3A_1688, %bitcast3A_1702 : vector<16xf32>
        %and3A_1704 = arith.constant -65536 : i32
        %and3A_1705 = vector.broadcast %and3A_1704 : i32 to vector<16xi32>
        %and3A_1706 = arith.andi %get3A_1698, %and3A_1705 : vector<16xi32>
        %bitcast3A_1707 = vector.bitcast %and3A_1706 : vector<16xi32> to vector<16xf32>
        %add3A_1708 = arith.addf %add3A_1693, %bitcast3A_1707 : vector<16xf32>
        %get3A_1709 = arith.index_cast %add3A_227 : i32 to index
        %get3A_1710 = arith.constant 64 : index
        %get3A_1711 = tpu.vector_load %arg13[%get3A_1709, %get3A_1710] {strides = array<i32>} : memref<16x128xf32, #tpu.memory_space<vmem>>, vector<16xf32>,
        %get3A_1712 = arith.index_cast %add3A_227 : i32 to index
        %get3A_1713 = arith.constant 64 : index
        %get3A_1714 = tpu.vector_load %arg14[%get3A_1712, %get3A_1713] {strides = array<i32>} : memref<16x128xf32, #tpu.memory_space<vmem>>, vector<16xf32>,
        %add3A_1715 = arith.addf %get3A_1711, %get3A_1714 : vector<16xf32>
        %mul3A_1716 = arith.constant 3.125000e-02 : f32
        %mul3A_1717 = vector.broadcast %mul3A_1716 : f32 to vector<16xf32>
        %mul3A_1718 = arith.mulf %add3A_1703, %mul3A_1717 : vector<16xf32>
        %add3A_1719 = arith.addf %add3A_1715, %mul3A_1718 : vector<16xf32>
        %swap3A_1720 = arith.index_cast %add3A_227 : i32 to index
        %swap3A_1721 = arith.constant 64 : index
        %swap3A_1722 = tpu.vector_load %arg15[%swap3A_1720, %swap3A_1721] {strides = array<i32>} : memref<16x128xf32, #tpu.memory_space<vmem>>, vector<16xf32>,
        tpu.vector_store %arg15[%swap3A_1720, %swap3A_1721], %add3A_1719 {strides = array<i32>} : memref<16x128xf32, #tpu.memory_space<vmem>>, vector<16xf32>,
        %get3A_1723 = arith.index_cast %add3A_227 : i32 to index
        %get3A_1724 = arith.constant 80 : index
        %get3A_1725 = tpu.vector_load %arg13[%get3A_1723, %get3A_1724] {strides = array<i32>} : memref<16x128xf32, #tpu.memory_space<vmem>>, vector<16xf32>,
        %get3A_1726 = arith.index_cast %add3A_227 : i32 to index
        %get3A_1727 = arith.constant 80 : index
        %get3A_1728 = tpu.vector_load %arg14[%get3A_1726, %get3A_1727] {strides = array<i32>} : memref<16x128xf32, #tpu.memory_space<vmem>>, vector<16xf32>,
        %add3A_1729 = arith.addf %get3A_1725, %get3A_1728 : vector<16xf32>
        %mul3A_1730 = arith.constant 3.125000e-02 : f32
        %mul3A_1731 = vector.broadcast %mul3A_1730 : f32 to vector<16xf32>
        %mul3A_1732 = arith.mulf %add3A_1708, %mul3A_1731 : vector<16xf32>
        %add3A_1733 = arith.addf %add3A_1729, %mul3A_1732 : vector<16xf32>
        %swap3A_1734 = arith.index_cast %add3A_227 : i32 to index
        %swap3A_1735 = arith.constant 80 : index
        %swap3A_1736 = tpu.vector_load %arg15[%swap3A_1734, %swap3A_1735] {strides = array<i32>} : memref<16x128xf32, #tpu.memory_space<vmem>>, vector<16xf32>,
        tpu.vector_store %arg15[%swap3A_1734, %swap3A_1735], %add3A_1733 {strides = array<i32>} : memref<16x128xf32, #tpu.memory_space<vmem>>, vector<16xf32>,
        %get3A_1737 = arith.index_cast %mul3A_229 : i32 to index
        %get3A_1738 = arith.constant 48 : index
        %get3A_1739 = tpu.vector_load %arg12[%get3A_1737, %get3A_1738] {strides = array<i32>} : memref<512x64xi32, #tpu.memory_space<vmem>>, vector<16xi32>,
        %shift_left3A_1740 = arith.constant 16 : i32
        %shift_left3A_1741 = vector.broadcast %shift_left3A_1740 : i32 to vector<16xi32>
        %shift_left3A_1742 = arith.shli %get3A_1739, %shift_left3A_1741 : vector<16xi32>
        %bitcast3A_1743 = vector.bitcast %shift_left3A_1742 : vector<16xi32> to vector<16xf32>
        %and3A_1744 = arith.constant -65536 : i32
        %and3A_1745 = vector.broadcast %and3A_1744 : i32 to vector<16xi32>
        %and3A_1746 = arith.andi %get3A_1739, %and3A_1745 : vector<16xi32>
        %bitcast3A_1747 = vector.bitcast %and3A_1746 : vector<16xi32> to vector<16xf32>
        %add3A_1748 = arith.constant 1 : i32
        %add3A_1749 = arith.addi %mul3A_229, %add3A_1748 : i32
        %get3A_1750 = arith.index_cast %add3A_1749 : i32 to index
        %get3A_1751 = arith.constant 48 : index
        %get3A_1752 = tpu.vector_load %arg12[%get3A_1750, %get3A_1751] {strides = array<i32>} : memref<512x64xi32, #tpu.memory_space<vmem>>, vector<16xi32>,
        %shift_left3A_1753 = arith.constant 16 : i32
        %shift_left3A_1754 = vector.broadcast %shift_left3A_1753 : i32 to vector<16xi32>
        %shift_left3A_1755 = arith.shli %get3A_1752, %shift_left3A_1754 : vector<16xi32>
        %bitcast3A_1756 = vector.bitcast %shift_left3A_1755 : vector<16xi32> to vector<16xf32>
        %add3A_1757 = arith.addf %bitcast3A_1743, %bitcast3A_1756 : vector<16xf32>
        %and3A_1758 = arith.constant -65536 : i32
        %and3A_1759 = vector.broadcast %and3A_1758 : i32 to vector<16xi32>
        %and3A_1760 = arith.andi %get3A_1752, %and3A_1759 : vector<16xi32>
        %bitcast3A_1761 = vector.bitcast %and3A_1760 : vector<16xi32> to vector<16xf32>
        %add3A_1762 = arith.addf %bitcast3A_1747, %bitcast3A_1761 : vector<16xf32>
        %add3A_1763 = arith.constant 2 : i32
        %add3A_1764 = arith.addi %mul3A_229, %add3A_1763 : i32
        %get3A_1765 = arith.index_cast %add3A_1764 : i32 to index
        %get3A_1766 = arith.constant 48 : index
        %get3A_1767 = tpu.vector_load %arg12[%get3A_1765, %get3A_1766] {strides = array<i32>} : memref<512x64xi32, #tpu.memory_space<vmem>>, vector<16xi32>,
        %shift_left3A_1768 = arith.constant 16 : i32
        %shift_left3A_1769 = vector.broadcast %shift_left3A_1768 : i32 to vector<16xi32>
        %shift_left3A_1770 = arith.shli %get3A_1767, %shift_left3A_1769 : vector<16xi32>
        %bitcast3A_1771 = vector.bitcast %shift_left3A_1770 : vector<16xi32> to vector<16xf32>
        %add3A_1772 = arith.addf %add3A_1757, %bitcast3A_1771 : vector<16xf32>
        %and3A_1773 = arith.constant -65536 : i32
        %and3A_1774 = vector.broadcast %and3A_1773 : i32 to vector<16xi32>
        %and3A_1775 = arith.andi %get3A_1767, %and3A_1774 : vector<16xi32>
        %bitcast3A_1776 = vector.bitcast %and3A_1775 : vector<16xi32> to vector<16xf32>
        %add3A_1777 = arith.addf %add3A_1762, %bitcast3A_1776 : vector<16xf32>
        %add3A_1778 = arith.constant 3 : i32
        %add3A_1779 = arith.addi %mul3A_229, %add3A_1778 : i32
        %get3A_1780 = arith.index_cast %add3A_1779 : i32 to index
        %get3A_1781 = arith.constant 48 : index
        %get3A_1782 = tpu.vector_load %arg12[%get3A_1780, %get3A_1781] {strides = array<i32>} : memref<512x64xi32, #tpu.memory_space<vmem>>, vector<16xi32>,
        %shift_left3A_1783 = arith.constant 16 : i32
        %shift_left3A_1784 = vector.broadcast %shift_left3A_1783 : i32 to vector<16xi32>
        %shift_left3A_1785 = arith.shli %get3A_1782, %shift_left3A_1784 : vector<16xi32>
        %bitcast3A_1786 = vector.bitcast %shift_left3A_1785 : vector<16xi32> to vector<16xf32>
        %add3A_1787 = arith.addf %add3A_1772, %bitcast3A_1786 : vector<16xf32>
        %and3A_1788 = arith.constant -65536 : i32
        %and3A_1789 = vector.broadcast %and3A_1788 : i32 to vector<16xi32>
        %and3A_1790 = arith.andi %get3A_1782, %and3A_1789 : vector<16xi32>
        %bitcast3A_1791 = vector.bitcast %and3A_1790 : vector<16xi32> to vector<16xf32>
        %add3A_1792 = arith.addf %add3A_1777, %bitcast3A_1791 : vector<16xf32>
        %add3A_1793 = arith.constant 4 : i32
        %add3A_1794 = arith.addi %mul3A_229, %add3A_1793 : i32
        %get3A_1795 = arith.index_cast %add3A_1794 : i32 to index
        %get3A_1796 = arith.constant 48 : index
        %get3A_1797 = tpu.vector_load %arg12[%get3A_1795, %get3A_1796] {strides = array<i32>} : memref<512x64xi32, #tpu.memory_space<vmem>>, vector<16xi32>,
        %shift_left3A_1798 = arith.constant 16 : i32
        %shift_left3A_1799 = vector.broadcast %shift_left3A_1798 : i32 to vector<16xi32>
        %shift_left3A_1800 = arith.shli %get3A_1797, %shift_left3A_1799 : vector<16xi32>
        %bitcast3A_1801 = vector.bitcast %shift_left3A_1800 : vector<16xi32> to vector<16xf32>
        %add3A_1802 = arith.addf %add3A_1787, %bitcast3A_1801 : vector<16xf32>
        %and3A_1803 = arith.constant -65536 : i32
        %and3A_1804 = vector.broadcast %and3A_1803 : i32 to vector<16xi32>
        %and3A_1805 = arith.andi %get3A_1797, %and3A_1804 : vector<16xi32>
        %bitcast3A_1806 = vector.bitcast %and3A_1805 : vector<16xi32> to vector<16xf32>
        %add3A_1807 = arith.addf %add3A_1792, %bitcast3A_1806 : vector<16xf32>
        %add3A_1808 = arith.constant 5 : i32
        %add3A_1809 = arith.addi %mul3A_229, %add3A_1808 : i32
        %get3A_1810 = arith.index_cast %add3A_1809 : i32 to index
        %get3A_1811 = arith.constant 48 : index
        %get3A_1812 = tpu.vector_load %arg12[%get3A_1810, %get3A_1811] {strides = array<i32>} : memref<512x64xi32, #tpu.memory_space<vmem>>, vector<16xi32>,
        %shift_left3A_1813 = arith.constant 16 : i32
        %shift_left3A_1814 = vector.broadcast %shift_left3A_1813 : i32 to vector<16xi32>
        %shift_left3A_1815 = arith.shli %get3A_1812, %shift_left3A_1814 : vector<16xi32>
        %bitcast3A_1816 = vector.bitcast %shift_left3A_1815 : vector<16xi32> to vector<16xf32>
        %add3A_1817 = arith.addf %add3A_1802, %bitcast3A_1816 : vector<16xf32>
        %and3A_1818 = arith.constant -65536 : i32
        %and3A_1819 = vector.broadcast %and3A_1818 : i32 to vector<16xi32>
        %and3A_1820 = arith.andi %get3A_1812, %and3A_1819 : vector<16xi32>
        %bitcast3A_1821 = vector.bitcast %and3A_1820 : vector<16xi32> to vector<16xf32>
        %add3A_1822 = arith.addf %add3A_1807, %bitcast3A_1821 : vector<16xf32>
        %add3A_1823 = arith.constant 6 : i32
        %add3A_1824 = arith.addi %mul3A_229, %add3A_1823 : i32
        %get3A_1825 = arith.index_cast %add3A_1824 : i32 to index
        %get3A_1826 = arith.constant 48 : index
        %get3A_1827 = tpu.vector_load %arg12[%get3A_1825, %get3A_1826] {strides = array<i32>} : memref<512x64xi32, #tpu.memory_space<vmem>>, vector<16xi32>,
        %shift_left3A_1828 = arith.constant 16 : i32
        %shift_left3A_1829 = vector.broadcast %shift_left3A_1828 : i32 to vector<16xi32>
        %shift_left3A_1830 = arith.shli %get3A_1827, %shift_left3A_1829 : vector<16xi32>
        %bitcast3A_1831 = vector.bitcast %shift_left3A_1830 : vector<16xi32> to vector<16xf32>
        %add3A_1832 = arith.addf %add3A_1817, %bitcast3A_1831 : vector<16xf32>
        %and3A_1833 = arith.constant -65536 : i32
        %and3A_1834 = vector.broadcast %and3A_1833 : i32 to vector<16xi32>
        %and3A_1835 = arith.andi %get3A_1827, %and3A_1834 : vector<16xi32>
        %bitcast3A_1836 = vector.bitcast %and3A_1835 : vector<16xi32> to vector<16xf32>
        %add3A_1837 = arith.addf %add3A_1822, %bitcast3A_1836 : vector<16xf32>
        %add3A_1838 = arith.constant 7 : i32
        %add3A_1839 = arith.addi %mul3A_229, %add3A_1838 : i32
        %get3A_1840 = arith.index_cast %add3A_1839 : i32 to index
        %get3A_1841 = arith.constant 48 : index
        %get3A_1842 = tpu.vector_load %arg12[%get3A_1840, %get3A_1841] {strides = array<i32>} : memref<512x64xi32, #tpu.memory_space<vmem>>, vector<16xi32>,
        %shift_left3A_1843 = arith.constant 16 : i32
        %shift_left3A_1844 = vector.broadcast %shift_left3A_1843 : i32 to vector<16xi32>
        %shift_left3A_1845 = arith.shli %get3A_1842, %shift_left3A_1844 : vector<16xi32>
        %bitcast3A_1846 = vector.bitcast %shift_left3A_1845 : vector<16xi32> to vector<16xf32>
        %add3A_1847 = arith.addf %add3A_1832, %bitcast3A_1846 : vector<16xf32>
        %and3A_1848 = arith.constant -65536 : i32
        %and3A_1849 = vector.broadcast %and3A_1848 : i32 to vector<16xi32>
        %and3A_1850 = arith.andi %get3A_1842, %and3A_1849 : vector<16xi32>
        %bitcast3A_1851 = vector.bitcast %and3A_1850 : vector<16xi32> to vector<16xf32>
        %add3A_1852 = arith.addf %add3A_1837, %bitcast3A_1851 : vector<16xf32>
        %add3A_1853 = arith.constant 8 : i32
        %add3A_1854 = arith.addi %mul3A_229, %add3A_1853 : i32
        %get3A_1855 = arith.index_cast %add3A_1854 : i32 to index
        %get3A_1856 = arith.constant 48 : index
        %get3A_1857 = tpu.vector_load %arg12[%get3A_1855, %get3A_1856] {strides = array<i32>} : memref<512x64xi32, #tpu.memory_space<vmem>>, vector<16xi32>,
        %shift_left3A_1858 = arith.constant 16 : i32
        %shift_left3A_1859 = vector.broadcast %shift_left3A_1858 : i32 to vector<16xi32>
        %shift_left3A_1860 = arith.shli %get3A_1857, %shift_left3A_1859 : vector<16xi32>
        %bitcast3A_1861 = vector.bitcast %shift_left3A_1860 : vector<16xi32> to vector<16xf32>
        %add3A_1862 = arith.addf %add3A_1847, %bitcast3A_1861 : vector<16xf32>
        %and3A_1863 = arith.constant -65536 : i32
        %and3A_1864 = vector.broadcast %and3A_1863 : i32 to vector<16xi32>
        %and3A_1865 = arith.andi %get3A_1857, %and3A_1864 : vector<16xi32>
        %bitcast3A_1866 = vector.bitcast %and3A_1865 : vector<16xi32> to vector<16xf32>
        %add3A_1867 = arith.addf %add3A_1852, %bitcast3A_1866 : vector<16xf32>
        %add3A_1868 = arith.constant 9 : i32
        %add3A_1869 = arith.addi %mul3A_229, %add3A_1868 : i32
        %get3A_1870 = arith.index_cast %add3A_1869 : i32 to index
        %get3A_1871 = arith.constant 48 : index
        %get3A_1872 = tpu.vector_load %arg12[%get3A_1870, %get3A_1871] {strides = array<i32>} : memref<512x64xi32, #tpu.memory_space<vmem>>, vector<16xi32>,
        %shift_left3A_1873 = arith.constant 16 : i32
        %shift_left3A_1874 = vector.broadcast %shift_left3A_1873 : i32 to vector<16xi32>
        %shift_left3A_1875 = arith.shli %get3A_1872, %shift_left3A_1874 : vector<16xi32>
        %bitcast3A_1876 = vector.bitcast %shift_left3A_1875 : vector<16xi32> to vector<16xf32>
        %add3A_1877 = arith.addf %add3A_1862, %bitcast3A_1876 : vector<16xf32>
        %and3A_1878 = arith.constant -65536 : i32
        %and3A_1879 = vector.broadcast %and3A_1878 : i32 to vector<16xi32>
        %and3A_1880 = arith.andi %get3A_1872, %and3A_1879 : vector<16xi32>
        %bitcast3A_1881 = vector.bitcast %and3A_1880 : vector<16xi32> to vector<16xf32>
        %add3A_1882 = arith.addf %add3A_1867, %bitcast3A_1881 : vector<16xf32>
        %add3A_1883 = arith.constant 10 : i32
        %add3A_1884 = arith.addi %mul3A_229, %add3A_1883 : i32
        %get3A_1885 = arith.index_cast %add3A_1884 : i32 to index
        %get3A_1886 = arith.constant 48 : index
        %get3A_1887 = tpu.vector_load %arg12[%get3A_1885, %get3A_1886] {strides = array<i32>} : memref<512x64xi32, #tpu.memory_space<vmem>>, vector<16xi32>,
        %shift_left3A_1888 = arith.constant 16 : i32
        %shift_left3A_1889 = vector.broadcast %shift_left3A_1888 : i32 to vector<16xi32>
        %shift_left3A_1890 = arith.shli %get3A_1887, %shift_left3A_1889 : vector<16xi32>
        %bitcast3A_1891 = vector.bitcast %shift_left3A_1890 : vector<16xi32> to vector<16xf32>
        %add3A_1892 = arith.addf %add3A_1877, %bitcast3A_1891 : vector<16xf32>
        %and3A_1893 = arith.constant -65536 : i32
        %and3A_1894 = vector.broadcast %and3A_1893 : i32 to vector<16xi32>
        %and3A_1895 = arith.andi %get3A_1887, %and3A_1894 : vector<16xi32>
        %bitcast3A_1896 = vector.bitcast %and3A_1895 : vector<16xi32> to vector<16xf32>
        %add3A_1897 = arith.addf %add3A_1882, %bitcast3A_1896 : vector<16xf32>
        %add3A_1898 = arith.constant 11 : i32
        %add3A_1899 = arith.addi %mul3A_229, %add3A_1898 : i32
        %get3A_1900 = arith.index_cast %add3A_1899 : i32 to index
        %get3A_1901 = arith.constant 48 : index
        %get3A_1902 = tpu.vector_load %arg12[%get3A_1900, %get3A_1901] {strides = array<i32>} : memref<512x64xi32, #tpu.memory_space<vmem>>, vector<16xi32>,
        %shift_left3A_1903 = arith.constant 16 : i32
        %shift_left3A_1904 = vector.broadcast %shift_left3A_1903 : i32 to vector<16xi32>
        %shift_left3A_1905 = arith.shli %get3A_1902, %shift_left3A_1904 : vector<16xi32>
        %bitcast3A_1906 = vector.bitcast %shift_left3A_1905 : vector<16xi32> to vector<16xf32>
        %add3A_1907 = arith.addf %add3A_1892, %bitcast3A_1906 : vector<16xf32>
        %and3A_1908 = arith.constant -65536 : i32
        %and3A_1909 = vector.broadcast %and3A_1908 : i32 to vector<16xi32>
        %and3A_1910 = arith.andi %get3A_1902, %and3A_1909 : vector<16xi32>
        %bitcast3A_1911 = vector.bitcast %and3A_1910 : vector<16xi32> to vector<16xf32>
        %add3A_1912 = arith.addf %add3A_1897, %bitcast3A_1911 : vector<16xf32>
        %add3A_1913 = arith.constant 12 : i32
        %add3A_1914 = arith.addi %mul3A_229, %add3A_1913 : i32
        %get3A_1915 = arith.index_cast %add3A_1914 : i32 to index
        %get3A_1916 = arith.constant 48 : index
        %get3A_1917 = tpu.vector_load %arg12[%get3A_1915, %get3A_1916] {strides = array<i32>} : memref<512x64xi32, #tpu.memory_space<vmem>>, vector<16xi32>,
        %shift_left3A_1918 = arith.constant 16 : i32
        %shift_left3A_1919 = vector.broadcast %shift_left3A_1918 : i32 to vector<16xi32>
        %shift_left3A_1920 = arith.shli %get3A_1917, %shift_left3A_1919 : vector<16xi32>
        %bitcast3A_1921 = vector.bitcast %shift_left3A_1920 : vector<16xi32> to vector<16xf32>
        %add3A_1922 = arith.addf %add3A_1907, %bitcast3A_1921 : vector<16xf32>
        %and3A_1923 = arith.constant -65536 : i32
        %and3A_1924 = vector.broadcast %and3A_1923 : i32 to vector<16xi32>
        %and3A_1925 = arith.andi %get3A_1917, %and3A_1924 : vector<16xi32>
        %bitcast3A_1926 = vector.bitcast %and3A_1925 : vector<16xi32> to vector<16xf32>
        %add3A_1927 = arith.addf %add3A_1912, %bitcast3A_1926 : vector<16xf32>
        %add3A_1928 = arith.constant 13 : i32
        %add3A_1929 = arith.addi %mul3A_229, %add3A_1928 : i32
        %get3A_1930 = arith.index_cast %add3A_1929 : i32 to index
        %get3A_1931 = arith.constant 48 : index
        %get3A_1932 = tpu.vector_load %arg12[%get3A_1930, %get3A_1931] {strides = array<i32>} : memref<512x64xi32, #tpu.memory_space<vmem>>, vector<16xi32>,
        %shift_left3A_1933 = arith.constant 16 : i32
        %shift_left3A_1934 = vector.broadcast %shift_left3A_1933 : i32 to vector<16xi32>
        %shift_left3A_1935 = arith.shli %get3A_1932, %shift_left3A_1934 : vector<16xi32>
        %bitcast3A_1936 = vector.bitcast %shift_left3A_1935 : vector<16xi32> to vector<16xf32>
        %add3A_1937 = arith.addf %add3A_1922, %bitcast3A_1936 : vector<16xf32>
        %and3A_1938 = arith.constant -65536 : i32
        %and3A_1939 = vector.broadcast %and3A_1938 : i32 to vector<16xi32>
        %and3A_1940 = arith.andi %get3A_1932, %and3A_1939 : vector<16xi32>
        %bitcast3A_1941 = vector.bitcast %and3A_1940 : vector<16xi32> to vector<16xf32>
        %add3A_1942 = arith.addf %add3A_1927, %bitcast3A_1941 : vector<16xf32>
        %add3A_1943 = arith.constant 14 : i32
        %add3A_1944 = arith.addi %mul3A_229, %add3A_1943 : i32
        %get3A_1945 = arith.index_cast %add3A_1944 : i32 to index
        %get3A_1946 = arith.constant 48 : index
        %get3A_1947 = tpu.vector_load %arg12[%get3A_1945, %get3A_1946] {strides = array<i32>} : memref<512x64xi32, #tpu.memory_space<vmem>>, vector<16xi32>,
        %shift_left3A_1948 = arith.constant 16 : i32
        %shift_left3A_1949 = vector.broadcast %shift_left3A_1948 : i32 to vector<16xi32>
        %shift_left3A_1950 = arith.shli %get3A_1947, %shift_left3A_1949 : vector<16xi32>
        %bitcast3A_1951 = vector.bitcast %shift_left3A_1950 : vector<16xi32> to vector<16xf32>
        %add3A_1952 = arith.addf %add3A_1937, %bitcast3A_1951 : vector<16xf32>
        %and3A_1953 = arith.constant -65536 : i32
        %and3A_1954 = vector.broadcast %and3A_1953 : i32 to vector<16xi32>
        %and3A_1955 = arith.andi %get3A_1947, %and3A_1954 : vector<16xi32>
        %bitcast3A_1956 = vector.bitcast %and3A_1955 : vector<16xi32> to vector<16xf32>
        %add3A_1957 = arith.addf %add3A_1942, %bitcast3A_1956 : vector<16xf32>
        %add3A_1958 = arith.constant 15 : i32
        %add3A_1959 = arith.addi %mul3A_229, %add3A_1958 : i32
        %get3A_1960 = arith.index_cast %add3A_1959 : i32 to index
        %get3A_1961 = arith.constant 48 : index
        %get3A_1962 = tpu.vector_load %arg12[%get3A_1960, %get3A_1961] {strides = array<i32>} : memref<512x64xi32, #tpu.memory_space<vmem>>, vector<16xi32>,
        %shift_left3A_1963 = arith.constant 16 : i32
        %shift_left3A_1964 = vector.broadcast %shift_left3A_1963 : i32 to vector<16xi32>
        %shift_left3A_1965 = arith.shli %get3A_1962, %shift_left3A_1964 : vector<16xi32>
        %bitcast3A_1966 = vector.bitcast %shift_left3A_1965 : vector<16xi32> to vector<16xf32>
        %add3A_1967 = arith.addf %add3A_1952, %bitcast3A_1966 : vector<16xf32>
        %and3A_1968 = arith.constant -65536 : i32
        %and3A_1969 = vector.broadcast %and3A_1968 : i32 to vector<16xi32>
        %and3A_1970 = arith.andi %get3A_1962, %and3A_1969 : vector<16xi32>
        %bitcast3A_1971 = vector.bitcast %and3A_1970 : vector<16xi32> to vector<16xf32>
        %add3A_1972 = arith.addf %add3A_1957, %bitcast3A_1971 : vector<16xf32>
        %add3A_1973 = arith.constant 16 : i32
        %add3A_1974 = arith.addi %mul3A_229, %add3A_1973 : i32
        %get3A_1975 = arith.index_cast %add3A_1974 : i32 to index
        %get3A_1976 = arith.constant 48 : index
        %get3A_1977 = tpu.vector_load %arg12[%get3A_1975, %get3A_1976] {strides = array<i32>} : memref<512x64xi32, #tpu.memory_space<vmem>>, vector<16xi32>,
        %shift_left3A_1978 = arith.constant 16 : i32
        %shift_left3A_1979 = vector.broadcast %shift_left3A_1978 : i32 to vector<16xi32>
        %shift_left3A_1980 = arith.shli %get3A_1977, %shift_left3A_1979 : vector<16xi32>
        %bitcast3A_1981 = vector.bitcast %shift_left3A_1980 : vector<16xi32> to vector<16xf32>
        %add3A_1982 = arith.addf %add3A_1967, %bitcast3A_1981 : vector<16xf32>
        %and3A_1983 = arith.constant -65536 : i32
        %and3A_1984 = vector.broadcast %and3A_1983 : i32 to vector<16xi32>
        %and3A_1985 = arith.andi %get3A_1977, %and3A_1984 : vector<16xi32>
        %bitcast3A_1986 = vector.bitcast %and3A_1985 : vector<16xi32> to vector<16xf32>
        %add3A_1987 = arith.addf %add3A_1972, %bitcast3A_1986 : vector<16xf32>
        %add3A_1988 = arith.constant 17 : i32
        %add3A_1989 = arith.addi %mul3A_229, %add3A_1988 : i32
        %get3A_1990 = arith.index_cast %add3A_1989 : i32 to index
        %get3A_1991 = arith.constant 48 : index
        %get3A_1992 = tpu.vector_load %arg12[%get3A_1990, %get3A_1991] {strides = array<i32>} : memref<512x64xi32, #tpu.memory_space<vmem>>, vector<16xi32>,
        %shift_left3A_1993 = arith.constant 16 : i32
        %shift_left3A_1994 = vector.broadcast %shift_left3A_1993 : i32 to vector<16xi32>
        %shift_left3A_1995 = arith.shli %get3A_1992, %shift_left3A_1994 : vector<16xi32>
        %bitcast3A_1996 = vector.bitcast %shift_left3A_1995 : vector<16xi32> to vector<16xf32>
        %add3A_1997 = arith.addf %add3A_1982, %bitcast3A_1996 : vector<16xf32>
        %and3A_1998 = arith.constant -65536 : i32
        %and3A_1999 = vector.broadcast %and3A_1998 : i32 to vector<16xi32>
        %and3A_2000 = arith.andi %get3A_1992, %and3A_1999 : vector<16xi32>
        %bitcast3A_2001 = vector.bitcast %and3A_2000 : vector<16xi32> to vector<16xf32>
        %add3A_2002 = arith.addf %add3A_1987, %bitcast3A_2001 : vector<16xf32>
        %add3A_2003 = arith.constant 18 : i32
        %add3A_2004 = arith.addi %mul3A_229, %add3A_2003 : i32
        %get3A_2005 = arith.index_cast %add3A_2004 : i32 to index
        %get3A_2006 = arith.constant 48 : index
        %get3A_2007 = tpu.vector_load %arg12[%get3A_2005, %get3A_2006] {strides = array<i32>} : memref<512x64xi32, #tpu.memory_space<vmem>>, vector<16xi32>,
        %shift_left3A_2008 = arith.constant 16 : i32
        %shift_left3A_2009 = vector.broadcast %shift_left3A_2008 : i32 to vector<16xi32>
        %shift_left3A_2010 = arith.shli %get3A_2007, %shift_left3A_2009 : vector<16xi32>
        %bitcast3A_2011 = vector.bitcast %shift_left3A_2010 : vector<16xi32> to vector<16xf32>
        %add3A_2012 = arith.addf %add3A_1997, %bitcast3A_2011 : vector<16xf32>
        %and3A_2013 = arith.constant -65536 : i32
        %and3A_2014 = vector.broadcast %and3A_2013 : i32 to vector<16xi32>
        %and3A_2015 = arith.andi %get3A_2007, %and3A_2014 : vector<16xi32>
        %bitcast3A_2016 = vector.bitcast %and3A_2015 : vector<16xi32> to vector<16xf32>
        %add3A_2017 = arith.addf %add3A_2002, %bitcast3A_2016 : vector<16xf32>
        %add3A_2018 = arith.constant 19 : i32
        %add3A_2019 = arith.addi %mul3A_229, %add3A_2018 : i32
        %get3A_2020 = arith.index_cast %add3A_2019 : i32 to index
        %get3A_2021 = arith.constant 48 : index
        %get3A_2022 = tpu.vector_load %arg12[%get3A_2020, %get3A_2021] {strides = array<i32>} : memref<512x64xi32, #tpu.memory_space<vmem>>, vector<16xi32>,
        %shift_left3A_2023 = arith.constant 16 : i32
        %shift_left3A_2024 = vector.broadcast %shift_left3A_2023 : i32 to vector<16xi32>
        %shift_left3A_2025 = arith.shli %get3A_2022, %shift_left3A_2024 : vector<16xi32>
        %bitcast3A_2026 = vector.bitcast %shift_left3A_2025 : vector<16xi32> to vector<16xf32>
        %add3A_2027 = arith.addf %add3A_2012, %bitcast3A_2026 : vector<16xf32>
        %and3A_2028 = arith.constant -65536 : i32
        %and3A_2029 = vector.broadcast %and3A_2028 : i32 to vector<16xi32>
        %and3A_2030 = arith.andi %get3A_2022, %and3A_2029 : vector<16xi32>
        %bitcast3A_2031 = vector.bitcast %and3A_2030 : vector<16xi32> to vector<16xf32>
        %add3A_2032 = arith.addf %add3A_2017, %bitcast3A_2031 : vector<16xf32>
        %add3A_2033 = arith.constant 20 : i32
        %add3A_2034 = arith.addi %mul3A_229, %add3A_2033 : i32
        %get3A_2035 = arith.index_cast %add3A_2034 : i32 to index
        %get3A_2036 = arith.constant 48 : index
        %get3A_2037 = tpu.vector_load %arg12[%get3A_2035, %get3A_2036] {strides = array<i32>} : memref<512x64xi32, #tpu.memory_space<vmem>>, vector<16xi32>,
        %shift_left3A_2038 = arith.constant 16 : i32
        %shift_left3A_2039 = vector.broadcast %shift_left3A_2038 : i32 to vector<16xi32>
        %shift_left3A_2040 = arith.shli %get3A_2037, %shift_left3A_2039 : vector<16xi32>
        %bitcast3A_2041 = vector.bitcast %shift_left3A_2040 : vector<16xi32> to vector<16xf32>
        %add3A_2042 = arith.addf %add3A_2027, %bitcast3A_2041 : vector<16xf32>
        %and3A_2043 = arith.constant -65536 : i32
        %and3A_2044 = vector.broadcast %and3A_2043 : i32 to vector<16xi32>
        %and3A_2045 = arith.andi %get3A_2037, %and3A_2044 : vector<16xi32>
        %bitcast3A_2046 = vector.bitcast %and3A_2045 : vector<16xi32> to vector<16xf32>
        %add3A_2047 = arith.addf %add3A_2032, %bitcast3A_2046 : vector<16xf32>
        %add3A_2048 = arith.constant 21 : i32
        %add3A_2049 = arith.addi %mul3A_229, %add3A_2048 : i32
        %get3A_2050 = arith.index_cast %add3A_2049 : i32 to index
        %get3A_2051 = arith.constant 48 : index
        %get3A_2052 = tpu.vector_load %arg12[%get3A_2050, %get3A_2051] {strides = array<i32>} : memref<512x64xi32, #tpu.memory_space<vmem>>, vector<16xi32>,
        %shift_left3A_2053 = arith.constant 16 : i32
        %shift_left3A_2054 = vector.broadcast %shift_left3A_2053 : i32 to vector<16xi32>
        %shift_left3A_2055 = arith.shli %get3A_2052, %shift_left3A_2054 : vector<16xi32>
        %bitcast3A_2056 = vector.bitcast %shift_left3A_2055 : vector<16xi32> to vector<16xf32>
        %add3A_2057 = arith.addf %add3A_2042, %bitcast3A_2056 : vector<16xf32>
        %and3A_2058 = arith.constant -65536 : i32
        %and3A_2059 = vector.broadcast %and3A_2058 : i32 to vector<16xi32>
        %and3A_2060 = arith.andi %get3A_2052, %and3A_2059 : vector<16xi32>
        %bitcast3A_2061 = vector.bitcast %and3A_2060 : vector<16xi32> to vector<16xf32>
        %add3A_2062 = arith.addf %add3A_2047, %bitcast3A_2061 : vector<16xf32>
        %add3A_2063 = arith.constant 22 : i32
        %add3A_2064 = arith.addi %mul3A_229, %add3A_2063 : i32
        %get3A_2065 = arith.index_cast %add3A_2064 : i32 to index
        %get3A_2066 = arith.constant 48 : index
        %get3A_2067 = tpu.vector_load %arg12[%get3A_2065, %get3A_2066] {strides = array<i32>} : memref<512x64xi32, #tpu.memory_space<vmem>>, vector<16xi32>,
        %shift_left3A_2068 = arith.constant 16 : i32
        %shift_left3A_2069 = vector.broadcast %shift_left3A_2068 : i32 to vector<16xi32>
        %shift_left3A_2070 = arith.shli %get3A_2067, %shift_left3A_2069 : vector<16xi32>
        %bitcast3A_2071 = vector.bitcast %shift_left3A_2070 : vector<16xi32> to vector<16xf32>
        %add3A_2072 = arith.addf %add3A_2057, %bitcast3A_2071 : vector<16xf32>
        %and3A_2073 = arith.constant -65536 : i32
        %and3A_2074 = vector.broadcast %and3A_2073 : i32 to vector<16xi32>
        %and3A_2075 = arith.andi %get3A_2067, %and3A_2074 : vector<16xi32>
        %bitcast3A_2076 = vector.bitcast %and3A_2075 : vector<16xi32> to vector<16xf32>
        %add3A_2077 = arith.addf %add3A_2062, %bitcast3A_2076 : vector<16xf32>
        %add3A_2078 = arith.constant 23 : i32
        %add3A_2079 = arith.addi %mul3A_229, %add3A_2078 : i32
        %get3A_2080 = arith.index_cast %add3A_2079 : i32 to index
        %get3A_2081 = arith.constant 48 : index
        %get3A_2082 = tpu.vector_load %arg12[%get3A_2080, %get3A_2081] {strides = array<i32>} : memref<512x64xi32, #tpu.memory_space<vmem>>, vector<16xi32>,
        %shift_left3A_2083 = arith.constant 16 : i32
        %shift_left3A_2084 = vector.broadcast %shift_left3A_2083 : i32 to vector<16xi32>
        %shift_left3A_2085 = arith.shli %get3A_2082, %shift_left3A_2084 : vector<16xi32>
        %bitcast3A_2086 = vector.bitcast %shift_left3A_2085 : vector<16xi32> to vector<16xf32>
        %add3A_2087 = arith.addf %add3A_2072, %bitcast3A_2086 : vector<16xf32>
        %and3A_2088 = arith.constant -65536 : i32
        %and3A_2089 = vector.broadcast %and3A_2088 : i32 to vector<16xi32>
        %and3A_2090 = arith.andi %get3A_2082, %and3A_2089 : vector<16xi32>
        %bitcast3A_2091 = vector.bitcast %and3A_2090 : vector<16xi32> to vector<16xf32>
        %add3A_2092 = arith.addf %add3A_2077, %bitcast3A_2091 : vector<16xf32>
        %add3A_2093 = arith.constant 24 : i32
        %add3A_2094 = arith.addi %mul3A_229, %add3A_2093 : i32
        %get3A_2095 = arith.index_cast %add3A_2094 : i32 to index
        %get3A_2096 = arith.constant 48 : index
        %get3A_2097 = tpu.vector_load %arg12[%get3A_2095, %get3A_2096] {strides = array<i32>} : memref<512x64xi32, #tpu.memory_space<vmem>>, vector<16xi32>,
        %shift_left3A_2098 = arith.constant 16 : i32
        %shift_left3A_2099 = vector.broadcast %shift_left3A_2098 : i32 to vector<16xi32>
        %shift_left3A_2100 = arith.shli %get3A_2097, %shift_left3A_2099 : vector<16xi32>
        %bitcast3A_2101 = vector.bitcast %shift_left3A_2100 : vector<16xi32> to vector<16xf32>
        %add3A_2102 = arith.addf %add3A_2087, %bitcast3A_2101 : vector<16xf32>
        %and3A_2103 = arith.constant -65536 : i32
        %and3A_2104 = vector.broadcast %and3A_2103 : i32 to vector<16xi32>
        %and3A_2105 = arith.andi %get3A_2097, %and3A_2104 : vector<16xi32>
        %bitcast3A_2106 = vector.bitcast %and3A_2105 : vector<16xi32> to vector<16xf32>
        %add3A_2107 = arith.addf %add3A_2092, %bitcast3A_2106 : vector<16xf32>
        %add3A_2108 = arith.constant 25 : i32
        %add3A_2109 = arith.addi %mul3A_229, %add3A_2108 : i32
        %get3A_2110 = arith.index_cast %add3A_2109 : i32 to index
        %get3A_2111 = arith.constant 48 : index
        %get3A_2112 = tpu.vector_load %arg12[%get3A_2110, %get3A_2111] {strides = array<i32>} : memref<512x64xi32, #tpu.memory_space<vmem>>, vector<16xi32>,
        %shift_left3A_2113 = arith.constant 16 : i32
        %shift_left3A_2114 = vector.broadcast %shift_left3A_2113 : i32 to vector<16xi32>
        %shift_left3A_2115 = arith.shli %get3A_2112, %shift_left3A_2114 : vector<16xi32>
        %bitcast3A_2116 = vector.bitcast %shift_left3A_2115 : vector<16xi32> to vector<16xf32>
        %add3A_2117 = arith.addf %add3A_2102, %bitcast3A_2116 : vector<16xf32>
        %and3A_2118 = arith.constant -65536 : i32
        %and3A_2119 = vector.broadcast %and3A_2118 : i32 to vector<16xi32>
        %and3A_2120 = arith.andi %get3A_2112, %and3A_2119 : vector<16xi32>
        %bitcast3A_2121 = vector.bitcast %and3A_2120 : vector<16xi32> to vector<16xf32>
        %add3A_2122 = arith.addf %add3A_2107, %bitcast3A_2121 : vector<16xf32>
        %add3A_2123 = arith.constant 26 : i32
        %add3A_2124 = arith.addi %mul3A_229, %add3A_2123 : i32
        %get3A_2125 = arith.index_cast %add3A_2124 : i32 to index
        %get3A_2126 = arith.constant 48 : index
        %get3A_2127 = tpu.vector_load %arg12[%get3A_2125, %get3A_2126] {strides = array<i32>} : memref<512x64xi32, #tpu.memory_space<vmem>>, vector<16xi32>,
        %shift_left3A_2128 = arith.constant 16 : i32
        %shift_left3A_2129 = vector.broadcast %shift_left3A_2128 : i32 to vector<16xi32>
        %shift_left3A_2130 = arith.shli %get3A_2127, %shift_left3A_2129 : vector<16xi32>
        %bitcast3A_2131 = vector.bitcast %shift_left3A_2130 : vector<16xi32> to vector<16xf32>
        %add3A_2132 = arith.addf %add3A_2117, %bitcast3A_2131 : vector<16xf32>
        %and3A_2133 = arith.constant -65536 : i32
        %and3A_2134 = vector.broadcast %and3A_2133 : i32 to vector<16xi32>
        %and3A_2135 = arith.andi %get3A_2127, %and3A_2134 : vector<16xi32>
        %bitcast3A_2136 = vector.bitcast %and3A_2135 : vector<16xi32> to vector<16xf32>
        %add3A_2137 = arith.addf %add3A_2122, %bitcast3A_2136 : vector<16xf32>
        %add3A_2138 = arith.constant 27 : i32
        %add3A_2139 = arith.addi %mul3A_229, %add3A_2138 : i32
        %get3A_2140 = arith.index_cast %add3A_2139 : i32 to index
        %get3A_2141 = arith.constant 48 : index
        %get3A_2142 = tpu.vector_load %arg12[%get3A_2140, %get3A_2141] {strides = array<i32>} : memref<512x64xi32, #tpu.memory_space<vmem>>, vector<16xi32>,
        %shift_left3A_2143 = arith.constant 16 : i32
        %shift_left3A_2144 = vector.broadcast %shift_left3A_2143 : i32 to vector<16xi32>
        %shift_left3A_2145 = arith.shli %get3A_2142, %shift_left3A_2144 : vector<16xi32>
        %bitcast3A_2146 = vector.bitcast %shift_left3A_2145 : vector<16xi32> to vector<16xf32>
        %add3A_2147 = arith.addf %add3A_2132, %bitcast3A_2146 : vector<16xf32>
        %and3A_2148 = arith.constant -65536 : i32
        %and3A_2149 = vector.broadcast %and3A_2148 : i32 to vector<16xi32>
        %and3A_2150 = arith.andi %get3A_2142, %and3A_2149 : vector<16xi32>
        %bitcast3A_2151 = vector.bitcast %and3A_2150 : vector<16xi32> to vector<16xf32>
        %add3A_2152 = arith.addf %add3A_2137, %bitcast3A_2151 : vector<16xf32>
        %add3A_2153 = arith.constant 28 : i32
        %add3A_2154 = arith.addi %mul3A_229, %add3A_2153 : i32
        %get3A_2155 = arith.index_cast %add3A_2154 : i32 to index
        %get3A_2156 = arith.constant 48 : index
        %get3A_2157 = tpu.vector_load %arg12[%get3A_2155, %get3A_2156] {strides = array<i32>} : memref<512x64xi32, #tpu.memory_space<vmem>>, vector<16xi32>,
        %shift_left3A_2158 = arith.constant 16 : i32
        %shift_left3A_2159 = vector.broadcast %shift_left3A_2158 : i32 to vector<16xi32>
        %shift_left3A_2160 = arith.shli %get3A_2157, %shift_left3A_2159 : vector<16xi32>
        %bitcast3A_2161 = vector.bitcast %shift_left3A_2160 : vector<16xi32> to vector<16xf32>
        %add3A_2162 = arith.addf %add3A_2147, %bitcast3A_2161 : vector<16xf32>
        %and3A_2163 = arith.constant -65536 : i32
        %and3A_2164 = vector.broadcast %and3A_2163 : i32 to vector<16xi32>
        %and3A_2165 = arith.andi %get3A_2157, %and3A_2164 : vector<16xi32>
        %bitcast3A_2166 = vector.bitcast %and3A_2165 : vector<16xi32> to vector<16xf32>
        %add3A_2167 = arith.addf %add3A_2152, %bitcast3A_2166 : vector<16xf32>
        %add3A_2168 = arith.constant 29 : i32
        %add3A_2169 = arith.addi %mul3A_229, %add3A_2168 : i32
        %get3A_2170 = arith.index_cast %add3A_2169 : i32 to index
        %get3A_2171 = arith.constant 48 : index
        %get3A_2172 = tpu.vector_load %arg12[%get3A_2170, %get3A_2171] {strides = array<i32>} : memref<512x64xi32, #tpu.memory_space<vmem>>, vector<16xi32>,
        %shift_left3A_2173 = arith.constant 16 : i32
        %shift_left3A_2174 = vector.broadcast %shift_left3A_2173 : i32 to vector<16xi32>
        %shift_left3A_2175 = arith.shli %get3A_2172, %shift_left3A_2174 : vector<16xi32>
        %bitcast3A_2176 = vector.bitcast %shift_left3A_2175 : vector<16xi32> to vector<16xf32>
        %add3A_2177 = arith.addf %add3A_2162, %bitcast3A_2176 : vector<16xf32>
        %and3A_2178 = arith.constant -65536 : i32
        %and3A_2179 = vector.broadcast %and3A_2178 : i32 to vector<16xi32>
        %and3A_2180 = arith.andi %get3A_2172, %and3A_2179 : vector<16xi32>
        %bitcast3A_2181 = vector.bitcast %and3A_2180 : vector<16xi32> to vector<16xf32>
        %add3A_2182 = arith.addf %add3A_2167, %bitcast3A_2181 : vector<16xf32>
        %add3A_2183 = arith.constant 30 : i32
        %add3A_2184 = arith.addi %mul3A_229, %add3A_2183 : i32
        %get3A_2185 = arith.index_cast %add3A_2184 : i32 to index
        %get3A_2186 = arith.constant 48 : index
        %get3A_2187 = tpu.vector_load %arg12[%get3A_2185, %get3A_2186] {strides = array<i32>} : memref<512x64xi32, #tpu.memory_space<vmem>>, vector<16xi32>,
        %shift_left3A_2188 = arith.constant 16 : i32
        %shift_left3A_2189 = vector.broadcast %shift_left3A_2188 : i32 to vector<16xi32>
        %shift_left3A_2190 = arith.shli %get3A_2187, %shift_left3A_2189 : vector<16xi32>
        %bitcast3A_2191 = vector.bitcast %shift_left3A_2190 : vector<16xi32> to vector<16xf32>
        %add3A_2192 = arith.addf %add3A_2177, %bitcast3A_2191 : vector<16xf32>
        %and3A_2193 = arith.constant -65536 : i32
        %and3A_2194 = vector.broadcast %and3A_2193 : i32 to vector<16xi32>
        %and3A_2195 = arith.andi %get3A_2187, %and3A_2194 : vector<16xi32>
        %bitcast3A_2196 = vector.bitcast %and3A_2195 : vector<16xi32> to vector<16xf32>
        %add3A_2197 = arith.addf %add3A_2182, %bitcast3A_2196 : vector<16xf32>
        %add3A_2198 = arith.constant 31 : i32
        %add3A_2199 = arith.addi %mul3A_229, %add3A_2198 : i32
        %get3A_2200 = arith.index_cast %add3A_2199 : i32 to index
        %get3A_2201 = arith.constant 48 : index
        %get3A_2202 = tpu.vector_load %arg12[%get3A_2200, %get3A_2201] {strides = array<i32>} : memref<512x64xi32, #tpu.memory_space<vmem>>, vector<16xi32>,
        %shift_left3A_2203 = arith.constant 16 : i32
        %shift_left3A_2204 = vector.broadcast %shift_left3A_2203 : i32 to vector<16xi32>
        %shift_left3A_2205 = arith.shli %get3A_2202, %shift_left3A_2204 : vector<16xi32>
        %bitcast3A_2206 = vector.bitcast %shift_left3A_2205 : vector<16xi32> to vector<16xf32>
        %add3A_2207 = arith.addf %add3A_2192, %bitcast3A_2206 : vector<16xf32>
        %and3A_2208 = arith.constant -65536 : i32
        %and3A_2209 = vector.broadcast %and3A_2208 : i32 to vector<16xi32>
        %and3A_2210 = arith.andi %get3A_2202, %and3A_2209 : vector<16xi32>
        %bitcast3A_2211 = vector.bitcast %and3A_2210 : vector<16xi32> to vector<16xf32>
        %add3A_2212 = arith.addf %add3A_2197, %bitcast3A_2211 : vector<16xf32>
        %get3A_2213 = arith.index_cast %add3A_227 : i32 to index
        %get3A_2214 = arith.constant 96 : index
        %get3A_2215 = tpu.vector_load %arg13[%get3A_2213, %get3A_2214] {strides = array<i32>} : memref<16x128xf32, #tpu.memory_space<vmem>>, vector<16xf32>,
        %get3A_2216 = arith.index_cast %add3A_227 : i32 to index
        %get3A_2217 = arith.constant 96 : index
        %get3A_2218 = tpu.vector_load %arg14[%get3A_2216, %get3A_2217] {strides = array<i32>} : memref<16x128xf32, #tpu.memory_space<vmem>>, vector<16xf32>,
        %add3A_2219 = arith.addf %get3A_2215, %get3A_2218 : vector<16xf32>
        %mul3A_2220 = arith.constant 3.125000e-02 : f32
        %mul3A_2221 = vector.broadcast %mul3A_2220 : f32 to vector<16xf32>
        %mul3A_2222 = arith.mulf %add3A_2207, %mul3A_2221 : vector<16xf32>
        %add3A_2223 = arith.addf %add3A_2219, %mul3A_2222 : vector<16xf32>
        %swap3A_2224 = arith.index_cast %add3A_227 : i32 to index
        %swap3A_2225 = arith.constant 96 : index
        %swap3A_2226 = tpu.vector_load %arg15[%swap3A_2224, %swap3A_2225] {strides = array<i32>} : memref<16x128xf32, #tpu.memory_space<vmem>>, vector<16xf32>,
        tpu.vector_store %arg15[%swap3A_2224, %swap3A_2225], %add3A_2223 {strides = array<i32>} : memref<16x128xf32, #tpu.memory_space<vmem>>, vector<16xf32>,
        %get3A_2227 = arith.index_cast %add3A_227 : i32 to index
        %get3A_2228 = arith.constant 112 : index
        %get3A_2229 = tpu.vector_load %arg13[%get3A_2227, %get3A_2228] {strides = array<i32>} : memref<16x128xf32, #tpu.memory_space<vmem>>, vector<16xf32>,
        %get3A_2230 = arith.index_cast %add3A_227 : i32 to index
        %get3A_2231 = arith.constant 112 : index
        %get3A_2232 = tpu.vector_load %arg14[%get3A_2230, %get3A_2231] {strides = array<i32>} : memref<16x128xf32, #tpu.memory_space<vmem>>, vector<16xf32>,
        %add3A_2233 = arith.addf %get3A_2229, %get3A_2232 : vector<16xf32>
        %mul3A_2234 = arith.constant 3.125000e-02 : f32
        %mul3A_2235 = vector.broadcast %mul3A_2234 : f32 to vector<16xf32>
        %mul3A_2236 = arith.mulf %add3A_2212, %mul3A_2235 : vector<16xf32>
        %add3A_2237 = arith.addf %add3A_2233, %mul3A_2236 : vector<16xf32>
        %swap3A_2238 = arith.index_cast %add3A_227 : i32 to index
        %swap3A_2239 = arith.constant 112 : index
        %swap3A_2240 = tpu.vector_load %arg15[%swap3A_2238, %swap3A_2239] {strides = array<i32>} : memref<16x128xf32, #tpu.memory_space<vmem>>, vector<16xf32>,
        tpu.vector_store %arg15[%swap3A_2238, %swap3A_2239], %add3A_2237 {strides = array<i32>} : memref<16x128xf32, #tpu.memory_space<vmem>>, vector<16xf32>,
        %scan3A_2241 = arith.constant 0 : i32
        scf.yield %scan3A_2241 : i32
      }
      %scan3A_146 = arith.constant 8 : i32
      %mul3A_147 = arith.constant 128 : i32
      %mul3A_148 = arith.muli %add3A, %mul3A_147 : i32
      %add3A_149 = arith.addi %mul3A_148, %add3A_96 : i32
      %mul3A_150 = arith.constant 8 : i32
      %mul3A_151 = arith.muli %add3A_149, %mul3A_150 : i32
      "tpu.region"() ({
        %run_scoped3A = tpu.sem_alloc : memref<!tpu.dma_semaphore, #tpu.memory_space<semaphore_mem>>
        %dma_start3A_224 = arith.constant 0 : i32
        %dma_start3A_225 = arith.constant 0 : i32
        %dma_start3A_226 = tpu.memref_slice %arg15[%dma_start3A_224, %dma_start3A_225] : memref<16x128xf32, #tpu.memory_space<vmem>> -> memref<8x128xf32, #tpu.memory_space<vmem>>
        %dma_start3A_227 = arith.constant 0 : i32
        %dma_start3A_228 = tpu.memref_slice %arg8[%mul3A_151, %dma_start3A_227] : memref<32768x128xf32, #tpu.memory_space<hbm>> -> memref<8x128xf32, #tpu.memory_space<hbm>>
        %dma_start3A_229 = arith.constant 0 : i32
        %dma_start3A_230 = tpu.memref_slice %arg8[%mul3A_151, %dma_start3A_229] : memref<32768x128xf32, #tpu.memory_space<hbm>> -> memref<8x128xf32, #tpu.memory_space<hbm>>
        %dma_start3A_231 = arith.constant 0 : i32
        %dma_start3A_232 = arith.constant 0 : i32
        %dma_start3A_233 = tpu.memref_slice %arg15[%dma_start3A_231, %dma_start3A_232] : memref<16x128xf32, #tpu.memory_space<vmem>> -> memref<8x128xf32, #tpu.memory_space<vmem>>
        tpu.enqueue_dma source(%dma_start3A_233 : memref<8x128xf32, #tpu.memory_space<vmem>>) target(%dma_start3A_230 : memref<8x128xf32, #tpu.memory_space<hbm>>) target_semaphore(%run_scoped3A : memref<!tpu.dma_semaphore, #tpu.memory_space<semaphore_mem>>)
        %dma_wait3A_234 = arith.constant 0 : i32
        %dma_wait3A_235 = arith.constant 0 : i32
        %dma_wait3A_236 = tpu.memref_slice %arg15[%dma_wait3A_234, %dma_wait3A_235] : memref<16x128xf32, #tpu.memory_space<vmem>> -> memref<8x128xf32, #tpu.memory_space<vmem>>
        %dma_wait3A_237 = arith.constant 0 : i32
        %dma_wait3A_238 = tpu.memref_slice %arg8[%mul3A_151, %dma_wait3A_237] : memref<32768x128xf32, #tpu.memory_space<hbm>> -> memref<8x128xf32, #tpu.memory_space<hbm>>
        %dma_wait3A_239 = arith.constant 0 : i32
        %dma_wait3A_240 = tpu.memref_slice %arg8[%mul3A_151, %dma_wait3A_239] : memref<32768x128xf32, #tpu.memory_space<hbm>> -> memref<8x128xf32, #tpu.memory_space<hbm>>
        %dma_wait3A_241 = arith.constant 0 : i32
        %dma_wait3A_242 = arith.constant 0 : i32
        %dma_wait3A_243 = tpu.memref_slice %arg15[%dma_wait3A_241, %dma_wait3A_242] : memref<16x128xf32, #tpu.memory_space<vmem>> -> memref<8x128xf32, #tpu.memory_space<vmem>>
        tpu.wait_dma2 semaphore(%run_scoped3A : memref<!tpu.dma_semaphore, #tpu.memory_space<semaphore_mem>>) src(%dma_wait3A_243 : memref<8x128xf32, #tpu.memory_space<vmem>>) dst(%dma_wait3A_240 : memref<8x128xf32, #tpu.memory_space<hbm>>)
        tpu.yield
      }) : () -> ()
      %add3A_152 = arith.constant 2 : i32
      %add3A_153 = arith.addi %add3A_96, %add3A_152 : i32
      %lt3A = arith.constant 128 : i32
      %lt3A_154 = arith.cmpi slt, %add3A_153, %lt3A : i32
      %convert_element_type3A = arith.extui %lt3A_154 : i1 to i32
      %cond3A = arith.constant 0 : i32
      %cond3A_155 = arith.cmpi ne, %convert_element_type3A, %cond3A : i32
      scf.if %cond3A_155 {
        %add3A_224 = arith.constant 2 : i32
        %add3A_225 = arith.addi %add3A_96, %add3A_224 : i32
        %mul3A_226 = arith.constant 2 : i32
        %mul3A_227 = arith.muli %add3A_225, %mul3A_226 : i32
        %add3A_228 = arith.constant 0 : i32
        %add3A_229 = arith.addi %mul3A_227, %add3A_228 : i32
        %mul3A_230 = arith.constant 2 : i32
        %mul3A_231 = arith.muli %add3A_225, %mul3A_230 : i32
        %add3A_232 = arith.constant 1 : i32
        %add3A_233 = arith.addi %mul3A_231, %add3A_232 : i32
        %mul3A_234 = arith.constant 8 : i32
        %mul3A_235 = arith.muli %add3A_225, %mul3A_234 : i32
        %mul3A_236 = arith.constant 8 : i32
        %mul3A_237 = arith.muli %add3A_225, %mul3A_236 : i32
        %dma_start3A_238 = arith.constant 0 : i32
        %dma_start3A_239 = arith.constant 0 : i32
        %dma_start3A_240 = tpu.memref_slice %arg12[%dma_start3A_238, %dma_start3A_239] : memref<512x64xi32, #tpu.memory_space<vmem>> -> memref<128x64xi32, #tpu.memory_space<vmem>>
        %dma_start3A_241 = arith.constant 0 : i32
        %dma_start3A_242 = tpu.memref_slice %arg10[%add3A_229, %dma_start3A_241] : memref<256x128xi32, #tpu.memory_space<vmem>> -> memref<1x128xi32, #tpu.memory_space<vmem>>
        %dma_start3A_243 = tpu.memref_squeeze %dma_start3A_242 : memref<1x128xi32, #tpu.memory_space<vmem>> -> memref<128xi32, #tpu.memory_space<vmem>>
        %dma_start3A_244 = arith.constant 0 : i32
        %dma_start3A_245 = arith.constant 0 : i32
        %dma_start3A_246 = tpu.memref_slice %arg6[%dma_start3A_244, %dma_start3A_245] : memref<100000x64xi32, #tpu.memory_space<hbm>> -> memref<100000x64xi32, #tpu.memory_space<hbm>>
        tpu.enqueue_indirect_dma source(%dma_start3A_246 : memref<100000x64xi32, #tpu.memory_space<hbm>>) target(%dma_start3A_240 : memref<128x64xi32, #tpu.memory_space<vmem>>) offsets(%dma_start3A_243 : memref<128xi32, #tpu.memory_space<vmem>>) semaphore(%arg16 : memref<!tpu.dma_semaphore, #tpu.memory_space<semaphore_mem>>)
        %dma_start3A_247 = arith.constant 128 : i32
        %dma_start3A_248 = arith.constant 0 : i32
        %dma_start3A_249 = tpu.memref_slice %arg12[%dma_start3A_247, %dma_start3A_248] : memref<512x64xi32, #tpu.memory_space<vmem>> -> memref<128x64xi32, #tpu.memory_space<vmem>>
        %dma_start3A_250 = arith.constant 0 : i32
        %dma_start3A_251 = tpu.memref_slice %arg10[%add3A_233, %dma_start3A_250] : memref<256x128xi32, #tpu.memory_space<vmem>> -> memref<1x128xi32, #tpu.memory_space<vmem>>
        %dma_start3A_252 = tpu.memref_squeeze %dma_start3A_251 : memref<1x128xi32, #tpu.memory_space<vmem>> -> memref<128xi32, #tpu.memory_space<vmem>>
        %dma_start3A_253 = arith.constant 0 : i32
        %dma_start3A_254 = arith.constant 0 : i32
        %dma_start3A_255 = tpu.memref_slice %arg6[%dma_start3A_253, %dma_start3A_254] : memref<100000x64xi32, #tpu.memory_space<hbm>> -> memref<100000x64xi32, #tpu.memory_space<hbm>>
        tpu.enqueue_indirect_dma source(%dma_start3A_255 : memref<100000x64xi32, #tpu.memory_space<hbm>>) target(%dma_start3A_249 : memref<128x64xi32, #tpu.memory_space<vmem>>) offsets(%dma_start3A_252 : memref<128xi32, #tpu.memory_space<vmem>>) semaphore(%arg16 : memref<!tpu.dma_semaphore, #tpu.memory_space<semaphore_mem>>)
        %dma_start3A_256 = arith.constant 0 : i32
        %dma_start3A_257 = arith.constant 0 : i32
        %dma_start3A_258 = tpu.memref_slice %arg13[%dma_start3A_256, %dma_start3A_257] : memref<16x128xf32, #tpu.memory_space<vmem>> -> memref<8x128xf32, #tpu.memory_space<vmem>>
        %dma_start3A_259 = tpu.memref_slice %arg9[%mul3A_235] : memref<1024xi32, #tpu.memory_space<vmem>> -> memref<8xi32, #tpu.memory_space<vmem>>
        %dma_start3A_260 = arith.constant 0 : i32
        %dma_start3A_261 = arith.constant 0 : i32
        %dma_start3A_262 = tpu.memref_slice %arg5[%dma_start3A_260, %dma_start3A_261] : memref<100000x128xf32, #tpu.memory_space<hbm>> -> memref<100000x128xf32, #tpu.memory_space<hbm>>
        tpu.enqueue_indirect_dma source(%dma_start3A_262 : memref<100000x128xf32, #tpu.memory_space<hbm>>) target(%dma_start3A_258 : memref<8x128xf32, #tpu.memory_space<vmem>>) offsets(%dma_start3A_259 : memref<8xi32, #tpu.memory_space<vmem>>) semaphore(%arg16 : memref<!tpu.dma_semaphore, #tpu.memory_space<semaphore_mem>>)
        %dma_start3A_263 = arith.constant 0 : i32
        %dma_start3A_264 = arith.constant 0 : i32
        %dma_start3A_265 = tpu.memref_slice %arg14[%dma_start3A_263, %dma_start3A_264] : memref<16x128xf32, #tpu.memory_space<vmem>> -> memref<8x128xf32, #tpu.memory_space<vmem>>
        %dma_start3A_266 = tpu.memref_slice %arg11[%mul3A_237] : memref<1024xi32, #tpu.memory_space<vmem>> -> memref<8xi32, #tpu.memory_space<vmem>>
        %dma_start3A_267 = arith.constant 0 : i32
        %dma_start3A_268 = arith.constant 0 : i32
        %dma_start3A_269 = tpu.memref_slice %arg7[%dma_start3A_267, %dma_start3A_268] : memref<64x128xf32, #tpu.memory_space<hbm>> -> memref<64x128xf32, #tpu.memory_space<hbm>>
        tpu.enqueue_indirect_dma source(%dma_start3A_269 : memref<64x128xf32, #tpu.memory_space<hbm>>) target(%dma_start3A_265 : memref<8x128xf32, #tpu.memory_space<vmem>>) offsets(%dma_start3A_266 : memref<8xi32, #tpu.memory_space<vmem>>) semaphore(%arg16 : memref<!tpu.dma_semaphore, #tpu.memory_space<semaphore_mem>>)
      } else {
      }
      %mul3A_156 = arith.constant 2 : i32
      %mul3A_157 = arith.muli %scan3A_91, %mul3A_156 : i32
      %add3A_158 = arith.constant 1 : i32
      %add3A_159 = arith.addi %mul3A_157, %add3A_158 : i32
      %mul3A_160 = arith.constant 2 : i32
      %mul3A_161 = arith.muli %add3A_159, %mul3A_160 : i32
      %add3A_162 = arith.constant 0 : i32
      %add3A_163 = arith.addi %mul3A_161, %add3A_162 : i32
      %mul3A_164 = arith.constant 2 : i32
      %mul3A_165 = arith.muli %add3A_159, %mul3A_164 : i32
      %add3A_166 = arith.constant 1 : i32
      %add3A_167 = arith.addi %mul3A_165, %add3A_166 : i32
      %mul3A_168 = arith.constant 8 : i32
      %mul3A_169 = arith.muli %add3A_159, %mul3A_168 : i32
      %mul3A_170 = arith.constant 8 : i32
      %mul3A_171 = arith.muli %add3A_159, %mul3A_170 : i32
      %dma_wait3A_172 = arith.constant 256 : i32
      %dma_wait3A_173 = arith.constant 0 : i32
      %dma_wait3A_174 = tpu.memref_slice %arg12[%dma_wait3A_172, %dma_wait3A_173] : memref<512x64xi32, #tpu.memory_space<vmem>> -> memref<128x64xi32, #tpu.memory_space<vmem>>
      %dma_wait3A_175 = arith.constant 0 : i32
      %dma_wait3A_176 = tpu.memref_slice %arg10[%add3A_163, %dma_wait3A_175] : memref<256x128xi32, #tpu.memory_space<vmem>> -> memref<1x128xi32, #tpu.memory_space<vmem>>
      %dma_wait3A_177 = tpu.memref_squeeze %dma_wait3A_176 : memref<1x128xi32, #tpu.memory_space<vmem>> -> memref<128xi32, #tpu.memory_space<vmem>>
      %dma_wait3A_178 = arith.constant 0 : i32
      %dma_wait3A_179 = arith.constant 0 : i32
      %dma_wait3A_180 = tpu.memref_slice %arg6[%dma_wait3A_178, %dma_wait3A_179] : memref<100000x64xi32, #tpu.memory_space<hbm>> -> memref<100000x64xi32, #tpu.memory_space<hbm>>
      tpu.wait_indirect_dma semaphore(%arg17 : memref<!tpu.dma_semaphore, #tpu.memory_space<semaphore_mem>>) src(%dma_wait3A_180 : memref<100000x64xi32, #tpu.memory_space<hbm>>) dst(%dma_wait3A_174 : memref<128x64xi32, #tpu.memory_space<vmem>>)
      %dma_wait3A_181 = arith.constant 384 : i32
      %dma_wait3A_182 = arith.constant 0 : i32
      %dma_wait3A_183 = tpu.memref_slice %arg12[%dma_wait3A_181, %dma_wait3A_182] : memref<512x64xi32, #tpu.memory_space<vmem>> -> memref<128x64xi32, #tpu.memory_space<vmem>>
      %dma_wait3A_184 = arith.constant 0 : i32
      %dma_wait3A_185 = tpu.memref_slice %arg10[%add3A_167, %dma_wait3A_184] : memref<256x128xi32, #tpu.memory_space<vmem>> -> memref<1x128xi32, #tpu.memory_space<vmem>>
      %dma_wait3A_186 = tpu.memref_squeeze %dma_wait3A_185 : memref<1x128xi32, #tpu.memory_space<vmem>> -> memref<128xi32, #tpu.memory_space<vmem>>
      %dma_wait3A_187 = arith.constant 0 : i32
      %dma_wait3A_188 = arith.constant 0 : i32
      %dma_wait3A_189 = tpu.memref_slice %arg6[%dma_wait3A_187, %dma_wait3A_188] : memref<100000x64xi32, #tpu.memory_space<hbm>> -> memref<100000x64xi32, #tpu.memory_space<hbm>>
      tpu.wait_indirect_dma semaphore(%arg17 : memref<!tpu.dma_semaphore, #tpu.memory_space<semaphore_mem>>) src(%dma_wait3A_189 : memref<100000x64xi32, #tpu.memory_space<hbm>>) dst(%dma_wait3A_183 : memref<128x64xi32, #tpu.memory_space<vmem>>)
      %dma_wait3A_190 = arith.constant 8 : i32
      %dma_wait3A_191 = arith.constant 0 : i32
      %dma_wait3A_192 = tpu.memref_slice %arg13[%dma_wait3A_190, %dma_wait3A_191] : memref<16x128xf32, #tpu.memory_space<vmem>> -> memref<8x128xf32, #tpu.memory_space<vmem>>
      %dma_wait3A_193 = tpu.memref_slice %arg9[%mul3A_169] : memref<1024xi32, #tpu.memory_space<vmem>> -> memref<8xi32, #tpu.memory_space<vmem>>
      %dma_wait3A_194 = arith.constant 0 : i32
      %dma_wait3A_195 = arith.constant 0 : i32
      %dma_wait3A_196 = tpu.memref_slice %arg5[%dma_wait3A_194, %dma_wait3A_195] : memref<100000x128xf32, #tpu.memory_space<hbm>> -> memref<100000x128xf32, #tpu.memory_space<hbm>>
      tpu.wait_indirect_dma semaphore(%arg17 : memref<!tpu.dma_semaphore, #tpu.memory_space<semaphore_mem>>) src(%dma_wait3A_196 : memref<100000x128xf32, #tpu.memory_space<hbm>>) dst(%dma_wait3A_192 : memref<8x128xf32, #tpu.memory_space<vmem>>)
      %dma_wait3A_197 = arith.constant 8 : i32
      %dma_wait3A_198 = arith.constant 0 : i32
      %dma_wait3A_199 = tpu.memref_slice %arg14[%dma_wait3A_197, %dma_wait3A_198] : memref<16x128xf32, #tpu.memory_space<vmem>> -> memref<8x128xf32, #tpu.memory_space<vmem>>
      %dma_wait3A_200 = tpu.memref_slice %arg11[%mul3A_171] : memref<1024xi32, #tpu.memory_space<vmem>> -> memref<8xi32, #tpu.memory_space<vmem>>
      %dma_wait3A_201 = arith.constant 0 : i32
      %dma_wait3A_202 = arith.constant 0 : i32
      %dma_wait3A_203 = tpu.memref_slice %arg7[%dma_wait3A_201, %dma_wait3A_202] : memref<64x128xf32, #tpu.memory_space<hbm>> -> memref<64x128xf32, #tpu.memory_space<hbm>>
      tpu.wait_indirect_dma semaphore(%arg17 : memref<!tpu.dma_semaphore, #tpu.memory_space<semaphore_mem>>) src(%dma_wait3A_203 : memref<64x128xf32, #tpu.memory_space<hbm>>) dst(%dma_wait3A_199 : memref<8x128xf32, #tpu.memory_space<vmem>>)
      %scan3A_204 = arith.constant 0 : i32
      %scan3A_205 = arith.constant 0 : i32
      %scan3A_206 = arith.constant 8 : i32
      %scan3A_207 = arith.addi %scan3A_205, %scan3A_206 : i32
      %scan3A_208 = arith.constant 1 : i32
      %scan3A_209 = scf.for %scan3A_224 = %scan3A_205 to %scan3A_207 step %scan3A_208 iter_args(%scan3A_225 = %scan3A_204) -> (i32)  : i32 {
        %add3A_226 = arith.constant 8 : i32
        %add3A_227 = arith.addi %add3A_226, %scan3A_224 : i32
        %mul3A_228 = arith.constant 32 : i32
        %mul3A_229 = arith.muli %add3A_227, %mul3A_228 : i32
        %get3A = arith.index_cast %mul3A_229 : i32 to index
        %get3A_230 = arith.constant 0 : index
        %get3A_231 = tpu.vector_load %arg12[%get3A, %get3A_230] {strides = array<i32>} : memref<512x64xi32, #tpu.memory_space<vmem>>, vector<16xi32>,
        %shift_left3A = arith.constant 16 : i32
        %shift_left3A_232 = vector.broadcast %shift_left3A : i32 to vector<16xi32>
        %shift_left3A_233 = arith.shli %get3A_231, %shift_left3A_232 : vector<16xi32>
        %bitcast3A = vector.bitcast %shift_left3A_233 : vector<16xi32> to vector<16xf32>
        %and3A = arith.constant -65536 : i32
        %and3A_234 = vector.broadcast %and3A : i32 to vector<16xi32>
        %and3A_235 = arith.andi %get3A_231, %and3A_234 : vector<16xi32>
        %bitcast3A_236 = vector.bitcast %and3A_235 : vector<16xi32> to vector<16xf32>
        %add3A_237 = arith.constant 1 : i32
        %add3A_238 = arith.addi %mul3A_229, %add3A_237 : i32
        %get3A_239 = arith.index_cast %add3A_238 : i32 to index
        %get3A_240 = arith.constant 0 : index
        %get3A_241 = tpu.vector_load %arg12[%get3A_239, %get3A_240] {strides = array<i32>} : memref<512x64xi32, #tpu.memory_space<vmem>>, vector<16xi32>,
        %shift_left3A_242 = arith.constant 16 : i32
        %shift_left3A_243 = vector.broadcast %shift_left3A_242 : i32 to vector<16xi32>
        %shift_left3A_244 = arith.shli %get3A_241, %shift_left3A_243 : vector<16xi32>
        %bitcast3A_245 = vector.bitcast %shift_left3A_244 : vector<16xi32> to vector<16xf32>
        %add3A_246 = arith.addf %bitcast3A, %bitcast3A_245 : vector<16xf32>
        %and3A_247 = arith.constant -65536 : i32
        %and3A_248 = vector.broadcast %and3A_247 : i32 to vector<16xi32>
        %and3A_249 = arith.andi %get3A_241, %and3A_248 : vector<16xi32>
        %bitcast3A_250 = vector.bitcast %and3A_249 : vector<16xi32> to vector<16xf32>
        %add3A_251 = arith.addf %bitcast3A_236, %bitcast3A_250 : vector<16xf32>
        %add3A_252 = arith.constant 2 : i32
        %add3A_253 = arith.addi %mul3A_229, %add3A_252 : i32
        %get3A_254 = arith.index_cast %add3A_253 : i32 to index
        %get3A_255 = arith.constant 0 : index
        %get3A_256 = tpu.vector_load %arg12[%get3A_254, %get3A_255] {strides = array<i32>} : memref<512x64xi32, #tpu.memory_space<vmem>>, vector<16xi32>,
        %shift_left3A_257 = arith.constant 16 : i32
        %shift_left3A_258 = vector.broadcast %shift_left3A_257 : i32 to vector<16xi32>
        %shift_left3A_259 = arith.shli %get3A_256, %shift_left3A_258 : vector<16xi32>
        %bitcast3A_260 = vector.bitcast %shift_left3A_259 : vector<16xi32> to vector<16xf32>
        %add3A_261 = arith.addf %add3A_246, %bitcast3A_260 : vector<16xf32>
        %and3A_262 = arith.constant -65536 : i32
        %and3A_263 = vector.broadcast %and3A_262 : i32 to vector<16xi32>
        %and3A_264 = arith.andi %get3A_256, %and3A_263 : vector<16xi32>
        %bitcast3A_265 = vector.bitcast %and3A_264 : vector<16xi32> to vector<16xf32>
        %add3A_266 = arith.addf %add3A_251, %bitcast3A_265 : vector<16xf32>
        %add3A_267 = arith.constant 3 : i32
        %add3A_268 = arith.addi %mul3A_229, %add3A_267 : i32
        %get3A_269 = arith.index_cast %add3A_268 : i32 to index
        %get3A_270 = arith.constant 0 : index
        %get3A_271 = tpu.vector_load %arg12[%get3A_269, %get3A_270] {strides = array<i32>} : memref<512x64xi32, #tpu.memory_space<vmem>>, vector<16xi32>,
        %shift_left3A_272 = arith.constant 16 : i32
        %shift_left3A_273 = vector.broadcast %shift_left3A_272 : i32 to vector<16xi32>
        %shift_left3A_274 = arith.shli %get3A_271, %shift_left3A_273 : vector<16xi32>
        %bitcast3A_275 = vector.bitcast %shift_left3A_274 : vector<16xi32> to vector<16xf32>
        %add3A_276 = arith.addf %add3A_261, %bitcast3A_275 : vector<16xf32>
        %and3A_277 = arith.constant -65536 : i32
        %and3A_278 = vector.broadcast %and3A_277 : i32 to vector<16xi32>
        %and3A_279 = arith.andi %get3A_271, %and3A_278 : vector<16xi32>
        %bitcast3A_280 = vector.bitcast %and3A_279 : vector<16xi32> to vector<16xf32>
        %add3A_281 = arith.addf %add3A_266, %bitcast3A_280 : vector<16xf32>
        %add3A_282 = arith.constant 4 : i32
        %add3A_283 = arith.addi %mul3A_229, %add3A_282 : i32
        %get3A_284 = arith.index_cast %add3A_283 : i32 to index
        %get3A_285 = arith.constant 0 : index
        %get3A_286 = tpu.vector_load %arg12[%get3A_284, %get3A_285] {strides = array<i32>} : memref<512x64xi32, #tpu.memory_space<vmem>>, vector<16xi32>,
        %shift_left3A_287 = arith.constant 16 : i32
        %shift_left3A_288 = vector.broadcast %shift_left3A_287 : i32 to vector<16xi32>
        %shift_left3A_289 = arith.shli %get3A_286, %shift_left3A_288 : vector<16xi32>
        %bitcast3A_290 = vector.bitcast %shift_left3A_289 : vector<16xi32> to vector<16xf32>
        %add3A_291 = arith.addf %add3A_276, %bitcast3A_290 : vector<16xf32>
        %and3A_292 = arith.constant -65536 : i32
        %and3A_293 = vector.broadcast %and3A_292 : i32 to vector<16xi32>
        %and3A_294 = arith.andi %get3A_286, %and3A_293 : vector<16xi32>
        %bitcast3A_295 = vector.bitcast %and3A_294 : vector<16xi32> to vector<16xf32>
        %add3A_296 = arith.addf %add3A_281, %bitcast3A_295 : vector<16xf32>
        %add3A_297 = arith.constant 5 : i32
        %add3A_298 = arith.addi %mul3A_229, %add3A_297 : i32
        %get3A_299 = arith.index_cast %add3A_298 : i32 to index
        %get3A_300 = arith.constant 0 : index
        %get3A_301 = tpu.vector_load %arg12[%get3A_299, %get3A_300] {strides = array<i32>} : memref<512x64xi32, #tpu.memory_space<vmem>>, vector<16xi32>,
        %shift_left3A_302 = arith.constant 16 : i32
        %shift_left3A_303 = vector.broadcast %shift_left3A_302 : i32 to vector<16xi32>
        %shift_left3A_304 = arith.shli %get3A_301, %shift_left3A_303 : vector<16xi32>
        %bitcast3A_305 = vector.bitcast %shift_left3A_304 : vector<16xi32> to vector<16xf32>
        %add3A_306 = arith.addf %add3A_291, %bitcast3A_305 : vector<16xf32>
        %and3A_307 = arith.constant -65536 : i32
        %and3A_308 = vector.broadcast %and3A_307 : i32 to vector<16xi32>
        %and3A_309 = arith.andi %get3A_301, %and3A_308 : vector<16xi32>
        %bitcast3A_310 = vector.bitcast %and3A_309 : vector<16xi32> to vector<16xf32>
        %add3A_311 = arith.addf %add3A_296, %bitcast3A_310 : vector<16xf32>
        %add3A_312 = arith.constant 6 : i32
        %add3A_313 = arith.addi %mul3A_229, %add3A_312 : i32
        %get3A_314 = arith.index_cast %add3A_313 : i32 to index
        %get3A_315 = arith.constant 0 : index
        %get3A_316 = tpu.vector_load %arg12[%get3A_314, %get3A_315] {strides = array<i32>} : memref<512x64xi32, #tpu.memory_space<vmem>>, vector<16xi32>,
        %shift_left3A_317 = arith.constant 16 : i32
        %shift_left3A_318 = vector.broadcast %shift_left3A_317 : i32 to vector<16xi32>
        %shift_left3A_319 = arith.shli %get3A_316, %shift_left3A_318 : vector<16xi32>
        %bitcast3A_320 = vector.bitcast %shift_left3A_319 : vector<16xi32> to vector<16xf32>
        %add3A_321 = arith.addf %add3A_306, %bitcast3A_320 : vector<16xf32>
        %and3A_322 = arith.constant -65536 : i32
        %and3A_323 = vector.broadcast %and3A_322 : i32 to vector<16xi32>
        %and3A_324 = arith.andi %get3A_316, %and3A_323 : vector<16xi32>
        %bitcast3A_325 = vector.bitcast %and3A_324 : vector<16xi32> to vector<16xf32>
        %add3A_326 = arith.addf %add3A_311, %bitcast3A_325 : vector<16xf32>
        %add3A_327 = arith.constant 7 : i32
        %add3A_328 = arith.addi %mul3A_229, %add3A_327 : i32
        %get3A_329 = arith.index_cast %add3A_328 : i32 to index
        %get3A_330 = arith.constant 0 : index
        %get3A_331 = tpu.vector_load %arg12[%get3A_329, %get3A_330] {strides = array<i32>} : memref<512x64xi32, #tpu.memory_space<vmem>>, vector<16xi32>,
        %shift_left3A_332 = arith.constant 16 : i32
        %shift_left3A_333 = vector.broadcast %shift_left3A_332 : i32 to vector<16xi32>
        %shift_left3A_334 = arith.shli %get3A_331, %shift_left3A_333 : vector<16xi32>
        %bitcast3A_335 = vector.bitcast %shift_left3A_334 : vector<16xi32> to vector<16xf32>
        %add3A_336 = arith.addf %add3A_321, %bitcast3A_335 : vector<16xf32>
        %and3A_337 = arith.constant -65536 : i32
        %and3A_338 = vector.broadcast %and3A_337 : i32 to vector<16xi32>
        %and3A_339 = arith.andi %get3A_331, %and3A_338 : vector<16xi32>
        %bitcast3A_340 = vector.bitcast %and3A_339 : vector<16xi32> to vector<16xf32>
        %add3A_341 = arith.addf %add3A_326, %bitcast3A_340 : vector<16xf32>
        %add3A_342 = arith.constant 8 : i32
        %add3A_343 = arith.addi %mul3A_229, %add3A_342 : i32
        %get3A_344 = arith.index_cast %add3A_343 : i32 to index
        %get3A_345 = arith.constant 0 : index
        %get3A_346 = tpu.vector_load %arg12[%get3A_344, %get3A_345] {strides = array<i32>} : memref<512x64xi32, #tpu.memory_space<vmem>>, vector<16xi32>,
        %shift_left3A_347 = arith.constant 16 : i32
        %shift_left3A_348 = vector.broadcast %shift_left3A_347 : i32 to vector<16xi32>
        %shift_left3A_349 = arith.shli %get3A_346, %shift_left3A_348 : vector<16xi32>
        %bitcast3A_350 = vector.bitcast %shift_left3A_349 : vector<16xi32> to vector<16xf32>
        %add3A_351 = arith.addf %add3A_336, %bitcast3A_350 : vector<16xf32>
        %and3A_352 = arith.constant -65536 : i32
        %and3A_353 = vector.broadcast %and3A_352 : i32 to vector<16xi32>
        %and3A_354 = arith.andi %get3A_346, %and3A_353 : vector<16xi32>
        %bitcast3A_355 = vector.bitcast %and3A_354 : vector<16xi32> to vector<16xf32>
        %add3A_356 = arith.addf %add3A_341, %bitcast3A_355 : vector<16xf32>
        %add3A_357 = arith.constant 9 : i32
        %add3A_358 = arith.addi %mul3A_229, %add3A_357 : i32
        %get3A_359 = arith.index_cast %add3A_358 : i32 to index
        %get3A_360 = arith.constant 0 : index
        %get3A_361 = tpu.vector_load %arg12[%get3A_359, %get3A_360] {strides = array<i32>} : memref<512x64xi32, #tpu.memory_space<vmem>>, vector<16xi32>,
        %shift_left3A_362 = arith.constant 16 : i32
        %shift_left3A_363 = vector.broadcast %shift_left3A_362 : i32 to vector<16xi32>
        %shift_left3A_364 = arith.shli %get3A_361, %shift_left3A_363 : vector<16xi32>
        %bitcast3A_365 = vector.bitcast %shift_left3A_364 : vector<16xi32> to vector<16xf32>
        %add3A_366 = arith.addf %add3A_351, %bitcast3A_365 : vector<16xf32>
        %and3A_367 = arith.constant -65536 : i32
        %and3A_368 = vector.broadcast %and3A_367 : i32 to vector<16xi32>
        %and3A_369 = arith.andi %get3A_361, %and3A_368 : vector<16xi32>
        %bitcast3A_370 = vector.bitcast %and3A_369 : vector<16xi32> to vector<16xf32>
        %add3A_371 = arith.addf %add3A_356, %bitcast3A_370 : vector<16xf32>
        %add3A_372 = arith.constant 10 : i32
        %add3A_373 = arith.addi %mul3A_229, %add3A_372 : i32
        %get3A_374 = arith.index_cast %add3A_373 : i32 to index
        %get3A_375 = arith.constant 0 : index
        %get3A_376 = tpu.vector_load %arg12[%get3A_374, %get3A_375] {strides = array<i32>} : memref<512x64xi32, #tpu.memory_space<vmem>>, vector<16xi32>,
        %shift_left3A_377 = arith.constant 16 : i32
        %shift_left3A_378 = vector.broadcast %shift_left3A_377 : i32 to vector<16xi32>
        %shift_left3A_379 = arith.shli %get3A_376, %shift_left3A_378 : vector<16xi32>
        %bitcast3A_380 = vector.bitcast %shift_left3A_379 : vector<16xi32> to vector<16xf32>
        %add3A_381 = arith.addf %add3A_366, %bitcast3A_380 : vector<16xf32>
        %and3A_382 = arith.constant -65536 : i32
        %and3A_383 = vector.broadcast %and3A_382 : i32 to vector<16xi32>
        %and3A_384 = arith.andi %get3A_376, %and3A_383 : vector<16xi32>
        %bitcast3A_385 = vector.bitcast %and3A_384 : vector<16xi32> to vector<16xf32>
        %add3A_386 = arith.addf %add3A_371, %bitcast3A_385 : vector<16xf32>
        %add3A_387 = arith.constant 11 : i32
        %add3A_388 = arith.addi %mul3A_229, %add3A_387 : i32
        %get3A_389 = arith.index_cast %add3A_388 : i32 to index
        %get3A_390 = arith.constant 0 : index
        %get3A_391 = tpu.vector_load %arg12[%get3A_389, %get3A_390] {strides = array<i32>} : memref<512x64xi32, #tpu.memory_space<vmem>>, vector<16xi32>,
        %shift_left3A_392 = arith.constant 16 : i32
        %shift_left3A_393 = vector.broadcast %shift_left3A_392 : i32 to vector<16xi32>
        %shift_left3A_394 = arith.shli %get3A_391, %shift_left3A_393 : vector<16xi32>
        %bitcast3A_395 = vector.bitcast %shift_left3A_394 : vector<16xi32> to vector<16xf32>
        %add3A_396 = arith.addf %add3A_381, %bitcast3A_395 : vector<16xf32>
        %and3A_397 = arith.constant -65536 : i32
        %and3A_398 = vector.broadcast %and3A_397 : i32 to vector<16xi32>
        %and3A_399 = arith.andi %get3A_391, %and3A_398 : vector<16xi32>
        %bitcast3A_400 = vector.bitcast %and3A_399 : vector<16xi32> to vector<16xf32>
        %add3A_401 = arith.addf %add3A_386, %bitcast3A_400 : vector<16xf32>
        %add3A_402 = arith.constant 12 : i32
        %add3A_403 = arith.addi %mul3A_229, %add3A_402 : i32
        %get3A_404 = arith.index_cast %add3A_403 : i32 to index
        %get3A_405 = arith.constant 0 : index
        %get3A_406 = tpu.vector_load %arg12[%get3A_404, %get3A_405] {strides = array<i32>} : memref<512x64xi32, #tpu.memory_space<vmem>>, vector<16xi32>,
        %shift_left3A_407 = arith.constant 16 : i32
        %shift_left3A_408 = vector.broadcast %shift_left3A_407 : i32 to vector<16xi32>
        %shift_left3A_409 = arith.shli %get3A_406, %shift_left3A_408 : vector<16xi32>
        %bitcast3A_410 = vector.bitcast %shift_left3A_409 : vector<16xi32> to vector<16xf32>
        %add3A_411 = arith.addf %add3A_396, %bitcast3A_410 : vector<16xf32>
        %and3A_412 = arith.constant -65536 : i32
        %and3A_413 = vector.broadcast %and3A_412 : i32 to vector<16xi32>
        %and3A_414 = arith.andi %get3A_406, %and3A_413 : vector<16xi32>
        %bitcast3A_415 = vector.bitcast %and3A_414 : vector<16xi32> to vector<16xf32>
        %add3A_416 = arith.addf %add3A_401, %bitcast3A_415 : vector<16xf32>
        %add3A_417 = arith.constant 13 : i32
        %add3A_418 = arith.addi %mul3A_229, %add3A_417 : i32
        %get3A_419 = arith.index_cast %add3A_418 : i32 to index
        %get3A_420 = arith.constant 0 : index
        %get3A_421 = tpu.vector_load %arg12[%get3A_419, %get3A_420] {strides = array<i32>} : memref<512x64xi32, #tpu.memory_space<vmem>>, vector<16xi32>,
        %shift_left3A_422 = arith.constant 16 : i32
        %shift_left3A_423 = vector.broadcast %shift_left3A_422 : i32 to vector<16xi32>
        %shift_left3A_424 = arith.shli %get3A_421, %shift_left3A_423 : vector<16xi32>
        %bitcast3A_425 = vector.bitcast %shift_left3A_424 : vector<16xi32> to vector<16xf32>
        %add3A_426 = arith.addf %add3A_411, %bitcast3A_425 : vector<16xf32>
        %and3A_427 = arith.constant -65536 : i32
        %and3A_428 = vector.broadcast %and3A_427 : i32 to vector<16xi32>
        %and3A_429 = arith.andi %get3A_421, %and3A_428 : vector<16xi32>
        %bitcast3A_430 = vector.bitcast %and3A_429 : vector<16xi32> to vector<16xf32>
        %add3A_431 = arith.addf %add3A_416, %bitcast3A_430 : vector<16xf32>
        %add3A_432 = arith.constant 14 : i32
        %add3A_433 = arith.addi %mul3A_229, %add3A_432 : i32
        %get3A_434 = arith.index_cast %add3A_433 : i32 to index
        %get3A_435 = arith.constant 0 : index
        %get3A_436 = tpu.vector_load %arg12[%get3A_434, %get3A_435] {strides = array<i32>} : memref<512x64xi32, #tpu.memory_space<vmem>>, vector<16xi32>,
        %shift_left3A_437 = arith.constant 16 : i32
        %shift_left3A_438 = vector.broadcast %shift_left3A_437 : i32 to vector<16xi32>
        %shift_left3A_439 = arith.shli %get3A_436, %shift_left3A_438 : vector<16xi32>
        %bitcast3A_440 = vector.bitcast %shift_left3A_439 : vector<16xi32> to vector<16xf32>
        %add3A_441 = arith.addf %add3A_426, %bitcast3A_440 : vector<16xf32>
        %and3A_442 = arith.constant -65536 : i32
        %and3A_443 = vector.broadcast %and3A_442 : i32 to vector<16xi32>
        %and3A_444 = arith.andi %get3A_436, %and3A_443 : vector<16xi32>
        %bitcast3A_445 = vector.bitcast %and3A_444 : vector<16xi32> to vector<16xf32>
        %add3A_446 = arith.addf %add3A_431, %bitcast3A_445 : vector<16xf32>
        %add3A_447 = arith.constant 15 : i32
        %add3A_448 = arith.addi %mul3A_229, %add3A_447 : i32
        %get3A_449 = arith.index_cast %add3A_448 : i32 to index
        %get3A_450 = arith.constant 0 : index
        %get3A_451 = tpu.vector_load %arg12[%get3A_449, %get3A_450] {strides = array<i32>} : memref<512x64xi32, #tpu.memory_space<vmem>>, vector<16xi32>,
        %shift_left3A_452 = arith.constant 16 : i32
        %shift_left3A_453 = vector.broadcast %shift_left3A_452 : i32 to vector<16xi32>
        %shift_left3A_454 = arith.shli %get3A_451, %shift_left3A_453 : vector<16xi32>
        %bitcast3A_455 = vector.bitcast %shift_left3A_454 : vector<16xi32> to vector<16xf32>
        %add3A_456 = arith.addf %add3A_441, %bitcast3A_455 : vector<16xf32>
        %and3A_457 = arith.constant -65536 : i32
        %and3A_458 = vector.broadcast %and3A_457 : i32 to vector<16xi32>
        %and3A_459 = arith.andi %get3A_451, %and3A_458 : vector<16xi32>
        %bitcast3A_460 = vector.bitcast %and3A_459 : vector<16xi32> to vector<16xf32>
        %add3A_461 = arith.addf %add3A_446, %bitcast3A_460 : vector<16xf32>
        %add3A_462 = arith.constant 16 : i32
        %add3A_463 = arith.addi %mul3A_229, %add3A_462 : i32
        %get3A_464 = arith.index_cast %add3A_463 : i32 to index
        %get3A_465 = arith.constant 0 : index
        %get3A_466 = tpu.vector_load %arg12[%get3A_464, %get3A_465] {strides = array<i32>} : memref<512x64xi32, #tpu.memory_space<vmem>>, vector<16xi32>,
        %shift_left3A_467 = arith.constant 16 : i32
        %shift_left3A_468 = vector.broadcast %shift_left3A_467 : i32 to vector<16xi32>
        %shift_left3A_469 = arith.shli %get3A_466, %shift_left3A_468 : vector<16xi32>
        %bitcast3A_470 = vector.bitcast %shift_left3A_469 : vector<16xi32> to vector<16xf32>
        %add3A_471 = arith.addf %add3A_456, %bitcast3A_470 : vector<16xf32>
        %and3A_472 = arith.constant -65536 : i32
        %and3A_473 = vector.broadcast %and3A_472 : i32 to vector<16xi32>
        %and3A_474 = arith.andi %get3A_466, %and3A_473 : vector<16xi32>
        %bitcast3A_475 = vector.bitcast %and3A_474 : vector<16xi32> to vector<16xf32>
        %add3A_476 = arith.addf %add3A_461, %bitcast3A_475 : vector<16xf32>
        %add3A_477 = arith.constant 17 : i32
        %add3A_478 = arith.addi %mul3A_229, %add3A_477 : i32
        %get3A_479 = arith.index_cast %add3A_478 : i32 to index
        %get3A_480 = arith.constant 0 : index
        %get3A_481 = tpu.vector_load %arg12[%get3A_479, %get3A_480] {strides = array<i32>} : memref<512x64xi32, #tpu.memory_space<vmem>>, vector<16xi32>,
        %shift_left3A_482 = arith.constant 16 : i32
        %shift_left3A_483 = vector.broadcast %shift_left3A_482 : i32 to vector<16xi32>
        %shift_left3A_484 = arith.shli %get3A_481, %shift_left3A_483 : vector<16xi32>
        %bitcast3A_485 = vector.bitcast %shift_left3A_484 : vector<16xi32> to vector<16xf32>
        %add3A_486 = arith.addf %add3A_471, %bitcast3A_485 : vector<16xf32>
        %and3A_487 = arith.constant -65536 : i32
        %and3A_488 = vector.broadcast %and3A_487 : i32 to vector<16xi32>
        %and3A_489 = arith.andi %get3A_481, %and3A_488 : vector<16xi32>
        %bitcast3A_490 = vector.bitcast %and3A_489 : vector<16xi32> to vector<16xf32>
        %add3A_491 = arith.addf %add3A_476, %bitcast3A_490 : vector<16xf32>
        %add3A_492 = arith.constant 18 : i32
        %add3A_493 = arith.addi %mul3A_229, %add3A_492 : i32
        %get3A_494 = arith.index_cast %add3A_493 : i32 to index
        %get3A_495 = arith.constant 0 : index
        %get3A_496 = tpu.vector_load %arg12[%get3A_494, %get3A_495] {strides = array<i32>} : memref<512x64xi32, #tpu.memory_space<vmem>>, vector<16xi32>,
        %shift_left3A_497 = arith.constant 16 : i32
        %shift_left3A_498 = vector.broadcast %shift_left3A_497 : i32 to vector<16xi32>
        %shift_left3A_499 = arith.shli %get3A_496, %shift_left3A_498 : vector<16xi32>
        %bitcast3A_500 = vector.bitcast %shift_left3A_499 : vector<16xi32> to vector<16xf32>
        %add3A_501 = arith.addf %add3A_486, %bitcast3A_500 : vector<16xf32>
        %and3A_502 = arith.constant -65536 : i32
        %and3A_503 = vector.broadcast %and3A_502 : i32 to vector<16xi32>
        %and3A_504 = arith.andi %get3A_496, %and3A_503 : vector<16xi32>
        %bitcast3A_505 = vector.bitcast %and3A_504 : vector<16xi32> to vector<16xf32>
        %add3A_506 = arith.addf %add3A_491, %bitcast3A_505 : vector<16xf32>
        %add3A_507 = arith.constant 19 : i32
        %add3A_508 = arith.addi %mul3A_229, %add3A_507 : i32
        %get3A_509 = arith.index_cast %add3A_508 : i32 to index
        %get3A_510 = arith.constant 0 : index
        %get3A_511 = tpu.vector_load %arg12[%get3A_509, %get3A_510] {strides = array<i32>} : memref<512x64xi32, #tpu.memory_space<vmem>>, vector<16xi32>,
        %shift_left3A_512 = arith.constant 16 : i32
        %shift_left3A_513 = vector.broadcast %shift_left3A_512 : i32 to vector<16xi32>
        %shift_left3A_514 = arith.shli %get3A_511, %shift_left3A_513 : vector<16xi32>
        %bitcast3A_515 = vector.bitcast %shift_left3A_514 : vector<16xi32> to vector<16xf32>
        %add3A_516 = arith.addf %add3A_501, %bitcast3A_515 : vector<16xf32>
        %and3A_517 = arith.constant -65536 : i32
        %and3A_518 = vector.broadcast %and3A_517 : i32 to vector<16xi32>
        %and3A_519 = arith.andi %get3A_511, %and3A_518 : vector<16xi32>
        %bitcast3A_520 = vector.bitcast %and3A_519 : vector<16xi32> to vector<16xf32>
        %add3A_521 = arith.addf %add3A_506, %bitcast3A_520 : vector<16xf32>
        %add3A_522 = arith.constant 20 : i32
        %add3A_523 = arith.addi %mul3A_229, %add3A_522 : i32
        %get3A_524 = arith.index_cast %add3A_523 : i32 to index
        %get3A_525 = arith.constant 0 : index
        %get3A_526 = tpu.vector_load %arg12[%get3A_524, %get3A_525] {strides = array<i32>} : memref<512x64xi32, #tpu.memory_space<vmem>>, vector<16xi32>,
        %shift_left3A_527 = arith.constant 16 : i32
        %shift_left3A_528 = vector.broadcast %shift_left3A_527 : i32 to vector<16xi32>
        %shift_left3A_529 = arith.shli %get3A_526, %shift_left3A_528 : vector<16xi32>
        %bitcast3A_530 = vector.bitcast %shift_left3A_529 : vector<16xi32> to vector<16xf32>
        %add3A_531 = arith.addf %add3A_516, %bitcast3A_530 : vector<16xf32>
        %and3A_532 = arith.constant -65536 : i32
        %and3A_533 = vector.broadcast %and3A_532 : i32 to vector<16xi32>
        %and3A_534 = arith.andi %get3A_526, %and3A_533 : vector<16xi32>
        %bitcast3A_535 = vector.bitcast %and3A_534 : vector<16xi32> to vector<16xf32>
        %add3A_536 = arith.addf %add3A_521, %bitcast3A_535 : vector<16xf32>
        %add3A_537 = arith.constant 21 : i32
        %add3A_538 = arith.addi %mul3A_229, %add3A_537 : i32
        %get3A_539 = arith.index_cast %add3A_538 : i32 to index
        %get3A_540 = arith.constant 0 : index
        %get3A_541 = tpu.vector_load %arg12[%get3A_539, %get3A_540] {strides = array<i32>} : memref<512x64xi32, #tpu.memory_space<vmem>>, vector<16xi32>,
        %shift_left3A_542 = arith.constant 16 : i32
        %shift_left3A_543 = vector.broadcast %shift_left3A_542 : i32 to vector<16xi32>
        %shift_left3A_544 = arith.shli %get3A_541, %shift_left3A_543 : vector<16xi32>
        %bitcast3A_545 = vector.bitcast %shift_left3A_544 : vector<16xi32> to vector<16xf32>
        %add3A_546 = arith.addf %add3A_531, %bitcast3A_545 : vector<16xf32>
        %and3A_547 = arith.constant -65536 : i32
        %and3A_548 = vector.broadcast %and3A_547 : i32 to vector<16xi32>
        %and3A_549 = arith.andi %get3A_541, %and3A_548 : vector<16xi32>
        %bitcast3A_550 = vector.bitcast %and3A_549 : vector<16xi32> to vector<16xf32>
        %add3A_551 = arith.addf %add3A_536, %bitcast3A_550 : vector<16xf32>
        %add3A_552 = arith.constant 22 : i32
        %add3A_553 = arith.addi %mul3A_229, %add3A_552 : i32
        %get3A_554 = arith.index_cast %add3A_553 : i32 to index
        %get3A_555 = arith.constant 0 : index
        %get3A_556 = tpu.vector_load %arg12[%get3A_554, %get3A_555] {strides = array<i32>} : memref<512x64xi32, #tpu.memory_space<vmem>>, vector<16xi32>,
        %shift_left3A_557 = arith.constant 16 : i32
        %shift_left3A_558 = vector.broadcast %shift_left3A_557 : i32 to vector<16xi32>
        %shift_left3A_559 = arith.shli %get3A_556, %shift_left3A_558 : vector<16xi32>
        %bitcast3A_560 = vector.bitcast %shift_left3A_559 : vector<16xi32> to vector<16xf32>
        %add3A_561 = arith.addf %add3A_546, %bitcast3A_560 : vector<16xf32>
        %and3A_562 = arith.constant -65536 : i32
        %and3A_563 = vector.broadcast %and3A_562 : i32 to vector<16xi32>
        %and3A_564 = arith.andi %get3A_556, %and3A_563 : vector<16xi32>
        %bitcast3A_565 = vector.bitcast %and3A_564 : vector<16xi32> to vector<16xf32>
        %add3A_566 = arith.addf %add3A_551, %bitcast3A_565 : vector<16xf32>
        %add3A_567 = arith.constant 23 : i32
        %add3A_568 = arith.addi %mul3A_229, %add3A_567 : i32
        %get3A_569 = arith.index_cast %add3A_568 : i32 to index
        %get3A_570 = arith.constant 0 : index
        %get3A_571 = tpu.vector_load %arg12[%get3A_569, %get3A_570] {strides = array<i32>} : memref<512x64xi32, #tpu.memory_space<vmem>>, vector<16xi32>,
        %shift_left3A_572 = arith.constant 16 : i32
        %shift_left3A_573 = vector.broadcast %shift_left3A_572 : i32 to vector<16xi32>
        %shift_left3A_574 = arith.shli %get3A_571, %shift_left3A_573 : vector<16xi32>
        %bitcast3A_575 = vector.bitcast %shift_left3A_574 : vector<16xi32> to vector<16xf32>
        %add3A_576 = arith.addf %add3A_561, %bitcast3A_575 : vector<16xf32>
        %and3A_577 = arith.constant -65536 : i32
        %and3A_578 = vector.broadcast %and3A_577 : i32 to vector<16xi32>
        %and3A_579 = arith.andi %get3A_571, %and3A_578 : vector<16xi32>
        %bitcast3A_580 = vector.bitcast %and3A_579 : vector<16xi32> to vector<16xf32>
        %add3A_581 = arith.addf %add3A_566, %bitcast3A_580 : vector<16xf32>
        %add3A_582 = arith.constant 24 : i32
        %add3A_583 = arith.addi %mul3A_229, %add3A_582 : i32
        %get3A_584 = arith.index_cast %add3A_583 : i32 to index
        %get3A_585 = arith.constant 0 : index
        %get3A_586 = tpu.vector_load %arg12[%get3A_584, %get3A_585] {strides = array<i32>} : memref<512x64xi32, #tpu.memory_space<vmem>>, vector<16xi32>,
        %shift_left3A_587 = arith.constant 16 : i32
        %shift_left3A_588 = vector.broadcast %shift_left3A_587 : i32 to vector<16xi32>
        %shift_left3A_589 = arith.shli %get3A_586, %shift_left3A_588 : vector<16xi32>
        %bitcast3A_590 = vector.bitcast %shift_left3A_589 : vector<16xi32> to vector<16xf32>
        %add3A_591 = arith.addf %add3A_576, %bitcast3A_590 : vector<16xf32>
        %and3A_592 = arith.constant -65536 : i32
        %and3A_593 = vector.broadcast %and3A_592 : i32 to vector<16xi32>
        %and3A_594 = arith.andi %get3A_586, %and3A_593 : vector<16xi32>
        %bitcast3A_595 = vector.bitcast %and3A_594 : vector<16xi32> to vector<16xf32>
        %add3A_596 = arith.addf %add3A_581, %bitcast3A_595 : vector<16xf32>
        %add3A_597 = arith.constant 25 : i32
        %add3A_598 = arith.addi %mul3A_229, %add3A_597 : i32
        %get3A_599 = arith.index_cast %add3A_598 : i32 to index
        %get3A_600 = arith.constant 0 : index
        %get3A_601 = tpu.vector_load %arg12[%get3A_599, %get3A_600] {strides = array<i32>} : memref<512x64xi32, #tpu.memory_space<vmem>>, vector<16xi32>,
        %shift_left3A_602 = arith.constant 16 : i32
        %shift_left3A_603 = vector.broadcast %shift_left3A_602 : i32 to vector<16xi32>
        %shift_left3A_604 = arith.shli %get3A_601, %shift_left3A_603 : vector<16xi32>
        %bitcast3A_605 = vector.bitcast %shift_left3A_604 : vector<16xi32> to vector<16xf32>
        %add3A_606 = arith.addf %add3A_591, %bitcast3A_605 : vector<16xf32>
        %and3A_607 = arith.constant -65536 : i32
        %and3A_608 = vector.broadcast %and3A_607 : i32 to vector<16xi32>
        %and3A_609 = arith.andi %get3A_601, %and3A_608 : vector<16xi32>
        %bitcast3A_610 = vector.bitcast %and3A_609 : vector<16xi32> to vector<16xf32>
        %add3A_611 = arith.addf %add3A_596, %bitcast3A_610 : vector<16xf32>
        %add3A_612 = arith.constant 26 : i32
        %add3A_613 = arith.addi %mul3A_229, %add3A_612 : i32
        %get3A_614 = arith.index_cast %add3A_613 : i32 to index
        %get3A_615 = arith.constant 0 : index
        %get3A_616 = tpu.vector_load %arg12[%get3A_614, %get3A_615] {strides = array<i32>} : memref<512x64xi32, #tpu.memory_space<vmem>>, vector<16xi32>,
        %shift_left3A_617 = arith.constant 16 : i32
        %shift_left3A_618 = vector.broadcast %shift_left3A_617 : i32 to vector<16xi32>
        %shift_left3A_619 = arith.shli %get3A_616, %shift_left3A_618 : vector<16xi32>
        %bitcast3A_620 = vector.bitcast %shift_left3A_619 : vector<16xi32> to vector<16xf32>
        %add3A_621 = arith.addf %add3A_606, %bitcast3A_620 : vector<16xf32>
        %and3A_622 = arith.constant -65536 : i32
        %and3A_623 = vector.broadcast %and3A_622 : i32 to vector<16xi32>
        %and3A_624 = arith.andi %get3A_616, %and3A_623 : vector<16xi32>
        %bitcast3A_625 = vector.bitcast %and3A_624 : vector<16xi32> to vector<16xf32>
        %add3A_626 = arith.addf %add3A_611, %bitcast3A_625 : vector<16xf32>
        %add3A_627 = arith.constant 27 : i32
        %add3A_628 = arith.addi %mul3A_229, %add3A_627 : i32
        %get3A_629 = arith.index_cast %add3A_628 : i32 to index
        %get3A_630 = arith.constant 0 : index
        %get3A_631 = tpu.vector_load %arg12[%get3A_629, %get3A_630] {strides = array<i32>} : memref<512x64xi32, #tpu.memory_space<vmem>>, vector<16xi32>,
        %shift_left3A_632 = arith.constant 16 : i32
        %shift_left3A_633 = vector.broadcast %shift_left3A_632 : i32 to vector<16xi32>
        %shift_left3A_634 = arith.shli %get3A_631, %shift_left3A_633 : vector<16xi32>
        %bitcast3A_635 = vector.bitcast %shift_left3A_634 : vector<16xi32> to vector<16xf32>
        %add3A_636 = arith.addf %add3A_621, %bitcast3A_635 : vector<16xf32>
        %and3A_637 = arith.constant -65536 : i32
        %and3A_638 = vector.broadcast %and3A_637 : i32 to vector<16xi32>
        %and3A_639 = arith.andi %get3A_631, %and3A_638 : vector<16xi32>
        %bitcast3A_640 = vector.bitcast %and3A_639 : vector<16xi32> to vector<16xf32>
        %add3A_641 = arith.addf %add3A_626, %bitcast3A_640 : vector<16xf32>
        %add3A_642 = arith.constant 28 : i32
        %add3A_643 = arith.addi %mul3A_229, %add3A_642 : i32
        %get3A_644 = arith.index_cast %add3A_643 : i32 to index
        %get3A_645 = arith.constant 0 : index
        %get3A_646 = tpu.vector_load %arg12[%get3A_644, %get3A_645] {strides = array<i32>} : memref<512x64xi32, #tpu.memory_space<vmem>>, vector<16xi32>,
        %shift_left3A_647 = arith.constant 16 : i32
        %shift_left3A_648 = vector.broadcast %shift_left3A_647 : i32 to vector<16xi32>
        %shift_left3A_649 = arith.shli %get3A_646, %shift_left3A_648 : vector<16xi32>
        %bitcast3A_650 = vector.bitcast %shift_left3A_649 : vector<16xi32> to vector<16xf32>
        %add3A_651 = arith.addf %add3A_636, %bitcast3A_650 : vector<16xf32>
        %and3A_652 = arith.constant -65536 : i32
        %and3A_653 = vector.broadcast %and3A_652 : i32 to vector<16xi32>
        %and3A_654 = arith.andi %get3A_646, %and3A_653 : vector<16xi32>
        %bitcast3A_655 = vector.bitcast %and3A_654 : vector<16xi32> to vector<16xf32>
        %add3A_656 = arith.addf %add3A_641, %bitcast3A_655 : vector<16xf32>
        %add3A_657 = arith.constant 29 : i32
        %add3A_658 = arith.addi %mul3A_229, %add3A_657 : i32
        %get3A_659 = arith.index_cast %add3A_658 : i32 to index
        %get3A_660 = arith.constant 0 : index
        %get3A_661 = tpu.vector_load %arg12[%get3A_659, %get3A_660] {strides = array<i32>} : memref<512x64xi32, #tpu.memory_space<vmem>>, vector<16xi32>,
        %shift_left3A_662 = arith.constant 16 : i32
        %shift_left3A_663 = vector.broadcast %shift_left3A_662 : i32 to vector<16xi32>
        %shift_left3A_664 = arith.shli %get3A_661, %shift_left3A_663 : vector<16xi32>
        %bitcast3A_665 = vector.bitcast %shift_left3A_664 : vector<16xi32> to vector<16xf32>
        %add3A_666 = arith.addf %add3A_651, %bitcast3A_665 : vector<16xf32>
        %and3A_667 = arith.constant -65536 : i32
        %and3A_668 = vector.broadcast %and3A_667 : i32 to vector<16xi32>
        %and3A_669 = arith.andi %get3A_661, %and3A_668 : vector<16xi32>
        %bitcast3A_670 = vector.bitcast %and3A_669 : vector<16xi32> to vector<16xf32>
        %add3A_671 = arith.addf %add3A_656, %bitcast3A_670 : vector<16xf32>
        %add3A_672 = arith.constant 30 : i32
        %add3A_673 = arith.addi %mul3A_229, %add3A_672 : i32
        %get3A_674 = arith.index_cast %add3A_673 : i32 to index
        %get3A_675 = arith.constant 0 : index
        %get3A_676 = tpu.vector_load %arg12[%get3A_674, %get3A_675] {strides = array<i32>} : memref<512x64xi32, #tpu.memory_space<vmem>>, vector<16xi32>,
        %shift_left3A_677 = arith.constant 16 : i32
        %shift_left3A_678 = vector.broadcast %shift_left3A_677 : i32 to vector<16xi32>
        %shift_left3A_679 = arith.shli %get3A_676, %shift_left3A_678 : vector<16xi32>
        %bitcast3A_680 = vector.bitcast %shift_left3A_679 : vector<16xi32> to vector<16xf32>
        %add3A_681 = arith.addf %add3A_666, %bitcast3A_680 : vector<16xf32>
        %and3A_682 = arith.constant -65536 : i32
        %and3A_683 = vector.broadcast %and3A_682 : i32 to vector<16xi32>
        %and3A_684 = arith.andi %get3A_676, %and3A_683 : vector<16xi32>
        %bitcast3A_685 = vector.bitcast %and3A_684 : vector<16xi32> to vector<16xf32>
        %add3A_686 = arith.addf %add3A_671, %bitcast3A_685 : vector<16xf32>
        %add3A_687 = arith.constant 31 : i32
        %add3A_688 = arith.addi %mul3A_229, %add3A_687 : i32
        %get3A_689 = arith.index_cast %add3A_688 : i32 to index
        %get3A_690 = arith.constant 0 : index
        %get3A_691 = tpu.vector_load %arg12[%get3A_689, %get3A_690] {strides = array<i32>} : memref<512x64xi32, #tpu.memory_space<vmem>>, vector<16xi32>,
        %shift_left3A_692 = arith.constant 16 : i32
        %shift_left3A_693 = vector.broadcast %shift_left3A_692 : i32 to vector<16xi32>
        %shift_left3A_694 = arith.shli %get3A_691, %shift_left3A_693 : vector<16xi32>
        %bitcast3A_695 = vector.bitcast %shift_left3A_694 : vector<16xi32> to vector<16xf32>
        %add3A_696 = arith.addf %add3A_681, %bitcast3A_695 : vector<16xf32>
        %and3A_697 = arith.constant -65536 : i32
        %and3A_698 = vector.broadcast %and3A_697 : i32 to vector<16xi32>
        %and3A_699 = arith.andi %get3A_691, %and3A_698 : vector<16xi32>
        %bitcast3A_700 = vector.bitcast %and3A_699 : vector<16xi32> to vector<16xf32>
        %add3A_701 = arith.addf %add3A_686, %bitcast3A_700 : vector<16xf32>
        %get3A_702 = arith.index_cast %add3A_227 : i32 to index
        %get3A_703 = arith.constant 0 : index
        %get3A_704 = tpu.vector_load %arg13[%get3A_702, %get3A_703] {strides = array<i32>} : memref<16x128xf32, #tpu.memory_space<vmem>>, vector<16xf32>,
        %get3A_705 = arith.index_cast %add3A_227 : i32 to index
        %get3A_706 = arith.constant 0 : index
        %get3A_707 = tpu.vector_load %arg14[%get3A_705, %get3A_706] {strides = array<i32>} : memref<16x128xf32, #tpu.memory_space<vmem>>, vector<16xf32>,
        %add3A_708 = arith.addf %get3A_704, %get3A_707 : vector<16xf32>
        %mul3A_709 = arith.constant 3.125000e-02 : f32
        %mul3A_710 = vector.broadcast %mul3A_709 : f32 to vector<16xf32>
        %mul3A_711 = arith.mulf %add3A_696, %mul3A_710 : vector<16xf32>
        %add3A_712 = arith.addf %add3A_708, %mul3A_711 : vector<16xf32>
        %swap3A = arith.index_cast %add3A_227 : i32 to index
        %swap3A_713 = arith.constant 0 : index
        %swap3A_714 = tpu.vector_load %arg15[%swap3A, %swap3A_713] {strides = array<i32>} : memref<16x128xf32, #tpu.memory_space<vmem>>, vector<16xf32>,
        tpu.vector_store %arg15[%swap3A, %swap3A_713], %add3A_712 {strides = array<i32>} : memref<16x128xf32, #tpu.memory_space<vmem>>, vector<16xf32>,
        %get3A_715 = arith.index_cast %add3A_227 : i32 to index
        %get3A_716 = arith.constant 16 : index
        %get3A_717 = tpu.vector_load %arg13[%get3A_715, %get3A_716] {strides = array<i32>} : memref<16x128xf32, #tpu.memory_space<vmem>>, vector<16xf32>,
        %get3A_718 = arith.index_cast %add3A_227 : i32 to index
        %get3A_719 = arith.constant 16 : index
        %get3A_720 = tpu.vector_load %arg14[%get3A_718, %get3A_719] {strides = array<i32>} : memref<16x128xf32, #tpu.memory_space<vmem>>, vector<16xf32>,
        %add3A_721 = arith.addf %get3A_717, %get3A_720 : vector<16xf32>
        %mul3A_722 = arith.constant 3.125000e-02 : f32
        %mul3A_723 = vector.broadcast %mul3A_722 : f32 to vector<16xf32>
        %mul3A_724 = arith.mulf %add3A_701, %mul3A_723 : vector<16xf32>
        %add3A_725 = arith.addf %add3A_721, %mul3A_724 : vector<16xf32>
        %swap3A_726 = arith.index_cast %add3A_227 : i32 to index
        %swap3A_727 = arith.constant 16 : index
        %swap3A_728 = tpu.vector_load %arg15[%swap3A_726, %swap3A_727] {strides = array<i32>} : memref<16x128xf32, #tpu.memory_space<vmem>>, vector<16xf32>,
        tpu.vector_store %arg15[%swap3A_726, %swap3A_727], %add3A_725 {strides = array<i32>} : memref<16x128xf32, #tpu.memory_space<vmem>>, vector<16xf32>,
        %get3A_729 = arith.index_cast %mul3A_229 : i32 to index
        %get3A_730 = arith.constant 16 : index
        %get3A_731 = tpu.vector_load %arg12[%get3A_729, %get3A_730] {strides = array<i32>} : memref<512x64xi32, #tpu.memory_space<vmem>>, vector<16xi32>,
        %shift_left3A_732 = arith.constant 16 : i32
        %shift_left3A_733 = vector.broadcast %shift_left3A_732 : i32 to vector<16xi32>
        %shift_left3A_734 = arith.shli %get3A_731, %shift_left3A_733 : vector<16xi32>
        %bitcast3A_735 = vector.bitcast %shift_left3A_734 : vector<16xi32> to vector<16xf32>
        %and3A_736 = arith.constant -65536 : i32
        %and3A_737 = vector.broadcast %and3A_736 : i32 to vector<16xi32>
        %and3A_738 = arith.andi %get3A_731, %and3A_737 : vector<16xi32>
        %bitcast3A_739 = vector.bitcast %and3A_738 : vector<16xi32> to vector<16xf32>
        %add3A_740 = arith.constant 1 : i32
        %add3A_741 = arith.addi %mul3A_229, %add3A_740 : i32
        %get3A_742 = arith.index_cast %add3A_741 : i32 to index
        %get3A_743 = arith.constant 16 : index
        %get3A_744 = tpu.vector_load %arg12[%get3A_742, %get3A_743] {strides = array<i32>} : memref<512x64xi32, #tpu.memory_space<vmem>>, vector<16xi32>,
        %shift_left3A_745 = arith.constant 16 : i32
        %shift_left3A_746 = vector.broadcast %shift_left3A_745 : i32 to vector<16xi32>
        %shift_left3A_747 = arith.shli %get3A_744, %shift_left3A_746 : vector<16xi32>
        %bitcast3A_748 = vector.bitcast %shift_left3A_747 : vector<16xi32> to vector<16xf32>
        %add3A_749 = arith.addf %bitcast3A_735, %bitcast3A_748 : vector<16xf32>
        %and3A_750 = arith.constant -65536 : i32
        %and3A_751 = vector.broadcast %and3A_750 : i32 to vector<16xi32>
        %and3A_752 = arith.andi %get3A_744, %and3A_751 : vector<16xi32>
        %bitcast3A_753 = vector.bitcast %and3A_752 : vector<16xi32> to vector<16xf32>
        %add3A_754 = arith.addf %bitcast3A_739, %bitcast3A_753 : vector<16xf32>
        %add3A_755 = arith.constant 2 : i32
        %add3A_756 = arith.addi %mul3A_229, %add3A_755 : i32
        %get3A_757 = arith.index_cast %add3A_756 : i32 to index
        %get3A_758 = arith.constant 16 : index
        %get3A_759 = tpu.vector_load %arg12[%get3A_757, %get3A_758] {strides = array<i32>} : memref<512x64xi32, #tpu.memory_space<vmem>>, vector<16xi32>,
        %shift_left3A_760 = arith.constant 16 : i32
        %shift_left3A_761 = vector.broadcast %shift_left3A_760 : i32 to vector<16xi32>
        %shift_left3A_762 = arith.shli %get3A_759, %shift_left3A_761 : vector<16xi32>
        %bitcast3A_763 = vector.bitcast %shift_left3A_762 : vector<16xi32> to vector<16xf32>
        %add3A_764 = arith.addf %add3A_749, %bitcast3A_763 : vector<16xf32>
        %and3A_765 = arith.constant -65536 : i32
        %and3A_766 = vector.broadcast %and3A_765 : i32 to vector<16xi32>
        %and3A_767 = arith.andi %get3A_759, %and3A_766 : vector<16xi32>
        %bitcast3A_768 = vector.bitcast %and3A_767 : vector<16xi32> to vector<16xf32>
        %add3A_769 = arith.addf %add3A_754, %bitcast3A_768 : vector<16xf32>
        %add3A_770 = arith.constant 3 : i32
        %add3A_771 = arith.addi %mul3A_229, %add3A_770 : i32
        %get3A_772 = arith.index_cast %add3A_771 : i32 to index
        %get3A_773 = arith.constant 16 : index
        %get3A_774 = tpu.vector_load %arg12[%get3A_772, %get3A_773] {strides = array<i32>} : memref<512x64xi32, #tpu.memory_space<vmem>>, vector<16xi32>,
        %shift_left3A_775 = arith.constant 16 : i32
        %shift_left3A_776 = vector.broadcast %shift_left3A_775 : i32 to vector<16xi32>
        %shift_left3A_777 = arith.shli %get3A_774, %shift_left3A_776 : vector<16xi32>
        %bitcast3A_778 = vector.bitcast %shift_left3A_777 : vector<16xi32> to vector<16xf32>
        %add3A_779 = arith.addf %add3A_764, %bitcast3A_778 : vector<16xf32>
        %and3A_780 = arith.constant -65536 : i32
        %and3A_781 = vector.broadcast %and3A_780 : i32 to vector<16xi32>
        %and3A_782 = arith.andi %get3A_774, %and3A_781 : vector<16xi32>
        %bitcast3A_783 = vector.bitcast %and3A_782 : vector<16xi32> to vector<16xf32>
        %add3A_784 = arith.addf %add3A_769, %bitcast3A_783 : vector<16xf32>
        %add3A_785 = arith.constant 4 : i32
        %add3A_786 = arith.addi %mul3A_229, %add3A_785 : i32
        %get3A_787 = arith.index_cast %add3A_786 : i32 to index
        %get3A_788 = arith.constant 16 : index
        %get3A_789 = tpu.vector_load %arg12[%get3A_787, %get3A_788] {strides = array<i32>} : memref<512x64xi32, #tpu.memory_space<vmem>>, vector<16xi32>,
        %shift_left3A_790 = arith.constant 16 : i32
        %shift_left3A_791 = vector.broadcast %shift_left3A_790 : i32 to vector<16xi32>
        %shift_left3A_792 = arith.shli %get3A_789, %shift_left3A_791 : vector<16xi32>
        %bitcast3A_793 = vector.bitcast %shift_left3A_792 : vector<16xi32> to vector<16xf32>
        %add3A_794 = arith.addf %add3A_779, %bitcast3A_793 : vector<16xf32>
        %and3A_795 = arith.constant -65536 : i32
        %and3A_796 = vector.broadcast %and3A_795 : i32 to vector<16xi32>
        %and3A_797 = arith.andi %get3A_789, %and3A_796 : vector<16xi32>
        %bitcast3A_798 = vector.bitcast %and3A_797 : vector<16xi32> to vector<16xf32>
        %add3A_799 = arith.addf %add3A_784, %bitcast3A_798 : vector<16xf32>
        %add3A_800 = arith.constant 5 : i32
        %add3A_801 = arith.addi %mul3A_229, %add3A_800 : i32
        %get3A_802 = arith.index_cast %add3A_801 : i32 to index
        %get3A_803 = arith.constant 16 : index
        %get3A_804 = tpu.vector_load %arg12[%get3A_802, %get3A_803] {strides = array<i32>} : memref<512x64xi32, #tpu.memory_space<vmem>>, vector<16xi32>,
        %shift_left3A_805 = arith.constant 16 : i32
        %shift_left3A_806 = vector.broadcast %shift_left3A_805 : i32 to vector<16xi32>
        %shift_left3A_807 = arith.shli %get3A_804, %shift_left3A_806 : vector<16xi32>
        %bitcast3A_808 = vector.bitcast %shift_left3A_807 : vector<16xi32> to vector<16xf32>
        %add3A_809 = arith.addf %add3A_794, %bitcast3A_808 : vector<16xf32>
        %and3A_810 = arith.constant -65536 : i32
        %and3A_811 = vector.broadcast %and3A_810 : i32 to vector<16xi32>
        %and3A_812 = arith.andi %get3A_804, %and3A_811 : vector<16xi32>
        %bitcast3A_813 = vector.bitcast %and3A_812 : vector<16xi32> to vector<16xf32>
        %add3A_814 = arith.addf %add3A_799, %bitcast3A_813 : vector<16xf32>
        %add3A_815 = arith.constant 6 : i32
        %add3A_816 = arith.addi %mul3A_229, %add3A_815 : i32
        %get3A_817 = arith.index_cast %add3A_816 : i32 to index
        %get3A_818 = arith.constant 16 : index
        %get3A_819 = tpu.vector_load %arg12[%get3A_817, %get3A_818] {strides = array<i32>} : memref<512x64xi32, #tpu.memory_space<vmem>>, vector<16xi32>,
        %shift_left3A_820 = arith.constant 16 : i32
        %shift_left3A_821 = vector.broadcast %shift_left3A_820 : i32 to vector<16xi32>
        %shift_left3A_822 = arith.shli %get3A_819, %shift_left3A_821 : vector<16xi32>
        %bitcast3A_823 = vector.bitcast %shift_left3A_822 : vector<16xi32> to vector<16xf32>
        %add3A_824 = arith.addf %add3A_809, %bitcast3A_823 : vector<16xf32>
        %and3A_825 = arith.constant -65536 : i32
        %and3A_826 = vector.broadcast %and3A_825 : i32 to vector<16xi32>
        %and3A_827 = arith.andi %get3A_819, %and3A_826 : vector<16xi32>
        %bitcast3A_828 = vector.bitcast %and3A_827 : vector<16xi32> to vector<16xf32>
        %add3A_829 = arith.addf %add3A_814, %bitcast3A_828 : vector<16xf32>
        %add3A_830 = arith.constant 7 : i32
        %add3A_831 = arith.addi %mul3A_229, %add3A_830 : i32
        %get3A_832 = arith.index_cast %add3A_831 : i32 to index
        %get3A_833 = arith.constant 16 : index
        %get3A_834 = tpu.vector_load %arg12[%get3A_832, %get3A_833] {strides = array<i32>} : memref<512x64xi32, #tpu.memory_space<vmem>>, vector<16xi32>,
        %shift_left3A_835 = arith.constant 16 : i32
        %shift_left3A_836 = vector.broadcast %shift_left3A_835 : i32 to vector<16xi32>
        %shift_left3A_837 = arith.shli %get3A_834, %shift_left3A_836 : vector<16xi32>
        %bitcast3A_838 = vector.bitcast %shift_left3A_837 : vector<16xi32> to vector<16xf32>
        %add3A_839 = arith.addf %add3A_824, %bitcast3A_838 : vector<16xf32>
        %and3A_840 = arith.constant -65536 : i32
        %and3A_841 = vector.broadcast %and3A_840 : i32 to vector<16xi32>
        %and3A_842 = arith.andi %get3A_834, %and3A_841 : vector<16xi32>
        %bitcast3A_843 = vector.bitcast %and3A_842 : vector<16xi32> to vector<16xf32>
        %add3A_844 = arith.addf %add3A_829, %bitcast3A_843 : vector<16xf32>
        %add3A_845 = arith.constant 8 : i32
        %add3A_846 = arith.addi %mul3A_229, %add3A_845 : i32
        %get3A_847 = arith.index_cast %add3A_846 : i32 to index
        %get3A_848 = arith.constant 16 : index
        %get3A_849 = tpu.vector_load %arg12[%get3A_847, %get3A_848] {strides = array<i32>} : memref<512x64xi32, #tpu.memory_space<vmem>>, vector<16xi32>,
        %shift_left3A_850 = arith.constant 16 : i32
        %shift_left3A_851 = vector.broadcast %shift_left3A_850 : i32 to vector<16xi32>
        %shift_left3A_852 = arith.shli %get3A_849, %shift_left3A_851 : vector<16xi32>
        %bitcast3A_853 = vector.bitcast %shift_left3A_852 : vector<16xi32> to vector<16xf32>
        %add3A_854 = arith.addf %add3A_839, %bitcast3A_853 : vector<16xf32>
        %and3A_855 = arith.constant -65536 : i32
        %and3A_856 = vector.broadcast %and3A_855 : i32 to vector<16xi32>
        %and3A_857 = arith.andi %get3A_849, %and3A_856 : vector<16xi32>
        %bitcast3A_858 = vector.bitcast %and3A_857 : vector<16xi32> to vector<16xf32>
        %add3A_859 = arith.addf %add3A_844, %bitcast3A_858 : vector<16xf32>
        %add3A_860 = arith.constant 9 : i32
        %add3A_861 = arith.addi %mul3A_229, %add3A_860 : i32
        %get3A_862 = arith.index_cast %add3A_861 : i32 to index
        %get3A_863 = arith.constant 16 : index
        %get3A_864 = tpu.vector_load %arg12[%get3A_862, %get3A_863] {strides = array<i32>} : memref<512x64xi32, #tpu.memory_space<vmem>>, vector<16xi32>,
        %shift_left3A_865 = arith.constant 16 : i32
        %shift_left3A_866 = vector.broadcast %shift_left3A_865 : i32 to vector<16xi32>
        %shift_left3A_867 = arith.shli %get3A_864, %shift_left3A_866 : vector<16xi32>
        %bitcast3A_868 = vector.bitcast %shift_left3A_867 : vector<16xi32> to vector<16xf32>
        %add3A_869 = arith.addf %add3A_854, %bitcast3A_868 : vector<16xf32>
        %and3A_870 = arith.constant -65536 : i32
        %and3A_871 = vector.broadcast %and3A_870 : i32 to vector<16xi32>
        %and3A_872 = arith.andi %get3A_864, %and3A_871 : vector<16xi32>
        %bitcast3A_873 = vector.bitcast %and3A_872 : vector<16xi32> to vector<16xf32>
        %add3A_874 = arith.addf %add3A_859, %bitcast3A_873 : vector<16xf32>
        %add3A_875 = arith.constant 10 : i32
        %add3A_876 = arith.addi %mul3A_229, %add3A_875 : i32
        %get3A_877 = arith.index_cast %add3A_876 : i32 to index
        %get3A_878 = arith.constant 16 : index
        %get3A_879 = tpu.vector_load %arg12[%get3A_877, %get3A_878] {strides = array<i32>} : memref<512x64xi32, #tpu.memory_space<vmem>>, vector<16xi32>,
        %shift_left3A_880 = arith.constant 16 : i32
        %shift_left3A_881 = vector.broadcast %shift_left3A_880 : i32 to vector<16xi32>
        %shift_left3A_882 = arith.shli %get3A_879, %shift_left3A_881 : vector<16xi32>
        %bitcast3A_883 = vector.bitcast %shift_left3A_882 : vector<16xi32> to vector<16xf32>
        %add3A_884 = arith.addf %add3A_869, %bitcast3A_883 : vector<16xf32>
        %and3A_885 = arith.constant -65536 : i32
        %and3A_886 = vector.broadcast %and3A_885 : i32 to vector<16xi32>
        %and3A_887 = arith.andi %get3A_879, %and3A_886 : vector<16xi32>
        %bitcast3A_888 = vector.bitcast %and3A_887 : vector<16xi32> to vector<16xf32>
        %add3A_889 = arith.addf %add3A_874, %bitcast3A_888 : vector<16xf32>
        %add3A_890 = arith.constant 11 : i32
        %add3A_891 = arith.addi %mul3A_229, %add3A_890 : i32
        %get3A_892 = arith.index_cast %add3A_891 : i32 to index
        %get3A_893 = arith.constant 16 : index
        %get3A_894 = tpu.vector_load %arg12[%get3A_892, %get3A_893] {strides = array<i32>} : memref<512x64xi32, #tpu.memory_space<vmem>>, vector<16xi32>,
        %shift_left3A_895 = arith.constant 16 : i32
        %shift_left3A_896 = vector.broadcast %shift_left3A_895 : i32 to vector<16xi32>
        %shift_left3A_897 = arith.shli %get3A_894, %shift_left3A_896 : vector<16xi32>
        %bitcast3A_898 = vector.bitcast %shift_left3A_897 : vector<16xi32> to vector<16xf32>
        %add3A_899 = arith.addf %add3A_884, %bitcast3A_898 : vector<16xf32>
        %and3A_900 = arith.constant -65536 : i32
        %and3A_901 = vector.broadcast %and3A_900 : i32 to vector<16xi32>
        %and3A_902 = arith.andi %get3A_894, %and3A_901 : vector<16xi32>
        %bitcast3A_903 = vector.bitcast %and3A_902 : vector<16xi32> to vector<16xf32>
        %add3A_904 = arith.addf %add3A_889, %bitcast3A_903 : vector<16xf32>
        %add3A_905 = arith.constant 12 : i32
        %add3A_906 = arith.addi %mul3A_229, %add3A_905 : i32
        %get3A_907 = arith.index_cast %add3A_906 : i32 to index
        %get3A_908 = arith.constant 16 : index
        %get3A_909 = tpu.vector_load %arg12[%get3A_907, %get3A_908] {strides = array<i32>} : memref<512x64xi32, #tpu.memory_space<vmem>>, vector<16xi32>,
        %shift_left3A_910 = arith.constant 16 : i32
        %shift_left3A_911 = vector.broadcast %shift_left3A_910 : i32 to vector<16xi32>
        %shift_left3A_912 = arith.shli %get3A_909, %shift_left3A_911 : vector<16xi32>
        %bitcast3A_913 = vector.bitcast %shift_left3A_912 : vector<16xi32> to vector<16xf32>
        %add3A_914 = arith.addf %add3A_899, %bitcast3A_913 : vector<16xf32>
        %and3A_915 = arith.constant -65536 : i32
        %and3A_916 = vector.broadcast %and3A_915 : i32 to vector<16xi32>
        %and3A_917 = arith.andi %get3A_909, %and3A_916 : vector<16xi32>
        %bitcast3A_918 = vector.bitcast %and3A_917 : vector<16xi32> to vector<16xf32>
        %add3A_919 = arith.addf %add3A_904, %bitcast3A_918 : vector<16xf32>
        %add3A_920 = arith.constant 13 : i32
        %add3A_921 = arith.addi %mul3A_229, %add3A_920 : i32
        %get3A_922 = arith.index_cast %add3A_921 : i32 to index
        %get3A_923 = arith.constant 16 : index
        %get3A_924 = tpu.vector_load %arg12[%get3A_922, %get3A_923] {strides = array<i32>} : memref<512x64xi32, #tpu.memory_space<vmem>>, vector<16xi32>,
        %shift_left3A_925 = arith.constant 16 : i32
        %shift_left3A_926 = vector.broadcast %shift_left3A_925 : i32 to vector<16xi32>
        %shift_left3A_927 = arith.shli %get3A_924, %shift_left3A_926 : vector<16xi32>
        %bitcast3A_928 = vector.bitcast %shift_left3A_927 : vector<16xi32> to vector<16xf32>
        %add3A_929 = arith.addf %add3A_914, %bitcast3A_928 : vector<16xf32>
        %and3A_930 = arith.constant -65536 : i32
        %and3A_931 = vector.broadcast %and3A_930 : i32 to vector<16xi32>
        %and3A_932 = arith.andi %get3A_924, %and3A_931 : vector<16xi32>
        %bitcast3A_933 = vector.bitcast %and3A_932 : vector<16xi32> to vector<16xf32>
        %add3A_934 = arith.addf %add3A_919, %bitcast3A_933 : vector<16xf32>
        %add3A_935 = arith.constant 14 : i32
        %add3A_936 = arith.addi %mul3A_229, %add3A_935 : i32
        %get3A_937 = arith.index_cast %add3A_936 : i32 to index
        %get3A_938 = arith.constant 16 : index
        %get3A_939 = tpu.vector_load %arg12[%get3A_937, %get3A_938] {strides = array<i32>} : memref<512x64xi32, #tpu.memory_space<vmem>>, vector<16xi32>,
        %shift_left3A_940 = arith.constant 16 : i32
        %shift_left3A_941 = vector.broadcast %shift_left3A_940 : i32 to vector<16xi32>
        %shift_left3A_942 = arith.shli %get3A_939, %shift_left3A_941 : vector<16xi32>
        %bitcast3A_943 = vector.bitcast %shift_left3A_942 : vector<16xi32> to vector<16xf32>
        %add3A_944 = arith.addf %add3A_929, %bitcast3A_943 : vector<16xf32>
        %and3A_945 = arith.constant -65536 : i32
        %and3A_946 = vector.broadcast %and3A_945 : i32 to vector<16xi32>
        %and3A_947 = arith.andi %get3A_939, %and3A_946 : vector<16xi32>
        %bitcast3A_948 = vector.bitcast %and3A_947 : vector<16xi32> to vector<16xf32>
        %add3A_949 = arith.addf %add3A_934, %bitcast3A_948 : vector<16xf32>
        %add3A_950 = arith.constant 15 : i32
        %add3A_951 = arith.addi %mul3A_229, %add3A_950 : i32
        %get3A_952 = arith.index_cast %add3A_951 : i32 to index
        %get3A_953 = arith.constant 16 : index
        %get3A_954 = tpu.vector_load %arg12[%get3A_952, %get3A_953] {strides = array<i32>} : memref<512x64xi32, #tpu.memory_space<vmem>>, vector<16xi32>,
        %shift_left3A_955 = arith.constant 16 : i32
        %shift_left3A_956 = vector.broadcast %shift_left3A_955 : i32 to vector<16xi32>
        %shift_left3A_957 = arith.shli %get3A_954, %shift_left3A_956 : vector<16xi32>
        %bitcast3A_958 = vector.bitcast %shift_left3A_957 : vector<16xi32> to vector<16xf32>
        %add3A_959 = arith.addf %add3A_944, %bitcast3A_958 : vector<16xf32>
        %and3A_960 = arith.constant -65536 : i32
        %and3A_961 = vector.broadcast %and3A_960 : i32 to vector<16xi32>
        %and3A_962 = arith.andi %get3A_954, %and3A_961 : vector<16xi32>
        %bitcast3A_963 = vector.bitcast %and3A_962 : vector<16xi32> to vector<16xf32>
        %add3A_964 = arith.addf %add3A_949, %bitcast3A_963 : vector<16xf32>
        %add3A_965 = arith.constant 16 : i32
        %add3A_966 = arith.addi %mul3A_229, %add3A_965 : i32
        %get3A_967 = arith.index_cast %add3A_966 : i32 to index
        %get3A_968 = arith.constant 16 : index
        %get3A_969 = tpu.vector_load %arg12[%get3A_967, %get3A_968] {strides = array<i32>} : memref<512x64xi32, #tpu.memory_space<vmem>>, vector<16xi32>,
        %shift_left3A_970 = arith.constant 16 : i32
        %shift_left3A_971 = vector.broadcast %shift_left3A_970 : i32 to vector<16xi32>
        %shift_left3A_972 = arith.shli %get3A_969, %shift_left3A_971 : vector<16xi32>
        %bitcast3A_973 = vector.bitcast %shift_left3A_972 : vector<16xi32> to vector<16xf32>
        %add3A_974 = arith.addf %add3A_959, %bitcast3A_973 : vector<16xf32>
        %and3A_975 = arith.constant -65536 : i32
        %and3A_976 = vector.broadcast %and3A_975 : i32 to vector<16xi32>
        %and3A_977 = arith.andi %get3A_969, %and3A_976 : vector<16xi32>
        %bitcast3A_978 = vector.bitcast %and3A_977 : vector<16xi32> to vector<16xf32>
        %add3A_979 = arith.addf %add3A_964, %bitcast3A_978 : vector<16xf32>
        %add3A_980 = arith.constant 17 : i32
        %add3A_981 = arith.addi %mul3A_229, %add3A_980 : i32
        %get3A_982 = arith.index_cast %add3A_981 : i32 to index
        %get3A_983 = arith.constant 16 : index
        %get3A_984 = tpu.vector_load %arg12[%get3A_982, %get3A_983] {strides = array<i32>} : memref<512x64xi32, #tpu.memory_space<vmem>>, vector<16xi32>,
        %shift_left3A_985 = arith.constant 16 : i32
        %shift_left3A_986 = vector.broadcast %shift_left3A_985 : i32 to vector<16xi32>
        %shift_left3A_987 = arith.shli %get3A_984, %shift_left3A_986 : vector<16xi32>
        %bitcast3A_988 = vector.bitcast %shift_left3A_987 : vector<16xi32> to vector<16xf32>
        %add3A_989 = arith.addf %add3A_974, %bitcast3A_988 : vector<16xf32>
        %and3A_990 = arith.constant -65536 : i32
        %and3A_991 = vector.broadcast %and3A_990 : i32 to vector<16xi32>
        %and3A_992 = arith.andi %get3A_984, %and3A_991 : vector<16xi32>
        %bitcast3A_993 = vector.bitcast %and3A_992 : vector<16xi32> to vector<16xf32>
        %add3A_994 = arith.addf %add3A_979, %bitcast3A_993 : vector<16xf32>
        %add3A_995 = arith.constant 18 : i32
        %add3A_996 = arith.addi %mul3A_229, %add3A_995 : i32
        %get3A_997 = arith.index_cast %add3A_996 : i32 to index
        %get3A_998 = arith.constant 16 : index
        %get3A_999 = tpu.vector_load %arg12[%get3A_997, %get3A_998] {strides = array<i32>} : memref<512x64xi32, #tpu.memory_space<vmem>>, vector<16xi32>,
        %shift_left3A_1000 = arith.constant 16 : i32
        %shift_left3A_1001 = vector.broadcast %shift_left3A_1000 : i32 to vector<16xi32>
        %shift_left3A_1002 = arith.shli %get3A_999, %shift_left3A_1001 : vector<16xi32>
        %bitcast3A_1003 = vector.bitcast %shift_left3A_1002 : vector<16xi32> to vector<16xf32>
        %add3A_1004 = arith.addf %add3A_989, %bitcast3A_1003 : vector<16xf32>
        %and3A_1005 = arith.constant -65536 : i32
        %and3A_1006 = vector.broadcast %and3A_1005 : i32 to vector<16xi32>
        %and3A_1007 = arith.andi %get3A_999, %and3A_1006 : vector<16xi32>
        %bitcast3A_1008 = vector.bitcast %and3A_1007 : vector<16xi32> to vector<16xf32>
        %add3A_1009 = arith.addf %add3A_994, %bitcast3A_1008 : vector<16xf32>
        %add3A_1010 = arith.constant 19 : i32
        %add3A_1011 = arith.addi %mul3A_229, %add3A_1010 : i32
        %get3A_1012 = arith.index_cast %add3A_1011 : i32 to index
        %get3A_1013 = arith.constant 16 : index
        %get3A_1014 = tpu.vector_load %arg12[%get3A_1012, %get3A_1013] {strides = array<i32>} : memref<512x64xi32, #tpu.memory_space<vmem>>, vector<16xi32>,
        %shift_left3A_1015 = arith.constant 16 : i32
        %shift_left3A_1016 = vector.broadcast %shift_left3A_1015 : i32 to vector<16xi32>
        %shift_left3A_1017 = arith.shli %get3A_1014, %shift_left3A_1016 : vector<16xi32>
        %bitcast3A_1018 = vector.bitcast %shift_left3A_1017 : vector<16xi32> to vector<16xf32>
        %add3A_1019 = arith.addf %add3A_1004, %bitcast3A_1018 : vector<16xf32>
        %and3A_1020 = arith.constant -65536 : i32
        %and3A_1021 = vector.broadcast %and3A_1020 : i32 to vector<16xi32>
        %and3A_1022 = arith.andi %get3A_1014, %and3A_1021 : vector<16xi32>
        %bitcast3A_1023 = vector.bitcast %and3A_1022 : vector<16xi32> to vector<16xf32>
        %add3A_1024 = arith.addf %add3A_1009, %bitcast3A_1023 : vector<16xf32>
        %add3A_1025 = arith.constant 20 : i32
        %add3A_1026 = arith.addi %mul3A_229, %add3A_1025 : i32
        %get3A_1027 = arith.index_cast %add3A_1026 : i32 to index
        %get3A_1028 = arith.constant 16 : index
        %get3A_1029 = tpu.vector_load %arg12[%get3A_1027, %get3A_1028] {strides = array<i32>} : memref<512x64xi32, #tpu.memory_space<vmem>>, vector<16xi32>,
        %shift_left3A_1030 = arith.constant 16 : i32
        %shift_left3A_1031 = vector.broadcast %shift_left3A_1030 : i32 to vector<16xi32>
        %shift_left3A_1032 = arith.shli %get3A_1029, %shift_left3A_1031 : vector<16xi32>
        %bitcast3A_1033 = vector.bitcast %shift_left3A_1032 : vector<16xi32> to vector<16xf32>
        %add3A_1034 = arith.addf %add3A_1019, %bitcast3A_1033 : vector<16xf32>
        %and3A_1035 = arith.constant -65536 : i32
        %and3A_1036 = vector.broadcast %and3A_1035 : i32 to vector<16xi32>
        %and3A_1037 = arith.andi %get3A_1029, %and3A_1036 : vector<16xi32>
        %bitcast3A_1038 = vector.bitcast %and3A_1037 : vector<16xi32> to vector<16xf32>
        %add3A_1039 = arith.addf %add3A_1024, %bitcast3A_1038 : vector<16xf32>
        %add3A_1040 = arith.constant 21 : i32
        %add3A_1041 = arith.addi %mul3A_229, %add3A_1040 : i32
        %get3A_1042 = arith.index_cast %add3A_1041 : i32 to index
        %get3A_1043 = arith.constant 16 : index
        %get3A_1044 = tpu.vector_load %arg12[%get3A_1042, %get3A_1043] {strides = array<i32>} : memref<512x64xi32, #tpu.memory_space<vmem>>, vector<16xi32>,
        %shift_left3A_1045 = arith.constant 16 : i32
        %shift_left3A_1046 = vector.broadcast %shift_left3A_1045 : i32 to vector<16xi32>
        %shift_left3A_1047 = arith.shli %get3A_1044, %shift_left3A_1046 : vector<16xi32>
        %bitcast3A_1048 = vector.bitcast %shift_left3A_1047 : vector<16xi32> to vector<16xf32>
        %add3A_1049 = arith.addf %add3A_1034, %bitcast3A_1048 : vector<16xf32>
        %and3A_1050 = arith.constant -65536 : i32
        %and3A_1051 = vector.broadcast %and3A_1050 : i32 to vector<16xi32>
        %and3A_1052 = arith.andi %get3A_1044, %and3A_1051 : vector<16xi32>
        %bitcast3A_1053 = vector.bitcast %and3A_1052 : vector<16xi32> to vector<16xf32>
        %add3A_1054 = arith.addf %add3A_1039, %bitcast3A_1053 : vector<16xf32>
        %add3A_1055 = arith.constant 22 : i32
        %add3A_1056 = arith.addi %mul3A_229, %add3A_1055 : i32
        %get3A_1057 = arith.index_cast %add3A_1056 : i32 to index
        %get3A_1058 = arith.constant 16 : index
        %get3A_1059 = tpu.vector_load %arg12[%get3A_1057, %get3A_1058] {strides = array<i32>} : memref<512x64xi32, #tpu.memory_space<vmem>>, vector<16xi32>,
        %shift_left3A_1060 = arith.constant 16 : i32
        %shift_left3A_1061 = vector.broadcast %shift_left3A_1060 : i32 to vector<16xi32>
        %shift_left3A_1062 = arith.shli %get3A_1059, %shift_left3A_1061 : vector<16xi32>
        %bitcast3A_1063 = vector.bitcast %shift_left3A_1062 : vector<16xi32> to vector<16xf32>
        %add3A_1064 = arith.addf %add3A_1049, %bitcast3A_1063 : vector<16xf32>
        %and3A_1065 = arith.constant -65536 : i32
        %and3A_1066 = vector.broadcast %and3A_1065 : i32 to vector<16xi32>
        %and3A_1067 = arith.andi %get3A_1059, %and3A_1066 : vector<16xi32>
        %bitcast3A_1068 = vector.bitcast %and3A_1067 : vector<16xi32> to vector<16xf32>
        %add3A_1069 = arith.addf %add3A_1054, %bitcast3A_1068 : vector<16xf32>
        %add3A_1070 = arith.constant 23 : i32
        %add3A_1071 = arith.addi %mul3A_229, %add3A_1070 : i32
        %get3A_1072 = arith.index_cast %add3A_1071 : i32 to index
        %get3A_1073 = arith.constant 16 : index
        %get3A_1074 = tpu.vector_load %arg12[%get3A_1072, %get3A_1073] {strides = array<i32>} : memref<512x64xi32, #tpu.memory_space<vmem>>, vector<16xi32>,
        %shift_left3A_1075 = arith.constant 16 : i32
        %shift_left3A_1076 = vector.broadcast %shift_left3A_1075 : i32 to vector<16xi32>
        %shift_left3A_1077 = arith.shli %get3A_1074, %shift_left3A_1076 : vector<16xi32>
        %bitcast3A_1078 = vector.bitcast %shift_left3A_1077 : vector<16xi32> to vector<16xf32>
        %add3A_1079 = arith.addf %add3A_1064, %bitcast3A_1078 : vector<16xf32>
        %and3A_1080 = arith.constant -65536 : i32
        %and3A_1081 = vector.broadcast %and3A_1080 : i32 to vector<16xi32>
        %and3A_1082 = arith.andi %get3A_1074, %and3A_1081 : vector<16xi32>
        %bitcast3A_1083 = vector.bitcast %and3A_1082 : vector<16xi32> to vector<16xf32>
        %add3A_1084 = arith.addf %add3A_1069, %bitcast3A_1083 : vector<16xf32>
        %add3A_1085 = arith.constant 24 : i32
        %add3A_1086 = arith.addi %mul3A_229, %add3A_1085 : i32
        %get3A_1087 = arith.index_cast %add3A_1086 : i32 to index
        %get3A_1088 = arith.constant 16 : index
        %get3A_1089 = tpu.vector_load %arg12[%get3A_1087, %get3A_1088] {strides = array<i32>} : memref<512x64xi32, #tpu.memory_space<vmem>>, vector<16xi32>,
        %shift_left3A_1090 = arith.constant 16 : i32
        %shift_left3A_1091 = vector.broadcast %shift_left3A_1090 : i32 to vector<16xi32>
        %shift_left3A_1092 = arith.shli %get3A_1089, %shift_left3A_1091 : vector<16xi32>
        %bitcast3A_1093 = vector.bitcast %shift_left3A_1092 : vector<16xi32> to vector<16xf32>
        %add3A_1094 = arith.addf %add3A_1079, %bitcast3A_1093 : vector<16xf32>
        %and3A_1095 = arith.constant -65536 : i32
        %and3A_1096 = vector.broadcast %and3A_1095 : i32 to vector<16xi32>
        %and3A_1097 = arith.andi %get3A_1089, %and3A_1096 : vector<16xi32>
        %bitcast3A_1098 = vector.bitcast %and3A_1097 : vector<16xi32> to vector<16xf32>
        %add3A_1099 = arith.addf %add3A_1084, %bitcast3A_1098 : vector<16xf32>
        %add3A_1100 = arith.constant 25 : i32
        %add3A_1101 = arith.addi %mul3A_229, %add3A_1100 : i32
        %get3A_1102 = arith.index_cast %add3A_1101 : i32 to index
        %get3A_1103 = arith.constant 16 : index
        %get3A_1104 = tpu.vector_load %arg12[%get3A_1102, %get3A_1103] {strides = array<i32>} : memref<512x64xi32, #tpu.memory_space<vmem>>, vector<16xi32>,
        %shift_left3A_1105 = arith.constant 16 : i32
        %shift_left3A_1106 = vector.broadcast %shift_left3A_1105 : i32 to vector<16xi32>
        %shift_left3A_1107 = arith.shli %get3A_1104, %shift_left3A_1106 : vector<16xi32>
        %bitcast3A_1108 = vector.bitcast %shift_left3A_1107 : vector<16xi32> to vector<16xf32>
        %add3A_1109 = arith.addf %add3A_1094, %bitcast3A_1108 : vector<16xf32>
        %and3A_1110 = arith.constant -65536 : i32
        %and3A_1111 = vector.broadcast %and3A_1110 : i32 to vector<16xi32>
        %and3A_1112 = arith.andi %get3A_1104, %and3A_1111 : vector<16xi32>
        %bitcast3A_1113 = vector.bitcast %and3A_1112 : vector<16xi32> to vector<16xf32>
        %add3A_1114 = arith.addf %add3A_1099, %bitcast3A_1113 : vector<16xf32>
        %add3A_1115 = arith.constant 26 : i32
        %add3A_1116 = arith.addi %mul3A_229, %add3A_1115 : i32
        %get3A_1117 = arith.index_cast %add3A_1116 : i32 to index
        %get3A_1118 = arith.constant 16 : index
        %get3A_1119 = tpu.vector_load %arg12[%get3A_1117, %get3A_1118] {strides = array<i32>} : memref<512x64xi32, #tpu.memory_space<vmem>>, vector<16xi32>,
        %shift_left3A_1120 = arith.constant 16 : i32
        %shift_left3A_1121 = vector.broadcast %shift_left3A_1120 : i32 to vector<16xi32>
        %shift_left3A_1122 = arith.shli %get3A_1119, %shift_left3A_1121 : vector<16xi32>
        %bitcast3A_1123 = vector.bitcast %shift_left3A_1122 : vector<16xi32> to vector<16xf32>
        %add3A_1124 = arith.addf %add3A_1109, %bitcast3A_1123 : vector<16xf32>
        %and3A_1125 = arith.constant -65536 : i32
        %and3A_1126 = vector.broadcast %and3A_1125 : i32 to vector<16xi32>
        %and3A_1127 = arith.andi %get3A_1119, %and3A_1126 : vector<16xi32>
        %bitcast3A_1128 = vector.bitcast %and3A_1127 : vector<16xi32> to vector<16xf32>
        %add3A_1129 = arith.addf %add3A_1114, %bitcast3A_1128 : vector<16xf32>
        %add3A_1130 = arith.constant 27 : i32
        %add3A_1131 = arith.addi %mul3A_229, %add3A_1130 : i32
        %get3A_1132 = arith.index_cast %add3A_1131 : i32 to index
        %get3A_1133 = arith.constant 16 : index
        %get3A_1134 = tpu.vector_load %arg12[%get3A_1132, %get3A_1133] {strides = array<i32>} : memref<512x64xi32, #tpu.memory_space<vmem>>, vector<16xi32>,
        %shift_left3A_1135 = arith.constant 16 : i32
        %shift_left3A_1136 = vector.broadcast %shift_left3A_1135 : i32 to vector<16xi32>
        %shift_left3A_1137 = arith.shli %get3A_1134, %shift_left3A_1136 : vector<16xi32>
        %bitcast3A_1138 = vector.bitcast %shift_left3A_1137 : vector<16xi32> to vector<16xf32>
        %add3A_1139 = arith.addf %add3A_1124, %bitcast3A_1138 : vector<16xf32>
        %and3A_1140 = arith.constant -65536 : i32
        %and3A_1141 = vector.broadcast %and3A_1140 : i32 to vector<16xi32>
        %and3A_1142 = arith.andi %get3A_1134, %and3A_1141 : vector<16xi32>
        %bitcast3A_1143 = vector.bitcast %and3A_1142 : vector<16xi32> to vector<16xf32>
        %add3A_1144 = arith.addf %add3A_1129, %bitcast3A_1143 : vector<16xf32>
        %add3A_1145 = arith.constant 28 : i32
        %add3A_1146 = arith.addi %mul3A_229, %add3A_1145 : i32
        %get3A_1147 = arith.index_cast %add3A_1146 : i32 to index
        %get3A_1148 = arith.constant 16 : index
        %get3A_1149 = tpu.vector_load %arg12[%get3A_1147, %get3A_1148] {strides = array<i32>} : memref<512x64xi32, #tpu.memory_space<vmem>>, vector<16xi32>,
        %shift_left3A_1150 = arith.constant 16 : i32
        %shift_left3A_1151 = vector.broadcast %shift_left3A_1150 : i32 to vector<16xi32>
        %shift_left3A_1152 = arith.shli %get3A_1149, %shift_left3A_1151 : vector<16xi32>
        %bitcast3A_1153 = vector.bitcast %shift_left3A_1152 : vector<16xi32> to vector<16xf32>
        %add3A_1154 = arith.addf %add3A_1139, %bitcast3A_1153 : vector<16xf32>
        %and3A_1155 = arith.constant -65536 : i32
        %and3A_1156 = vector.broadcast %and3A_1155 : i32 to vector<16xi32>
        %and3A_1157 = arith.andi %get3A_1149, %and3A_1156 : vector<16xi32>
        %bitcast3A_1158 = vector.bitcast %and3A_1157 : vector<16xi32> to vector<16xf32>
        %add3A_1159 = arith.addf %add3A_1144, %bitcast3A_1158 : vector<16xf32>
        %add3A_1160 = arith.constant 29 : i32
        %add3A_1161 = arith.addi %mul3A_229, %add3A_1160 : i32
        %get3A_1162 = arith.index_cast %add3A_1161 : i32 to index
        %get3A_1163 = arith.constant 16 : index
        %get3A_1164 = tpu.vector_load %arg12[%get3A_1162, %get3A_1163] {strides = array<i32>} : memref<512x64xi32, #tpu.memory_space<vmem>>, vector<16xi32>,
        %shift_left3A_1165 = arith.constant 16 : i32
        %shift_left3A_1166 = vector.broadcast %shift_left3A_1165 : i32 to vector<16xi32>
        %shift_left3A_1167 = arith.shli %get3A_1164, %shift_left3A_1166 : vector<16xi32>
        %bitcast3A_1168 = vector.bitcast %shift_left3A_1167 : vector<16xi32> to vector<16xf32>
        %add3A_1169 = arith.addf %add3A_1154, %bitcast3A_1168 : vector<16xf32>
        %and3A_1170 = arith.constant -65536 : i32
        %and3A_1171 = vector.broadcast %and3A_1170 : i32 to vector<16xi32>
        %and3A_1172 = arith.andi %get3A_1164, %and3A_1171 : vector<16xi32>
        %bitcast3A_1173 = vector.bitcast %and3A_1172 : vector<16xi32> to vector<16xf32>
        %add3A_1174 = arith.addf %add3A_1159, %bitcast3A_1173 : vector<16xf32>
        %add3A_1175 = arith.constant 30 : i32
        %add3A_1176 = arith.addi %mul3A_229, %add3A_1175 : i32
        %get3A_1177 = arith.index_cast %add3A_1176 : i32 to index
        %get3A_1178 = arith.constant 16 : index
        %get3A_1179 = tpu.vector_load %arg12[%get3A_1177, %get3A_1178] {strides = array<i32>} : memref<512x64xi32, #tpu.memory_space<vmem>>, vector<16xi32>,
        %shift_left3A_1180 = arith.constant 16 : i32
        %shift_left3A_1181 = vector.broadcast %shift_left3A_1180 : i32 to vector<16xi32>
        %shift_left3A_1182 = arith.shli %get3A_1179, %shift_left3A_1181 : vector<16xi32>
        %bitcast3A_1183 = vector.bitcast %shift_left3A_1182 : vector<16xi32> to vector<16xf32>
        %add3A_1184 = arith.addf %add3A_1169, %bitcast3A_1183 : vector<16xf32>
        %and3A_1185 = arith.constant -65536 : i32
        %and3A_1186 = vector.broadcast %and3A_1185 : i32 to vector<16xi32>
        %and3A_1187 = arith.andi %get3A_1179, %and3A_1186 : vector<16xi32>
        %bitcast3A_1188 = vector.bitcast %and3A_1187 : vector<16xi32> to vector<16xf32>
        %add3A_1189 = arith.addf %add3A_1174, %bitcast3A_1188 : vector<16xf32>
        %add3A_1190 = arith.constant 31 : i32
        %add3A_1191 = arith.addi %mul3A_229, %add3A_1190 : i32
        %get3A_1192 = arith.index_cast %add3A_1191 : i32 to index
        %get3A_1193 = arith.constant 16 : index
        %get3A_1194 = tpu.vector_load %arg12[%get3A_1192, %get3A_1193] {strides = array<i32>} : memref<512x64xi32, #tpu.memory_space<vmem>>, vector<16xi32>,
        %shift_left3A_1195 = arith.constant 16 : i32
        %shift_left3A_1196 = vector.broadcast %shift_left3A_1195 : i32 to vector<16xi32>
        %shift_left3A_1197 = arith.shli %get3A_1194, %shift_left3A_1196 : vector<16xi32>
        %bitcast3A_1198 = vector.bitcast %shift_left3A_1197 : vector<16xi32> to vector<16xf32>
        %add3A_1199 = arith.addf %add3A_1184, %bitcast3A_1198 : vector<16xf32>
        %and3A_1200 = arith.constant -65536 : i32
        %and3A_1201 = vector.broadcast %and3A_1200 : i32 to vector<16xi32>
        %and3A_1202 = arith.andi %get3A_1194, %and3A_1201 : vector<16xi32>
        %bitcast3A_1203 = vector.bitcast %and3A_1202 : vector<16xi32> to vector<16xf32>
        %add3A_1204 = arith.addf %add3A_1189, %bitcast3A_1203 : vector<16xf32>
        %get3A_1205 = arith.index_cast %add3A_227 : i32 to index
        %get3A_1206 = arith.constant 32 : index
        %get3A_1207 = tpu.vector_load %arg13[%get3A_1205, %get3A_1206] {strides = array<i32>} : memref<16x128xf32, #tpu.memory_space<vmem>>, vector<16xf32>,
        %get3A_1208 = arith.index_cast %add3A_227 : i32 to index
        %get3A_1209 = arith.constant 32 : index
        %get3A_1210 = tpu.vector_load %arg14[%get3A_1208, %get3A_1209] {strides = array<i32>} : memref<16x128xf32, #tpu.memory_space<vmem>>, vector<16xf32>,
        %add3A_1211 = arith.addf %get3A_1207, %get3A_1210 : vector<16xf32>
        %mul3A_1212 = arith.constant 3.125000e-02 : f32
        %mul3A_1213 = vector.broadcast %mul3A_1212 : f32 to vector<16xf32>
        %mul3A_1214 = arith.mulf %add3A_1199, %mul3A_1213 : vector<16xf32>
        %add3A_1215 = arith.addf %add3A_1211, %mul3A_1214 : vector<16xf32>
        %swap3A_1216 = arith.index_cast %add3A_227 : i32 to index
        %swap3A_1217 = arith.constant 32 : index
        %swap3A_1218 = tpu.vector_load %arg15[%swap3A_1216, %swap3A_1217] {strides = array<i32>} : memref<16x128xf32, #tpu.memory_space<vmem>>, vector<16xf32>,
        tpu.vector_store %arg15[%swap3A_1216, %swap3A_1217], %add3A_1215 {strides = array<i32>} : memref<16x128xf32, #tpu.memory_space<vmem>>, vector<16xf32>,
        %get3A_1219 = arith.index_cast %add3A_227 : i32 to index
        %get3A_1220 = arith.constant 48 : index
        %get3A_1221 = tpu.vector_load %arg13[%get3A_1219, %get3A_1220] {strides = array<i32>} : memref<16x128xf32, #tpu.memory_space<vmem>>, vector<16xf32>,
        %get3A_1222 = arith.index_cast %add3A_227 : i32 to index
        %get3A_1223 = arith.constant 48 : index
        %get3A_1224 = tpu.vector_load %arg14[%get3A_1222, %get3A_1223] {strides = array<i32>} : memref<16x128xf32, #tpu.memory_space<vmem>>, vector<16xf32>,
        %add3A_1225 = arith.addf %get3A_1221, %get3A_1224 : vector<16xf32>
        %mul3A_1226 = arith.constant 3.125000e-02 : f32
        %mul3A_1227 = vector.broadcast %mul3A_1226 : f32 to vector<16xf32>
        %mul3A_1228 = arith.mulf %add3A_1204, %mul3A_1227 : vector<16xf32>
        %add3A_1229 = arith.addf %add3A_1225, %mul3A_1228 : vector<16xf32>
        %swap3A_1230 = arith.index_cast %add3A_227 : i32 to index
        %swap3A_1231 = arith.constant 48 : index
        %swap3A_1232 = tpu.vector_load %arg15[%swap3A_1230, %swap3A_1231] {strides = array<i32>} : memref<16x128xf32, #tpu.memory_space<vmem>>, vector<16xf32>,
        tpu.vector_store %arg15[%swap3A_1230, %swap3A_1231], %add3A_1229 {strides = array<i32>} : memref<16x128xf32, #tpu.memory_space<vmem>>, vector<16xf32>,
        %get3A_1233 = arith.index_cast %mul3A_229 : i32 to index
        %get3A_1234 = arith.constant 32 : index
        %get3A_1235 = tpu.vector_load %arg12[%get3A_1233, %get3A_1234] {strides = array<i32>} : memref<512x64xi32, #tpu.memory_space<vmem>>, vector<16xi32>,
        %shift_left3A_1236 = arith.constant 16 : i32
        %shift_left3A_1237 = vector.broadcast %shift_left3A_1236 : i32 to vector<16xi32>
        %shift_left3A_1238 = arith.shli %get3A_1235, %shift_left3A_1237 : vector<16xi32>
        %bitcast3A_1239 = vector.bitcast %shift_left3A_1238 : vector<16xi32> to vector<16xf32>
        %and3A_1240 = arith.constant -65536 : i32
        %and3A_1241 = vector.broadcast %and3A_1240 : i32 to vector<16xi32>
        %and3A_1242 = arith.andi %get3A_1235, %and3A_1241 : vector<16xi32>
        %bitcast3A_1243 = vector.bitcast %and3A_1242 : vector<16xi32> to vector<16xf32>
        %add3A_1244 = arith.constant 1 : i32
        %add3A_1245 = arith.addi %mul3A_229, %add3A_1244 : i32
        %get3A_1246 = arith.index_cast %add3A_1245 : i32 to index
        %get3A_1247 = arith.constant 32 : index
        %get3A_1248 = tpu.vector_load %arg12[%get3A_1246, %get3A_1247] {strides = array<i32>} : memref<512x64xi32, #tpu.memory_space<vmem>>, vector<16xi32>,
        %shift_left3A_1249 = arith.constant 16 : i32
        %shift_left3A_1250 = vector.broadcast %shift_left3A_1249 : i32 to vector<16xi32>
        %shift_left3A_1251 = arith.shli %get3A_1248, %shift_left3A_1250 : vector<16xi32>
        %bitcast3A_1252 = vector.bitcast %shift_left3A_1251 : vector<16xi32> to vector<16xf32>
        %add3A_1253 = arith.addf %bitcast3A_1239, %bitcast3A_1252 : vector<16xf32>
        %and3A_1254 = arith.constant -65536 : i32
        %and3A_1255 = vector.broadcast %and3A_1254 : i32 to vector<16xi32>
        %and3A_1256 = arith.andi %get3A_1248, %and3A_1255 : vector<16xi32>
        %bitcast3A_1257 = vector.bitcast %and3A_1256 : vector<16xi32> to vector<16xf32>
        %add3A_1258 = arith.addf %bitcast3A_1243, %bitcast3A_1257 : vector<16xf32>
        %add3A_1259 = arith.constant 2 : i32
        %add3A_1260 = arith.addi %mul3A_229, %add3A_1259 : i32
        %get3A_1261 = arith.index_cast %add3A_1260 : i32 to index
        %get3A_1262 = arith.constant 32 : index
        %get3A_1263 = tpu.vector_load %arg12[%get3A_1261, %get3A_1262] {strides = array<i32>} : memref<512x64xi32, #tpu.memory_space<vmem>>, vector<16xi32>,
        %shift_left3A_1264 = arith.constant 16 : i32
        %shift_left3A_1265 = vector.broadcast %shift_left3A_1264 : i32 to vector<16xi32>
        %shift_left3A_1266 = arith.shli %get3A_1263, %shift_left3A_1265 : vector<16xi32>
        %bitcast3A_1267 = vector.bitcast %shift_left3A_1266 : vector<16xi32> to vector<16xf32>
        %add3A_1268 = arith.addf %add3A_1253, %bitcast3A_1267 : vector<16xf32>
        %and3A_1269 = arith.constant -65536 : i32
        %and3A_1270 = vector.broadcast %and3A_1269 : i32 to vector<16xi32>
        %and3A_1271 = arith.andi %get3A_1263, %and3A_1270 : vector<16xi32>
        %bitcast3A_1272 = vector.bitcast %and3A_1271 : vector<16xi32> to vector<16xf32>
        %add3A_1273 = arith.addf %add3A_1258, %bitcast3A_1272 : vector<16xf32>
        %add3A_1274 = arith.constant 3 : i32
        %add3A_1275 = arith.addi %mul3A_229, %add3A_1274 : i32
        %get3A_1276 = arith.index_cast %add3A_1275 : i32 to index
        %get3A_1277 = arith.constant 32 : index
        %get3A_1278 = tpu.vector_load %arg12[%get3A_1276, %get3A_1277] {strides = array<i32>} : memref<512x64xi32, #tpu.memory_space<vmem>>, vector<16xi32>,
        %shift_left3A_1279 = arith.constant 16 : i32
        %shift_left3A_1280 = vector.broadcast %shift_left3A_1279 : i32 to vector<16xi32>
        %shift_left3A_1281 = arith.shli %get3A_1278, %shift_left3A_1280 : vector<16xi32>
        %bitcast3A_1282 = vector.bitcast %shift_left3A_1281 : vector<16xi32> to vector<16xf32>
        %add3A_1283 = arith.addf %add3A_1268, %bitcast3A_1282 : vector<16xf32>
        %and3A_1284 = arith.constant -65536 : i32
        %and3A_1285 = vector.broadcast %and3A_1284 : i32 to vector<16xi32>
        %and3A_1286 = arith.andi %get3A_1278, %and3A_1285 : vector<16xi32>
        %bitcast3A_1287 = vector.bitcast %and3A_1286 : vector<16xi32> to vector<16xf32>
        %add3A_1288 = arith.addf %add3A_1273, %bitcast3A_1287 : vector<16xf32>
        %add3A_1289 = arith.constant 4 : i32
        %add3A_1290 = arith.addi %mul3A_229, %add3A_1289 : i32
        %get3A_1291 = arith.index_cast %add3A_1290 : i32 to index
        %get3A_1292 = arith.constant 32 : index
        %get3A_1293 = tpu.vector_load %arg12[%get3A_1291, %get3A_1292] {strides = array<i32>} : memref<512x64xi32, #tpu.memory_space<vmem>>, vector<16xi32>,
        %shift_left3A_1294 = arith.constant 16 : i32
        %shift_left3A_1295 = vector.broadcast %shift_left3A_1294 : i32 to vector<16xi32>
        %shift_left3A_1296 = arith.shli %get3A_1293, %shift_left3A_1295 : vector<16xi32>
        %bitcast3A_1297 = vector.bitcast %shift_left3A_1296 : vector<16xi32> to vector<16xf32>
        %add3A_1298 = arith.addf %add3A_1283, %bitcast3A_1297 : vector<16xf32>
        %and3A_1299 = arith.constant -65536 : i32
        %and3A_1300 = vector.broadcast %and3A_1299 : i32 to vector<16xi32>
        %and3A_1301 = arith.andi %get3A_1293, %and3A_1300 : vector<16xi32>
        %bitcast3A_1302 = vector.bitcast %and3A_1301 : vector<16xi32> to vector<16xf32>
        %add3A_1303 = arith.addf %add3A_1288, %bitcast3A_1302 : vector<16xf32>
        %add3A_1304 = arith.constant 5 : i32
        %add3A_1305 = arith.addi %mul3A_229, %add3A_1304 : i32
        %get3A_1306 = arith.index_cast %add3A_1305 : i32 to index
        %get3A_1307 = arith.constant 32 : index
        %get3A_1308 = tpu.vector_load %arg12[%get3A_1306, %get3A_1307] {strides = array<i32>} : memref<512x64xi32, #tpu.memory_space<vmem>>, vector<16xi32>,
        %shift_left3A_1309 = arith.constant 16 : i32
        %shift_left3A_1310 = vector.broadcast %shift_left3A_1309 : i32 to vector<16xi32>
        %shift_left3A_1311 = arith.shli %get3A_1308, %shift_left3A_1310 : vector<16xi32>
        %bitcast3A_1312 = vector.bitcast %shift_left3A_1311 : vector<16xi32> to vector<16xf32>
        %add3A_1313 = arith.addf %add3A_1298, %bitcast3A_1312 : vector<16xf32>
        %and3A_1314 = arith.constant -65536 : i32
        %and3A_1315 = vector.broadcast %and3A_1314 : i32 to vector<16xi32>
        %and3A_1316 = arith.andi %get3A_1308, %and3A_1315 : vector<16xi32>
        %bitcast3A_1317 = vector.bitcast %and3A_1316 : vector<16xi32> to vector<16xf32>
        %add3A_1318 = arith.addf %add3A_1303, %bitcast3A_1317 : vector<16xf32>
        %add3A_1319 = arith.constant 6 : i32
        %add3A_1320 = arith.addi %mul3A_229, %add3A_1319 : i32
        %get3A_1321 = arith.index_cast %add3A_1320 : i32 to index
        %get3A_1322 = arith.constant 32 : index
        %get3A_1323 = tpu.vector_load %arg12[%get3A_1321, %get3A_1322] {strides = array<i32>} : memref<512x64xi32, #tpu.memory_space<vmem>>, vector<16xi32>,
        %shift_left3A_1324 = arith.constant 16 : i32
        %shift_left3A_1325 = vector.broadcast %shift_left3A_1324 : i32 to vector<16xi32>
        %shift_left3A_1326 = arith.shli %get3A_1323, %shift_left3A_1325 : vector<16xi32>
        %bitcast3A_1327 = vector.bitcast %shift_left3A_1326 : vector<16xi32> to vector<16xf32>
        %add3A_1328 = arith.addf %add3A_1313, %bitcast3A_1327 : vector<16xf32>
        %and3A_1329 = arith.constant -65536 : i32
        %and3A_1330 = vector.broadcast %and3A_1329 : i32 to vector<16xi32>
        %and3A_1331 = arith.andi %get3A_1323, %and3A_1330 : vector<16xi32>
        %bitcast3A_1332 = vector.bitcast %and3A_1331 : vector<16xi32> to vector<16xf32>
        %add3A_1333 = arith.addf %add3A_1318, %bitcast3A_1332 : vector<16xf32>
        %add3A_1334 = arith.constant 7 : i32
        %add3A_1335 = arith.addi %mul3A_229, %add3A_1334 : i32
        %get3A_1336 = arith.index_cast %add3A_1335 : i32 to index
        %get3A_1337 = arith.constant 32 : index
        %get3A_1338 = tpu.vector_load %arg12[%get3A_1336, %get3A_1337] {strides = array<i32>} : memref<512x64xi32, #tpu.memory_space<vmem>>, vector<16xi32>,
        %shift_left3A_1339 = arith.constant 16 : i32
        %shift_left3A_1340 = vector.broadcast %shift_left3A_1339 : i32 to vector<16xi32>
        %shift_left3A_1341 = arith.shli %get3A_1338, %shift_left3A_1340 : vector<16xi32>
        %bitcast3A_1342 = vector.bitcast %shift_left3A_1341 : vector<16xi32> to vector<16xf32>
        %add3A_1343 = arith.addf %add3A_1328, %bitcast3A_1342 : vector<16xf32>
        %and3A_1344 = arith.constant -65536 : i32
        %and3A_1345 = vector.broadcast %and3A_1344 : i32 to vector<16xi32>
        %and3A_1346 = arith.andi %get3A_1338, %and3A_1345 : vector<16xi32>
        %bitcast3A_1347 = vector.bitcast %and3A_1346 : vector<16xi32> to vector<16xf32>
        %add3A_1348 = arith.addf %add3A_1333, %bitcast3A_1347 : vector<16xf32>
        %add3A_1349 = arith.constant 8 : i32
        %add3A_1350 = arith.addi %mul3A_229, %add3A_1349 : i32
        %get3A_1351 = arith.index_cast %add3A_1350 : i32 to index
        %get3A_1352 = arith.constant 32 : index
        %get3A_1353 = tpu.vector_load %arg12[%get3A_1351, %get3A_1352] {strides = array<i32>} : memref<512x64xi32, #tpu.memory_space<vmem>>, vector<16xi32>,
        %shift_left3A_1354 = arith.constant 16 : i32
        %shift_left3A_1355 = vector.broadcast %shift_left3A_1354 : i32 to vector<16xi32>
        %shift_left3A_1356 = arith.shli %get3A_1353, %shift_left3A_1355 : vector<16xi32>
        %bitcast3A_1357 = vector.bitcast %shift_left3A_1356 : vector<16xi32> to vector<16xf32>
        %add3A_1358 = arith.addf %add3A_1343, %bitcast3A_1357 : vector<16xf32>
        %and3A_1359 = arith.constant -65536 : i32
        %and3A_1360 = vector.broadcast %and3A_1359 : i32 to vector<16xi32>
        %and3A_1361 = arith.andi %get3A_1353, %and3A_1360 : vector<16xi32>
        %bitcast3A_1362 = vector.bitcast %and3A_1361 : vector<16xi32> to vector<16xf32>
        %add3A_1363 = arith.addf %add3A_1348, %bitcast3A_1362 : vector<16xf32>
        %add3A_1364 = arith.constant 9 : i32
        %add3A_1365 = arith.addi %mul3A_229, %add3A_1364 : i32
        %get3A_1366 = arith.index_cast %add3A_1365 : i32 to index
        %get3A_1367 = arith.constant 32 : index
        %get3A_1368 = tpu.vector_load %arg12[%get3A_1366, %get3A_1367] {strides = array<i32>} : memref<512x64xi32, #tpu.memory_space<vmem>>, vector<16xi32>,
        %shift_left3A_1369 = arith.constant 16 : i32
        %shift_left3A_1370 = vector.broadcast %shift_left3A_1369 : i32 to vector<16xi32>
        %shift_left3A_1371 = arith.shli %get3A_1368, %shift_left3A_1370 : vector<16xi32>
        %bitcast3A_1372 = vector.bitcast %shift_left3A_1371 : vector<16xi32> to vector<16xf32>
        %add3A_1373 = arith.addf %add3A_1358, %bitcast3A_1372 : vector<16xf32>
        %and3A_1374 = arith.constant -65536 : i32
        %and3A_1375 = vector.broadcast %and3A_1374 : i32 to vector<16xi32>
        %and3A_1376 = arith.andi %get3A_1368, %and3A_1375 : vector<16xi32>
        %bitcast3A_1377 = vector.bitcast %and3A_1376 : vector<16xi32> to vector<16xf32>
        %add3A_1378 = arith.addf %add3A_1363, %bitcast3A_1377 : vector<16xf32>
        %add3A_1379 = arith.constant 10 : i32
        %add3A_1380 = arith.addi %mul3A_229, %add3A_1379 : i32
        %get3A_1381 = arith.index_cast %add3A_1380 : i32 to index
        %get3A_1382 = arith.constant 32 : index
        %get3A_1383 = tpu.vector_load %arg12[%get3A_1381, %get3A_1382] {strides = array<i32>} : memref<512x64xi32, #tpu.memory_space<vmem>>, vector<16xi32>,
        %shift_left3A_1384 = arith.constant 16 : i32
        %shift_left3A_1385 = vector.broadcast %shift_left3A_1384 : i32 to vector<16xi32>
        %shift_left3A_1386 = arith.shli %get3A_1383, %shift_left3A_1385 : vector<16xi32>
        %bitcast3A_1387 = vector.bitcast %shift_left3A_1386 : vector<16xi32> to vector<16xf32>
        %add3A_1388 = arith.addf %add3A_1373, %bitcast3A_1387 : vector<16xf32>
        %and3A_1389 = arith.constant -65536 : i32
        %and3A_1390 = vector.broadcast %and3A_1389 : i32 to vector<16xi32>
        %and3A_1391 = arith.andi %get3A_1383, %and3A_1390 : vector<16xi32>
        %bitcast3A_1392 = vector.bitcast %and3A_1391 : vector<16xi32> to vector<16xf32>
        %add3A_1393 = arith.addf %add3A_1378, %bitcast3A_1392 : vector<16xf32>
        %add3A_1394 = arith.constant 11 : i32
        %add3A_1395 = arith.addi %mul3A_229, %add3A_1394 : i32
        %get3A_1396 = arith.index_cast %add3A_1395 : i32 to index
        %get3A_1397 = arith.constant 32 : index
        %get3A_1398 = tpu.vector_load %arg12[%get3A_1396, %get3A_1397] {strides = array<i32>} : memref<512x64xi32, #tpu.memory_space<vmem>>, vector<16xi32>,
        %shift_left3A_1399 = arith.constant 16 : i32
        %shift_left3A_1400 = vector.broadcast %shift_left3A_1399 : i32 to vector<16xi32>
        %shift_left3A_1401 = arith.shli %get3A_1398, %shift_left3A_1400 : vector<16xi32>
        %bitcast3A_1402 = vector.bitcast %shift_left3A_1401 : vector<16xi32> to vector<16xf32>
        %add3A_1403 = arith.addf %add3A_1388, %bitcast3A_1402 : vector<16xf32>
        %and3A_1404 = arith.constant -65536 : i32
        %and3A_1405 = vector.broadcast %and3A_1404 : i32 to vector<16xi32>
        %and3A_1406 = arith.andi %get3A_1398, %and3A_1405 : vector<16xi32>
        %bitcast3A_1407 = vector.bitcast %and3A_1406 : vector<16xi32> to vector<16xf32>
        %add3A_1408 = arith.addf %add3A_1393, %bitcast3A_1407 : vector<16xf32>
        %add3A_1409 = arith.constant 12 : i32
        %add3A_1410 = arith.addi %mul3A_229, %add3A_1409 : i32
        %get3A_1411 = arith.index_cast %add3A_1410 : i32 to index
        %get3A_1412 = arith.constant 32 : index
        %get3A_1413 = tpu.vector_load %arg12[%get3A_1411, %get3A_1412] {strides = array<i32>} : memref<512x64xi32, #tpu.memory_space<vmem>>, vector<16xi32>,
        %shift_left3A_1414 = arith.constant 16 : i32
        %shift_left3A_1415 = vector.broadcast %shift_left3A_1414 : i32 to vector<16xi32>
        %shift_left3A_1416 = arith.shli %get3A_1413, %shift_left3A_1415 : vector<16xi32>
        %bitcast3A_1417 = vector.bitcast %shift_left3A_1416 : vector<16xi32> to vector<16xf32>
        %add3A_1418 = arith.addf %add3A_1403, %bitcast3A_1417 : vector<16xf32>
        %and3A_1419 = arith.constant -65536 : i32
        %and3A_1420 = vector.broadcast %and3A_1419 : i32 to vector<16xi32>
        %and3A_1421 = arith.andi %get3A_1413, %and3A_1420 : vector<16xi32>
        %bitcast3A_1422 = vector.bitcast %and3A_1421 : vector<16xi32> to vector<16xf32>
        %add3A_1423 = arith.addf %add3A_1408, %bitcast3A_1422 : vector<16xf32>
        %add3A_1424 = arith.constant 13 : i32
        %add3A_1425 = arith.addi %mul3A_229, %add3A_1424 : i32
        %get3A_1426 = arith.index_cast %add3A_1425 : i32 to index
        %get3A_1427 = arith.constant 32 : index
        %get3A_1428 = tpu.vector_load %arg12[%get3A_1426, %get3A_1427] {strides = array<i32>} : memref<512x64xi32, #tpu.memory_space<vmem>>, vector<16xi32>,
        %shift_left3A_1429 = arith.constant 16 : i32
        %shift_left3A_1430 = vector.broadcast %shift_left3A_1429 : i32 to vector<16xi32>
        %shift_left3A_1431 = arith.shli %get3A_1428, %shift_left3A_1430 : vector<16xi32>
        %bitcast3A_1432 = vector.bitcast %shift_left3A_1431 : vector<16xi32> to vector<16xf32>
        %add3A_1433 = arith.addf %add3A_1418, %bitcast3A_1432 : vector<16xf32>
        %and3A_1434 = arith.constant -65536 : i32
        %and3A_1435 = vector.broadcast %and3A_1434 : i32 to vector<16xi32>
        %and3A_1436 = arith.andi %get3A_1428, %and3A_1435 : vector<16xi32>
        %bitcast3A_1437 = vector.bitcast %and3A_1436 : vector<16xi32> to vector<16xf32>
        %add3A_1438 = arith.addf %add3A_1423, %bitcast3A_1437 : vector<16xf32>
        %add3A_1439 = arith.constant 14 : i32
        %add3A_1440 = arith.addi %mul3A_229, %add3A_1439 : i32
        %get3A_1441 = arith.index_cast %add3A_1440 : i32 to index
        %get3A_1442 = arith.constant 32 : index
        %get3A_1443 = tpu.vector_load %arg12[%get3A_1441, %get3A_1442] {strides = array<i32>} : memref<512x64xi32, #tpu.memory_space<vmem>>, vector<16xi32>,
        %shift_left3A_1444 = arith.constant 16 : i32
        %shift_left3A_1445 = vector.broadcast %shift_left3A_1444 : i32 to vector<16xi32>
        %shift_left3A_1446 = arith.shli %get3A_1443, %shift_left3A_1445 : vector<16xi32>
        %bitcast3A_1447 = vector.bitcast %shift_left3A_1446 : vector<16xi32> to vector<16xf32>
        %add3A_1448 = arith.addf %add3A_1433, %bitcast3A_1447 : vector<16xf32>
        %and3A_1449 = arith.constant -65536 : i32
        %and3A_1450 = vector.broadcast %and3A_1449 : i32 to vector<16xi32>
        %and3A_1451 = arith.andi %get3A_1443, %and3A_1450 : vector<16xi32>
        %bitcast3A_1452 = vector.bitcast %and3A_1451 : vector<16xi32> to vector<16xf32>
        %add3A_1453 = arith.addf %add3A_1438, %bitcast3A_1452 : vector<16xf32>
        %add3A_1454 = arith.constant 15 : i32
        %add3A_1455 = arith.addi %mul3A_229, %add3A_1454 : i32
        %get3A_1456 = arith.index_cast %add3A_1455 : i32 to index
        %get3A_1457 = arith.constant 32 : index
        %get3A_1458 = tpu.vector_load %arg12[%get3A_1456, %get3A_1457] {strides = array<i32>} : memref<512x64xi32, #tpu.memory_space<vmem>>, vector<16xi32>,
        %shift_left3A_1459 = arith.constant 16 : i32
        %shift_left3A_1460 = vector.broadcast %shift_left3A_1459 : i32 to vector<16xi32>
        %shift_left3A_1461 = arith.shli %get3A_1458, %shift_left3A_1460 : vector<16xi32>
        %bitcast3A_1462 = vector.bitcast %shift_left3A_1461 : vector<16xi32> to vector<16xf32>
        %add3A_1463 = arith.addf %add3A_1448, %bitcast3A_1462 : vector<16xf32>
        %and3A_1464 = arith.constant -65536 : i32
        %and3A_1465 = vector.broadcast %and3A_1464 : i32 to vector<16xi32>
        %and3A_1466 = arith.andi %get3A_1458, %and3A_1465 : vector<16xi32>
        %bitcast3A_1467 = vector.bitcast %and3A_1466 : vector<16xi32> to vector<16xf32>
        %add3A_1468 = arith.addf %add3A_1453, %bitcast3A_1467 : vector<16xf32>
        %add3A_1469 = arith.constant 16 : i32
        %add3A_1470 = arith.addi %mul3A_229, %add3A_1469 : i32
        %get3A_1471 = arith.index_cast %add3A_1470 : i32 to index
        %get3A_1472 = arith.constant 32 : index
        %get3A_1473 = tpu.vector_load %arg12[%get3A_1471, %get3A_1472] {strides = array<i32>} : memref<512x64xi32, #tpu.memory_space<vmem>>, vector<16xi32>,
        %shift_left3A_1474 = arith.constant 16 : i32
        %shift_left3A_1475 = vector.broadcast %shift_left3A_1474 : i32 to vector<16xi32>
        %shift_left3A_1476 = arith.shli %get3A_1473, %shift_left3A_1475 : vector<16xi32>
        %bitcast3A_1477 = vector.bitcast %shift_left3A_1476 : vector<16xi32> to vector<16xf32>
        %add3A_1478 = arith.addf %add3A_1463, %bitcast3A_1477 : vector<16xf32>
        %and3A_1479 = arith.constant -65536 : i32
        %and3A_1480 = vector.broadcast %and3A_1479 : i32 to vector<16xi32>
        %and3A_1481 = arith.andi %get3A_1473, %and3A_1480 : vector<16xi32>
        %bitcast3A_1482 = vector.bitcast %and3A_1481 : vector<16xi32> to vector<16xf32>
        %add3A_1483 = arith.addf %add3A_1468, %bitcast3A_1482 : vector<16xf32>
        %add3A_1484 = arith.constant 17 : i32
        %add3A_1485 = arith.addi %mul3A_229, %add3A_1484 : i32
        %get3A_1486 = arith.index_cast %add3A_1485 : i32 to index
        %get3A_1487 = arith.constant 32 : index
        %get3A_1488 = tpu.vector_load %arg12[%get3A_1486, %get3A_1487] {strides = array<i32>} : memref<512x64xi32, #tpu.memory_space<vmem>>, vector<16xi32>,
        %shift_left3A_1489 = arith.constant 16 : i32
        %shift_left3A_1490 = vector.broadcast %shift_left3A_1489 : i32 to vector<16xi32>
        %shift_left3A_1491 = arith.shli %get3A_1488, %shift_left3A_1490 : vector<16xi32>
        %bitcast3A_1492 = vector.bitcast %shift_left3A_1491 : vector<16xi32> to vector<16xf32>
        %add3A_1493 = arith.addf %add3A_1478, %bitcast3A_1492 : vector<16xf32>
        %and3A_1494 = arith.constant -65536 : i32
        %and3A_1495 = vector.broadcast %and3A_1494 : i32 to vector<16xi32>
        %and3A_1496 = arith.andi %get3A_1488, %and3A_1495 : vector<16xi32>
        %bitcast3A_1497 = vector.bitcast %and3A_1496 : vector<16xi32> to vector<16xf32>
        %add3A_1498 = arith.addf %add3A_1483, %bitcast3A_1497 : vector<16xf32>
        %add3A_1499 = arith.constant 18 : i32
        %add3A_1500 = arith.addi %mul3A_229, %add3A_1499 : i32
        %get3A_1501 = arith.index_cast %add3A_1500 : i32 to index
        %get3A_1502 = arith.constant 32 : index
        %get3A_1503 = tpu.vector_load %arg12[%get3A_1501, %get3A_1502] {strides = array<i32>} : memref<512x64xi32, #tpu.memory_space<vmem>>, vector<16xi32>,
        %shift_left3A_1504 = arith.constant 16 : i32
        %shift_left3A_1505 = vector.broadcast %shift_left3A_1504 : i32 to vector<16xi32>
        %shift_left3A_1506 = arith.shli %get3A_1503, %shift_left3A_1505 : vector<16xi32>
        %bitcast3A_1507 = vector.bitcast %shift_left3A_1506 : vector<16xi32> to vector<16xf32>
        %add3A_1508 = arith.addf %add3A_1493, %bitcast3A_1507 : vector<16xf32>
        %and3A_1509 = arith.constant -65536 : i32
        %and3A_1510 = vector.broadcast %and3A_1509 : i32 to vector<16xi32>
        %and3A_1511 = arith.andi %get3A_1503, %and3A_1510 : vector<16xi32>
        %bitcast3A_1512 = vector.bitcast %and3A_1511 : vector<16xi32> to vector<16xf32>
        %add3A_1513 = arith.addf %add3A_1498, %bitcast3A_1512 : vector<16xf32>
        %add3A_1514 = arith.constant 19 : i32
        %add3A_1515 = arith.addi %mul3A_229, %add3A_1514 : i32
        %get3A_1516 = arith.index_cast %add3A_1515 : i32 to index
        %get3A_1517 = arith.constant 32 : index
        %get3A_1518 = tpu.vector_load %arg12[%get3A_1516, %get3A_1517] {strides = array<i32>} : memref<512x64xi32, #tpu.memory_space<vmem>>, vector<16xi32>,
        %shift_left3A_1519 = arith.constant 16 : i32
        %shift_left3A_1520 = vector.broadcast %shift_left3A_1519 : i32 to vector<16xi32>
        %shift_left3A_1521 = arith.shli %get3A_1518, %shift_left3A_1520 : vector<16xi32>
        %bitcast3A_1522 = vector.bitcast %shift_left3A_1521 : vector<16xi32> to vector<16xf32>
        %add3A_1523 = arith.addf %add3A_1508, %bitcast3A_1522 : vector<16xf32>
        %and3A_1524 = arith.constant -65536 : i32
        %and3A_1525 = vector.broadcast %and3A_1524 : i32 to vector<16xi32>
        %and3A_1526 = arith.andi %get3A_1518, %and3A_1525 : vector<16xi32>
        %bitcast3A_1527 = vector.bitcast %and3A_1526 : vector<16xi32> to vector<16xf32>
        %add3A_1528 = arith.addf %add3A_1513, %bitcast3A_1527 : vector<16xf32>
        %add3A_1529 = arith.constant 20 : i32
        %add3A_1530 = arith.addi %mul3A_229, %add3A_1529 : i32
        %get3A_1531 = arith.index_cast %add3A_1530 : i32 to index
        %get3A_1532 = arith.constant 32 : index
        %get3A_1533 = tpu.vector_load %arg12[%get3A_1531, %get3A_1532] {strides = array<i32>} : memref<512x64xi32, #tpu.memory_space<vmem>>, vector<16xi32>,
        %shift_left3A_1534 = arith.constant 16 : i32
        %shift_left3A_1535 = vector.broadcast %shift_left3A_1534 : i32 to vector<16xi32>
        %shift_left3A_1536 = arith.shli %get3A_1533, %shift_left3A_1535 : vector<16xi32>
        %bitcast3A_1537 = vector.bitcast %shift_left3A_1536 : vector<16xi32> to vector<16xf32>
        %add3A_1538 = arith.addf %add3A_1523, %bitcast3A_1537 : vector<16xf32>
        %and3A_1539 = arith.constant -65536 : i32
        %and3A_1540 = vector.broadcast %and3A_1539 : i32 to vector<16xi32>
        %and3A_1541 = arith.andi %get3A_1533, %and3A_1540 : vector<16xi32>
        %bitcast3A_1542 = vector.bitcast %and3A_1541 : vector<16xi32> to vector<16xf32>
        %add3A_1543 = arith.addf %add3A_1528, %bitcast3A_1542 : vector<16xf32>
        %add3A_1544 = arith.constant 21 : i32
        %add3A_1545 = arith.addi %mul3A_229, %add3A_1544 : i32
        %get3A_1546 = arith.index_cast %add3A_1545 : i32 to index
        %get3A_1547 = arith.constant 32 : index
        %get3A_1548 = tpu.vector_load %arg12[%get3A_1546, %get3A_1547] {strides = array<i32>} : memref<512x64xi32, #tpu.memory_space<vmem>>, vector<16xi32>,
        %shift_left3A_1549 = arith.constant 16 : i32
        %shift_left3A_1550 = vector.broadcast %shift_left3A_1549 : i32 to vector<16xi32>
        %shift_left3A_1551 = arith.shli %get3A_1548, %shift_left3A_1550 : vector<16xi32>
        %bitcast3A_1552 = vector.bitcast %shift_left3A_1551 : vector<16xi32> to vector<16xf32>
        %add3A_1553 = arith.addf %add3A_1538, %bitcast3A_1552 : vector<16xf32>
        %and3A_1554 = arith.constant -65536 : i32
        %and3A_1555 = vector.broadcast %and3A_1554 : i32 to vector<16xi32>
        %and3A_1556 = arith.andi %get3A_1548, %and3A_1555 : vector<16xi32>
        %bitcast3A_1557 = vector.bitcast %and3A_1556 : vector<16xi32> to vector<16xf32>
        %add3A_1558 = arith.addf %add3A_1543, %bitcast3A_1557 : vector<16xf32>
        %add3A_1559 = arith.constant 22 : i32
        %add3A_1560 = arith.addi %mul3A_229, %add3A_1559 : i32
        %get3A_1561 = arith.index_cast %add3A_1560 : i32 to index
        %get3A_1562 = arith.constant 32 : index
        %get3A_1563 = tpu.vector_load %arg12[%get3A_1561, %get3A_1562] {strides = array<i32>} : memref<512x64xi32, #tpu.memory_space<vmem>>, vector<16xi32>,
        %shift_left3A_1564 = arith.constant 16 : i32
        %shift_left3A_1565 = vector.broadcast %shift_left3A_1564 : i32 to vector<16xi32>
        %shift_left3A_1566 = arith.shli %get3A_1563, %shift_left3A_1565 : vector<16xi32>
        %bitcast3A_1567 = vector.bitcast %shift_left3A_1566 : vector<16xi32> to vector<16xf32>
        %add3A_1568 = arith.addf %add3A_1553, %bitcast3A_1567 : vector<16xf32>
        %and3A_1569 = arith.constant -65536 : i32
        %and3A_1570 = vector.broadcast %and3A_1569 : i32 to vector<16xi32>
        %and3A_1571 = arith.andi %get3A_1563, %and3A_1570 : vector<16xi32>
        %bitcast3A_1572 = vector.bitcast %and3A_1571 : vector<16xi32> to vector<16xf32>
        %add3A_1573 = arith.addf %add3A_1558, %bitcast3A_1572 : vector<16xf32>
        %add3A_1574 = arith.constant 23 : i32
        %add3A_1575 = arith.addi %mul3A_229, %add3A_1574 : i32
        %get3A_1576 = arith.index_cast %add3A_1575 : i32 to index
        %get3A_1577 = arith.constant 32 : index
        %get3A_1578 = tpu.vector_load %arg12[%get3A_1576, %get3A_1577] {strides = array<i32>} : memref<512x64xi32, #tpu.memory_space<vmem>>, vector<16xi32>,
        %shift_left3A_1579 = arith.constant 16 : i32
        %shift_left3A_1580 = vector.broadcast %shift_left3A_1579 : i32 to vector<16xi32>
        %shift_left3A_1581 = arith.shli %get3A_1578, %shift_left3A_1580 : vector<16xi32>
        %bitcast3A_1582 = vector.bitcast %shift_left3A_1581 : vector<16xi32> to vector<16xf32>
        %add3A_1583 = arith.addf %add3A_1568, %bitcast3A_1582 : vector<16xf32>
        %and3A_1584 = arith.constant -65536 : i32
        %and3A_1585 = vector.broadcast %and3A_1584 : i32 to vector<16xi32>
        %and3A_1586 = arith.andi %get3A_1578, %and3A_1585 : vector<16xi32>
        %bitcast3A_1587 = vector.bitcast %and3A_1586 : vector<16xi32> to vector<16xf32>
        %add3A_1588 = arith.addf %add3A_1573, %bitcast3A_1587 : vector<16xf32>
        %add3A_1589 = arith.constant 24 : i32
        %add3A_1590 = arith.addi %mul3A_229, %add3A_1589 : i32
        %get3A_1591 = arith.index_cast %add3A_1590 : i32 to index
        %get3A_1592 = arith.constant 32 : index
        %get3A_1593 = tpu.vector_load %arg12[%get3A_1591, %get3A_1592] {strides = array<i32>} : memref<512x64xi32, #tpu.memory_space<vmem>>, vector<16xi32>,
        %shift_left3A_1594 = arith.constant 16 : i32
        %shift_left3A_1595 = vector.broadcast %shift_left3A_1594 : i32 to vector<16xi32>
        %shift_left3A_1596 = arith.shli %get3A_1593, %shift_left3A_1595 : vector<16xi32>
        %bitcast3A_1597 = vector.bitcast %shift_left3A_1596 : vector<16xi32> to vector<16xf32>
        %add3A_1598 = arith.addf %add3A_1583, %bitcast3A_1597 : vector<16xf32>
        %and3A_1599 = arith.constant -65536 : i32
        %and3A_1600 = vector.broadcast %and3A_1599 : i32 to vector<16xi32>
        %and3A_1601 = arith.andi %get3A_1593, %and3A_1600 : vector<16xi32>
        %bitcast3A_1602 = vector.bitcast %and3A_1601 : vector<16xi32> to vector<16xf32>
        %add3A_1603 = arith.addf %add3A_1588, %bitcast3A_1602 : vector<16xf32>
        %add3A_1604 = arith.constant 25 : i32
        %add3A_1605 = arith.addi %mul3A_229, %add3A_1604 : i32
        %get3A_1606 = arith.index_cast %add3A_1605 : i32 to index
        %get3A_1607 = arith.constant 32 : index
        %get3A_1608 = tpu.vector_load %arg12[%get3A_1606, %get3A_1607] {strides = array<i32>} : memref<512x64xi32, #tpu.memory_space<vmem>>, vector<16xi32>,
        %shift_left3A_1609 = arith.constant 16 : i32
        %shift_left3A_1610 = vector.broadcast %shift_left3A_1609 : i32 to vector<16xi32>
        %shift_left3A_1611 = arith.shli %get3A_1608, %shift_left3A_1610 : vector<16xi32>
        %bitcast3A_1612 = vector.bitcast %shift_left3A_1611 : vector<16xi32> to vector<16xf32>
        %add3A_1613 = arith.addf %add3A_1598, %bitcast3A_1612 : vector<16xf32>
        %and3A_1614 = arith.constant -65536 : i32
        %and3A_1615 = vector.broadcast %and3A_1614 : i32 to vector<16xi32>
        %and3A_1616 = arith.andi %get3A_1608, %and3A_1615 : vector<16xi32>
        %bitcast3A_1617 = vector.bitcast %and3A_1616 : vector<16xi32> to vector<16xf32>
        %add3A_1618 = arith.addf %add3A_1603, %bitcast3A_1617 : vector<16xf32>
        %add3A_1619 = arith.constant 26 : i32
        %add3A_1620 = arith.addi %mul3A_229, %add3A_1619 : i32
        %get3A_1621 = arith.index_cast %add3A_1620 : i32 to index
        %get3A_1622 = arith.constant 32 : index
        %get3A_1623 = tpu.vector_load %arg12[%get3A_1621, %get3A_1622] {strides = array<i32>} : memref<512x64xi32, #tpu.memory_space<vmem>>, vector<16xi32>,
        %shift_left3A_1624 = arith.constant 16 : i32
        %shift_left3A_1625 = vector.broadcast %shift_left3A_1624 : i32 to vector<16xi32>
        %shift_left3A_1626 = arith.shli %get3A_1623, %shift_left3A_1625 : vector<16xi32>
        %bitcast3A_1627 = vector.bitcast %shift_left3A_1626 : vector<16xi32> to vector<16xf32>
        %add3A_1628 = arith.addf %add3A_1613, %bitcast3A_1627 : vector<16xf32>
        %and3A_1629 = arith.constant -65536 : i32
        %and3A_1630 = vector.broadcast %and3A_1629 : i32 to vector<16xi32>
        %and3A_1631 = arith.andi %get3A_1623, %and3A_1630 : vector<16xi32>
        %bitcast3A_1632 = vector.bitcast %and3A_1631 : vector<16xi32> to vector<16xf32>
        %add3A_1633 = arith.addf %add3A_1618, %bitcast3A_1632 : vector<16xf32>
        %add3A_1634 = arith.constant 27 : i32
        %add3A_1635 = arith.addi %mul3A_229, %add3A_1634 : i32
        %get3A_1636 = arith.index_cast %add3A_1635 : i32 to index
        %get3A_1637 = arith.constant 32 : index
        %get3A_1638 = tpu.vector_load %arg12[%get3A_1636, %get3A_1637] {strides = array<i32>} : memref<512x64xi32, #tpu.memory_space<vmem>>, vector<16xi32>,
        %shift_left3A_1639 = arith.constant 16 : i32
        %shift_left3A_1640 = vector.broadcast %shift_left3A_1639 : i32 to vector<16xi32>
        %shift_left3A_1641 = arith.shli %get3A_1638, %shift_left3A_1640 : vector<16xi32>
        %bitcast3A_1642 = vector.bitcast %shift_left3A_1641 : vector<16xi32> to vector<16xf32>
        %add3A_1643 = arith.addf %add3A_1628, %bitcast3A_1642 : vector<16xf32>
        %and3A_1644 = arith.constant -65536 : i32
        %and3A_1645 = vector.broadcast %and3A_1644 : i32 to vector<16xi32>
        %and3A_1646 = arith.andi %get3A_1638, %and3A_1645 : vector<16xi32>
        %bitcast3A_1647 = vector.bitcast %and3A_1646 : vector<16xi32> to vector<16xf32>
        %add3A_1648 = arith.addf %add3A_1633, %bitcast3A_1647 : vector<16xf32>
        %add3A_1649 = arith.constant 28 : i32
        %add3A_1650 = arith.addi %mul3A_229, %add3A_1649 : i32
        %get3A_1651 = arith.index_cast %add3A_1650 : i32 to index
        %get3A_1652 = arith.constant 32 : index
        %get3A_1653 = tpu.vector_load %arg12[%get3A_1651, %get3A_1652] {strides = array<i32>} : memref<512x64xi32, #tpu.memory_space<vmem>>, vector<16xi32>,
        %shift_left3A_1654 = arith.constant 16 : i32
        %shift_left3A_1655 = vector.broadcast %shift_left3A_1654 : i32 to vector<16xi32>
        %shift_left3A_1656 = arith.shli %get3A_1653, %shift_left3A_1655 : vector<16xi32>
        %bitcast3A_1657 = vector.bitcast %shift_left3A_1656 : vector<16xi32> to vector<16xf32>
        %add3A_1658 = arith.addf %add3A_1643, %bitcast3A_1657 : vector<16xf32>
        %and3A_1659 = arith.constant -65536 : i32
        %and3A_1660 = vector.broadcast %and3A_1659 : i32 to vector<16xi32>
        %and3A_1661 = arith.andi %get3A_1653, %and3A_1660 : vector<16xi32>
        %bitcast3A_1662 = vector.bitcast %and3A_1661 : vector<16xi32> to vector<16xf32>
        %add3A_1663 = arith.addf %add3A_1648, %bitcast3A_1662 : vector<16xf32>
        %add3A_1664 = arith.constant 29 : i32
        %add3A_1665 = arith.addi %mul3A_229, %add3A_1664 : i32
        %get3A_1666 = arith.index_cast %add3A_1665 : i32 to index
        %get3A_1667 = arith.constant 32 : index
        %get3A_1668 = tpu.vector_load %arg12[%get3A_1666, %get3A_1667] {strides = array<i32>} : memref<512x64xi32, #tpu.memory_space<vmem>>, vector<16xi32>,
        %shift_left3A_1669 = arith.constant 16 : i32
        %shift_left3A_1670 = vector.broadcast %shift_left3A_1669 : i32 to vector<16xi32>
        %shift_left3A_1671 = arith.shli %get3A_1668, %shift_left3A_1670 : vector<16xi32>
        %bitcast3A_1672 = vector.bitcast %shift_left3A_1671 : vector<16xi32> to vector<16xf32>
        %add3A_1673 = arith.addf %add3A_1658, %bitcast3A_1672 : vector<16xf32>
        %and3A_1674 = arith.constant -65536 : i32
        %and3A_1675 = vector.broadcast %and3A_1674 : i32 to vector<16xi32>
        %and3A_1676 = arith.andi %get3A_1668, %and3A_1675 : vector<16xi32>
        %bitcast3A_1677 = vector.bitcast %and3A_1676 : vector<16xi32> to vector<16xf32>
        %add3A_1678 = arith.addf %add3A_1663, %bitcast3A_1677 : vector<16xf32>
        %add3A_1679 = arith.constant 30 : i32
        %add3A_1680 = arith.addi %mul3A_229, %add3A_1679 : i32
        %get3A_1681 = arith.index_cast %add3A_1680 : i32 to index
        %get3A_1682 = arith.constant 32 : index
        %get3A_1683 = tpu.vector_load %arg12[%get3A_1681, %get3A_1682] {strides = array<i32>} : memref<512x64xi32, #tpu.memory_space<vmem>>, vector<16xi32>,
        %shift_left3A_1684 = arith.constant 16 : i32
        %shift_left3A_1685 = vector.broadcast %shift_left3A_1684 : i32 to vector<16xi32>
        %shift_left3A_1686 = arith.shli %get3A_1683, %shift_left3A_1685 : vector<16xi32>
        %bitcast3A_1687 = vector.bitcast %shift_left3A_1686 : vector<16xi32> to vector<16xf32>
        %add3A_1688 = arith.addf %add3A_1673, %bitcast3A_1687 : vector<16xf32>
        %and3A_1689 = arith.constant -65536 : i32
        %and3A_1690 = vector.broadcast %and3A_1689 : i32 to vector<16xi32>
        %and3A_1691 = arith.andi %get3A_1683, %and3A_1690 : vector<16xi32>
        %bitcast3A_1692 = vector.bitcast %and3A_1691 : vector<16xi32> to vector<16xf32>
        %add3A_1693 = arith.addf %add3A_1678, %bitcast3A_1692 : vector<16xf32>
        %add3A_1694 = arith.constant 31 : i32
        %add3A_1695 = arith.addi %mul3A_229, %add3A_1694 : i32
        %get3A_1696 = arith.index_cast %add3A_1695 : i32 to index
        %get3A_1697 = arith.constant 32 : index
        %get3A_1698 = tpu.vector_load %arg12[%get3A_1696, %get3A_1697] {strides = array<i32>} : memref<512x64xi32, #tpu.memory_space<vmem>>, vector<16xi32>,
        %shift_left3A_1699 = arith.constant 16 : i32
        %shift_left3A_1700 = vector.broadcast %shift_left3A_1699 : i32 to vector<16xi32>
        %shift_left3A_1701 = arith.shli %get3A_1698, %shift_left3A_1700 : vector<16xi32>
        %bitcast3A_1702 = vector.bitcast %shift_left3A_1701 : vector<16xi32> to vector<16xf32>
        %add3A_1703 = arith.addf %add3A_1688, %bitcast3A_1702 : vector<16xf32>
        %and3A_1704 = arith.constant -65536 : i32
        %and3A_1705 = vector.broadcast %and3A_1704 : i32 to vector<16xi32>
        %and3A_1706 = arith.andi %get3A_1698, %and3A_1705 : vector<16xi32>
        %bitcast3A_1707 = vector.bitcast %and3A_1706 : vector<16xi32> to vector<16xf32>
        %add3A_1708 = arith.addf %add3A_1693, %bitcast3A_1707 : vector<16xf32>
        %get3A_1709 = arith.index_cast %add3A_227 : i32 to index
        %get3A_1710 = arith.constant 64 : index
        %get3A_1711 = tpu.vector_load %arg13[%get3A_1709, %get3A_1710] {strides = array<i32>} : memref<16x128xf32, #tpu.memory_space<vmem>>, vector<16xf32>,
        %get3A_1712 = arith.index_cast %add3A_227 : i32 to index
        %get3A_1713 = arith.constant 64 : index
        %get3A_1714 = tpu.vector_load %arg14[%get3A_1712, %get3A_1713] {strides = array<i32>} : memref<16x128xf32, #tpu.memory_space<vmem>>, vector<16xf32>,
        %add3A_1715 = arith.addf %get3A_1711, %get3A_1714 : vector<16xf32>
        %mul3A_1716 = arith.constant 3.125000e-02 : f32
        %mul3A_1717 = vector.broadcast %mul3A_1716 : f32 to vector<16xf32>
        %mul3A_1718 = arith.mulf %add3A_1703, %mul3A_1717 : vector<16xf32>
        %add3A_1719 = arith.addf %add3A_1715, %mul3A_1718 : vector<16xf32>
        %swap3A_1720 = arith.index_cast %add3A_227 : i32 to index
        %swap3A_1721 = arith.constant 64 : index
        %swap3A_1722 = tpu.vector_load %arg15[%swap3A_1720, %swap3A_1721] {strides = array<i32>} : memref<16x128xf32, #tpu.memory_space<vmem>>, vector<16xf32>,
        tpu.vector_store %arg15[%swap3A_1720, %swap3A_1721], %add3A_1719 {strides = array<i32>} : memref<16x128xf32, #tpu.memory_space<vmem>>, vector<16xf32>,
        %get3A_1723 = arith.index_cast %add3A_227 : i32 to index
        %get3A_1724 = arith.constant 80 : index
        %get3A_1725 = tpu.vector_load %arg13[%get3A_1723, %get3A_1724] {strides = array<i32>} : memref<16x128xf32, #tpu.memory_space<vmem>>, vector<16xf32>,
        %get3A_1726 = arith.index_cast %add3A_227 : i32 to index
        %get3A_1727 = arith.constant 80 : index
        %get3A_1728 = tpu.vector_load %arg14[%get3A_1726, %get3A_1727] {strides = array<i32>} : memref<16x128xf32, #tpu.memory_space<vmem>>, vector<16xf32>,
        %add3A_1729 = arith.addf %get3A_1725, %get3A_1728 : vector<16xf32>
        %mul3A_1730 = arith.constant 3.125000e-02 : f32
        %mul3A_1731 = vector.broadcast %mul3A_1730 : f32 to vector<16xf32>
        %mul3A_1732 = arith.mulf %add3A_1708, %mul3A_1731 : vector<16xf32>
        %add3A_1733 = arith.addf %add3A_1729, %mul3A_1732 : vector<16xf32>
        %swap3A_1734 = arith.index_cast %add3A_227 : i32 to index
        %swap3A_1735 = arith.constant 80 : index
        %swap3A_1736 = tpu.vector_load %arg15[%swap3A_1734, %swap3A_1735] {strides = array<i32>} : memref<16x128xf32, #tpu.memory_space<vmem>>, vector<16xf32>,
        tpu.vector_store %arg15[%swap3A_1734, %swap3A_1735], %add3A_1733 {strides = array<i32>} : memref<16x128xf32, #tpu.memory_space<vmem>>, vector<16xf32>,
        %get3A_1737 = arith.index_cast %mul3A_229 : i32 to index
        %get3A_1738 = arith.constant 48 : index
        %get3A_1739 = tpu.vector_load %arg12[%get3A_1737, %get3A_1738] {strides = array<i32>} : memref<512x64xi32, #tpu.memory_space<vmem>>, vector<16xi32>,
        %shift_left3A_1740 = arith.constant 16 : i32
        %shift_left3A_1741 = vector.broadcast %shift_left3A_1740 : i32 to vector<16xi32>
        %shift_left3A_1742 = arith.shli %get3A_1739, %shift_left3A_1741 : vector<16xi32>
        %bitcast3A_1743 = vector.bitcast %shift_left3A_1742 : vector<16xi32> to vector<16xf32>
        %and3A_1744 = arith.constant -65536 : i32
        %and3A_1745 = vector.broadcast %and3A_1744 : i32 to vector<16xi32>
        %and3A_1746 = arith.andi %get3A_1739, %and3A_1745 : vector<16xi32>
        %bitcast3A_1747 = vector.bitcast %and3A_1746 : vector<16xi32> to vector<16xf32>
        %add3A_1748 = arith.constant 1 : i32
        %add3A_1749 = arith.addi %mul3A_229, %add3A_1748 : i32
        %get3A_1750 = arith.index_cast %add3A_1749 : i32 to index
        %get3A_1751 = arith.constant 48 : index
        %get3A_1752 = tpu.vector_load %arg12[%get3A_1750, %get3A_1751] {strides = array<i32>} : memref<512x64xi32, #tpu.memory_space<vmem>>, vector<16xi32>,
        %shift_left3A_1753 = arith.constant 16 : i32
        %shift_left3A_1754 = vector.broadcast %shift_left3A_1753 : i32 to vector<16xi32>
        %shift_left3A_1755 = arith.shli %get3A_1752, %shift_left3A_1754 : vector<16xi32>
        %bitcast3A_1756 = vector.bitcast %shift_left3A_1755 : vector<16xi32> to vector<16xf32>
        %add3A_1757 = arith.addf %bitcast3A_1743, %bitcast3A_1756 : vector<16xf32>
        %and3A_1758 = arith.constant -65536 : i32
        %and3A_1759 = vector.broadcast %and3A_1758 : i32 to vector<16xi32>
        %and3A_1760 = arith.andi %get3A_1752, %and3A_1759 : vector<16xi32>
        %bitcast3A_1761 = vector.bitcast %and3A_1760 : vector<16xi32> to vector<16xf32>
        %add3A_1762 = arith.addf %bitcast3A_1747, %bitcast3A_1761 : vector<16xf32>
        %add3A_1763 = arith.constant 2 : i32
        %add3A_1764 = arith.addi %mul3A_229, %add3A_1763 : i32
        %get3A_1765 = arith.index_cast %add3A_1764 : i32 to index
        %get3A_1766 = arith.constant 48 : index
        %get3A_1767 = tpu.vector_load %arg12[%get3A_1765, %get3A_1766] {strides = array<i32>} : memref<512x64xi32, #tpu.memory_space<vmem>>, vector<16xi32>,
        %shift_left3A_1768 = arith.constant 16 : i32
        %shift_left3A_1769 = vector.broadcast %shift_left3A_1768 : i32 to vector<16xi32>
        %shift_left3A_1770 = arith.shli %get3A_1767, %shift_left3A_1769 : vector<16xi32>
        %bitcast3A_1771 = vector.bitcast %shift_left3A_1770 : vector<16xi32> to vector<16xf32>
        %add3A_1772 = arith.addf %add3A_1757, %bitcast3A_1771 : vector<16xf32>
        %and3A_1773 = arith.constant -65536 : i32
        %and3A_1774 = vector.broadcast %and3A_1773 : i32 to vector<16xi32>
        %and3A_1775 = arith.andi %get3A_1767, %and3A_1774 : vector<16xi32>
        %bitcast3A_1776 = vector.bitcast %and3A_1775 : vector<16xi32> to vector<16xf32>
        %add3A_1777 = arith.addf %add3A_1762, %bitcast3A_1776 : vector<16xf32>
        %add3A_1778 = arith.constant 3 : i32
        %add3A_1779 = arith.addi %mul3A_229, %add3A_1778 : i32
        %get3A_1780 = arith.index_cast %add3A_1779 : i32 to index
        %get3A_1781 = arith.constant 48 : index
        %get3A_1782 = tpu.vector_load %arg12[%get3A_1780, %get3A_1781] {strides = array<i32>} : memref<512x64xi32, #tpu.memory_space<vmem>>, vector<16xi32>,
        %shift_left3A_1783 = arith.constant 16 : i32
        %shift_left3A_1784 = vector.broadcast %shift_left3A_1783 : i32 to vector<16xi32>
        %shift_left3A_1785 = arith.shli %get3A_1782, %shift_left3A_1784 : vector<16xi32>
        %bitcast3A_1786 = vector.bitcast %shift_left3A_1785 : vector<16xi32> to vector<16xf32>
        %add3A_1787 = arith.addf %add3A_1772, %bitcast3A_1786 : vector<16xf32>
        %and3A_1788 = arith.constant -65536 : i32
        %and3A_1789 = vector.broadcast %and3A_1788 : i32 to vector<16xi32>
        %and3A_1790 = arith.andi %get3A_1782, %and3A_1789 : vector<16xi32>
        %bitcast3A_1791 = vector.bitcast %and3A_1790 : vector<16xi32> to vector<16xf32>
        %add3A_1792 = arith.addf %add3A_1777, %bitcast3A_1791 : vector<16xf32>
        %add3A_1793 = arith.constant 4 : i32
        %add3A_1794 = arith.addi %mul3A_229, %add3A_1793 : i32
        %get3A_1795 = arith.index_cast %add3A_1794 : i32 to index
        %get3A_1796 = arith.constant 48 : index
        %get3A_1797 = tpu.vector_load %arg12[%get3A_1795, %get3A_1796] {strides = array<i32>} : memref<512x64xi32, #tpu.memory_space<vmem>>, vector<16xi32>,
        %shift_left3A_1798 = arith.constant 16 : i32
        %shift_left3A_1799 = vector.broadcast %shift_left3A_1798 : i32 to vector<16xi32>
        %shift_left3A_1800 = arith.shli %get3A_1797, %shift_left3A_1799 : vector<16xi32>
        %bitcast3A_1801 = vector.bitcast %shift_left3A_1800 : vector<16xi32> to vector<16xf32>
        %add3A_1802 = arith.addf %add3A_1787, %bitcast3A_1801 : vector<16xf32>
        %and3A_1803 = arith.constant -65536 : i32
        %and3A_1804 = vector.broadcast %and3A_1803 : i32 to vector<16xi32>
        %and3A_1805 = arith.andi %get3A_1797, %and3A_1804 : vector<16xi32>
        %bitcast3A_1806 = vector.bitcast %and3A_1805 : vector<16xi32> to vector<16xf32>
        %add3A_1807 = arith.addf %add3A_1792, %bitcast3A_1806 : vector<16xf32>
        %add3A_1808 = arith.constant 5 : i32
        %add3A_1809 = arith.addi %mul3A_229, %add3A_1808 : i32
        %get3A_1810 = arith.index_cast %add3A_1809 : i32 to index
        %get3A_1811 = arith.constant 48 : index
        %get3A_1812 = tpu.vector_load %arg12[%get3A_1810, %get3A_1811] {strides = array<i32>} : memref<512x64xi32, #tpu.memory_space<vmem>>, vector<16xi32>,
        %shift_left3A_1813 = arith.constant 16 : i32
        %shift_left3A_1814 = vector.broadcast %shift_left3A_1813 : i32 to vector<16xi32>
        %shift_left3A_1815 = arith.shli %get3A_1812, %shift_left3A_1814 : vector<16xi32>
        %bitcast3A_1816 = vector.bitcast %shift_left3A_1815 : vector<16xi32> to vector<16xf32>
        %add3A_1817 = arith.addf %add3A_1802, %bitcast3A_1816 : vector<16xf32>
        %and3A_1818 = arith.constant -65536 : i32
        %and3A_1819 = vector.broadcast %and3A_1818 : i32 to vector<16xi32>
        %and3A_1820 = arith.andi %get3A_1812, %and3A_1819 : vector<16xi32>
        %bitcast3A_1821 = vector.bitcast %and3A_1820 : vector<16xi32> to vector<16xf32>
        %add3A_1822 = arith.addf %add3A_1807, %bitcast3A_1821 : vector<16xf32>
        %add3A_1823 = arith.constant 6 : i32
        %add3A_1824 = arith.addi %mul3A_229, %add3A_1823 : i32
        %get3A_1825 = arith.index_cast %add3A_1824 : i32 to index
        %get3A_1826 = arith.constant 48 : index
        %get3A_1827 = tpu.vector_load %arg12[%get3A_1825, %get3A_1826] {strides = array<i32>} : memref<512x64xi32, #tpu.memory_space<vmem>>, vector<16xi32>,
        %shift_left3A_1828 = arith.constant 16 : i32
        %shift_left3A_1829 = vector.broadcast %shift_left3A_1828 : i32 to vector<16xi32>
        %shift_left3A_1830 = arith.shli %get3A_1827, %shift_left3A_1829 : vector<16xi32>
        %bitcast3A_1831 = vector.bitcast %shift_left3A_1830 : vector<16xi32> to vector<16xf32>
        %add3A_1832 = arith.addf %add3A_1817, %bitcast3A_1831 : vector<16xf32>
        %and3A_1833 = arith.constant -65536 : i32
        %and3A_1834 = vector.broadcast %and3A_1833 : i32 to vector<16xi32>
        %and3A_1835 = arith.andi %get3A_1827, %and3A_1834 : vector<16xi32>
        %bitcast3A_1836 = vector.bitcast %and3A_1835 : vector<16xi32> to vector<16xf32>
        %add3A_1837 = arith.addf %add3A_1822, %bitcast3A_1836 : vector<16xf32>
        %add3A_1838 = arith.constant 7 : i32
        %add3A_1839 = arith.addi %mul3A_229, %add3A_1838 : i32
        %get3A_1840 = arith.index_cast %add3A_1839 : i32 to index
        %get3A_1841 = arith.constant 48 : index
        %get3A_1842 = tpu.vector_load %arg12[%get3A_1840, %get3A_1841] {strides = array<i32>} : memref<512x64xi32, #tpu.memory_space<vmem>>, vector<16xi32>,
        %shift_left3A_1843 = arith.constant 16 : i32
        %shift_left3A_1844 = vector.broadcast %shift_left3A_1843 : i32 to vector<16xi32>
        %shift_left3A_1845 = arith.shli %get3A_1842, %shift_left3A_1844 : vector<16xi32>
        %bitcast3A_1846 = vector.bitcast %shift_left3A_1845 : vector<16xi32> to vector<16xf32>
        %add3A_1847 = arith.addf %add3A_1832, %bitcast3A_1846 : vector<16xf32>
        %and3A_1848 = arith.constant -65536 : i32
        %and3A_1849 = vector.broadcast %and3A_1848 : i32 to vector<16xi32>
        %and3A_1850 = arith.andi %get3A_1842, %and3A_1849 : vector<16xi32>
        %bitcast3A_1851 = vector.bitcast %and3A_1850 : vector<16xi32> to vector<16xf32>
        %add3A_1852 = arith.addf %add3A_1837, %bitcast3A_1851 : vector<16xf32>
        %add3A_1853 = arith.constant 8 : i32
        %add3A_1854 = arith.addi %mul3A_229, %add3A_1853 : i32
        %get3A_1855 = arith.index_cast %add3A_1854 : i32 to index
        %get3A_1856 = arith.constant 48 : index
        %get3A_1857 = tpu.vector_load %arg12[%get3A_1855, %get3A_1856] {strides = array<i32>} : memref<512x64xi32, #tpu.memory_space<vmem>>, vector<16xi32>,
        %shift_left3A_1858 = arith.constant 16 : i32
        %shift_left3A_1859 = vector.broadcast %shift_left3A_1858 : i32 to vector<16xi32>
        %shift_left3A_1860 = arith.shli %get3A_1857, %shift_left3A_1859 : vector<16xi32>
        %bitcast3A_1861 = vector.bitcast %shift_left3A_1860 : vector<16xi32> to vector<16xf32>
        %add3A_1862 = arith.addf %add3A_1847, %bitcast3A_1861 : vector<16xf32>
        %and3A_1863 = arith.constant -65536 : i32
        %and3A_1864 = vector.broadcast %and3A_1863 : i32 to vector<16xi32>
        %and3A_1865 = arith.andi %get3A_1857, %and3A_1864 : vector<16xi32>
        %bitcast3A_1866 = vector.bitcast %and3A_1865 : vector<16xi32> to vector<16xf32>
        %add3A_1867 = arith.addf %add3A_1852, %bitcast3A_1866 : vector<16xf32>
        %add3A_1868 = arith.constant 9 : i32
        %add3A_1869 = arith.addi %mul3A_229, %add3A_1868 : i32
        %get3A_1870 = arith.index_cast %add3A_1869 : i32 to index
        %get3A_1871 = arith.constant 48 : index
        %get3A_1872 = tpu.vector_load %arg12[%get3A_1870, %get3A_1871] {strides = array<i32>} : memref<512x64xi32, #tpu.memory_space<vmem>>, vector<16xi32>,
        %shift_left3A_1873 = arith.constant 16 : i32
        %shift_left3A_1874 = vector.broadcast %shift_left3A_1873 : i32 to vector<16xi32>
        %shift_left3A_1875 = arith.shli %get3A_1872, %shift_left3A_1874 : vector<16xi32>
        %bitcast3A_1876 = vector.bitcast %shift_left3A_1875 : vector<16xi32> to vector<16xf32>
        %add3A_1877 = arith.addf %add3A_1862, %bitcast3A_1876 : vector<16xf32>
        %and3A_1878 = arith.constant -65536 : i32
        %and3A_1879 = vector.broadcast %and3A_1878 : i32 to vector<16xi32>
        %and3A_1880 = arith.andi %get3A_1872, %and3A_1879 : vector<16xi32>
        %bitcast3A_1881 = vector.bitcast %and3A_1880 : vector<16xi32> to vector<16xf32>
        %add3A_1882 = arith.addf %add3A_1867, %bitcast3A_1881 : vector<16xf32>
        %add3A_1883 = arith.constant 10 : i32
        %add3A_1884 = arith.addi %mul3A_229, %add3A_1883 : i32
        %get3A_1885 = arith.index_cast %add3A_1884 : i32 to index
        %get3A_1886 = arith.constant 48 : index
        %get3A_1887 = tpu.vector_load %arg12[%get3A_1885, %get3A_1886] {strides = array<i32>} : memref<512x64xi32, #tpu.memory_space<vmem>>, vector<16xi32>,
        %shift_left3A_1888 = arith.constant 16 : i32
        %shift_left3A_1889 = vector.broadcast %shift_left3A_1888 : i32 to vector<16xi32>
        %shift_left3A_1890 = arith.shli %get3A_1887, %shift_left3A_1889 : vector<16xi32>
        %bitcast3A_1891 = vector.bitcast %shift_left3A_1890 : vector<16xi32> to vector<16xf32>
        %add3A_1892 = arith.addf %add3A_1877, %bitcast3A_1891 : vector<16xf32>
        %and3A_1893 = arith.constant -65536 : i32
        %and3A_1894 = vector.broadcast %and3A_1893 : i32 to vector<16xi32>
        %and3A_1895 = arith.andi %get3A_1887, %and3A_1894 : vector<16xi32>
        %bitcast3A_1896 = vector.bitcast %and3A_1895 : vector<16xi32> to vector<16xf32>
        %add3A_1897 = arith.addf %add3A_1882, %bitcast3A_1896 : vector<16xf32>
        %add3A_1898 = arith.constant 11 : i32
        %add3A_1899 = arith.addi %mul3A_229, %add3A_1898 : i32
        %get3A_1900 = arith.index_cast %add3A_1899 : i32 to index
        %get3A_1901 = arith.constant 48 : index
        %get3A_1902 = tpu.vector_load %arg12[%get3A_1900, %get3A_1901] {strides = array<i32>} : memref<512x64xi32, #tpu.memory_space<vmem>>, vector<16xi32>,
        %shift_left3A_1903 = arith.constant 16 : i32
        %shift_left3A_1904 = vector.broadcast %shift_left3A_1903 : i32 to vector<16xi32>
        %shift_left3A_1905 = arith.shli %get3A_1902, %shift_left3A_1904 : vector<16xi32>
        %bitcast3A_1906 = vector.bitcast %shift_left3A_1905 : vector<16xi32> to vector<16xf32>
        %add3A_1907 = arith.addf %add3A_1892, %bitcast3A_1906 : vector<16xf32>
        %and3A_1908 = arith.constant -65536 : i32
        %and3A_1909 = vector.broadcast %and3A_1908 : i32 to vector<16xi32>
        %and3A_1910 = arith.andi %get3A_1902, %and3A_1909 : vector<16xi32>
        %bitcast3A_1911 = vector.bitcast %and3A_1910 : vector<16xi32> to vector<16xf32>
        %add3A_1912 = arith.addf %add3A_1897, %bitcast3A_1911 : vector<16xf32>
        %add3A_1913 = arith.constant 12 : i32
        %add3A_1914 = arith.addi %mul3A_229, %add3A_1913 : i32
        %get3A_1915 = arith.index_cast %add3A_1914 : i32 to index
        %get3A_1916 = arith.constant 48 : index
        %get3A_1917 = tpu.vector_load %arg12[%get3A_1915, %get3A_1916] {strides = array<i32>} : memref<512x64xi32, #tpu.memory_space<vmem>>, vector<16xi32>,
        %shift_left3A_1918 = arith.constant 16 : i32
        %shift_left3A_1919 = vector.broadcast %shift_left3A_1918 : i32 to vector<16xi32>
        %shift_left3A_1920 = arith.shli %get3A_1917, %shift_left3A_1919 : vector<16xi32>
        %bitcast3A_1921 = vector.bitcast %shift_left3A_1920 : vector<16xi32> to vector<16xf32>
        %add3A_1922 = arith.addf %add3A_1907, %bitcast3A_1921 : vector<16xf32>
        %and3A_1923 = arith.constant -65536 : i32
        %and3A_1924 = vector.broadcast %and3A_1923 : i32 to vector<16xi32>
        %and3A_1925 = arith.andi %get3A_1917, %and3A_1924 : vector<16xi32>
        %bitcast3A_1926 = vector.bitcast %and3A_1925 : vector<16xi32> to vector<16xf32>
        %add3A_1927 = arith.addf %add3A_1912, %bitcast3A_1926 : vector<16xf32>
        %add3A_1928 = arith.constant 13 : i32
        %add3A_1929 = arith.addi %mul3A_229, %add3A_1928 : i32
        %get3A_1930 = arith.index_cast %add3A_1929 : i32 to index
        %get3A_1931 = arith.constant 48 : index
        %get3A_1932 = tpu.vector_load %arg12[%get3A_1930, %get3A_1931] {strides = array<i32>} : memref<512x64xi32, #tpu.memory_space<vmem>>, vector<16xi32>,
        %shift_left3A_1933 = arith.constant 16 : i32
        %shift_left3A_1934 = vector.broadcast %shift_left3A_1933 : i32 to vector<16xi32>
        %shift_left3A_1935 = arith.shli %get3A_1932, %shift_left3A_1934 : vector<16xi32>
        %bitcast3A_1936 = vector.bitcast %shift_left3A_1935 : vector<16xi32> to vector<16xf32>
        %add3A_1937 = arith.addf %add3A_1922, %bitcast3A_1936 : vector<16xf32>
        %and3A_1938 = arith.constant -65536 : i32
        %and3A_1939 = vector.broadcast %and3A_1938 : i32 to vector<16xi32>
        %and3A_1940 = arith.andi %get3A_1932, %and3A_1939 : vector<16xi32>
        %bitcast3A_1941 = vector.bitcast %and3A_1940 : vector<16xi32> to vector<16xf32>
        %add3A_1942 = arith.addf %add3A_1927, %bitcast3A_1941 : vector<16xf32>
        %add3A_1943 = arith.constant 14 : i32
        %add3A_1944 = arith.addi %mul3A_229, %add3A_1943 : i32
        %get3A_1945 = arith.index_cast %add3A_1944 : i32 to index
        %get3A_1946 = arith.constant 48 : index
        %get3A_1947 = tpu.vector_load %arg12[%get3A_1945, %get3A_1946] {strides = array<i32>} : memref<512x64xi32, #tpu.memory_space<vmem>>, vector<16xi32>,
        %shift_left3A_1948 = arith.constant 16 : i32
        %shift_left3A_1949 = vector.broadcast %shift_left3A_1948 : i32 to vector<16xi32>
        %shift_left3A_1950 = arith.shli %get3A_1947, %shift_left3A_1949 : vector<16xi32>
        %bitcast3A_1951 = vector.bitcast %shift_left3A_1950 : vector<16xi32> to vector<16xf32>
        %add3A_1952 = arith.addf %add3A_1937, %bitcast3A_1951 : vector<16xf32>
        %and3A_1953 = arith.constant -65536 : i32
        %and3A_1954 = vector.broadcast %and3A_1953 : i32 to vector<16xi32>
        %and3A_1955 = arith.andi %get3A_1947, %and3A_1954 : vector<16xi32>
        %bitcast3A_1956 = vector.bitcast %and3A_1955 : vector<16xi32> to vector<16xf32>
        %add3A_1957 = arith.addf %add3A_1942, %bitcast3A_1956 : vector<16xf32>
        %add3A_1958 = arith.constant 15 : i32
        %add3A_1959 = arith.addi %mul3A_229, %add3A_1958 : i32
        %get3A_1960 = arith.index_cast %add3A_1959 : i32 to index
        %get3A_1961 = arith.constant 48 : index
        %get3A_1962 = tpu.vector_load %arg12[%get3A_1960, %get3A_1961] {strides = array<i32>} : memref<512x64xi32, #tpu.memory_space<vmem>>, vector<16xi32>,
        %shift_left3A_1963 = arith.constant 16 : i32
        %shift_left3A_1964 = vector.broadcast %shift_left3A_1963 : i32 to vector<16xi32>
        %shift_left3A_1965 = arith.shli %get3A_1962, %shift_left3A_1964 : vector<16xi32>
        %bitcast3A_1966 = vector.bitcast %shift_left3A_1965 : vector<16xi32> to vector<16xf32>
        %add3A_1967 = arith.addf %add3A_1952, %bitcast3A_1966 : vector<16xf32>
        %and3A_1968 = arith.constant -65536 : i32
        %and3A_1969 = vector.broadcast %and3A_1968 : i32 to vector<16xi32>
        %and3A_1970 = arith.andi %get3A_1962, %and3A_1969 : vector<16xi32>
        %bitcast3A_1971 = vector.bitcast %and3A_1970 : vector<16xi32> to vector<16xf32>
        %add3A_1972 = arith.addf %add3A_1957, %bitcast3A_1971 : vector<16xf32>
        %add3A_1973 = arith.constant 16 : i32
        %add3A_1974 = arith.addi %mul3A_229, %add3A_1973 : i32
        %get3A_1975 = arith.index_cast %add3A_1974 : i32 to index
        %get3A_1976 = arith.constant 48 : index
        %get3A_1977 = tpu.vector_load %arg12[%get3A_1975, %get3A_1976] {strides = array<i32>} : memref<512x64xi32, #tpu.memory_space<vmem>>, vector<16xi32>,
        %shift_left3A_1978 = arith.constant 16 : i32
        %shift_left3A_1979 = vector.broadcast %shift_left3A_1978 : i32 to vector<16xi32>
        %shift_left3A_1980 = arith.shli %get3A_1977, %shift_left3A_1979 : vector<16xi32>
        %bitcast3A_1981 = vector.bitcast %shift_left3A_1980 : vector<16xi32> to vector<16xf32>
        %add3A_1982 = arith.addf %add3A_1967, %bitcast3A_1981 : vector<16xf32>
        %and3A_1983 = arith.constant -65536 : i32
        %and3A_1984 = vector.broadcast %and3A_1983 : i32 to vector<16xi32>
        %and3A_1985 = arith.andi %get3A_1977, %and3A_1984 : vector<16xi32>
        %bitcast3A_1986 = vector.bitcast %and3A_1985 : vector<16xi32> to vector<16xf32>
        %add3A_1987 = arith.addf %add3A_1972, %bitcast3A_1986 : vector<16xf32>
        %add3A_1988 = arith.constant 17 : i32
        %add3A_1989 = arith.addi %mul3A_229, %add3A_1988 : i32
        %get3A_1990 = arith.index_cast %add3A_1989 : i32 to index
        %get3A_1991 = arith.constant 48 : index
        %get3A_1992 = tpu.vector_load %arg12[%get3A_1990, %get3A_1991] {strides = array<i32>} : memref<512x64xi32, #tpu.memory_space<vmem>>, vector<16xi32>,
        %shift_left3A_1993 = arith.constant 16 : i32
        %shift_left3A_1994 = vector.broadcast %shift_left3A_1993 : i32 to vector<16xi32>
        %shift_left3A_1995 = arith.shli %get3A_1992, %shift_left3A_1994 : vector<16xi32>
        %bitcast3A_1996 = vector.bitcast %shift_left3A_1995 : vector<16xi32> to vector<16xf32>
        %add3A_1997 = arith.addf %add3A_1982, %bitcast3A_1996 : vector<16xf32>
        %and3A_1998 = arith.constant -65536 : i32
        %and3A_1999 = vector.broadcast %and3A_1998 : i32 to vector<16xi32>
        %and3A_2000 = arith.andi %get3A_1992, %and3A_1999 : vector<16xi32>
        %bitcast3A_2001 = vector.bitcast %and3A_2000 : vector<16xi32> to vector<16xf32>
        %add3A_2002 = arith.addf %add3A_1987, %bitcast3A_2001 : vector<16xf32>
        %add3A_2003 = arith.constant 18 : i32
        %add3A_2004 = arith.addi %mul3A_229, %add3A_2003 : i32
        %get3A_2005 = arith.index_cast %add3A_2004 : i32 to index
        %get3A_2006 = arith.constant 48 : index
        %get3A_2007 = tpu.vector_load %arg12[%get3A_2005, %get3A_2006] {strides = array<i32>} : memref<512x64xi32, #tpu.memory_space<vmem>>, vector<16xi32>,
        %shift_left3A_2008 = arith.constant 16 : i32
        %shift_left3A_2009 = vector.broadcast %shift_left3A_2008 : i32 to vector<16xi32>
        %shift_left3A_2010 = arith.shli %get3A_2007, %shift_left3A_2009 : vector<16xi32>
        %bitcast3A_2011 = vector.bitcast %shift_left3A_2010 : vector<16xi32> to vector<16xf32>
        %add3A_2012 = arith.addf %add3A_1997, %bitcast3A_2011 : vector<16xf32>
        %and3A_2013 = arith.constant -65536 : i32
        %and3A_2014 = vector.broadcast %and3A_2013 : i32 to vector<16xi32>
        %and3A_2015 = arith.andi %get3A_2007, %and3A_2014 : vector<16xi32>
        %bitcast3A_2016 = vector.bitcast %and3A_2015 : vector<16xi32> to vector<16xf32>
        %add3A_2017 = arith.addf %add3A_2002, %bitcast3A_2016 : vector<16xf32>
        %add3A_2018 = arith.constant 19 : i32
        %add3A_2019 = arith.addi %mul3A_229, %add3A_2018 : i32
        %get3A_2020 = arith.index_cast %add3A_2019 : i32 to index
        %get3A_2021 = arith.constant 48 : index
        %get3A_2022 = tpu.vector_load %arg12[%get3A_2020, %get3A_2021] {strides = array<i32>} : memref<512x64xi32, #tpu.memory_space<vmem>>, vector<16xi32>,
        %shift_left3A_2023 = arith.constant 16 : i32
        %shift_left3A_2024 = vector.broadcast %shift_left3A_2023 : i32 to vector<16xi32>
        %shift_left3A_2025 = arith.shli %get3A_2022, %shift_left3A_2024 : vector<16xi32>
        %bitcast3A_2026 = vector.bitcast %shift_left3A_2025 : vector<16xi32> to vector<16xf32>
        %add3A_2027 = arith.addf %add3A_2012, %bitcast3A_2026 : vector<16xf32>
        %and3A_2028 = arith.constant -65536 : i32
        %and3A_2029 = vector.broadcast %and3A_2028 : i32 to vector<16xi32>
        %and3A_2030 = arith.andi %get3A_2022, %and3A_2029 : vector<16xi32>
        %bitcast3A_2031 = vector.bitcast %and3A_2030 : vector<16xi32> to vector<16xf32>
        %add3A_2032 = arith.addf %add3A_2017, %bitcast3A_2031 : vector<16xf32>
        %add3A_2033 = arith.constant 20 : i32
        %add3A_2034 = arith.addi %mul3A_229, %add3A_2033 : i32
        %get3A_2035 = arith.index_cast %add3A_2034 : i32 to index
        %get3A_2036 = arith.constant 48 : index
        %get3A_2037 = tpu.vector_load %arg12[%get3A_2035, %get3A_2036] {strides = array<i32>} : memref<512x64xi32, #tpu.memory_space<vmem>>, vector<16xi32>,
        %shift_left3A_2038 = arith.constant 16 : i32
        %shift_left3A_2039 = vector.broadcast %shift_left3A_2038 : i32 to vector<16xi32>
        %shift_left3A_2040 = arith.shli %get3A_2037, %shift_left3A_2039 : vector<16xi32>
        %bitcast3A_2041 = vector.bitcast %shift_left3A_2040 : vector<16xi32> to vector<16xf32>
        %add3A_2042 = arith.addf %add3A_2027, %bitcast3A_2041 : vector<16xf32>
        %and3A_2043 = arith.constant -65536 : i32
        %and3A_2044 = vector.broadcast %and3A_2043 : i32 to vector<16xi32>
        %and3A_2045 = arith.andi %get3A_2037, %and3A_2044 : vector<16xi32>
        %bitcast3A_2046 = vector.bitcast %and3A_2045 : vector<16xi32> to vector<16xf32>
        %add3A_2047 = arith.addf %add3A_2032, %bitcast3A_2046 : vector<16xf32>
        %add3A_2048 = arith.constant 21 : i32
        %add3A_2049 = arith.addi %mul3A_229, %add3A_2048 : i32
        %get3A_2050 = arith.index_cast %add3A_2049 : i32 to index
        %get3A_2051 = arith.constant 48 : index
        %get3A_2052 = tpu.vector_load %arg12[%get3A_2050, %get3A_2051] {strides = array<i32>} : memref<512x64xi32, #tpu.memory_space<vmem>>, vector<16xi32>,
        %shift_left3A_2053 = arith.constant 16 : i32
        %shift_left3A_2054 = vector.broadcast %shift_left3A_2053 : i32 to vector<16xi32>
        %shift_left3A_2055 = arith.shli %get3A_2052, %shift_left3A_2054 : vector<16xi32>
        %bitcast3A_2056 = vector.bitcast %shift_left3A_2055 : vector<16xi32> to vector<16xf32>
        %add3A_2057 = arith.addf %add3A_2042, %bitcast3A_2056 : vector<16xf32>
        %and3A_2058 = arith.constant -65536 : i32
        %and3A_2059 = vector.broadcast %and3A_2058 : i32 to vector<16xi32>
        %and3A_2060 = arith.andi %get3A_2052, %and3A_2059 : vector<16xi32>
        %bitcast3A_2061 = vector.bitcast %and3A_2060 : vector<16xi32> to vector<16xf32>
        %add3A_2062 = arith.addf %add3A_2047, %bitcast3A_2061 : vector<16xf32>
        %add3A_2063 = arith.constant 22 : i32
        %add3A_2064 = arith.addi %mul3A_229, %add3A_2063 : i32
        %get3A_2065 = arith.index_cast %add3A_2064 : i32 to index
        %get3A_2066 = arith.constant 48 : index
        %get3A_2067 = tpu.vector_load %arg12[%get3A_2065, %get3A_2066] {strides = array<i32>} : memref<512x64xi32, #tpu.memory_space<vmem>>, vector<16xi32>,
        %shift_left3A_2068 = arith.constant 16 : i32
        %shift_left3A_2069 = vector.broadcast %shift_left3A_2068 : i32 to vector<16xi32>
        %shift_left3A_2070 = arith.shli %get3A_2067, %shift_left3A_2069 : vector<16xi32>
        %bitcast3A_2071 = vector.bitcast %shift_left3A_2070 : vector<16xi32> to vector<16xf32>
        %add3A_2072 = arith.addf %add3A_2057, %bitcast3A_2071 : vector<16xf32>
        %and3A_2073 = arith.constant -65536 : i32
        %and3A_2074 = vector.broadcast %and3A_2073 : i32 to vector<16xi32>
        %and3A_2075 = arith.andi %get3A_2067, %and3A_2074 : vector<16xi32>
        %bitcast3A_2076 = vector.bitcast %and3A_2075 : vector<16xi32> to vector<16xf32>
        %add3A_2077 = arith.addf %add3A_2062, %bitcast3A_2076 : vector<16xf32>
        %add3A_2078 = arith.constant 23 : i32
        %add3A_2079 = arith.addi %mul3A_229, %add3A_2078 : i32
        %get3A_2080 = arith.index_cast %add3A_2079 : i32 to index
        %get3A_2081 = arith.constant 48 : index
        %get3A_2082 = tpu.vector_load %arg12[%get3A_2080, %get3A_2081] {strides = array<i32>} : memref<512x64xi32, #tpu.memory_space<vmem>>, vector<16xi32>,
        %shift_left3A_2083 = arith.constant 16 : i32
        %shift_left3A_2084 = vector.broadcast %shift_left3A_2083 : i32 to vector<16xi32>
        %shift_left3A_2085 = arith.shli %get3A_2082, %shift_left3A_2084 : vector<16xi32>
        %bitcast3A_2086 = vector.bitcast %shift_left3A_2085 : vector<16xi32> to vector<16xf32>
        %add3A_2087 = arith.addf %add3A_2072, %bitcast3A_2086 : vector<16xf32>
        %and3A_2088 = arith.constant -65536 : i32
        %and3A_2089 = vector.broadcast %and3A_2088 : i32 to vector<16xi32>
        %and3A_2090 = arith.andi %get3A_2082, %and3A_2089 : vector<16xi32>
        %bitcast3A_2091 = vector.bitcast %and3A_2090 : vector<16xi32> to vector<16xf32>
        %add3A_2092 = arith.addf %add3A_2077, %bitcast3A_2091 : vector<16xf32>
        %add3A_2093 = arith.constant 24 : i32
        %add3A_2094 = arith.addi %mul3A_229, %add3A_2093 : i32
        %get3A_2095 = arith.index_cast %add3A_2094 : i32 to index
        %get3A_2096 = arith.constant 48 : index
        %get3A_2097 = tpu.vector_load %arg12[%get3A_2095, %get3A_2096] {strides = array<i32>} : memref<512x64xi32, #tpu.memory_space<vmem>>, vector<16xi32>,
        %shift_left3A_2098 = arith.constant 16 : i32
        %shift_left3A_2099 = vector.broadcast %shift_left3A_2098 : i32 to vector<16xi32>
        %shift_left3A_2100 = arith.shli %get3A_2097, %shift_left3A_2099 : vector<16xi32>
        %bitcast3A_2101 = vector.bitcast %shift_left3A_2100 : vector<16xi32> to vector<16xf32>
        %add3A_2102 = arith.addf %add3A_2087, %bitcast3A_2101 : vector<16xf32>
        %and3A_2103 = arith.constant -65536 : i32
        %and3A_2104 = vector.broadcast %and3A_2103 : i32 to vector<16xi32>
        %and3A_2105 = arith.andi %get3A_2097, %and3A_2104 : vector<16xi32>
        %bitcast3A_2106 = vector.bitcast %and3A_2105 : vector<16xi32> to vector<16xf32>
        %add3A_2107 = arith.addf %add3A_2092, %bitcast3A_2106 : vector<16xf32>
        %add3A_2108 = arith.constant 25 : i32
        %add3A_2109 = arith.addi %mul3A_229, %add3A_2108 : i32
        %get3A_2110 = arith.index_cast %add3A_2109 : i32 to index
        %get3A_2111 = arith.constant 48 : index
        %get3A_2112 = tpu.vector_load %arg12[%get3A_2110, %get3A_2111] {strides = array<i32>} : memref<512x64xi32, #tpu.memory_space<vmem>>, vector<16xi32>,
        %shift_left3A_2113 = arith.constant 16 : i32
        %shift_left3A_2114 = vector.broadcast %shift_left3A_2113 : i32 to vector<16xi32>
        %shift_left3A_2115 = arith.shli %get3A_2112, %shift_left3A_2114 : vector<16xi32>
        %bitcast3A_2116 = vector.bitcast %shift_left3A_2115 : vector<16xi32> to vector<16xf32>
        %add3A_2117 = arith.addf %add3A_2102, %bitcast3A_2116 : vector<16xf32>
        %and3A_2118 = arith.constant -65536 : i32
        %and3A_2119 = vector.broadcast %and3A_2118 : i32 to vector<16xi32>
        %and3A_2120 = arith.andi %get3A_2112, %and3A_2119 : vector<16xi32>
        %bitcast3A_2121 = vector.bitcast %and3A_2120 : vector<16xi32> to vector<16xf32>
        %add3A_2122 = arith.addf %add3A_2107, %bitcast3A_2121 : vector<16xf32>
        %add3A_2123 = arith.constant 26 : i32
        %add3A_2124 = arith.addi %mul3A_229, %add3A_2123 : i32
        %get3A_2125 = arith.index_cast %add3A_2124 : i32 to index
        %get3A_2126 = arith.constant 48 : index
        %get3A_2127 = tpu.vector_load %arg12[%get3A_2125, %get3A_2126] {strides = array<i32>} : memref<512x64xi32, #tpu.memory_space<vmem>>, vector<16xi32>,
        %shift_left3A_2128 = arith.constant 16 : i32
        %shift_left3A_2129 = vector.broadcast %shift_left3A_2128 : i32 to vector<16xi32>
        %shift_left3A_2130 = arith.shli %get3A_2127, %shift_left3A_2129 : vector<16xi32>
        %bitcast3A_2131 = vector.bitcast %shift_left3A_2130 : vector<16xi32> to vector<16xf32>
        %add3A_2132 = arith.addf %add3A_2117, %bitcast3A_2131 : vector<16xf32>
        %and3A_2133 = arith.constant -65536 : i32
        %and3A_2134 = vector.broadcast %and3A_2133 : i32 to vector<16xi32>
        %and3A_2135 = arith.andi %get3A_2127, %and3A_2134 : vector<16xi32>
        %bitcast3A_2136 = vector.bitcast %and3A_2135 : vector<16xi32> to vector<16xf32>
        %add3A_2137 = arith.addf %add3A_2122, %bitcast3A_2136 : vector<16xf32>
        %add3A_2138 = arith.constant 27 : i32
        %add3A_2139 = arith.addi %mul3A_229, %add3A_2138 : i32
        %get3A_2140 = arith.index_cast %add3A_2139 : i32 to index
        %get3A_2141 = arith.constant 48 : index
        %get3A_2142 = tpu.vector_load %arg12[%get3A_2140, %get3A_2141] {strides = array<i32>} : memref<512x64xi32, #tpu.memory_space<vmem>>, vector<16xi32>,
        %shift_left3A_2143 = arith.constant 16 : i32
        %shift_left3A_2144 = vector.broadcast %shift_left3A_2143 : i32 to vector<16xi32>
        %shift_left3A_2145 = arith.shli %get3A_2142, %shift_left3A_2144 : vector<16xi32>
        %bitcast3A_2146 = vector.bitcast %shift_left3A_2145 : vector<16xi32> to vector<16xf32>
        %add3A_2147 = arith.addf %add3A_2132, %bitcast3A_2146 : vector<16xf32>
        %and3A_2148 = arith.constant -65536 : i32
        %and3A_2149 = vector.broadcast %and3A_2148 : i32 to vector<16xi32>
        %and3A_2150 = arith.andi %get3A_2142, %and3A_2149 : vector<16xi32>
        %bitcast3A_2151 = vector.bitcast %and3A_2150 : vector<16xi32> to vector<16xf32>
        %add3A_2152 = arith.addf %add3A_2137, %bitcast3A_2151 : vector<16xf32>
        %add3A_2153 = arith.constant 28 : i32
        %add3A_2154 = arith.addi %mul3A_229, %add3A_2153 : i32
        %get3A_2155 = arith.index_cast %add3A_2154 : i32 to index
        %get3A_2156 = arith.constant 48 : index
        %get3A_2157 = tpu.vector_load %arg12[%get3A_2155, %get3A_2156] {strides = array<i32>} : memref<512x64xi32, #tpu.memory_space<vmem>>, vector<16xi32>,
        %shift_left3A_2158 = arith.constant 16 : i32
        %shift_left3A_2159 = vector.broadcast %shift_left3A_2158 : i32 to vector<16xi32>
        %shift_left3A_2160 = arith.shli %get3A_2157, %shift_left3A_2159 : vector<16xi32>
        %bitcast3A_2161 = vector.bitcast %shift_left3A_2160 : vector<16xi32> to vector<16xf32>
        %add3A_2162 = arith.addf %add3A_2147, %bitcast3A_2161 : vector<16xf32>
        %and3A_2163 = arith.constant -65536 : i32
        %and3A_2164 = vector.broadcast %and3A_2163 : i32 to vector<16xi32>
        %and3A_2165 = arith.andi %get3A_2157, %and3A_2164 : vector<16xi32>
        %bitcast3A_2166 = vector.bitcast %and3A_2165 : vector<16xi32> to vector<16xf32>
        %add3A_2167 = arith.addf %add3A_2152, %bitcast3A_2166 : vector<16xf32>
        %add3A_2168 = arith.constant 29 : i32
        %add3A_2169 = arith.addi %mul3A_229, %add3A_2168 : i32
        %get3A_2170 = arith.index_cast %add3A_2169 : i32 to index
        %get3A_2171 = arith.constant 48 : index
        %get3A_2172 = tpu.vector_load %arg12[%get3A_2170, %get3A_2171] {strides = array<i32>} : memref<512x64xi32, #tpu.memory_space<vmem>>, vector<16xi32>,
        %shift_left3A_2173 = arith.constant 16 : i32
        %shift_left3A_2174 = vector.broadcast %shift_left3A_2173 : i32 to vector<16xi32>
        %shift_left3A_2175 = arith.shli %get3A_2172, %shift_left3A_2174 : vector<16xi32>
        %bitcast3A_2176 = vector.bitcast %shift_left3A_2175 : vector<16xi32> to vector<16xf32>
        %add3A_2177 = arith.addf %add3A_2162, %bitcast3A_2176 : vector<16xf32>
        %and3A_2178 = arith.constant -65536 : i32
        %and3A_2179 = vector.broadcast %and3A_2178 : i32 to vector<16xi32>
        %and3A_2180 = arith.andi %get3A_2172, %and3A_2179 : vector<16xi32>
        %bitcast3A_2181 = vector.bitcast %and3A_2180 : vector<16xi32> to vector<16xf32>
        %add3A_2182 = arith.addf %add3A_2167, %bitcast3A_2181 : vector<16xf32>
        %add3A_2183 = arith.constant 30 : i32
        %add3A_2184 = arith.addi %mul3A_229, %add3A_2183 : i32
        %get3A_2185 = arith.index_cast %add3A_2184 : i32 to index
        %get3A_2186 = arith.constant 48 : index
        %get3A_2187 = tpu.vector_load %arg12[%get3A_2185, %get3A_2186] {strides = array<i32>} : memref<512x64xi32, #tpu.memory_space<vmem>>, vector<16xi32>,
        %shift_left3A_2188 = arith.constant 16 : i32
        %shift_left3A_2189 = vector.broadcast %shift_left3A_2188 : i32 to vector<16xi32>
        %shift_left3A_2190 = arith.shli %get3A_2187, %shift_left3A_2189 : vector<16xi32>
        %bitcast3A_2191 = vector.bitcast %shift_left3A_2190 : vector<16xi32> to vector<16xf32>
        %add3A_2192 = arith.addf %add3A_2177, %bitcast3A_2191 : vector<16xf32>
        %and3A_2193 = arith.constant -65536 : i32
        %and3A_2194 = vector.broadcast %and3A_2193 : i32 to vector<16xi32>
        %and3A_2195 = arith.andi %get3A_2187, %and3A_2194 : vector<16xi32>
        %bitcast3A_2196 = vector.bitcast %and3A_2195 : vector<16xi32> to vector<16xf32>
        %add3A_2197 = arith.addf %add3A_2182, %bitcast3A_2196 : vector<16xf32>
        %add3A_2198 = arith.constant 31 : i32
        %add3A_2199 = arith.addi %mul3A_229, %add3A_2198 : i32
        %get3A_2200 = arith.index_cast %add3A_2199 : i32 to index
        %get3A_2201 = arith.constant 48 : index
        %get3A_2202 = tpu.vector_load %arg12[%get3A_2200, %get3A_2201] {strides = array<i32>} : memref<512x64xi32, #tpu.memory_space<vmem>>, vector<16xi32>,
        %shift_left3A_2203 = arith.constant 16 : i32
        %shift_left3A_2204 = vector.broadcast %shift_left3A_2203 : i32 to vector<16xi32>
        %shift_left3A_2205 = arith.shli %get3A_2202, %shift_left3A_2204 : vector<16xi32>
        %bitcast3A_2206 = vector.bitcast %shift_left3A_2205 : vector<16xi32> to vector<16xf32>
        %add3A_2207 = arith.addf %add3A_2192, %bitcast3A_2206 : vector<16xf32>
        %and3A_2208 = arith.constant -65536 : i32
        %and3A_2209 = vector.broadcast %and3A_2208 : i32 to vector<16xi32>
        %and3A_2210 = arith.andi %get3A_2202, %and3A_2209 : vector<16xi32>
        %bitcast3A_2211 = vector.bitcast %and3A_2210 : vector<16xi32> to vector<16xf32>
        %add3A_2212 = arith.addf %add3A_2197, %bitcast3A_2211 : vector<16xf32>
        %get3A_2213 = arith.index_cast %add3A_227 : i32 to index
        %get3A_2214 = arith.constant 96 : index
        %get3A_2215 = tpu.vector_load %arg13[%get3A_2213, %get3A_2214] {strides = array<i32>} : memref<16x128xf32, #tpu.memory_space<vmem>>, vector<16xf32>,
        %get3A_2216 = arith.index_cast %add3A_227 : i32 to index
        %get3A_2217 = arith.constant 96 : index
        %get3A_2218 = tpu.vector_load %arg14[%get3A_2216, %get3A_2217] {strides = array<i32>} : memref<16x128xf32, #tpu.memory_space<vmem>>, vector<16xf32>,
        %add3A_2219 = arith.addf %get3A_2215, %get3A_2218 : vector<16xf32>
        %mul3A_2220 = arith.constant 3.125000e-02 : f32
        %mul3A_2221 = vector.broadcast %mul3A_2220 : f32 to vector<16xf32>
        %mul3A_2222 = arith.mulf %add3A_2207, %mul3A_2221 : vector<16xf32>
        %add3A_2223 = arith.addf %add3A_2219, %mul3A_2222 : vector<16xf32>
        %swap3A_2224 = arith.index_cast %add3A_227 : i32 to index
        %swap3A_2225 = arith.constant 96 : index
        %swap3A_2226 = tpu.vector_load %arg15[%swap3A_2224, %swap3A_2225] {strides = array<i32>} : memref<16x128xf32, #tpu.memory_space<vmem>>, vector<16xf32>,
        tpu.vector_store %arg15[%swap3A_2224, %swap3A_2225], %add3A_2223 {strides = array<i32>} : memref<16x128xf32, #tpu.memory_space<vmem>>, vector<16xf32>,
        %get3A_2227 = arith.index_cast %add3A_227 : i32 to index
        %get3A_2228 = arith.constant 112 : index
        %get3A_2229 = tpu.vector_load %arg13[%get3A_2227, %get3A_2228] {strides = array<i32>} : memref<16x128xf32, #tpu.memory_space<vmem>>, vector<16xf32>,
        %get3A_2230 = arith.index_cast %add3A_227 : i32 to index
        %get3A_2231 = arith.constant 112 : index
        %get3A_2232 = tpu.vector_load %arg14[%get3A_2230, %get3A_2231] {strides = array<i32>} : memref<16x128xf32, #tpu.memory_space<vmem>>, vector<16xf32>,
        %add3A_2233 = arith.addf %get3A_2229, %get3A_2232 : vector<16xf32>
        %mul3A_2234 = arith.constant 3.125000e-02 : f32
        %mul3A_2235 = vector.broadcast %mul3A_2234 : f32 to vector<16xf32>
        %mul3A_2236 = arith.mulf %add3A_2212, %mul3A_2235 : vector<16xf32>
        %add3A_2237 = arith.addf %add3A_2233, %mul3A_2236 : vector<16xf32>
        %swap3A_2238 = arith.index_cast %add3A_227 : i32 to index
        %swap3A_2239 = arith.constant 112 : index
        %swap3A_2240 = tpu.vector_load %arg15[%swap3A_2238, %swap3A_2239] {strides = array<i32>} : memref<16x128xf32, #tpu.memory_space<vmem>>, vector<16xf32>,
        tpu.vector_store %arg15[%swap3A_2238, %swap3A_2239], %add3A_2237 {strides = array<i32>} : memref<16x128xf32, #tpu.memory_space<vmem>>, vector<16xf32>,
        %scan3A_2241 = arith.constant 0 : i32
        scf.yield %scan3A_2241 : i32
      }
      %scan3A_210 = arith.constant 8 : i32
      %mul3A_211 = arith.constant 128 : i32
      %mul3A_212 = arith.muli %add3A, %mul3A_211 : i32
      %add3A_213 = arith.addi %mul3A_212, %add3A_159 : i32
      %mul3A_214 = arith.constant 8 : i32
      %mul3A_215 = arith.muli %add3A_213, %mul3A_214 : i32
      "tpu.region"() ({
        %run_scoped3A = tpu.sem_alloc : memref<!tpu.dma_semaphore, #tpu.memory_space<semaphore_mem>>
        %dma_start3A_224 = arith.constant 8 : i32
        %dma_start3A_225 = arith.constant 0 : i32
        %dma_start3A_226 = tpu.memref_slice %arg15[%dma_start3A_224, %dma_start3A_225] : memref<16x128xf32, #tpu.memory_space<vmem>> -> memref<8x128xf32, #tpu.memory_space<vmem>>
        %dma_start3A_227 = arith.constant 0 : i32
        %dma_start3A_228 = tpu.memref_slice %arg8[%mul3A_215, %dma_start3A_227] : memref<32768x128xf32, #tpu.memory_space<hbm>> -> memref<8x128xf32, #tpu.memory_space<hbm>>
        %dma_start3A_229 = arith.constant 0 : i32
        %dma_start3A_230 = tpu.memref_slice %arg8[%mul3A_215, %dma_start3A_229] : memref<32768x128xf32, #tpu.memory_space<hbm>> -> memref<8x128xf32, #tpu.memory_space<hbm>>
        %dma_start3A_231 = arith.constant 8 : i32
        %dma_start3A_232 = arith.constant 0 : i32
        %dma_start3A_233 = tpu.memref_slice %arg15[%dma_start3A_231, %dma_start3A_232] : memref<16x128xf32, #tpu.memory_space<vmem>> -> memref<8x128xf32, #tpu.memory_space<vmem>>
        tpu.enqueue_dma source(%dma_start3A_233 : memref<8x128xf32, #tpu.memory_space<vmem>>) target(%dma_start3A_230 : memref<8x128xf32, #tpu.memory_space<hbm>>) target_semaphore(%run_scoped3A : memref<!tpu.dma_semaphore, #tpu.memory_space<semaphore_mem>>)
        %dma_wait3A_234 = arith.constant 8 : i32
        %dma_wait3A_235 = arith.constant 0 : i32
        %dma_wait3A_236 = tpu.memref_slice %arg15[%dma_wait3A_234, %dma_wait3A_235] : memref<16x128xf32, #tpu.memory_space<vmem>> -> memref<8x128xf32, #tpu.memory_space<vmem>>
        %dma_wait3A_237 = arith.constant 0 : i32
        %dma_wait3A_238 = tpu.memref_slice %arg8[%mul3A_215, %dma_wait3A_237] : memref<32768x128xf32, #tpu.memory_space<hbm>> -> memref<8x128xf32, #tpu.memory_space<hbm>>
        %dma_wait3A_239 = arith.constant 0 : i32
        %dma_wait3A_240 = tpu.memref_slice %arg8[%mul3A_215, %dma_wait3A_239] : memref<32768x128xf32, #tpu.memory_space<hbm>> -> memref<8x128xf32, #tpu.memory_space<hbm>>
        %dma_wait3A_241 = arith.constant 8 : i32
        %dma_wait3A_242 = arith.constant 0 : i32
        %dma_wait3A_243 = tpu.memref_slice %arg15[%dma_wait3A_241, %dma_wait3A_242] : memref<16x128xf32, #tpu.memory_space<vmem>> -> memref<8x128xf32, #tpu.memory_space<vmem>>
        tpu.wait_dma2 semaphore(%run_scoped3A : memref<!tpu.dma_semaphore, #tpu.memory_space<semaphore_mem>>) src(%dma_wait3A_243 : memref<8x128xf32, #tpu.memory_space<vmem>>) dst(%dma_wait3A_240 : memref<8x128xf32, #tpu.memory_space<hbm>>)
        tpu.yield
      }) : () -> ()
      %add3A_216 = arith.constant 2 : i32
      %add3A_217 = arith.addi %add3A_159, %add3A_216 : i32
      %lt3A_218 = arith.constant 128 : i32
      %lt3A_219 = arith.cmpi slt, %add3A_217, %lt3A_218 : i32
      %convert_element_type3A_220 = arith.extui %lt3A_219 : i1 to i32
      %cond3A_221 = arith.constant 0 : i32
      %cond3A_222 = arith.cmpi ne, %convert_element_type3A_220, %cond3A_221 : i32
      scf.if %cond3A_222 {
        %add3A_224 = arith.constant 2 : i32
        %add3A_225 = arith.addi %add3A_159, %add3A_224 : i32
        %mul3A_226 = arith.constant 2 : i32
        %mul3A_227 = arith.muli %add3A_225, %mul3A_226 : i32
        %add3A_228 = arith.constant 0 : i32
        %add3A_229 = arith.addi %mul3A_227, %add3A_228 : i32
        %mul3A_230 = arith.constant 2 : i32
        %mul3A_231 = arith.muli %add3A_225, %mul3A_230 : i32
        %add3A_232 = arith.constant 1 : i32
        %add3A_233 = arith.addi %mul3A_231, %add3A_232 : i32
        %mul3A_234 = arith.constant 8 : i32
        %mul3A_235 = arith.muli %add3A_225, %mul3A_234 : i32
        %mul3A_236 = arith.constant 8 : i32
        %mul3A_237 = arith.muli %add3A_225, %mul3A_236 : i32
        %dma_start3A_238 = arith.constant 256 : i32
        %dma_start3A_239 = arith.constant 0 : i32
        %dma_start3A_240 = tpu.memref_slice %arg12[%dma_start3A_238, %dma_start3A_239] : memref<512x64xi32, #tpu.memory_space<vmem>> -> memref<128x64xi32, #tpu.memory_space<vmem>>
        %dma_start3A_241 = arith.constant 0 : i32
        %dma_start3A_242 = tpu.memref_slice %arg10[%add3A_229, %dma_start3A_241] : memref<256x128xi32, #tpu.memory_space<vmem>> -> memref<1x128xi32, #tpu.memory_space<vmem>>
        %dma_start3A_243 = tpu.memref_squeeze %dma_start3A_242 : memref<1x128xi32, #tpu.memory_space<vmem>> -> memref<128xi32, #tpu.memory_space<vmem>>
        %dma_start3A_244 = arith.constant 0 : i32
        %dma_start3A_245 = arith.constant 0 : i32
        %dma_start3A_246 = tpu.memref_slice %arg6[%dma_start3A_244, %dma_start3A_245] : memref<100000x64xi32, #tpu.memory_space<hbm>> -> memref<100000x64xi32, #tpu.memory_space<hbm>>
        tpu.enqueue_indirect_dma source(%dma_start3A_246 : memref<100000x64xi32, #tpu.memory_space<hbm>>) target(%dma_start3A_240 : memref<128x64xi32, #tpu.memory_space<vmem>>) offsets(%dma_start3A_243 : memref<128xi32, #tpu.memory_space<vmem>>) semaphore(%arg17 : memref<!tpu.dma_semaphore, #tpu.memory_space<semaphore_mem>>)
        %dma_start3A_247 = arith.constant 384 : i32
        %dma_start3A_248 = arith.constant 0 : i32
        %dma_start3A_249 = tpu.memref_slice %arg12[%dma_start3A_247, %dma_start3A_248] : memref<512x64xi32, #tpu.memory_space<vmem>> -> memref<128x64xi32, #tpu.memory_space<vmem>>
        %dma_start3A_250 = arith.constant 0 : i32
        %dma_start3A_251 = tpu.memref_slice %arg10[%add3A_233, %dma_start3A_250] : memref<256x128xi32, #tpu.memory_space<vmem>> -> memref<1x128xi32, #tpu.memory_space<vmem>>
        %dma_start3A_252 = tpu.memref_squeeze %dma_start3A_251 : memref<1x128xi32, #tpu.memory_space<vmem>> -> memref<128xi32, #tpu.memory_space<vmem>>
        %dma_start3A_253 = arith.constant 0 : i32
        %dma_start3A_254 = arith.constant 0 : i32
        %dma_start3A_255 = tpu.memref_slice %arg6[%dma_start3A_253, %dma_start3A_254] : memref<100000x64xi32, #tpu.memory_space<hbm>> -> memref<100000x64xi32, #tpu.memory_space<hbm>>
        tpu.enqueue_indirect_dma source(%dma_start3A_255 : memref<100000x64xi32, #tpu.memory_space<hbm>>) target(%dma_start3A_249 : memref<128x64xi32, #tpu.memory_space<vmem>>) offsets(%dma_start3A_252 : memref<128xi32, #tpu.memory_space<vmem>>) semaphore(%arg17 : memref<!tpu.dma_semaphore, #tpu.memory_space<semaphore_mem>>)
        %dma_start3A_256 = arith.constant 8 : i32
        %dma_start3A_257 = arith.constant 0 : i32
        %dma_start3A_258 = tpu.memref_slice %arg13[%dma_start3A_256, %dma_start3A_257] : memref<16x128xf32, #tpu.memory_space<vmem>> -> memref<8x128xf32, #tpu.memory_space<vmem>>
        %dma_start3A_259 = tpu.memref_slice %arg9[%mul3A_235] : memref<1024xi32, #tpu.memory_space<vmem>> -> memref<8xi32, #tpu.memory_space<vmem>>
        %dma_start3A_260 = arith.constant 0 : i32
        %dma_start3A_261 = arith.constant 0 : i32
        %dma_start3A_262 = tpu.memref_slice %arg5[%dma_start3A_260, %dma_start3A_261] : memref<100000x128xf32, #tpu.memory_space<hbm>> -> memref<100000x128xf32, #tpu.memory_space<hbm>>
        tpu.enqueue_indirect_dma source(%dma_start3A_262 : memref<100000x128xf32, #tpu.memory_space<hbm>>) target(%dma_start3A_258 : memref<8x128xf32, #tpu.memory_space<vmem>>) offsets(%dma_start3A_259 : memref<8xi32, #tpu.memory_space<vmem>>) semaphore(%arg17 : memref<!tpu.dma_semaphore, #tpu.memory_space<semaphore_mem>>)
        %dma_start3A_263 = arith.constant 8 : i32
        %dma_start3A_264 = arith.constant 0 : i32
        %dma_start3A_265 = tpu.memref_slice %arg14[%dma_start3A_263, %dma_start3A_264] : memref<16x128xf32, #tpu.memory_space<vmem>> -> memref<8x128xf32, #tpu.memory_space<vmem>>
        %dma_start3A_266 = tpu.memref_slice %arg11[%mul3A_237] : memref<1024xi32, #tpu.memory_space<vmem>> -> memref<8xi32, #tpu.memory_space<vmem>>
        %dma_start3A_267 = arith.constant 0 : i32
        %dma_start3A_268 = arith.constant 0 : i32
        %dma_start3A_269 = tpu.memref_slice %arg7[%dma_start3A_267, %dma_start3A_268] : memref<64x128xf32, #tpu.memory_space<hbm>> -> memref<64x128xf32, #tpu.memory_space<hbm>>
        tpu.enqueue_indirect_dma source(%dma_start3A_269 : memref<64x128xf32, #tpu.memory_space<hbm>>) target(%dma_start3A_265 : memref<8x128xf32, #tpu.memory_space<vmem>>) offsets(%dma_start3A_266 : memref<8xi32, #tpu.memory_space<vmem>>) semaphore(%arg17 : memref<!tpu.dma_semaphore, #tpu.memory_space<semaphore_mem>>)
      } else {
      }
      %scan3A_223 = arith.constant 0 : i32
      scf.yield %scan3A_223 : i32
    }
    %scan3A_90 = arith.constant 64 : i32
    return
  }
}

</mosaic_0001>

<sc_bundles>
// kernel: _tree_embed.3.cloned.1.call-start
scs
__scs_entry_jumppad:
0x0: {  	(pc) =	sbr.rel $0x88, $3  }
0x1: {  	(tag) =	ssettag $0x0;
	lr =	simm.s32 $0x1  }
0x2: {  	[smem:$0x3F9B] =	sst lr;
	_ =	strace $0xD0000000  }
0x3: {  	_ = 	snop  }
0x4: {  	_ = 	snop  }
0x5: {  	_ = 	snop  }
0x6: {  	_ = 	snop  }
0x7: {  	_ = 	snop  }
__scs_overlays_trampoline_lowered:
0x8: {  	[smem:$0x3FAA] =	sst s0  }
0x9: {  	[smem:$0x3FAB] =	sst s1  }
0xa: {  	[smem:$0x3FAC] =	sst s2  }
0xb: {  	[smem:$0x3FAD] =	sst s3  }
0xc: {  	[smem:$0x3FAE] =	sst s4  }
0xd: {  	[smem:$0x3FAF] =	sst s5  }
0xe: {  	[smem:$0x3FB0] =	sst s6  }
0xf: {  	[smem:$0x3FB1] =	sst s7  }
0x10: {  	[smem:$0x3FB2] =	sst s8  }
0x11: {  	[smem:$0x3FB3] =	sst s9;
	s0 =	simm.s32 @!p0 $0x0  }
0x12: {  	s1 =	sld [smem:$0x3F99];
	s0 =	simm.s32 @p0 $0x1  }
0x13: {  	[smem:$0x3FB4] =	sst s0;
	s0 =	simm.s32 @!p1 $0x0  }
0x14: {  	s2 =	sld [smem:$0x3F98];
	s0 =	simm.s32 @p1 $0x1  }
0x15: {  	[smem:$0x3FB5] =	sst s0;
	s0 =	simm.s32 @!p2 $0x0  }
0x16: {  	s3 =	sld [smem:$0x3FDB];
	s0 =	simm.s32 @p2 $0x1  }
0x17: {  	s4 =	simm.s32 $0x1BF5;
	[smem:$0x3FB7] =	sst s0  }
0x18: {  	s0 =	sld [smem:$0x3F9A];
	_ =	swait.ge [sflag:s4], $0x0  }
0x19: {  	s7 =	sld [smem:$0x3F9B]  }
0x1a: {  	s8 =	sadd.s32 $0xFFFFE003, lr  }
0x1b: {  	s9 =	sadd.s32 $0xFFFFFEF7, lr;
	s5 =	simm.s32 $0xFFFFFFFF;
	p2 =	slt.u32 s8, $0xFFFFF086  }
0x1c: {  	p1 =	slt.u32 s9, $0xF7A;
	s5 =	simm.s32 @!p2 $0x0  }
0x1d: {  	s5 =	simm.s32 @p1 $0x1;
	p0 =	seq.s32 s7, s2  }
0x1e: {  	s7 =	smul.u32 @!p0 $0xF7A, s2;
	p2 =	seq.s32 @!p0 s5, $0x0  }
0x1f: {  	s9 =	smul.u32 $0xF7A, s1;
	s8 =	simm.s32 @!p0 $0x1BF5;
	p2 =	por !p2, p0  }
0x20: {  	[sflag:s8] =	ssyncset.s32 @!p0 $0xFFFFF086;
	s6 =	sadd.s32 @!p0 s3, s7;
	s7 =	simm.s32 @!p0 $0x108  }
0x21: {  	s3 =	sadd.s32 s3, s9;
	s6 =	sadd.s32 @!p0 $0x88, s6;
	s7 =	simm.s32 @p2 $0x1082  }
0x22: {  	[simem:s7], [sflag:s8] =	dma.local @!p0 [hbm:s6], $0xF7A  }
0x23: {  	s9 =	sor.u32 $0xD0000000, s2;
	s6 =	simm.s32 $0x108;
	_ =	swait.ge @!p0 [sflag:s8], $0x0  }
0x24: {  	s3 =	sadd.s32 $0x88, s3;
	s6 =	simm.s32 @!p1 $0x1082;
	[sflag:s4] =	ssyncset.s32 $0xFFFFF086  }
0x25: {  	[simem:s6], [sflag:s4] =	dma.local [hbm:s3], $0xF7A  }
0x26: {  	[smem:$0x3F9B] =	sst s1;
	(tag) =	ssettag s2;
	_ =	strace s9  }
0x27: {  	s1 =	sld [smem:$0x3FAB]  }
0x28: {  	s2 =	sld [smem:$0x3FAC]  }
0x29: {  	s4 =	sld [smem:$0x3FAE]  }
0x2a: {  	p0 =	seq.s32 s5, $0x0;
	s5 =	sld [smem:$0x3FAF]  }
0x2b: {  	s6 =	sld [smem:$0x3FB0]  }
0x2c: {  	s7 =	sld [smem:$0x3FB1]  }
0x2d: {  	s3 =	simm.s32 $0x108;
	s8 =	sld [smem:$0x3FB2]  }
0x2e: {  	s3 =	simm.s32 @!p0 $0x1082;
	s9 =	sld [smem:$0x3FB3]  }
0x2f: {  	lr =	sadd.s32 s0, s3;
	s0 =	sld [smem:$0x3FAA]  }
0x30: {  	s3 =	sld [smem:$0x3FAD]  }
0x31: {  	[smem:$0x3FB6] =	sst s10  }
0x32: {  	s10 =	sld [smem:$0x3FB4];
	_ =	sdelay $0x3  }
0x33: {  	p0 =	seq.s32 s10, $0x1;
	s10 =	sld [smem:$0x3FB6];
	_ =	sdelay $0x3  }
0x34: {  	[smem:$0x3FB6] =	sst s10  }
0x35: {  	s10 =	sld [smem:$0x3FB5];
	_ =	sdelay $0x3  }
0x36: {  	p1 =	seq.s32 s10, $0x1;
	s10 =	sld [smem:$0x3FB6];
	_ =	sdelay $0x3  }
0x37: {  	[smem:$0x3FB6] =	sst s10  }
0x38: {  	s10 =	sld [smem:$0x3FB7]  }
0x39: {  	_ = 	snop;
	(pc) =	sbr.ind lr, $3  }
0x3a: {  	_ = 	snop  }
0x3b: {  	_ = 	snop  }
0x3c: {  	p2 =	seq.s32 s10, $0x1;
	s10 =	sld [smem:$0x3FB6]  }
0x3d: {  	_ =	shalt  }
0x3e: {  	_ =	shalt  }
0x3f: {  	_ =	shalt  }
0x40: {  	_ =	shalt  }
0x41: {  	_ =	shalt  }
0x42: {  	_ =	shalt  }
0x43: {  	_ =	shalt  }
0x44: {  	_ =	shalt  }
0x45: {  	_ =	shalt  }
0x46: {  	_ =	shalt  }
0x47: {  	_ =	shalt  }
0x48: {  	_ =	shalt  }
0x49: {  	_ =	shalt  }
0x4a: {  	_ =	shalt  }
0x4b: {  	_ =	shalt  }
0x4c: {  	_ =	shalt  }
0x4d: {  	_ =	shalt  }
0x4e: {  	_ =	shalt  }
0x4f: {  	_ =	shalt  }
0x50: {  	_ =	shalt  }
0x51: {  	_ =	shalt  }
0x52: {  	_ =	shalt  }
0x53: {  	_ =	shalt  }
0x54: {  	_ =	shalt  }
0x55: {  	_ =	shalt  }
0x56: {  	_ =	shalt  }
0x57: {  	_ =	shalt  }
0x58: {  	_ =	shalt  }
0x59: {  	_ =	shalt  }
0x5a: {  	_ =	shalt  }
0x5b: {  	_ =	shalt  }
0x5c: {  	_ =	shalt  }
0x5d: {  	_ =	shalt  }
0x5e: {  	_ =	shalt  }
0x5f: {  	_ =	shalt  }
0x60: {  	_ =	shalt  }
0x61: {  	_ =	shalt  }
0x62: {  	_ =	shalt  }
0x63: {  	_ =	shalt  }
0x64: {  	_ =	shalt  }
0x65: {  	_ =	shalt  }
0x66: {  	_ =	shalt  }
0x67: {  	_ =	shalt  }
0x68: {  	_ =	shalt  }
0x69: {  	_ =	shalt  }
0x6a: {  	_ =	shalt  }
0x6b: {  	_ =	shalt  }
0x6c: {  	_ =	shalt  }
0x6d: {  	_ =	shalt  }
0x6e: {  	_ =	shalt  }
0x6f: {  	_ =	shalt  }
0x70: {  	_ =	shalt  }
0x71: {  	_ =	shalt  }
0x72: {  	_ =	shalt  }
0x73: {  	_ =	shalt  }
0x74: {  	_ =	shalt  }
0x75: {  	_ =	shalt  }
0x76: {  	_ =	shalt  }
0x77: {  	_ =	shalt  }
0x78: {  	_ =	shalt  }
0x79: {  	_ =	shalt  }
0x7a: {  	_ =	shalt  }
0x7b: {  	_ =	shalt  }
0x7c: {  	_ =	shalt  }
0x7d: {  	_ =	shalt  }
0x7e: {  	_ =	shalt  }
0x7f: {  	_ =	shalt  }
0x80: {  	_ =	shalt  }
0x81: {  	_ =	shalt  }
0x82: {  	_ =	shalt  }
0x83: {  	_ =	shalt  }
0x84: {  	_ =	shalt  }
0x85: {  	_ =	shalt  }
0x86: {  	_ =	shalt  }
0x87: {  	_ =	shalt  }
.Lfunc_end0:
.L_simem_size_0:
called_computation_lowered:
.L_overlay_start_0:
0x88: {  	s2 =	sld [smem:$0x3FD9]  }
0x89: {  	s3 =	sld [smem:$0x3FFE];
	_ =	sdelay $0x1  }
0x8a: {  	s1 =	srdreg.scid  }
0x8b: {  	s0 =	sand.u32 $0x1, s1  }
0x8c: {  	s17 =	sshll.u32 s0, $0xA;
	s2 =	sadd.s32 s3, s2  }
0x8d: {  	s2 =	sadd.s32 s2, s17  }
0x8e: {  	[smem:$0x3FC2] =	sst s2  }
0x8f: {  	_ = 	snop  }
0x90: {  	s2 =	sld [smem:$0x3FC9]  }
0x91: {  	s18 =	sld [smem:$0x3FC8]  }
0x92: {  	s4 =	sld [smem:$0x3FC7]  }
0x93: {  	s5 =	sld [smem:$0x3FC6]  }
0x94: {  	s6 =	sld [smem:$0x3FC4]  }
0x95: {  	s7 =	sld [smem:$0x3FD0];
	(tm) =	ssettm $0x1  }
0x96: {  	s8 =	sld [smem:$0x3FFB];
	_ =	sdelay $0x3  }
0x97: {  	_ =	strace s8  }
0x98: {  	s8 =	sld [smem:$0x3FFC];
	_ =	sdelay $0x3  }
0x99: {  	_ =	strace s8  }
0x9a: {  	s8 =	sld [smem:$0x3FFD];
	_ =	sdelay $0x3  }
0x9b: {  	_ =	strace s8  }
0x9c: {  	_ =	strace $0x8FFFFFFF  }
0x9d: {  	s19 =	sld [smem:$0x3FDB];
	_ =	sdelay $0x1  }
0x9e: {  	s9 =	simm.s32 $_scs_section_size  }
0x9f: {  	s10 =	simm.s32 $_size__tile_overlayer_lowered;
	s11 =	simm.s32 $_tile_overlayer_lowered  }
0xa0: {  	s22 =	simm.s32 $0x1BFF;
	s21 =	sshll.u32 s11, $0x1;
	s8 =	sadd.s32 s9, s19  }
0xa1: {  	s12 =	simm.s32 $0x0;
	s20 =	sshll.u32 s10, $0x1;
	s10 =	sadd.s32 s21, s8  }
0xa2: {  	[timem:s12], [sflag:s22] =	dma.local [hbm:s10], s20  }
0xa3: {  	_ =	swait.ge [sflag:s22], s20  }
0xa4: {  	s9 =	ssub.s32 $0x0, s20;
	[sflag:s22] =	ssyncset.done $0x0  }
0xa5: {  	[sflag:s22] =	ssyncadd.s32 s9;
	_ =	sdelay $0x1  }
0xa6: {  	s23 =	simm.s32 $0x1B8B  }
0xa7: {  	_ =	swait.ge [sflag:s23], $0x1  }
0xa8: {  	[sflag:s23] =	ssyncset.done $0x0  }
0xa9: {  	s25 =	simm.s32 $0x1B8E;
	s24 =	sld [smem:$0x3FFE];
	[sflag:s23] =	ssyncadd.s32 $0xFFFFFFFF  }
0xaa: {  	s26 =	simm.s32 $execute0_lowered;
	[smem:$0x3FD2] =	sst s25  }
0xab: {  	s10 =	sshll.u32 s26, $0x1;
	_ =	strace $0x80000046;
	[dreg:$0x1] =	wrdreg $0xFFFFFFFF  }
0xac: {  	s28 =	simm.s32 $_size_execute0_lowered;
	s8 =	sadd.s32 s8, s10;
	[dreg:$0x0] =	wrdreg $0x0  }
0xad: {  	s10 =	sshll.u32 s28, $0x1;
	[dreg:$0x2] =	wrdreg s8  }
0xae: {  	[dreg:$0x3] =	wrdreg s10  }
0xaf: {  	[dreg:$0x4] =	wrdreg $0xC0  }
0xb0: {  	_ =	task [dreg:s12], $0x5FFFF  }
0xb1: {  	[dreg:$0x1] =	wrdreg $0xFFFFFFFF  }
0xb2: {  	[dreg:$0x0] =	wrdreg $0x60  }
0xb3: {  	[dreg:$0x2] =	wrdreg s2  }
0xb4: {  	[dreg:$0x3] =	wrdreg s18  }
0xb5: {  	[dreg:$0x4] =	wrdreg s4  }
0xb6: {  	[dreg:$0x5] =	wrdreg s5  }
0xb7: {  	[dreg:$0x6] =	wrdreg s24  }
0xb8: {  	[dreg:$0x7] =	wrdreg s6  }
0xb9: {  	[dreg:$0x8] =	wrdreg s7  }
0xba: {  	[dreg:$0x9] =	wrdreg $0x9  }
0xbb: {  	_ =	task.clear_ibuf [dreg:s12], $0xAFFFF;
	_ =	strace $0x90000046  }
0xbc: {  	s29 =	simm.s32 $0x9;
	_ =	strace $0x80000048  }
0xbd: {  	_ =	swait.ge [sflag:s29], $0x1  }
0xbe: {  	[sflag:s29] =	ssyncadd.s32 $0xFFFFFFFF  }
0xbf: {  	_ =	strace $0x90000048  }
0xc0: {  	_ =	sfence  }
0xc1: {  	s30 =	sld [smem:$0x0];
	_ =	sdelay $0x2  }
0xc2: {  	s31 =	sshll.u32 s1, $0xD;
	s1 =	sshrl.u32 s1, $0x2  }
0xc3: {  	s3 =	sand.u32 $0x4000, s31;
	s1 =	sadd.s32 s1, s30  }
0xc4: {  	s0 =	sor.u32 s3, s0;
	s1 =	sshll.u32 s1, $0x11  }
0xc5: {  	s0 =	sor.u32 s1, s0  }
0xc6: {  	s0 =	sadd.s32 $0x8F2B, s0  }
0xc7: {  	[sflag:s0] =	ssyncadd.remote.s32 $0x1  }
0xc8: {  	_ =	sfence.sel $0xFFFF  }
0xc9: {  	[dreg:$0x0] =	wrdreg $0xFFFFFFFF;
	(pc) =	sbr.abs _section_cstart, $3  }
0xca: {  	[dreg:$0x1] =	wrdreg $0xFFFFFFFF  }
0xcb: {  	_ =	task.clear_ibuf [dreg:s12], $0x2FFFF;
	_ =	strace $0x9FFFFFFF  }
0xcc: {  	(tm) =	ssettm $0x7FFFFFFF  }
0xcd: {  	_ =	shalt  }
tec
execute0_lowered:
.L_overlay_start_1:
0x0: {  	(tag) =	ssettag $0x1  }
0x1: {  	s0 =	rddreg [dreg:$0x0]  }
0x2: {  	s3 =	rddreg [dreg:$0x1]  }
0x3: {  	s9 =	rddreg [dreg:$0x2]  }
0x4: {  	s1 =	rddreg [dreg:$0x3]  }
0x5: {  	s6 =	rddreg [dreg:$0x4]  }
0x6: {  	s2 =	rddreg [dreg:$0x5]  }
0x7: {  	s4 =	rddreg [dreg:$0x6]  }
0x8: {  	s7 =	srdreg.scid;
	s5 =	simm.s32 $0x0;
	s10 =	stileid.u32  }
0x9: {  	s12 =	simm.s32 $0x3;
	s18 =	simm.s32 $0x8400;
	s14 =	simm.s32 $0x400  }
0xa: {  	s15 =	simm.s32 $0x80;
	s19 =	simm.s32 $0x8;
	s23 =	simm.s32 $0xC800  }
0xb: {  	s25 =	simm.s32 $0xE800;
	s26 =	simm.s32 $0x10C00;
	s29 =	simm.s32 $0x11400  }
0xc: {  	s30 =	simm.s32 $0x1;
	s31 =	simm.s32 $0x11800;
	s16 =	simm.s32 $0x0  }
0xd: {  	s7 =	sand.u32 $0x1, s7;
	[smem:$0x7FF] =	sst s5;
	s10 =	sshll.u32 s10, $0x1  }
.Ltmp0:
0xe: {  	s6 =	sadd.s32 $0x186E00, s6;
	s8 =	ssub.s32 $0x2, s7;
	(pc) =	sbr.rel .LBB2_1-.Ltmp0, $4  }
0xf: {  	_ =	strace $0x80000047;
	s10 =	sor.u32 s7, s10;
	s11 =	sshrl.u32 s8, $0x1  }
0x10: {  	s7 =	sshll.u32 s10, $0x7;
	s28 =	sshll.u32 s10, $0xC;
	s11 =	ssub.s32 s8, s11  }
0x11: {  	s8 =	sadd.s32 s0, s7;
	s9 =	sadd.s32 s9, s7;
	s10 =	sadd.s32 s3, s28  }
0x12: {  	s0 =	simm.s32 $0x2;
	s3 =	simm.s32 $0x11C00;
	s11 =	smax.u32 s11, $0x1  }
.LBB2_10:
0x13: {  	s16 =	sadd.s32 $0x1, s16  }
0x14: {  	p0 =	sne.s32 s16, s11  }
.Ltmp1:
0x15: {  	_ = 	snop;
	(pc) =	sbr.rel @!p0 .LBB2_11-.Ltmp1, $2  }
0x16: {  	_ =	sdelay $0x2  }
0x17: {  	s18 =	simm.s32 $0x8400  }
.LBB2_1:
0x18: {  	[tilespmem:s5], [sflag:$0x3] =	stream.linear.gather [hbm4b:s8+s5], $0x400, $0x38;
	[tilespmem:$0x12000] =	vst v63  }
0x19: {  	_ =	swait.ge [sflag:s12], $0x400  }
0x1a: {  	[sflag:s12] =	ssyncset.done $0x0  }
0x1b: {  	[sflag:s12] =	ssyncadd.s32 $0xFFFFFC00  }
0x1c: {  	[tilespmem:s18], [sflag:$0x3] =	stream.linear.gather [hbm4b:s9+s5], $0x400, $0x38;
	[tilespmem:$0x12000] =	vst v63  }
0x1d: {  	_ =	swait.ge [sflag:s12], $0x400  }
0x1e: {  	[sflag:s12] =	ssyncset.done $0x0  }
0x1f: {  	[sflag:s12] =	ssyncadd.s32 $0xFFFFFC00  }
0x20: {  	[tilespmem:s14], [sflag:$0x3] =	stream.linear.gather [hbm4b:s10+s5], $0x8000, $0x38;
	[tilespmem:$0x12000] =	vst v63  }
0x21: {  	_ =	swait.ge [sflag:s12], $0x8000  }
0x22: {  	[sflag:s12] =	ssyncset.done $0x0  }
0x23: {  	s13 =	simm.s32 $0x0;
	s17 =	simm.s32 $0x40;
	[sflag:s12] =	ssyncadd.s32 $0xFFFF8000  }
.LBB2_2:
0x24: {  	p0 =	sne.s32 s17, $0xFC0;
	v0 =	vld [tilespmem:s13+$0x8400];
	_ =	sdelay $0x3  }
.Ltmp2:
0x25: {  	(pc) =	sbr.rel @p0 .LBB2_2-.Ltmp2, $4  }
0x26: {  	vm0 =	vgt.s32 v0, $0x0  }
0x27: {  	v0 =	vnsel vm0, $0x0, v0  }
0x28: {  	v0 =	vmin.u32 v0, $0x3F  }
0x29: {  	[tilespmem:s13+$0x8400] =	vst v0;
	s13 =	sshra.s32 s17, $0x2;
	s17 =	sadd.s32 $0x40, s17  }
0x2a: {  	v0 =	vld [tilespmem:s13+$0x8400];
	_ =	sdelay $0x4  }
0x2b: {  	vm0 =	vgt.s32 v0, $0x0  }
0x2c: {  	v0 =	vnsel vm0, $0x0, v0  }
0x2d: {  	v0 =	vmin.u32 v0, $0x3F  }
0x2e: {  	s24 =	simm.s32 $0x8800;
	[tilespmem:s13+$0x8400] =	vst v0  }
0x2f: {  	[tilespmem:s24], [sflag:$0x1] =	stream.indirect.gather [hbm4b:s6+s15], $0x40, s14, s15, $0xb8;
	[tilespmem:$0x12000] =	vst v63  }
0x30: {  	s28 =	simm.s32 $0x480;
	s17 =	simm.s32 $0xA800  }
0x31: {  	[tilespmem:s17], [sflag:$0x1] =	stream.indirect.gather [hbm4b:s6+s15], $0x40, s28, s15, $0xb8;
	[tilespmem:$0x12000] =	vst v63  }
0x32: {  	s20 =	simm.s32 $0x10800;
	s17 =	simm.s32 $0x0  }
0x33: {  	[tilespmem:s20], [sflag:$0x1] =	stream.indirect.gather [hbm4b:s1+s19], $0x80, s17, s19, $0xb8;
	[tilespmem:$0x12000] =	vst v63  }
0x34: {  	s21 =	simm.s32 $0x11000  }
0x35: {  	[tilespmem:s21], [sflag:$0x1] =	stream.indirect.gather [hbm4b:s2+s19], $0x80, s18, s19, $0xb8;
	[tilespmem:$0x12000] =	vst v63  }
0x36: {  	s22 =	simm.s32 $0x500  }
0x37: {  	[tilespmem:s23], [sflag:$0x2] =	stream.indirect.gather [hbm4b:s6+s15], $0x40, s22, s15, $0xb8;
	[tilespmem:$0x12000] =	vst v63  }
0x38: {  	s24 =	simm.s32 $0x580  }
0x39: {  	[tilespmem:s25], [sflag:$0x2] =	stream.indirect.gather [hbm4b:s6+s15], $0x40, s24, s15, $0xb8;
	[tilespmem:$0x12000] =	vst v63  }
0x3a: {  	_ = 	snop  }
0x3b: {  	[tilespmem:s26], [sflag:$0x2] =	stream.indirect.gather [hbm4b:s1+s19], $0x80, s19, s19, $0xb8;
	[tilespmem:$0x12000] =	vst v63  }
0x3c: {  	s28 =	simm.s32 $0x8408  }
0x3d: {  	[tilespmem:s29], [sflag:$0x2] =	stream.indirect.gather [hbm4b:s2+s19], $0x80, s28, s19, $0xb8;
	[tilespmem:$0x12000] =	vst v63  }
.LBB2_4:
0x3e: {  	_ =	swait.ge [sflag:s30], $0x2000  }
0x3f: {  	[sflag:s30] =	ssyncset.done $0x0  }
0x40: {  	[sflag:s30] =	ssyncadd.s32 $0xFFFFE000  }
0x41: {  	_ =	swait.ge [sflag:s30], $0x2000  }
0x42: {  	[sflag:s30] =	ssyncset.done $0x0  }
0x43: {  	[sflag:s30] =	ssyncadd.s32 $0xFFFFE000  }
0x44: {  	_ =	swait.ge [sflag:s30], $0x400  }
0x45: {  	[sflag:s30] =	ssyncset.done $0x0  }
0x46: {  	[sflag:s30] =	ssyncadd.s32 $0xFFFFFC00  }
0x47: {  	_ =	swait.ge [sflag:s30], $0x400  }
0x48: {  	[sflag:s30] =	ssyncset.done $0x0  }
0x49: {  	s18 =	simm.s32 $0x8C00;
	[sflag:s30] =	ssyncadd.s32 $0xFFFFFC00  }
0x4a: {  	v0 =	vld [tilespmem:s18+$0xFFFFFC00]  }
0x4b: {  	v1 =	vld [tilespmem:s18+$0xFFFFFC40];
	_ =	sdelay $0x1  }
0x4c: {  	v2 =	vld [tilespmem:s18+$0xFFFFFC80];
	_ =	sdelay $0x1  }
0x4d: {  	v3 =	vld [tilespmem:s18+$0xFFFFFCC0]  }
0x4e: {  	v4 =	vand.u32 $0xFFFF0000, v0;
	v5 =	vand.u32 $0xFFFF0000, v1  }
0x4f: {  	v0 =	vshll.u32 v0, $0x10;
	v1 =	vshll.u32 v1, $0x10;
	v4 =	vadd.f32 v5, v4;
	v5 =	vld [tilespmem:s18+$0xFFFFFD00]  }
0x50: {  	v6 =	vand.u32 $0xFFFF0000, v2;
	v0 =	vadd.f32 v1, v0  }
0x51: {  	v2 =	vshll.u32 v2, $0x10;
	v1 =	vadd.f32 v6, v4;
	v4 =	vld [tilespmem:s18+$0xFFFFFD40]  }
0x52: {  	v6 =	vand.u32 $0xFFFF0000, v3;
	v0 =	vadd.f32 v2, v0  }
0x53: {  	v2 =	vld [tilespmem:s18+$0xFFFFFD80];
	v3 =	vshll.u32 v3, $0x10;
	v1 =	vadd.f32 v6, v1  }
0x54: {  	v0 =	vadd.f32 v3, v0;
	v6 =	vand.u32 $0xFFFF0000, v5  }
0x55: {  	v3 =	vld [tilespmem:s18+$0xFFFFFDC0];
	v5 =	vshll.u32 v5, $0x10;
	v1 =	vadd.f32 v6, v1  }
0x56: {  	v0 =	vadd.f32 v5, v0;
	v6 =	vand.u32 $0xFFFF0000, v4  }
0x57: {  	v5 =	vld [tilespmem:s18+$0xFFFFFE00];
	v4 =	vshll.u32 v4, $0x10;
	v1 =	vadd.f32 v6, v1  }
0x58: {  	v6 =	vand.u32 $0xFFFF0000, v2;
	v0 =	vadd.f32 v4, v0  }
0x59: {  	v4 =	vld [tilespmem:s18+$0xFFFFFE40];
	v2 =	vshll.u32 v2, $0x10;
	v1 =	vadd.f32 v6, v1  }
0x5a: {  	v6 =	vand.u32 $0xFFFF0000, v3;
	v0 =	vadd.f32 v2, v0  }
0x5b: {  	v2 =	vld [tilespmem:s18+$0xFFFFFE80];
	v3 =	vshll.u32 v3, $0x10;
	v1 =	vadd.f32 v6, v1  }
0x5c: {  	v6 =	vand.u32 $0xFFFF0000, v5;
	v0 =	vadd.f32 v3, v0  }
0x5d: {  	v3 =	vld [tilespmem:s18+$0xFFFFFEC0];
	v5 =	vshll.u32 v5, $0x10;
	v1 =	vadd.f32 v6, v1  }
0x5e: {  	v6 =	vand.u32 $0xFFFF0000, v4;
	v0 =	vadd.f32 v5, v0  }
0x5f: {  	v5 =	vld [tilespmem:s18+$0xFFFFFF00];
	v4 =	vshll.u32 v4, $0x10;
	v1 =	vadd.f32 v6, v1  }
0x60: {  	v6 =	vand.u32 $0xFFFF0000, v2;
	v0 =	vadd.f32 v4, v0  }
0x61: {  	v4 =	vld [tilespmem:s18+$0xFFFFFF40];
	v2 =	vshll.u32 v2, $0x10;
	v1 =	vadd.f32 v6, v1  }
0x62: {  	v6 =	vand.u32 $0xFFFF0000, v3;
	v0 =	vadd.f32 v2, v0  }
0x63: {  	v2 =	vld [tilespmem:s18+$0xFFFFFF80];
	v3 =	vshll.u32 v3, $0x10;
	v1 =	vadd.f32 v6, v1  }
0x64: {  	v6 =	vand.u32 $0xFFFF0000, v5;
	v0 =	vadd.f32 v3, v0  }
0x65: {  	v3 =	vld [tilespmem:s18+$0xFFFFFFC0];
	v5 =	vshll.u32 v5, $0x10;
	v1 =	vadd.f32 v6, v1  }
0x66: {  	v6 =	vand.u32 $0xFFFF0000, v4;
	v0 =	vadd.f32 v5, v0  }
0x67: {  	v5 =	vld [tilespmem:s18+$0x0];
	v4 =	vshll.u32 v4, $0x10;
	v1 =	vadd.f32 v6, v1  }
0x68: {  	v6 =	vand.u32 $0xFFFF0000, v2;
	v0 =	vadd.f32 v4, v0  }
0x69: {  	v4 =	vld [tilespmem:s18+$0x40];
	v2 =	vshll.u32 v2, $0x10;
	v1 =	vadd.f32 v6, v1  }
0x6a: {  	v6 =	vand.u32 $0xFFFF0000, v3;
	v0 =	vadd.f32 v2, v0  }
0x6b: {  	v2 =	vld [tilespmem:s18+$0x80];
	v3 =	vshll.u32 v3, $0x10;
	v1 =	vadd.f32 v6, v1  }
0x6c: {  	v6 =	vand.u32 $0xFFFF0000, v5;
	v0 =	vadd.f32 v3, v0  }
0x6d: {  	v3 =	vld [tilespmem:s18+$0xC0];
	v5 =	vshll.u32 v5, $0x10;
	v1 =	vadd.f32 v6, v1  }
0x6e: {  	v6 =	vand.u32 $0xFFFF0000, v4;
	v0 =	vadd.f32 v5, v0  }
0x6f: {  	v5 =	vld [tilespmem:s18+$0x100];
	v4 =	vshll.u32 v4, $0x10;
	v1 =	vadd.f32 v6, v1  }
0x70: {  	v6 =	vand.u32 $0xFFFF0000, v2;
	v0 =	vadd.f32 v4, v0  }
0x71: {  	v4 =	vld [tilespmem:s18+$0x140];
	v2 =	vshll.u32 v2, $0x10;
	v1 =	vadd.f32 v6, v1  }
0x72: {  	v6 =	vand.u32 $0xFFFF0000, v3;
	v0 =	vadd.f32 v2, v0  }
0x73: {  	v2 =	vld [tilespmem:s18+$0x180];
	v3 =	vshll.u32 v3, $0x10;
	v1 =	vadd.f32 v6, v1  }
0x74: {  	v6 =	vand.u32 $0xFFFF0000, v5;
	v0 =	vadd.f32 v3, v0  }
0x75: {  	v3 =	vld [tilespmem:s18+$0x1C0];
	v5 =	vshll.u32 v5, $0x10;
	v1 =	vadd.f32 v6, v1  }
0x76: {  	v6 =	vand.u32 $0xFFFF0000, v4;
	v0 =	vadd.f32 v5, v0  }
0x77: {  	v5 =	vld [tilespmem:s18+$0x200];
	v4 =	vshll.u32 v4, $0x10;
	v1 =	vadd.f32 v6, v1  }
0x78: {  	v6 =	vand.u32 $0xFFFF0000, v2;
	v0 =	vadd.f32 v4, v0  }
0x79: {  	v4 =	vld [tilespmem:s18+$0x240];
	v2 =	vshll.u32 v2, $0x10;
	v1 =	vadd.f32 v6, v1  }
0x7a: {  	v6 =	vand.u32 $0xFFFF0000, v3;
	v0 =	vadd.f32 v2, v0  }
0x7b: {  	v2 =	vld [tilespmem:s18+$0x280];
	v3 =	vshll.u32 v3, $0x10;
	v1 =	vadd.f32 v6, v1  }
0x7c: {  	v6 =	vand.u32 $0xFFFF0000, v5;
	v0 =	vadd.f32 v3, v0  }
0x7d: {  	v3 =	vld [tilespmem:s18+$0x2C0];
	v5 =	vshll.u32 v5, $0x10;
	v1 =	vadd.f32 v6, v1  }
0x7e: {  	v6 =	vand.u32 $0xFFFF0000, v4;
	v0 =	vadd.f32 v5, v0  }
0x7f: {  	v5 =	vld [tilespmem:s18+$0x300];
	v4 =	vshll.u32 v4, $0x10;
	v1 =	vadd.f32 v6, v1  }
0x80: {  	v6 =	vand.u32 $0xFFFF0000, v2;
	v0 =	vadd.f32 v4, v0  }
0x81: {  	v4 =	vld [tilespmem:s18+$0x340];
	v2 =	vshll.u32 v2, $0x10;
	v1 =	vadd.f32 v6, v1  }
0x82: {  	v6 =	vand.u32 $0xFFFF0000, v3;
	v0 =	vadd.f32 v2, v0  }
0x83: {  	v2 =	vld [tilespmem:s18+$0x380];
	v3 =	vshll.u32 v3, $0x10;
	v1 =	vadd.f32 v6, v1  }
0x84: {  	v6 =	vand.u32 $0xFFFF0000, v5;
	v0 =	vadd.f32 v3, v0  }
0x85: {  	s20 =	simm.s32 $0x0;
	v3 =	vld [tilespmem:s18+$0x3C0];
	v5 =	vshll.u32 v5, $0x10;
	v1 =	vadd.f32 v6, v1  }
0x86: {  	v8 =	vld [tilespmem:s20+$0x11010];
	v6 =	vand.u32 $0xFFFF0000, v4;
	v0 =	vadd.f32 v5, v0  }
0x87: {  	v9 =	vld [tilespmem:s20+$0x10800];
	v4 =	vshll.u32 v4, $0x10;
	v1 =	vadd.f32 v6, v1  }
0x88: {  	v10 =	vld [tilespmem:s20+$0x10810];
	v5 =	vand.u32 $0xFFFF0000, v2;
	v0 =	vadd.f32 v4, v0  }
0x89: {  	v2 =	vshll.u32 v2, $0x10;
	v4 =	vld [tilespmem:s20+$0x11000];
	v1 =	vadd.f32 v5, v1  }
0x8a: {  	v6 =	vand.u32 $0xFFFF0000, v3;
	v0 =	vadd.f32 v2, v0  }
0x8b: {  	v2 =	vshll.u32 v3, $0x10;
	v1 =	vadd.f32 v6, v1  }
0x8c: {  	v0 =	vadd.f32 v2, v0  }
0x8d: {  	v8 =	vadd.f32 v8, v10;
	v3 =	vmul.f32 $3.125000000e-02, v1  }
0x8e: {  	v9 =	vadd.f32 v4, v9;
	v0 =	vmul.f32 $3.125000000e-02, v0  }
0x8f: {  	v8 =	vadd.f32 v8, v3  }
0x90: {  	v9 =	vadd.f32 v0, v9  }
0x91: {  	[tilespmem:s20+$0x11810] =	vst v8  }
0x92: {  	[tilespmem:s20+$0x11800] =	vst v9  }
0x93: {  	v8 =	vld [tilespmem:s18+$0xFFFFFC10]  }
0x94: {  	v9 =	vld [tilespmem:s18+$0xFFFFFC50];
	_ =	sdelay $0x1  }
0x95: {  	v17 =	vld [tilespmem:s18+$0xFFFFFC90];
	_ =	sdelay $0x1  }
0x96: {  	v11 =	vld [tilespmem:s18+$0xFFFFFCD0]  }
0x97: {  	v12 =	vshll.u32 v8, $0x10;
	v13 =	vshll.u32 v9, $0x10  }
0x98: {  	v18 =	vld [tilespmem:s18+$0xFFFFFD10];
	v8 =	vand.u32 $0xFFFF0000, v8;
	v9 =	vand.u32 $0xFFFF0000, v9;
	v12 =	vadd.f32 v13, v12  }
0x99: {  	v19 =	vshll.u32 v17, $0x10;
	v8 =	vadd.f32 v9, v8  }
0x9a: {  	v20 =	vld [tilespmem:s18+$0xFFFFFD50];
	v10 =	vand.u32 $0xFFFF0000, v17;
	v9 =	vadd.f32 v19, v12  }
0x9b: {  	v21 =	vshll.u32 v11, $0x10;
	v8 =	vadd.f32 v10, v8  }
0x9c: {  	v22 =	vld [tilespmem:s18+$0xFFFFFD90];
	v11 =	vand.u32 $0xFFFF0000, v11;
	v9 =	vadd.f32 v21, v9  }
0x9d: {  	v23 =	vshll.u32 v18, $0x10;
	v8 =	vadd.f32 v11, v8  }
0x9e: {  	v24 =	vld [tilespmem:s18+$0xFFFFFDD0];
	v13 =	vand.u32 $0xFFFF0000, v18;
	v9 =	vadd.f32 v23, v9  }
0x9f: {  	v25 =	vshll.u32 v20, $0x10;
	v8 =	vadd.f32 v13, v8  }
0xa0: {  	v26 =	vld [tilespmem:s18+$0xFFFFFE10];
	v12 =	vand.u32 $0xFFFF0000, v20;
	v9 =	vadd.f32 v25, v9  }
0xa1: {  	v27 =	vshll.u32 v22, $0x10;
	v8 =	vadd.f32 v12, v8  }
0xa2: {  	v28 =	vld [tilespmem:s18+$0xFFFFFE50];
	v10 =	vand.u32 $0xFFFF0000, v22;
	v9 =	vadd.f32 v27, v9  }
0xa3: {  	v29 =	vshll.u32 v24, $0x10;
	v8 =	vadd.f32 v10, v8  }
0xa4: {  	v30 =	vld [tilespmem:s18+$0xFFFFFE90];
	v11 =	vand.u32 $0xFFFF0000, v24;
	v9 =	vadd.f32 v29, v9  }
0xa5: {  	v31 =	vshll.u32 v26, $0x10;
	v8 =	vadd.f32 v11, v8  }
0xa6: {  	v32 =	vld [tilespmem:s18+$0xFFFFFED0];
	v13 =	vand.u32 $0xFFFF0000, v26;
	v9 =	vadd.f32 v31, v9  }
0xa7: {  	v33 =	vshll.u32 v28, $0x10;
	v8 =	vadd.f32 v13, v8  }
0xa8: {  	v34 =	vld [tilespmem:s18+$0xFFFFFF10];
	v12 =	vand.u32 $0xFFFF0000, v28;
	v9 =	vadd.f32 v33, v9  }
0xa9: {  	v35 =	vshll.u32 v30, $0x10;
	v8 =	vadd.f32 v12, v8  }
0xaa: {  	v36 =	vld [tilespmem:s18+$0xFFFFFF50];
	v10 =	vand.u32 $0xFFFF0000, v30;
	v9 =	vadd.f32 v35, v9  }
0xab: {  	v37 =	vshll.u32 v32, $0x10;
	v8 =	vadd.f32 v10, v8  }
0xac: {  	v38 =	vld [tilespmem:s18+$0xFFFFFF90];
	v11 =	vand.u32 $0xFFFF0000, v32;
	v9 =	vadd.f32 v37, v9  }
0xad: {  	v39 =	vshll.u32 v34, $0x10;
	v8 =	vadd.f32 v11, v8  }
0xae: {  	v40 =	vld [tilespmem:s18+$0xFFFFFFD0];
	v13 =	vand.u32 $0xFFFF0000, v34;
	v9 =	vadd.f32 v39, v9  }
0xaf: {  	v41 =	vshll.u32 v36, $0x10;
	v8 =	vadd.f32 v13, v8  }
0xb0: {  	v42 =	vld [tilespmem:s18+$0x10];
	v12 =	vand.u32 $0xFFFF0000, v36;
	v9 =	vadd.f32 v41, v9  }
0xb1: {  	v43 =	vshll.u32 v38, $0x10;
	v8 =	vadd.f32 v12, v8  }
0xb2: {  	v44 =	vld [tilespmem:s18+$0x50];
	v10 =	vand.u32 $0xFFFF0000, v38;
	v9 =	vadd.f32 v43, v9  }
0xb3: {  	v45 =	vshll.u32 v40, $0x10;
	v8 =	vadd.f32 v10, v8  }
0xb4: {  	v46 =	vld [tilespmem:s18+$0x90];
	v11 =	vand.u32 $0xFFFF0000, v40;
	v9 =	vadd.f32 v45, v9  }
0xb5: {  	v47 =	vshll.u32 v42, $0x10;
	v8 =	vadd.f32 v11, v8  }
0xb6: {  	v48 =	vld [tilespmem:s18+$0xD0];
	v13 =	vand.u32 $0xFFFF0000, v42;
	v9 =	vadd.f32 v47, v9  }
0xb7: {  	v49 =	vshll.u32 v44, $0x10;
	v8 =	vadd.f32 v13, v8  }
0xb8: {  	v50 =	vld [tilespmem:s18+$0x110];
	v12 =	vand.u32 $0xFFFF0000, v44;
	v9 =	vadd.f32 v49, v9  }
0xb9: {  	v51 =	vshll.u32 v46, $0x10;
	v8 =	vadd.f32 v12, v8  }
0xba: {  	v52 =	vld [tilespmem:s18+$0x150];
	v10 =	vand.u32 $0xFFFF0000, v46;
	v9 =	vadd.f32 v51, v9  }
0xbb: {  	v53 =	vshll.u32 v48, $0x10;
	v8 =	vadd.f32 v10, v8  }
0xbc: {  	v54 =	vld [tilespmem:s18+$0x190];
	v11 =	vand.u32 $0xFFFF0000, v48;
	v9 =	vadd.f32 v53, v9  }
0xbd: {  	v55 =	vshll.u32 v50, $0x10;
	v8 =	vadd.f32 v11, v8  }
0xbe: {  	v56 =	vld [tilespmem:s18+$0x1D0];
	v13 =	vand.u32 $0xFFFF0000, v50;
	v9 =	vadd.f32 v55, v9  }
0xbf: {  	v57 =	vshll.u32 v52, $0x10;
	v8 =	vadd.f32 v13, v8  }
0xc0: {  	v58 =	vld [tilespmem:s18+$0x210];
	v12 =	vand.u32 $0xFFFF0000, v52;
	v9 =	vadd.f32 v57, v9  }
0xc1: {  	v59 =	vshll.u32 v54, $0x10;
	v8 =	vadd.f32 v12, v8  }
0xc2: {  	v60 =	vld [tilespmem:s18+$0x250];
	v10 =	vand.u32 $0xFFFF0000, v54;
	v9 =	vadd.f32 v59, v9  }
0xc3: {  	v61 =	vshll.u32 v56, $0x10;
	v8 =	vadd.f32 v10, v8  }
0xc4: {  	v62 =	vld [tilespmem:s18+$0x290];
	v11 =	vand.u32 $0xFFFF0000, v56;
	v9 =	vadd.f32 v61, v9  }
0xc5: {  	v63 =	vshll.u32 v58, $0x10;
	v8 =	vadd.f32 v11, v8  }
0xc6: {  	v16 =	vld [tilespmem:s18+$0x2D0];
	v13 =	vand.u32 $0xFFFF0000, v58;
	v9 =	vadd.f32 v63, v9  }
0xc7: {  	v17 =	vshll.u32 v60, $0x10;
	v8 =	vadd.f32 v13, v8  }
0xc8: {  	v18 =	vld [tilespmem:s18+$0x310];
	v12 =	vand.u32 $0xFFFF0000, v60;
	v9 =	vadd.f32 v17, v9  }
0xc9: {  	v19 =	vshll.u32 v62, $0x10;
	v8 =	vadd.f32 v12, v8  }
0xca: {  	v20 =	vld [tilespmem:s18+$0x350];
	v10 =	vand.u32 $0xFFFF0000, v62;
	v9 =	vadd.f32 v19, v9  }
0xcb: {  	v21 =	vshll.u32 v16, $0x10;
	v8 =	vadd.f32 v10, v8  }
0xcc: {  	v22 =	vld [tilespmem:s18+$0x390];
	v11 =	vand.u32 $0xFFFF0000, v16;
	v9 =	vadd.f32 v21, v9  }
0xcd: {  	v23 =	vshll.u32 v18, $0x10;
	v8 =	vadd.f32 v11, v8  }
0xce: {  	v24 =	vld [tilespmem:s18+$0x3D0];
	v13 =	vand.u32 $0xFFFF0000, v18;
	v9 =	vadd.f32 v23, v9  }
0xcf: {  	v7 =	vld [tilespmem:s20+$0x10830];
	v25 =	vshll.u32 v20, $0x10;
	v8 =	vadd.f32 v13, v8  }
0xd0: {  	v5 =	vld [tilespmem:s20+$0x10820];
	v12 =	vand.u32 $0xFFFF0000, v20;
	v9 =	vadd.f32 v25, v9  }
0xd1: {  	v6 =	vld [tilespmem:s20+$0x11020];
	v26 =	vshll.u32 v22, $0x10;
	v8 =	vadd.f32 v12, v8  }
0xd2: {  	v27 =	vld [tilespmem:s20+$0x11030];
	v10 =	vand.u32 $0xFFFF0000, v22;
	v9 =	vadd.f32 v26, v9  }
0xd3: {  	v28 =	vshll.u32 v24, $0x10;
	v8 =	vadd.f32 v10, v8  }
0xd4: {  	v11 =	vand.u32 $0xFFFF0000, v24;
	v9 =	vadd.f32 v28, v9  }
0xd5: {  	v8 =	vadd.f32 v11, v8  }
0xd6: {  	v29 =	vadd.f32 v6, v5;
	v9 =	vmul.f32 $3.125000000e-02, v9  }
0xd7: {  	v30 =	vadd.f32 v27, v7;
	v8 =	vmul.f32 $3.125000000e-02, v8  }
0xd8: {  	v9 =	vadd.f32 v9, v29  }
0xd9: {  	v8 =	vadd.f32 v30, v8  }
0xda: {  	[tilespmem:s20+$0x11820] =	vst v9  }
0xdb: {  	[tilespmem:s20+$0x11830] =	vst v8  }
0xdc: {  	v8 =	vld [tilespmem:s18+$0xFFFFFC20]  }
0xdd: {  	v9 =	vld [tilespmem:s18+$0xFFFFFC60];
	_ =	sdelay $0x1  }
0xde: {  	v31 =	vld [tilespmem:s18+$0xFFFFFCA0];
	_ =	sdelay $0x1  }
0xdf: {  	v32 =	vld [tilespmem:s18+$0xFFFFFCE0]  }
0xe0: {  	v33 =	vshll.u32 v8, $0x10;
	v34 =	vshll.u32 v9, $0x10  }
0xe1: {  	v35 =	vld [tilespmem:s18+$0xFFFFFD20];
	v8 =	vand.u32 $0xFFFF0000, v8;
	v9 =	vand.u32 $0xFFFF0000, v9;
	v12 =	vadd.f32 v34, v33  }
0xe2: {  	v36 =	vshll.u32 v31, $0x10;
	v8 =	vadd.f32 v9, v8  }
0xe3: {  	v37 =	vld [tilespmem:s18+$0xFFFFFD60];
	v10 =	vand.u32 $0xFFFF0000, v31;
	v9 =	vadd.f32 v36, v12  }
0xe4: {  	v38 =	vshll.u32 v32, $0x10;
	v8 =	vadd.f32 v10, v8  }
0xe5: {  	v39 =	vld [tilespmem:s18+$0xFFFFFDA0];
	v11 =	vand.u32 $0xFFFF0000, v32;
	v9 =	vadd.f32 v38, v9  }
0xe6: {  	v40 =	vshll.u32 v35, $0x10;
	v8 =	vadd.f32 v11, v8  }
0xe7: {  	v41 =	vld [tilespmem:s18+$0xFFFFFDE0];
	v13 =	vand.u32 $0xFFFF0000, v35;
	v9 =	vadd.f32 v40, v9  }
0xe8: {  	v42 =	vshll.u32 v37, $0x10;
	v8 =	vadd.f32 v13, v8  }
0xe9: {  	v43 =	vld [tilespmem:s18+$0xFFFFFE20];
	v12 =	vand.u32 $0xFFFF0000, v37;
	v9 =	vadd.f32 v42, v9  }
0xea: {  	v44 =	vshll.u32 v39, $0x10;
	v8 =	vadd.f32 v12, v8  }
0xeb: {  	v45 =	vld [tilespmem:s18+$0xFFFFFE60];
	v10 =	vand.u32 $0xFFFF0000, v39;
	v9 =	vadd.f32 v44, v9  }
0xec: {  	v46 =	vshll.u32 v41, $0x10;
	v8 =	vadd.f32 v10, v8  }
0xed: {  	v47 =	vld [tilespmem:s18+$0xFFFFFEA0];
	v11 =	vand.u32 $0xFFFF0000, v41;
	v9 =	vadd.f32 v46, v9  }
0xee: {  	v48 =	vshll.u32 v43, $0x10;
	v8 =	vadd.f32 v11, v8  }
0xef: {  	v49 =	vld [tilespmem:s18+$0xFFFFFEE0];
	v13 =	vand.u32 $0xFFFF0000, v43;
	v9 =	vadd.f32 v48, v9  }
0xf0: {  	v50 =	vshll.u32 v45, $0x10;
	v8 =	vadd.f32 v13, v8  }
0xf1: {  	v51 =	vld [tilespmem:s18+$0xFFFFFF20];
	v12 =	vand.u32 $0xFFFF0000, v45;
	v9 =	vadd.f32 v50, v9  }
0xf2: {  	v52 =	vshll.u32 v47, $0x10;
	v8 =	vadd.f32 v12, v8  }
0xf3: {  	v53 =	vld [tilespmem:s18+$0xFFFFFF60];
	v10 =	vand.u32 $0xFFFF0000, v47;
	v9 =	vadd.f32 v52, v9  }
0xf4: {  	v54 =	vshll.u32 v49, $0x10;
	v8 =	vadd.f32 v10, v8  }
0xf5: {  	v55 =	vld [tilespmem:s18+$0xFFFFFFA0];
	v11 =	vand.u32 $0xFFFF0000, v49;
	v9 =	vadd.f32 v54, v9  }
0xf6: {  	v56 =	vshll.u32 v51, $0x10;
	v8 =	vadd.f32 v11, v8  }
0xf7: {  	v57 =	vld [tilespmem:s18+$0xFFFFFFE0];
	v13 =	vand.u32 $0xFFFF0000, v51;
	v9 =	vadd.f32 v56, v9  }
0xf8: {  	v58 =	vshll.u32 v53, $0x10;
	v8 =	vadd.f32 v13, v8  }
0xf9: {  	v59 =	vld [tilespmem:s18+$0x20];
	v12 =	vand.u32 $0xFFFF0000, v53;
	v9 =	vadd.f32 v58, v9  }
0xfa: {  	v60 =	vshll.u32 v55, $0x10;
	v8 =	vadd.f32 v12, v8  }
0xfb: {  	v61 =	vld [tilespmem:s18+$0x60];
	v10 =	vand.u32 $0xFFFF0000, v55;
	v9 =	vadd.f32 v60, v9  }
0xfc: {  	v62 =	vshll.u32 v57, $0x10;
	v8 =	vadd.f32 v10, v8  }
0xfd: {  	v63 =	vld [tilespmem:s18+$0xA0];
	v11 =	vand.u32 $0xFFFF0000, v57;
	v9 =	vadd.f32 v62, v9  }
0xfe: {  	v16 =	vshll.u32 v59, $0x10;
	v8 =	vadd.f32 v11, v8  }
0xff: {  	v17 =	vld [tilespmem:s18+$0xE0];
	v13 =	vand.u32 $0xFFFF0000, v59;
	v9 =	vadd.f32 v16, v9  }
0x100: {  	v18 =	vshll.u32 v61, $0x10;
	v8 =	vadd.f32 v13, v8  }
0x101: {  	v19 =	vld [tilespmem:s18+$0x120];
	v12 =	vand.u32 $0xFFFF0000, v61;
	v9 =	vadd.f32 v18, v9  }
0x102: {  	v20 =	vshll.u32 v63, $0x10;
	v8 =	vadd.f32 v12, v8  }
0x103: {  	v21 =	vld [tilespmem:s18+$0x160];
	v10 =	vand.u32 $0xFFFF0000, v63;
	v9 =	vadd.f32 v20, v9  }
0x104: {  	v22 =	vshll.u32 v17, $0x10;
	v8 =	vadd.f32 v10, v8  }
0x105: {  	v23 =	vld [tilespmem:s18+$0x1A0];
	v11 =	vand.u32 $0xFFFF0000, v17;
	v9 =	vadd.f32 v22, v9  }
0x106: {  	v24 =	vshll.u32 v19, $0x10;
	v8 =	vadd.f32 v11, v8  }
0x107: {  	v25 =	vld [tilespmem:s18+$0x1E0];
	v13 =	vand.u32 $0xFFFF0000, v19;
	v9 =	vadd.f32 v24, v9  }
0x108: {  	v26 =	vshll.u32 v21, $0x10;
	v8 =	vadd.f32 v13, v8  }
0x109: {  	v27 =	vld [tilespmem:s18+$0x220];
	v12 =	vand.u32 $0xFFFF0000, v21;
	v9 =	vadd.f32 v26, v9  }
0x10a: {  	v28 =	vshll.u32 v23, $0x10;
	v8 =	vadd.f32 v12, v8  }
0x10b: {  	v29 =	vld [tilespmem:s18+$0x260];
	v10 =	vand.u32 $0xFFFF0000, v23;
	v9 =	vadd.f32 v28, v9  }
0x10c: {  	v30 =	vshll.u32 v25, $0x10;
	v8 =	vadd.f32 v10, v8  }
0x10d: {  	v31 =	vld [tilespmem:s18+$0x2A0];
	v11 =	vand.u32 $0xFFFF0000, v25;
	v9 =	vadd.f32 v30, v9  }
0x10e: {  	v32 =	vshll.u32 v27, $0x10;
	v8 =	vadd.f32 v11, v8  }
0x10f: {  	v33 =	vld [tilespmem:s18+$0x2E0];
	v13 =	vand.u32 $0xFFFF0000, v27;
	v9 =	vadd.f32 v32, v9  }
0x110: {  	v34 =	vshll.u32 v29, $0x10;
	v8 =	vadd.f32 v13, v8  }
0x111: {  	v35 =	vld [tilespmem:s18+$0x320];
	v12 =	vand.u32 $0xFFFF0000, v29;
	v9 =	vadd.f32 v34, v9  }
0x112: {  	v36 =	vshll.u32 v31, $0x10;
	v8 =	vadd.f32 v12, v8  }
0x113: {  	v37 =	vld [tilespmem:s18+$0x360];
	v10 =	vand.u32 $0xFFFF0000, v31;
	v9 =	vadd.f32 v36, v9  }
0x114: {  	v38 =	vshll.u32 v33, $0x10;
	v8 =	vadd.f32 v10, v8  }
0x115: {  	v39 =	vld [tilespmem:s18+$0x3A0];
	v11 =	vand.u32 $0xFFFF0000, v33;
	v9 =	vadd.f32 v38, v9  }
0x116: {  	v40 =	vshll.u32 v35, $0x10;
	v8 =	vadd.f32 v11, v8  }
0x117: {  	v41 =	vld [tilespmem:s18+$0x3E0];
	v13 =	vand.u32 $0xFFFF0000, v35;
	v9 =	vadd.f32 v40, v9  }
0x118: {  	v2 =	vld [tilespmem:s20+$0x11040];
	v42 =	vshll.u32 v37, $0x10;
	v8 =	vadd.f32 v13, v8  }
0x119: {  	v4 =	vld [tilespmem:s20+$0x11050];
	v12 =	vand.u32 $0xFFFF0000, v37;
	v9 =	vadd.f32 v42, v9  }
0x11a: {  	v1 =	vld [tilespmem:s20+$0x10840];
	v43 =	vshll.u32 v39, $0x10;
	v8 =	vadd.f32 v12, v8  }
0x11b: {  	v3 =	vld [tilespmem:s20+$0x10850];
	v10 =	vand.u32 $0xFFFF0000, v39;
	v9 =	vadd.f32 v43, v9  }
0x11c: {  	v44 =	vshll.u32 v41, $0x10;
	v8 =	vadd.f32 v10, v8  }
0x11d: {  	v11 =	vand.u32 $0xFFFF0000, v41;
	v9 =	vadd.f32 v44, v9  }
0x11e: {  	v8 =	vadd.f32 v11, v8  }
0x11f: {  	v1 =	vadd.f32 v2, v1;
	v2 =	vmul.f32 $3.125000000e-02, v9  }
0x120: {  	v3 =	vadd.f32 v4, v3;
	v4 =	vmul.f32 $3.125000000e-02, v8  }
0x121: {  	v1 =	vadd.f32 v2, v1  }
0x122: {  	v2 =	vadd.f32 v3, v4  }
0x123: {  	v0 =	vld [tilespmem:s20+$0x10860];
	[tilespmem:s20+$0x11840] =	vst v1  }
0x124: {  	[tilespmem:s20+$0x11850] =	vst v2  }
0x125: {  	v1 =	vld [tilespmem:s18+$0xFFFFFC30]  }
0x126: {  	v2 =	vld [tilespmem:s18+$0xFFFFFC70];
	_ =	sdelay $0x1  }
0x127: {  	v3 =	vld [tilespmem:s18+$0xFFFFFCB0];
	_ =	sdelay $0x1  }
0x128: {  	v4 =	vld [tilespmem:s18+$0xFFFFFCF0];
	v8 =	vshll.u32 v1, $0x10  }
0x129: {  	v1 =	vand.u32 $0xFFFF0000, v1;
	v45 =	vshll.u32 v2, $0x10;
	v2 =	vand.u32 $0xFFFF0000, v2  }
0x12a: {  	v46 =	vld [tilespmem:s18+$0xFFFFFD30];
	v8 =	vadd.f32 v45, v8;
	v1 =	vadd.f32 v2, v1  }
0x12b: {  	v2 =	vshll.u32 v3, $0x10;
	v3 =	vand.u32 $0xFFFF0000, v3  }
0x12c: {  	v47 =	vld [tilespmem:s18+$0xFFFFFD70];
	v2 =	vadd.f32 v2, v8;
	v1 =	vadd.f32 v3, v1  }
0x12d: {  	v3 =	vshll.u32 v4, $0x10;
	v4 =	vand.u32 $0xFFFF0000, v4  }
0x12e: {  	v8 =	vld [tilespmem:s18+$0xFFFFFDB0];
	v2 =	vadd.f32 v3, v2;
	v1 =	vadd.f32 v4, v1  }
0x12f: {  	v3 =	vshll.u32 v46, $0x10;
	v4 =	vand.u32 $0xFFFF0000, v46  }
0x130: {  	v48 =	vld [tilespmem:s18+$0xFFFFFDF0];
	v2 =	vadd.f32 v3, v2;
	v1 =	vadd.f32 v4, v1  }
0x131: {  	v3 =	vshll.u32 v47, $0x10;
	v4 =	vand.u32 $0xFFFF0000, v47  }
0x132: {  	v49 =	vld [tilespmem:s18+$0xFFFFFE30];
	v2 =	vadd.f32 v3, v2;
	v1 =	vadd.f32 v4, v1  }
0x133: {  	v3 =	vshll.u32 v8, $0x10;
	v4 =	vand.u32 $0xFFFF0000, v8  }
0x134: {  	v8 =	vld [tilespmem:s18+$0xFFFFFE70];
	v2 =	vadd.f32 v3, v2;
	v1 =	vadd.f32 v4, v1  }
0x135: {  	v3 =	vshll.u32 v48, $0x10;
	v4 =	vand.u32 $0xFFFF0000, v48  }
0x136: {  	v50 =	vld [tilespmem:s18+$0xFFFFFEB0];
	v2 =	vadd.f32 v3, v2;
	v1 =	vadd.f32 v4, v1  }
0x137: {  	v3 =	vshll.u32 v49, $0x10;
	v4 =	vand.u32 $0xFFFF0000, v49  }
0x138: {  	v51 =	vld [tilespmem:s18+$0xFFFFFEF0];
	v2 =	vadd.f32 v3, v2;
	v1 =	vadd.f32 v4, v1  }
0x139: {  	v3 =	vshll.u32 v8, $0x10;
	v4 =	vand.u32 $0xFFFF0000, v8  }
0x13a: {  	v8 =	vld [tilespmem:s18+$0xFFFFFF30];
	v2 =	vadd.f32 v3, v2;
	v1 =	vadd.f32 v4, v1  }
0x13b: {  	v3 =	vshll.u32 v50, $0x10;
	v4 =	vand.u32 $0xFFFF0000, v50  }
0x13c: {  	v52 =	vld [tilespmem:s18+$0xFFFFFF70];
	v2 =	vadd.f32 v3, v2;
	v1 =	vadd.f32 v4, v1  }
0x13d: {  	v3 =	vshll.u32 v51, $0x10;
	v4 =	vand.u32 $0xFFFF0000, v51  }
0x13e: {  	v53 =	vld [tilespmem:s18+$0xFFFFFFB0];
	v2 =	vadd.f32 v3, v2;
	v1 =	vadd.f32 v4, v1  }
0x13f: {  	v3 =	vshll.u32 v8, $0x10;
	v4 =	vand.u32 $0xFFFF0000, v8  }
0x140: {  	v8 =	vld [tilespmem:s18+$0xFFFFFFF0];
	v2 =	vadd.f32 v3, v2;
	v1 =	vadd.f32 v4, v1  }
0x141: {  	v3 =	vshll.u32 v52, $0x10;
	v4 =	vand.u32 $0xFFFF0000, v52  }
0x142: {  	v54 =	vld [tilespmem:s18+$0x30];
	v2 =	vadd.f32 v3, v2;
	v1 =	vadd.f32 v4, v1  }
0x143: {  	v3 =	vshll.u32 v53, $0x10;
	v4 =	vand.u32 $0xFFFF0000, v53  }
0x144: {  	v55 =	vld [tilespmem:s18+$0x70];
	v2 =	vadd.f32 v3, v2;
	v1 =	vadd.f32 v4, v1  }
0x145: {  	v3 =	vshll.u32 v8, $0x10;
	v4 =	vand.u32 $0xFFFF0000, v8  }
0x146: {  	v8 =	vld [tilespmem:s18+$0xB0];
	v2 =	vadd.f32 v3, v2;
	v1 =	vadd.f32 v4, v1  }
0x147: {  	v3 =	vshll.u32 v54, $0x10;
	v4 =	vand.u32 $0xFFFF0000, v54  }
0x148: {  	v56 =	vld [tilespmem:s18+$0xF0];
	v2 =	vadd.f32 v3, v2;
	v1 =	vadd.f32 v4, v1  }
0x149: {  	v3 =	vshll.u32 v55, $0x10;
	v4 =	vand.u32 $0xFFFF0000, v55  }
0x14a: {  	v57 =	vld [tilespmem:s18+$0x130];
	v2 =	vadd.f32 v3, v2;
	v1 =	vadd.f32 v4, v1  }
0x14b: {  	v3 =	vshll.u32 v8, $0x10;
	v4 =	vand.u32 $0xFFFF0000, v8  }
0x14c: {  	v8 =	vld [tilespmem:s18+$0x170];
	v2 =	vadd.f32 v3, v2;
	v1 =	vadd.f32 v4, v1  }
0x14d: {  	v3 =	vshll.u32 v56, $0x10;
	v4 =	vand.u32 $0xFFFF0000, v56  }
0x14e: {  	v58 =	vld [tilespmem:s18+$0x1B0];
	v2 =	vadd.f32 v3, v2;
	v1 =	vadd.f32 v4, v1  }
0x14f: {  	v3 =	vshll.u32 v57, $0x10;
	v4 =	vand.u32 $0xFFFF0000, v57  }
0x150: {  	v59 =	vld [tilespmem:s18+$0x1F0];
	v2 =	vadd.f32 v3, v2;
	v1 =	vadd.f32 v4, v1  }
0x151: {  	v3 =	vshll.u32 v8, $0x10;
	v4 =	vand.u32 $0xFFFF0000, v8  }
0x152: {  	v8 =	vld [tilespmem:s18+$0x230];
	v2 =	vadd.f32 v3, v2;
	v1 =	vadd.f32 v4, v1  }
0x153: {  	v3 =	vshll.u32 v58, $0x10;
	v4 =	vand.u32 $0xFFFF0000, v58  }
0x154: {  	v60 =	vld [tilespmem:s18+$0x270];
	v2 =	vadd.f32 v3, v2;
	v1 =	vadd.f32 v4, v1  }
0x155: {  	v6 =	vld [tilespmem:s20+$0x11060];
	v3 =	vshll.u32 v59, $0x10;
	v4 =	vand.u32 $0xFFFF0000, v59  }
0x156: {  	v61 =	vld [tilespmem:s18+$0x2B0];
	v2 =	vadd.f32 v3, v2;
	v1 =	vadd.f32 v4, v1  }
0x157: {  	v5 =	vld [tilespmem:s20+$0x10870];
	v3 =	vshll.u32 v8, $0x10;
	v4 =	vand.u32 $0xFFFF0000, v8  }
0x158: {  	v8 =	vld [tilespmem:s18+$0x2F0];
	v2 =	vadd.f32 v3, v2;
	v1 =	vadd.f32 v4, v1  }
0x159: {  	v7 =	vld [tilespmem:s20+$0x11070];
	v3 =	vshll.u32 v60, $0x10;
	v4 =	vand.u32 $0xFFFF0000, v60  }
0x15a: {  	v62 =	vld [tilespmem:s18+$0x330];
	v2 =	vadd.f32 v3, v2;
	v1 =	vadd.f32 v4, v1  }
0x15b: {  	v63 =	vld [tilespmem:s18+$0x3B0];
	v9 =	vand.u32 $0xFFFF0000, v61;
	v3 =	vshll.u32 v61, $0x10  }
0x15c: {  	v4 =	vld [tilespmem:s18+$0x370];
	v2 =	vadd.f32 v3, v2;
	v1 =	vadd.f32 v9, v1  }
0x15d: {  	v0 =	vadd.f32 v6, v0;
	v6 =	vand.u32 $0xFFFF0000, v8;
	v3 =	vshll.u32 v8, $0x10  }
0x15e: {  	v2 =	vadd.f32 v3, v2;
	v3 =	vadd.f32 v6, v1  }
0x15f: {  	v1 =	vadd.f32 v7, v5;
	v5 =	vshll.u32 v62, $0x10;
	v6 =	vand.u32 $0xFFFF0000, v62  }
0x160: {  	v5 =	vadd.f32 v5, v2;
	v6 =	vadd.f32 v6, v3  }
0x161: {  	v7 =	vshll.u32 v4, $0x10;
	v8 =	vand.u32 $0xFFFF0000, v4;
	v4 =	vand.u32 $0xFFFF0000, v63;
	v2 =	vld [tilespmem:s18+$0x3F0]  }
0x162: {  	s21 =	simm.s32 $0x200;
	v3 =	vshll.u32 v63, $0x10;
	v5 =	vadd.f32 v7, v5;
	v6 =	vadd.f32 v8, v6  }
.LBB2_5:
0x163: {  	p0 =	sne.s32 s21, $0xE00  }
0x164: {  	s18 =	sadd.s32 $0x800, s18;
	s13 =	smov.u32 s21;
	s21 =	sadd.s32 $0x200, s21  }
0x165: {  	v3 =	vadd.f32 v3, v5;
	v4 =	vadd.f32 v4, v6  }
0x166: {  	v5 =	vshll.u32 v2, $0x10;
	v2 =	vand.u32 $0xFFFF0000, v2  }
0x167: {  	v3 =	vadd.f32 v5, v3;
	v2 =	vadd.f32 v2, v4;
	_ =	sdelay $0x1  }
0x168: {  	v3 =	vmul.f32 $3.125000000e-02, v3;
	v2 =	vmul.f32 $3.125000000e-02, v2;
	_ =	sdelay $0x1  }
0x169: {  	v0 =	vadd.f32 v3, v0;
	v1 =	vadd.f32 v1, v2;
	_ =	sdelay $0x1  }
0x16a: {  	[tilespmem:s20+$0x11860] =	vst v0  }
0x16b: {  	[tilespmem:s20+$0x11870] =	vst v1  }
0x16c: {  	v0 =	vld [tilespmem:s18+$0xFFFFFC00]  }
0x16d: {  	v1 =	vld [tilespmem:s18+$0xFFFFFC40];
	_ =	sdelay $0x1  }
0x16e: {  	v2 =	vld [tilespmem:s18+$0xFFFFFC80];
	_ =	sdelay $0x1  }
0x16f: {  	v3 =	vand.u32 $0xFFFF0000, v0;
	v4 =	vld [tilespmem:s18+$0xFFFFFCC0]  }
0x170: {  	v0 =	vshll.u32 v0, $0x10;
	v5 =	vshll.u32 v1, $0x10;
	v1 =	vand.u32 $0xFFFF0000, v1  }
0x171: {  	v0 =	vadd.f32 v5, v0;
	v1 =	vadd.f32 v1, v3;
	v3 =	vld [tilespmem:s18+$0xFFFFFD00]  }
0x172: {  	v5 =	vshll.u32 v2, $0x10;
	v2 =	vand.u32 $0xFFFF0000, v2  }
0x173: {  	v0 =	vadd.f32 v5, v0;
	v1 =	vadd.f32 v2, v1;
	v2 =	vld [tilespmem:s18+$0xFFFFFD40]  }
0x174: {  	v5 =	vshll.u32 v4, $0x10;
	v4 =	vand.u32 $0xFFFF0000, v4  }
0x175: {  	v0 =	vadd.f32 v5, v0;
	v1 =	vadd.f32 v4, v1;
	v4 =	vld [tilespmem:s18+$0xFFFFFD80]  }
0x176: {  	v5 =	vshll.u32 v3, $0x10;
	v3 =	vand.u32 $0xFFFF0000, v3  }
0x177: {  	v0 =	vadd.f32 v5, v0;
	v1 =	vadd.f32 v3, v1;
	v3 =	vld [tilespmem:s18+$0xFFFFFDC0]  }
0x178: {  	v5 =	vshll.u32 v2, $0x10;
	v2 =	vand.u32 $0xFFFF0000, v2  }
0x179: {  	v0 =	vadd.f32 v5, v0;
	v1 =	vadd.f32 v2, v1;
	v2 =	vld [tilespmem:s18+$0xFFFFFE00]  }
0x17a: {  	v5 =	vshll.u32 v4, $0x10;
	v4 =	vand.u32 $0xFFFF0000, v4  }
0x17b: {  	v0 =	vadd.f32 v5, v0;
	v1 =	vadd.f32 v4, v1;
	v4 =	vld [tilespmem:s18+$0xFFFFFE40]  }
0x17c: {  	v5 =	vshll.u32 v3, $0x10;
	v3 =	vand.u32 $0xFFFF0000, v3  }
0x17d: {  	v0 =	vadd.f32 v5, v0;
	v1 =	vadd.f32 v3, v1;
	v3 =	vld [tilespmem:s18+$0xFFFFFE80]  }
0x17e: {  	v5 =	vshll.u32 v2, $0x10;
	v2 =	vand.u32 $0xFFFF0000, v2  }
0x17f: {  	v0 =	vadd.f32 v5, v0;
	v1 =	vadd.f32 v2, v1;
	v2 =	vld [tilespmem:s18+$0xFFFFFEC0]  }
0x180: {  	v5 =	vshll.u32 v4, $0x10;
	v4 =	vand.u32 $0xFFFF0000, v4  }
0x181: {  	v0 =	vadd.f32 v5, v0;
	v1 =	vadd.f32 v4, v1;
	v4 =	vld [tilespmem:s18+$0xFFFFFF00]  }
0x182: {  	v5 =	vshll.u32 v3, $0x10;
	v3 =	vand.u32 $0xFFFF0000, v3  }
0x183: {  	v0 =	vadd.f32 v5, v0;
	v1 =	vadd.f32 v3, v1;
	v3 =	vld [tilespmem:s18+$0xFFFFFF40]  }
0x184: {  	v5 =	vshll.u32 v2, $0x10;
	v2 =	vand.u32 $0xFFFF0000, v2  }
0x185: {  	v0 =	vadd.f32 v5, v0;
	v1 =	vadd.f32 v2, v1;
	v2 =	vld [tilespmem:s18+$0xFFFFFF80]  }
0x186: {  	v5 =	vshll.u32 v4, $0x10;
	v4 =	vand.u32 $0xFFFF0000, v4  }
0x187: {  	v0 =	vadd.f32 v5, v0;
	v1 =	vadd.f32 v4, v1;
	v4 =	vld [tilespmem:s18+$0xFFFFFFC0]  }
0x188: {  	v5 =	vshll.u32 v3, $0x10;
	v3 =	vand.u32 $0xFFFF0000, v3  }
0x189: {  	v0 =	vadd.f32 v5, v0;
	v1 =	vadd.f32 v3, v1;
	v3 =	vld [tilespmem:s18+$0x0]  }
0x18a: {  	v5 =	vshll.u32 v2, $0x10;
	v2 =	vand.u32 $0xFFFF0000, v2  }
0x18b: {  	v0 =	vadd.f32 v5, v0;
	v1 =	vadd.f32 v2, v1;
	v2 =	vld [tilespmem:s18+$0x40]  }
0x18c: {  	v5 =	vshll.u32 v4, $0x10;
	v4 =	vand.u32 $0xFFFF0000, v4  }
0x18d: {  	v0 =	vadd.f32 v5, v0;
	v1 =	vadd.f32 v4, v1;
	v4 =	vld [tilespmem:s18+$0x80]  }
0x18e: {  	v5 =	vshll.u32 v3, $0x10;
	v3 =	vand.u32 $0xFFFF0000, v3  }
0x18f: {  	v0 =	vadd.f32 v5, v0;
	v1 =	vadd.f32 v3, v1;
	v3 =	vld [tilespmem:s18+$0xC0]  }
0x190: {  	v5 =	vshll.u32 v2, $0x10;
	v2 =	vand.u32 $0xFFFF0000, v2  }
0x191: {  	v0 =	vadd.f32 v5, v0;
	v1 =	vadd.f32 v2, v1;
	v2 =	vld [tilespmem:s18+$0x100]  }
0x192: {  	v5 =	vshll.u32 v4, $0x10;
	v4 =	vand.u32 $0xFFFF0000, v4  }
0x193: {  	v0 =	vadd.f32 v5, v0;
	v1 =	vadd.f32 v4, v1;
	v4 =	vld [tilespmem:s18+$0x140]  }
0x194: {  	v5 =	vshll.u32 v3, $0x10;
	v3 =	vand.u32 $0xFFFF0000, v3  }
0x195: {  	v0 =	vadd.f32 v5, v0;
	v1 =	vadd.f32 v3, v1;
	v3 =	vld [tilespmem:s18+$0x180]  }
0x196: {  	v5 =	vshll.u32 v2, $0x10;
	v2 =	vand.u32 $0xFFFF0000, v2  }
0x197: {  	v0 =	vadd.f32 v5, v0;
	v1 =	vadd.f32 v2, v1;
	v2 =	vld [tilespmem:s18+$0x1C0]  }
0x198: {  	v5 =	vshll.u32 v4, $0x10;
	v4 =	vand.u32 $0xFFFF0000, v4  }
0x199: {  	v0 =	vadd.f32 v5, v0;
	v1 =	vadd.f32 v4, v1;
	v4 =	vld [tilespmem:s18+$0x200]  }
0x19a: {  	v5 =	vshll.u32 v3, $0x10;
	v3 =	vand.u32 $0xFFFF0000, v3  }
0x19b: {  	v0 =	vadd.f32 v5, v0;
	v1 =	vadd.f32 v3, v1;
	v3 =	vld [tilespmem:s18+$0x240]  }
0x19c: {  	v5 =	vshll.u32 v2, $0x10;
	v2 =	vand.u32 $0xFFFF0000, v2  }
0x19d: {  	v0 =	vadd.f32 v5, v0;
	v1 =	vadd.f32 v2, v1;
	v2 =	vld [tilespmem:s18+$0x280]  }
0x19e: {  	v5 =	vshll.u32 v4, $0x10;
	v4 =	vand.u32 $0xFFFF0000, v4  }
0x19f: {  	v0 =	vadd.f32 v5, v0;
	v1 =	vadd.f32 v4, v1;
	v4 =	vld [tilespmem:s18+$0x2C0]  }
0x1a0: {  	v5 =	vshll.u32 v3, $0x10;
	v3 =	vand.u32 $0xFFFF0000, v3  }
0x1a1: {  	v0 =	vadd.f32 v5, v0;
	v1 =	vadd.f32 v3, v1;
	v3 =	vld [tilespmem:s18+$0x300]  }
0x1a2: {  	v5 =	vshll.u32 v2, $0x10;
	v2 =	vand.u32 $0xFFFF0000, v2  }
0x1a3: {  	v0 =	vadd.f32 v5, v0;
	v1 =	vadd.f32 v2, v1;
	v2 =	vld [tilespmem:s18+$0x340]  }
0x1a4: {  	v5 =	vshll.u32 v4, $0x10;
	v4 =	vand.u32 $0xFFFF0000, v4  }
0x1a5: {  	v0 =	vadd.f32 v5, v0;
	v1 =	vadd.f32 v4, v1;
	v4 =	vld [tilespmem:s18+$0x380]  }
0x1a6: {  	v5 =	vshll.u32 v3, $0x10;
	v3 =	vand.u32 $0xFFFF0000, v3  }
0x1a7: {  	v0 =	vadd.f32 v5, v0;
	v1 =	vadd.f32 v3, v1;
	v3 =	vld [tilespmem:s18+$0x3C0]  }
0x1a8: {  	v5 =	vshll.u32 v2, $0x10;
	v2 =	vand.u32 $0xFFFF0000, v2  }
0x1a9: {  	s20 =	sshra.s32 s13, $0x2;
	v0 =	vadd.f32 v5, v0;
	v1 =	vadd.f32 v2, v1  }
0x1aa: {  	v2 =	vshll.u32 v4, $0x10;
	v4 =	vand.u32 $0xFFFF0000, v4;
	v5 =	vld [tilespmem:s20+$0x11010]  }
0x1ab: {  	v0 =	vadd.f32 v2, v0;
	v1 =	vadd.f32 v4, v1;
	v2 =	vld [tilespmem:s20+$0x10800]  }
0x1ac: {  	v4 =	vshll.u32 v3, $0x10;
	v3 =	vand.u32 $0xFFFF0000, v3;
	v6 =	vld [tilespmem:s20+$0x10810]  }
0x1ad: {  	v0 =	vadd.f32 v4, v0;
	v1 =	vadd.f32 v3, v1;
	v3 =	vld [tilespmem:s20+$0x11000]  }
0x1ae: {  	v7 =	vld [tilespmem:s20+$0x10820]  }
0x1af: {  	v0 =	vmul.f32 $3.125000000e-02, v0;
	v1 =	vmul.f32 $3.125000000e-02, v1;
	v8 =	vld [tilespmem:s20+$0x11020]  }
0x1b0: {  	v4 =	vld [tilespmem:s20+$0x10830]  }
0x1b1: {  	v5 =	vadd.f32 v5, v6;
	v6 =	vld [tilespmem:s20+$0x10840]  }
0x1b2: {  	v2 =	vadd.f32 v3, v2;
	v3 =	vld [tilespmem:s20+$0x11040]  }
0x1b3: {  	v1 =	vadd.f32 v5, v1;
	v9 =	vld [tilespmem:s20+$0x10850]  }
0x1b4: {  	v0 =	vadd.f32 v0, v2;
	v5 =	vadd.f32 v8, v7;
	v7 =	vld [tilespmem:s20+$0x11050]  }
0x1b5: {  	[tilespmem:s20+$0x11810] =	vst v1;
	v1 =	vld [tilespmem:s20+$0x10860]  }
0x1b6: {  	[tilespmem:s20+$0x11800] =	vst v0;
	v0 =	vld [tilespmem:s20+$0x11060]  }
0x1b7: {  	v8 =	vld [tilespmem:s18+$0xFFFFFC10];
	v2 =	vadd.f32 v3, v6  }
0x1b8: {  	v6 =	vld [tilespmem:s18+$0xFFFFFC50]  }
0x1b9: {  	v3 =	vadd.f32 v7, v9;
	v7 =	vld [tilespmem:s20+$0x10870]  }
0x1ba: {  	v9 =	vld [tilespmem:s18+$0xFFFFFC90]  }
0x1bb: {  	v0 =	vadd.f32 v0, v1;
	v1 =	vld [tilespmem:s20+$0x11070]  }
0x1bc: {  	v10 =	vshll.u32 v8, $0x10;
	v11 =	vld [tilespmem:s18+$0xFFFFFCD0]  }
0x1bd: {  	v8 =	vand.u32 $0xFFFF0000, v8;
	v12 =	vshll.u32 v6, $0x10;
	v6 =	vand.u32 $0xFFFF0000, v6  }
0x1be: {  	v10 =	vadd.f32 v12, v10;
	v6 =	vadd.f32 v6, v8;
	v8 =	vld [tilespmem:s18+$0xFFFFFD10]  }
0x1bf: {  	v12 =	vshll.u32 v9, $0x10;
	v9 =	vand.u32 $0xFFFF0000, v9  }
0x1c0: {  	v10 =	vadd.f32 v12, v10;
	v6 =	vadd.f32 v9, v6;
	v9 =	vld [tilespmem:s18+$0xFFFFFD50]  }
0x1c1: {  	v1 =	vadd.f32 v1, v7;
	v12 =	vshll.u32 v11, $0x10;
	v11 =	vand.u32 $0xFFFF0000, v11  }
0x1c2: {  	v7 =	vadd.f32 v12, v10;
	v6 =	vadd.f32 v11, v6;
	v10 =	vld [tilespmem:s18+$0xFFFFFD90]  }
0x1c3: {  	v11 =	vshll.u32 v8, $0x10;
	v8 =	vand.u32 $0xFFFF0000, v8  }
0x1c4: {  	v7 =	vadd.f32 v11, v7;
	v6 =	vadd.f32 v8, v6;
	v8 =	vld [tilespmem:s18+$0xFFFFFDD0]  }
0x1c5: {  	v11 =	vshll.u32 v9, $0x10;
	v9 =	vand.u32 $0xFFFF0000, v9  }
0x1c6: {  	v7 =	vadd.f32 v11, v7;
	v6 =	vadd.f32 v9, v6;
	v9 =	vld [tilespmem:s18+$0xFFFFFE10]  }
0x1c7: {  	v11 =	vshll.u32 v10, $0x10;
	v10 =	vand.u32 $0xFFFF0000, v10  }
0x1c8: {  	v7 =	vadd.f32 v11, v7;
	v6 =	vadd.f32 v10, v6;
	v10 =	vld [tilespmem:s18+$0xFFFFFE50]  }
0x1c9: {  	v11 =	vshll.u32 v8, $0x10;
	v8 =	vand.u32 $0xFFFF0000, v8  }
0x1ca: {  	v7 =	vadd.f32 v11, v7;
	v6 =	vadd.f32 v8, v6;
	v8 =	vld [tilespmem:s18+$0xFFFFFE90]  }
0x1cb: {  	v11 =	vshll.u32 v9, $0x10;
	v9 =	vand.u32 $0xFFFF0000, v9  }
0x1cc: {  	v7 =	vadd.f32 v11, v7;
	v6 =	vadd.f32 v9, v6;
	v9 =	vld [tilespmem:s18+$0xFFFFFED0]  }
0x1cd: {  	v11 =	vshll.u32 v10, $0x10;
	v10 =	vand.u32 $0xFFFF0000, v10  }
0x1ce: {  	v7 =	vadd.f32 v11, v7;
	v6 =	vadd.f32 v10, v6;
	v10 =	vld [tilespmem:s18+$0xFFFFFF10]  }
0x1cf: {  	v11 =	vshll.u32 v8, $0x10;
	v8 =	vand.u32 $0xFFFF0000, v8  }
0x1d0: {  	v7 =	vadd.f32 v11, v7;
	v6 =	vadd.f32 v8, v6;
	v8 =	vld [tilespmem:s18+$0xFFFFFF50]  }
0x1d1: {  	v11 =	vshll.u32 v9, $0x10;
	v9 =	vand.u32 $0xFFFF0000, v9  }
0x1d2: {  	v7 =	vadd.f32 v11, v7;
	v6 =	vadd.f32 v9, v6;
	v9 =	vld [tilespmem:s18+$0xFFFFFF90]  }
0x1d3: {  	v11 =	vshll.u32 v10, $0x10;
	v10 =	vand.u32 $0xFFFF0000, v10  }
0x1d4: {  	v7 =	vadd.f32 v11, v7;
	v6 =	vadd.f32 v10, v6;
	v10 =	vld [tilespmem:s18+$0xFFFFFFD0]  }
0x1d5: {  	v11 =	vshll.u32 v8, $0x10;
	v8 =	vand.u32 $0xFFFF0000, v8  }
0x1d6: {  	v7 =	vadd.f32 v11, v7;
	v6 =	vadd.f32 v8, v6;
	v8 =	vld [tilespmem:s18+$0x10]  }
0x1d7: {  	v11 =	vshll.u32 v9, $0x10;
	v9 =	vand.u32 $0xFFFF0000, v9  }
0x1d8: {  	v7 =	vadd.f32 v11, v7;
	v6 =	vadd.f32 v9, v6;
	v9 =	vld [tilespmem:s18+$0x50]  }
0x1d9: {  	v11 =	vshll.u32 v10, $0x10;
	v10 =	vand.u32 $0xFFFF0000, v10  }
0x1da: {  	v7 =	vadd.f32 v11, v7;
	v6 =	vadd.f32 v10, v6;
	v10 =	vld [tilespmem:s18+$0x90]  }
0x1db: {  	v11 =	vshll.u32 v8, $0x10;
	v8 =	vand.u32 $0xFFFF0000, v8  }
0x1dc: {  	v7 =	vadd.f32 v11, v7;
	v6 =	vadd.f32 v8, v6;
	v8 =	vld [tilespmem:s18+$0xD0]  }
0x1dd: {  	v11 =	vshll.u32 v9, $0x10;
	v9 =	vand.u32 $0xFFFF0000, v9  }
0x1de: {  	v7 =	vadd.f32 v11, v7;
	v6 =	vadd.f32 v9, v6;
	v9 =	vld [tilespmem:s18+$0x110]  }
0x1df: {  	v11 =	vshll.u32 v10, $0x10;
	v10 =	vand.u32 $0xFFFF0000, v10  }
0x1e0: {  	v7 =	vadd.f32 v11, v7;
	v6 =	vadd.f32 v10, v6;
	v10 =	vld [tilespmem:s18+$0x150]  }
0x1e1: {  	v11 =	vshll.u32 v8, $0x10;
	v8 =	vand.u32 $0xFFFF0000, v8  }
0x1e2: {  	v7 =	vadd.f32 v11, v7;
	v6 =	vadd.f32 v8, v6;
	v8 =	vld [tilespmem:s18+$0x190]  }
0x1e3: {  	v11 =	vshll.u32 v9, $0x10;
	v9 =	vand.u32 $0xFFFF0000, v9  }
0x1e4: {  	v7 =	vadd.f32 v11, v7;
	v6 =	vadd.f32 v9, v6;
	v9 =	vld [tilespmem:s18+$0x1D0]  }
0x1e5: {  	v11 =	vshll.u32 v10, $0x10;
	v10 =	vand.u32 $0xFFFF0000, v10  }
0x1e6: {  	v7 =	vadd.f32 v11, v7;
	v6 =	vadd.f32 v10, v6;
	v10 =	vld [tilespmem:s18+$0x210]  }
0x1e7: {  	v11 =	vshll.u32 v8, $0x10;
	v8 =	vand.u32 $0xFFFF0000, v8  }
0x1e8: {  	v7 =	vadd.f32 v11, v7;
	v6 =	vadd.f32 v8, v6;
	v8 =	vld [tilespmem:s18+$0x250]  }
0x1e9: {  	v11 =	vshll.u32 v9, $0x10;
	v9 =	vand.u32 $0xFFFF0000, v9  }
0x1ea: {  	v7 =	vadd.f32 v11, v7;
	v6 =	vadd.f32 v9, v6;
	v9 =	vld [tilespmem:s18+$0x290]  }
0x1eb: {  	v11 =	vshll.u32 v10, $0x10;
	v10 =	vand.u32 $0xFFFF0000, v10  }
0x1ec: {  	v7 =	vadd.f32 v11, v7;
	v6 =	vadd.f32 v10, v6;
	v10 =	vld [tilespmem:s18+$0x2D0]  }
0x1ed: {  	v11 =	vshll.u32 v8, $0x10;
	v8 =	vand.u32 $0xFFFF0000, v8  }
0x1ee: {  	v7 =	vadd.f32 v11, v7;
	v6 =	vadd.f32 v8, v6;
	v8 =	vld [tilespmem:s18+$0x310]  }
0x1ef: {  	v11 =	vshll.u32 v9, $0x10;
	v9 =	vand.u32 $0xFFFF0000, v9  }
0x1f0: {  	v7 =	vadd.f32 v11, v7;
	v6 =	vadd.f32 v9, v6;
	v9 =	vld [tilespmem:s18+$0x350]  }
0x1f1: {  	v11 =	vshll.u32 v10, $0x10;
	v10 =	vand.u32 $0xFFFF0000, v10  }
0x1f2: {  	v7 =	vadd.f32 v11, v7;
	v6 =	vadd.f32 v10, v6;
	v10 =	vld [tilespmem:s18+$0x390]  }
0x1f3: {  	v11 =	vshll.u32 v8, $0x10;
	v8 =	vand.u32 $0xFFFF0000, v8  }
0x1f4: {  	v7 =	vadd.f32 v11, v7;
	v6 =	vadd.f32 v8, v6;
	v8 =	vld [tilespmem:s18+$0x3D0]  }
0x1f5: {  	v11 =	vshll.u32 v9, $0x10;
	v9 =	vand.u32 $0xFFFF0000, v9  }
0x1f6: {  	v7 =	vadd.f32 v11, v7;
	v6 =	vadd.f32 v9, v6  }
0x1f7: {  	v9 =	vshll.u32 v10, $0x10;
	v10 =	vand.u32 $0xFFFF0000, v10;
	v11 =	vld [tilespmem:s20+$0x11030]  }
0x1f8: {  	v7 =	vadd.f32 v9, v7;
	v6 =	vadd.f32 v10, v6  }
0x1f9: {  	v9 =	vshll.u32 v8, $0x10;
	v8 =	vand.u32 $0xFFFF0000, v8  }
0x1fa: {  	v7 =	vadd.f32 v9, v7;
	v6 =	vadd.f32 v8, v6;
	_ =	sdelay $0x1  }
0x1fb: {  	v7 =	vmul.f32 $3.125000000e-02, v7;
	v4 =	vadd.f32 v11, v4;
	v6 =	vmul.f32 $3.125000000e-02, v6;
	_ =	sdelay $0x1  }
0x1fc: {  	v5 =	vadd.f32 v7, v5;
	v4 =	vadd.f32 v4, v6;
	_ =	sdelay $0x1  }
0x1fd: {  	[tilespmem:s20+$0x11820] =	vst v5  }
0x1fe: {  	[tilespmem:s20+$0x11830] =	vst v4  }
0x1ff: {  	v4 =	vld [tilespmem:s18+$0xFFFFFC20]  }
0x200: {  	v5 =	vld [tilespmem:s18+$0xFFFFFC60];
	_ =	sdelay $0x1  }
0x201: {  	v6 =	vld [tilespmem:s18+$0xFFFFFCA0];
	_ =	sdelay $0x1  }
0x202: {  	v7 =	vshll.u32 v4, $0x10;
	v4 =	vand.u32 $0xFFFF0000, v4;
	v8 =	vld [tilespmem:s18+$0xFFFFFCE0]  }
0x203: {  	v9 =	vshll.u32 v5, $0x10;
	v5 =	vand.u32 $0xFFFF0000, v5  }
0x204: {  	v7 =	vadd.f32 v9, v7;
	v4 =	vadd.f32 v5, v4;
	v5 =	vld [tilespmem:s18+$0xFFFFFD20]  }
0x205: {  	v9 =	vshll.u32 v6, $0x10;
	v6 =	vand.u32 $0xFFFF0000, v6  }
0x206: {  	v7 =	vadd.f32 v9, v7;
	v4 =	vadd.f32 v6, v4;
	v6 =	vld [tilespmem:s18+$0xFFFFFD60]  }
0x207: {  	v9 =	vshll.u32 v8, $0x10;
	v8 =	vand.u32 $0xFFFF0000, v8  }
0x208: {  	v7 =	vadd.f32 v9, v7;
	v4 =	vadd.f32 v8, v4;
	v8 =	vld [tilespmem:s18+$0xFFFFFDA0]  }
0x209: {  	v9 =	vshll.u32 v5, $0x10;
	v5 =	vand.u32 $0xFFFF0000, v5  }
0x20a: {  	v7 =	vadd.f32 v9, v7;
	v4 =	vadd.f32 v5, v4;
	v5 =	vld [tilespmem:s18+$0xFFFFFDE0]  }
0x20b: {  	v9 =	vshll.u32 v6, $0x10;
	v6 =	vand.u32 $0xFFFF0000, v6  }
0x20c: {  	v7 =	vadd.f32 v9, v7;
	v4 =	vadd.f32 v6, v4;
	v6 =	vld [tilespmem:s18+$0xFFFFFE20]  }
0x20d: {  	v9 =	vshll.u32 v8, $0x10;
	v8 =	vand.u32 $0xFFFF0000, v8  }
0x20e: {  	v7 =	vadd.f32 v9, v7;
	v4 =	vadd.f32 v8, v4;
	v8 =	vld [tilespmem:s18+$0xFFFFFE60]  }
0x20f: {  	v9 =	vshll.u32 v5, $0x10;
	v5 =	vand.u32 $0xFFFF0000, v5  }
0x210: {  	v7 =	vadd.f32 v9, v7;
	v4 =	vadd.f32 v5, v4;
	v5 =	vld [tilespmem:s18+$0xFFFFFEA0]  }
0x211: {  	v9 =	vshll.u32 v6, $0x10;
	v6 =	vand.u32 $0xFFFF0000, v6  }
0x212: {  	v7 =	vadd.f32 v9, v7;
	v4 =	vadd.f32 v6, v4;
	v6 =	vld [tilespmem:s18+$0xFFFFFEE0]  }
0x213: {  	v9 =	vshll.u32 v8, $0x10;
	v8 =	vand.u32 $0xFFFF0000, v8  }
0x214: {  	v7 =	vadd.f32 v9, v7;
	v4 =	vadd.f32 v8, v4;
	v8 =	vld [tilespmem:s18+$0xFFFFFF20]  }
0x215: {  	v9 =	vshll.u32 v5, $0x10;
	v5 =	vand.u32 $0xFFFF0000, v5  }
0x216: {  	v7 =	vadd.f32 v9, v7;
	v4 =	vadd.f32 v5, v4;
	v5 =	vld [tilespmem:s18+$0xFFFFFF60]  }
0x217: {  	v9 =	vshll.u32 v6, $0x10;
	v6 =	vand.u32 $0xFFFF0000, v6  }
0x218: {  	v7 =	vadd.f32 v9, v7;
	v4 =	vadd.f32 v6, v4;
	v6 =	vld [tilespmem:s18+$0xFFFFFFA0]  }
0x219: {  	v9 =	vshll.u32 v8, $0x10;
	v8 =	vand.u32 $0xFFFF0000, v8  }
0x21a: {  	v7 =	vadd.f32 v9, v7;
	v4 =	vadd.f32 v8, v4;
	v8 =	vld [tilespmem:s18+$0xFFFFFFE0]  }
0x21b: {  	v9 =	vshll.u32 v5, $0x10;
	v5 =	vand.u32 $0xFFFF0000, v5  }
0x21c: {  	v7 =	vadd.f32 v9, v7;
	v4 =	vadd.f32 v5, v4;
	v5 =	vld [tilespmem:s18+$0x20]  }
0x21d: {  	v9 =	vshll.u32 v6, $0x10;
	v6 =	vand.u32 $0xFFFF0000, v6  }
0x21e: {  	v7 =	vadd.f32 v9, v7;
	v4 =	vadd.f32 v6, v4;
	v6 =	vld [tilespmem:s18+$0x60]  }
0x21f: {  	v9 =	vshll.u32 v8, $0x10;
	v8 =	vand.u32 $0xFFFF0000, v8  }
0x220: {  	v7 =	vadd.f32 v9, v7;
	v4 =	vadd.f32 v8, v4;
	v8 =	vld [tilespmem:s18+$0xA0]  }
0x221: {  	v9 =	vshll.u32 v5, $0x10;
	v5 =	vand.u32 $0xFFFF0000, v5  }
0x222: {  	v7 =	vadd.f32 v9, v7;
	v4 =	vadd.f32 v5, v4;
	v5 =	vld [tilespmem:s18+$0xE0]  }
0x223: {  	v9 =	vshll.u32 v6, $0x10;
	v6 =	vand.u32 $0xFFFF0000, v6  }
0x224: {  	v7 =	vadd.f32 v9, v7;
	v4 =	vadd.f32 v6, v4;
	v6 =	vld [tilespmem:s18+$0x120]  }
0x225: {  	v9 =	vshll.u32 v8, $0x10;
	v8 =	vand.u32 $0xFFFF0000, v8  }
0x226: {  	v7 =	vadd.f32 v9, v7;
	v4 =	vadd.f32 v8, v4;
	v8 =	vld [tilespmem:s18+$0x160]  }
0x227: {  	v9 =	vshll.u32 v5, $0x10;
	v5 =	vand.u32 $0xFFFF0000, v5  }
0x228: {  	v7 =	vadd.f32 v9, v7;
	v4 =	vadd.f32 v5, v4;
	v5 =	vld [tilespmem:s18+$0x1A0]  }
0x229: {  	v9 =	vshll.u32 v6, $0x10;
	v6 =	vand.u32 $0xFFFF0000, v6  }
0x22a: {  	v7 =	vadd.f32 v9, v7;
	v4 =	vadd.f32 v6, v4;
	v6 =	vld [tilespmem:s18+$0x1E0]  }
0x22b: {  	v9 =	vshll.u32 v8, $0x10;
	v8 =	vand.u32 $0xFFFF0000, v8  }
0x22c: {  	v7 =	vadd.f32 v9, v7;
	v4 =	vadd.f32 v8, v4;
	v8 =	vld [tilespmem:s18+$0x220]  }
0x22d: {  	v9 =	vshll.u32 v5, $0x10;
	v5 =	vand.u32 $0xFFFF0000, v5  }
0x22e: {  	v7 =	vadd.f32 v9, v7;
	v4 =	vadd.f32 v5, v4;
	v5 =	vld [tilespmem:s18+$0x260]  }
0x22f: {  	v9 =	vshll.u32 v6, $0x10;
	v6 =	vand.u32 $0xFFFF0000, v6  }
0x230: {  	v7 =	vadd.f32 v9, v7;
	v4 =	vadd.f32 v6, v4;
	v6 =	vld [tilespmem:s18+$0x2A0]  }
0x231: {  	v9 =	vshll.u32 v8, $0x10;
	v8 =	vand.u32 $0xFFFF0000, v8  }
0x232: {  	v7 =	vadd.f32 v9, v7;
	v4 =	vadd.f32 v8, v4;
	v8 =	vld [tilespmem:s18+$0x2E0]  }
0x233: {  	v9 =	vshll.u32 v5, $0x10;
	v5 =	vand.u32 $0xFFFF0000, v5  }
0x234: {  	v7 =	vadd.f32 v9, v7;
	v4 =	vadd.f32 v5, v4;
	v5 =	vld [tilespmem:s18+$0x320]  }
0x235: {  	v9 =	vshll.u32 v6, $0x10;
	v6 =	vand.u32 $0xFFFF0000, v6  }
0x236: {  	v7 =	vadd.f32 v9, v7;
	v4 =	vadd.f32 v6, v4;
	v6 =	vld [tilespmem:s18+$0x360]  }
0x237: {  	v9 =	vshll.u32 v8, $0x10;
	v8 =	vand.u32 $0xFFFF0000, v8  }
0x238: {  	v7 =	vadd.f32 v9, v7;
	v4 =	vadd.f32 v8, v4;
	v8 =	vld [tilespmem:s18+$0x3A0]  }
0x239: {  	v9 =	vshll.u32 v5, $0x10;
	v5 =	vand.u32 $0xFFFF0000, v5  }
0x23a: {  	v7 =	vadd.f32 v9, v7;
	v4 =	vadd.f32 v5, v4;
	v5 =	vld [tilespmem:s18+$0x3E0]  }
0x23b: {  	v9 =	vshll.u32 v6, $0x10;
	v6 =	vand.u32 $0xFFFF0000, v6  }
0x23c: {  	v7 =	vadd.f32 v9, v7;
	v4 =	vadd.f32 v6, v4  }
0x23d: {  	v6 =	vshll.u32 v8, $0x10;
	v8 =	vand.u32 $0xFFFF0000, v8  }
0x23e: {  	v6 =	vadd.f32 v6, v7;
	v4 =	vadd.f32 v8, v4  }
0x23f: {  	v7 =	vshll.u32 v5, $0x10;
	v5 =	vand.u32 $0xFFFF0000, v5  }
0x240: {  	v6 =	vadd.f32 v7, v6;
	v4 =	vadd.f32 v5, v4;
	_ =	sdelay $0x1  }
0x241: {  	v5 =	vmul.f32 $3.125000000e-02, v6;
	v4 =	vmul.f32 $3.125000000e-02, v4;
	_ =	sdelay $0x1  }
0x242: {  	v2 =	vadd.f32 v5, v2;
	v3 =	vadd.f32 v3, v4;
	_ =	sdelay $0x1  }
0x243: {  	[tilespmem:s20+$0x11840] =	vst v2  }
0x244: {  	[tilespmem:s20+$0x11850] =	vst v3  }
0x245: {  	v2 =	vld [tilespmem:s18+$0xFFFFFC30]  }
0x246: {  	v3 =	vld [tilespmem:s18+$0xFFFFFC70]  }
0x247: {  	v4 =	vld [tilespmem:s18+$0xFFFFFCB0]  }
0x248: {  	v5 =	vld [tilespmem:s18+$0xFFFFFCF0]  }
0x249: {  	v6 =	vld [tilespmem:s18+$0xFFFFFD30]  }
0x24a: {  	v7 =	vshll.u32 v2, $0x10;
	v8 =	vld [tilespmem:s18+$0xFFFFFD70]  }
0x24b: {  	v2 =	vand.u32 $0xFFFF0000, v2;
	v9 =	vshll.u32 v3, $0x10;
	v3 =	vand.u32 $0xFFFF0000, v3;
	v10 =	vld [tilespmem:s18+$0xFFFFFDB0]  }
0x24c: {  	v7 =	vadd.f32 v9, v7;
	v2 =	vadd.f32 v3, v2;
	v3 =	vld [tilespmem:s18+$0xFFFFFDF0]  }
0x24d: {  	v9 =	vshll.u32 v4, $0x10;
	v4 =	vand.u32 $0xFFFF0000, v4;
	v11 =	vld [tilespmem:s18+$0xFFFFFE30]  }
0x24e: {  	v7 =	vadd.f32 v9, v7;
	v2 =	vadd.f32 v4, v2;
	v4 =	vld [tilespmem:s18+$0xFFFFFE70]  }
0x24f: {  	v9 =	vshll.u32 v5, $0x10;
	v5 =	vand.u32 $0xFFFF0000, v5;
	v12 =	vld [tilespmem:s18+$0xFFFFFEB0]  }
0x250: {  	v7 =	vadd.f32 v9, v7;
	v2 =	vadd.f32 v5, v2;
	v5 =	vld [tilespmem:s18+$0xFFFFFEF0]  }
0x251: {  	v9 =	vshll.u32 v6, $0x10;
	v6 =	vand.u32 $0xFFFF0000, v6;
	v13 =	vld [tilespmem:s18+$0xFFFFFF30]  }
0x252: {  	v7 =	vadd.f32 v9, v7;
	v2 =	vadd.f32 v6, v2;
	v6 =	vld [tilespmem:s18+$0xFFFFFF70]  }
0x253: {  	v9 =	vshll.u32 v8, $0x10;
	v8 =	vand.u32 $0xFFFF0000, v8;
	v14 =	vld [tilespmem:s18+$0xFFFFFFB0]  }
0x254: {  	v7 =	vadd.f32 v9, v7;
	v2 =	vadd.f32 v8, v2;
	v8 =	vld [tilespmem:s18+$0xFFFFFFF0]  }
0x255: {  	v9 =	vshll.u32 v10, $0x10;
	v10 =	vand.u32 $0xFFFF0000, v10;
	v15 =	vld [tilespmem:s18+$0x30]  }
0x256: {  	v7 =	vadd.f32 v9, v7;
	v2 =	vadd.f32 v10, v2;
	v9 =	vld [tilespmem:s18+$0x70]  }
0x257: {  	v10 =	vshll.u32 v3, $0x10;
	v3 =	vand.u32 $0xFFFF0000, v3;
	v16 =	vld [tilespmem:s18+$0xB0]  }
0x258: {  	v7 =	vadd.f32 v10, v7;
	v2 =	vadd.f32 v3, v2;
	v10 =	vld [tilespmem:s18+$0xF0]  }
0x259: {  	v3 =	vshll.u32 v11, $0x10;
	v11 =	vand.u32 $0xFFFF0000, v11;
	v17 =	vld [tilespmem:s18+$0x130]  }
0x25a: {  	v3 =	vadd.f32 v3, v7;
	v2 =	vadd.f32 v11, v2;
	v7 =	vld [tilespmem:s18+$0x170]  }
0x25b: {  	v11 =	vshll.u32 v4, $0x10;
	v4 =	vand.u32 $0xFFFF0000, v4;
	v18 =	vld [tilespmem:s18+$0x1B0]  }
0x25c: {  	v3 =	vadd.f32 v11, v3;
	v2 =	vadd.f32 v4, v2;
	v11 =	vld [tilespmem:s18+$0x1F0]  }
0x25d: {  	v4 =	vshll.u32 v12, $0x10;
	v12 =	vand.u32 $0xFFFF0000, v12;
	v19 =	vld [tilespmem:s18+$0x230]  }
0x25e: {  	v3 =	vadd.f32 v4, v3;
	v2 =	vadd.f32 v12, v2;
	v12 =	vld [tilespmem:s18+$0x270]  }
0x25f: {  	v4 =	vshll.u32 v5, $0x10;
	v5 =	vand.u32 $0xFFFF0000, v5;
	v20 =	vld [tilespmem:s18+$0x2B0]  }
0x260: {  	v3 =	vadd.f32 v4, v3;
	v2 =	vadd.f32 v5, v2;
	v5 =	vld [tilespmem:s18+$0x2F0]  }
0x261: {  	v4 =	vshll.u32 v13, $0x10;
	v13 =	vand.u32 $0xFFFF0000, v13;
	v21 =	vld [tilespmem:s18+$0x330]  }
0x262: {  	v3 =	vadd.f32 v4, v3;
	v2 =	vadd.f32 v13, v2;
	v13 =	vld [tilespmem:s18+$0x370]  }
0x263: {  	v4 =	vshll.u32 v6, $0x10;
	v6 =	vand.u32 $0xFFFF0000, v6;
	v22 =	vld [tilespmem:s18+$0x3B0]  }
0x264: {  	v3 =	vadd.f32 v4, v3;
	v4 =	vadd.f32 v6, v2;
	v2 =	vld [tilespmem:s18+$0x3F0]  }
0x265: {  	v6 =	vshll.u32 v14, $0x10;
	v14 =	vand.u32 $0xFFFF0000, v14  }
0x266: {  	v3 =	vadd.f32 v6, v3;
	v4 =	vadd.f32 v14, v4  }
0x267: {  	v6 =	vshll.u32 v8, $0x10;
	v8 =	vand.u32 $0xFFFF0000, v8  }
0x268: {  	v6 =	vadd.f32 v6, v3;
	v8 =	vadd.f32 v8, v4;
	v3 =	vshll.u32 v22, $0x10  }
0x269: {  	v14 =	vshll.u32 v15, $0x10;
	v15 =	vand.u32 $0xFFFF0000, v15;
	v4 =	vand.u32 $0xFFFF0000, v22  }
0x26a: {  	v6 =	vadd.f32 v14, v6;
	v8 =	vadd.f32 v15, v8  }
0x26b: {  	v14 =	vshll.u32 v9, $0x10;
	v9 =	vand.u32 $0xFFFF0000, v9  }
0x26c: {  	v6 =	vadd.f32 v14, v6;
	v8 =	vadd.f32 v9, v8  }
0x26d: {  	v9 =	vshll.u32 v16, $0x10;
	v14 =	vand.u32 $0xFFFF0000, v16  }
0x26e: {  	v6 =	vadd.f32 v9, v6;
	v8 =	vadd.f32 v14, v8  }
0x26f: {  	v9 =	vshll.u32 v10, $0x10;
	v10 =	vand.u32 $0xFFFF0000, v10  }
0x270: {  	v6 =	vadd.f32 v9, v6;
	v8 =	vadd.f32 v10, v8  }
0x271: {  	v9 =	vshll.u32 v17, $0x10;
	v10 =	vand.u32 $0xFFFF0000, v17  }
0x272: {  	v6 =	vadd.f32 v9, v6;
	v8 =	vadd.f32 v10, v8  }
0x273: {  	v9 =	vshll.u32 v7, $0x10;
	v7 =	vand.u32 $0xFFFF0000, v7  }
0x274: {  	v6 =	vadd.f32 v9, v6;
	v7 =	vadd.f32 v7, v8  }
0x275: {  	v8 =	vshll.u32 v18, $0x10;
	v9 =	vand.u32 $0xFFFF0000, v18  }
0x276: {  	v6 =	vadd.f32 v8, v6;
	v7 =	vadd.f32 v9, v7  }
0x277: {  	v8 =	vshll.u32 v11, $0x10;
	v9 =	vand.u32 $0xFFFF0000, v11  }
0x278: {  	v6 =	vadd.f32 v8, v6;
	v7 =	vadd.f32 v9, v7  }
0x279: {  	v8 =	vshll.u32 v19, $0x10;
	v9 =	vand.u32 $0xFFFF0000, v19  }
0x27a: {  	v6 =	vadd.f32 v8, v6;
	v7 =	vadd.f32 v9, v7  }
0x27b: {  	v8 =	vshll.u32 v12, $0x10;
	v9 =	vand.u32 $0xFFFF0000, v12  }
0x27c: {  	v6 =	vadd.f32 v8, v6;
	v7 =	vadd.f32 v9, v7  }
0x27d: {  	v8 =	vshll.u32 v20, $0x10;
	v9 =	vand.u32 $0xFFFF0000, v20  }
0x27e: {  	v6 =	vadd.f32 v8, v6;
	v7 =	vadd.f32 v9, v7  }
0x27f: {  	v8 =	vshll.u32 v5, $0x10;
	v5 =	vand.u32 $0xFFFF0000, v5  }
.Ltmp3:
0x280: {  	v6 =	vadd.f32 v8, v6;
	v5 =	vadd.f32 v5, v7;
	(pc) =	sbr.rel @p0 .LBB2_5-.Ltmp3, $4  }
0x281: {  	v7 =	vshll.u32 v21, $0x10;
	v8 =	vand.u32 $0xFFFF0000, v21  }
0x282: {  	v6 =	vadd.f32 v7, v6;
	v7 =	vadd.f32 v8, v5  }
0x283: {  	v5 =	vshll.u32 v13, $0x10;
	v8 =	vand.u32 $0xFFFF0000, v13  }
0x284: {  	v5 =	vadd.f32 v5, v6;
	v6 =	vadd.f32 v8, v7  }
0x285: {  	_ = 	snop  }
0x286: {  	v3 =	vadd.f32 v3, v5  }
0x287: {  	v51 =	vshll.u32 v2, $0x10;
	v4 =	vadd.f32 v4, v6  }
0x288: {  	v2 =	vand.u32 $0xFFFF0000, v2;
	v3 =	vadd.f32 v51, v3  }
0x289: {  	v2 =	vadd.f32 v2, v4  }
0x28a: {  	v3 =	vmul.f32 $3.125000000e-02, v3  }
0x28b: {  	v2 =	vmul.f32 $3.125000000e-02, v2  }
0x28c: {  	s18 =	sshll.u32 s17, $0x1;
	v0 =	vadd.f32 v3, v0  }
0x28d: {  	s13 =	sadd.s32 s7, s18;
	v1 =	vadd.f32 v1, v2  }
0x28e: {  	s13 =	sshll.u32 s13, $0x7;
	[tilespmem:s20+$0x11860] =	vst v0  }
0x28f: {  	p0 =	seq.s32 s17, $0x3F;
	s13 =	sadd.s32 s4, s13;
	[tilespmem:s20+$0x11870] =	vst v1  }
0x290: {  	[hbm4b:s13+s5] =	stream.linear.scatter [tilespmem:s31], [sflag:$0x3], $0x400, $0x38;
	[tilespmem:$0x12000] =	vst v63  }
0x291: {  	s13 =	sadd.s32 @!p0 $0x2, s18  }
0x292: {  	_ =	swait.ge [sflag:s12], $0x400;
	s20 =	sshll.u32 @!p0 s13, $0x8  }
0x293: {  	s22 =	simm.s32 @!p0 $0x80;
	[sflag:s12] =	ssyncset.done $0x0;
	s20 =	sand.u32 @!p0 $0x3FFFFF00, s20  }
0x294: {  	s24 =	simm.s32 @!p0 $0x8800;
	[sflag:s12] =	ssyncadd.s32 $0xFFFFFC00;
	s21 =	sadd.s32 @!p0 $0x400, s20  }
0x295: {  	[tilespmem:s24], [sflag:$0x1] =	stream.indirect.gather @!p0 [hbm4b:s6+s22], $0x40, s21, s22, $0xb8;
	[tilespmem:$0x12000] =	vst v63  }
0x296: {  	s20 =	sadd.s32 @!p0 $0x480, s20;
	s21 =	simm.s32 @!p0 $0xA800  }
0x297: {  	[tilespmem:s21], [sflag:$0x1] =	stream.indirect.gather @!p0 [hbm4b:s6+s22], $0x40, s20, s22, $0xb8;
	[tilespmem:$0x12000] =	vst v63  }
0x298: {  	s13 =	sshll.u32 @!p0 s13, $0x3;
	s20 =	simm.s32 @!p0 $0x8;
	s21 =	simm.s32 @!p0 $0x10800  }
0x299: {  	[tilespmem:s21], [sflag:$0x1] =	stream.indirect.gather @!p0 [hbm4b:s1+s20], $0x80, s13, s20, $0xb8;
	[tilespmem:$0x12000] =	vst v63  }
0x29a: {  	s13 =	sadd.s32 @!p0 $0x8400, s13;
	s21 =	simm.s32 @!p0 $0x11000  }
0x29b: {  	[tilespmem:s21], [sflag:$0x1] =	stream.indirect.gather @!p0 [hbm4b:s2+s20], $0x80, s13, s20, $0xb8;
	[tilespmem:$0x12000] =	vst v63  }
0x29c: {  	_ =	swait.ge [sflag:s0], $0x2000  }
0x29d: {  	[sflag:s0] =	ssyncset.done $0x0  }
0x29e: {  	[sflag:s0] =	ssyncadd.s32 $0xFFFFE000  }
0x29f: {  	_ =	swait.ge [sflag:s0], $0x2000  }
0x2a0: {  	[sflag:s0] =	ssyncset.done $0x0  }
0x2a1: {  	[sflag:s0] =	ssyncadd.s32 $0xFFFFE000  }
0x2a2: {  	_ =	swait.ge [sflag:s0], $0x400  }
0x2a3: {  	[sflag:s0] =	ssyncset.done $0x0  }
0x2a4: {  	[sflag:s0] =	ssyncadd.s32 $0xFFFFFC00  }
0x2a5: {  	_ =	swait.ge [sflag:s0], $0x400  }
0x2a6: {  	[sflag:s0] =	ssyncset.done $0x0  }
0x2a7: {  	s24 =	simm.s32 $0x0;
	[sflag:s0] =	ssyncadd.s32 $0xFFFFFC00  }
0x2a8: {  	v0 =	vld [tilespmem:s24+$0xC800]  }
0x2a9: {  	v1 =	vld [tilespmem:s24+$0xC840];
	_ =	sdelay $0x1  }
0x2aa: {  	v2 =	vld [tilespmem:s24+$0xC880];
	_ =	sdelay $0x1  }
0x2ab: {  	v3 =	vld [tilespmem:s24+$0xC8C0]  }
0x2ac: {  	v52 =	vshll.u32 v0, $0x10;
	v53 =	vshll.u32 v1, $0x10  }
0x2ad: {  	v54 =	vld [tilespmem:s24+$0xC900];
	v4 =	vadd.f32 v53, v52  }
0x2ae: {  	v55 =	vshll.u32 v2, $0x10  }
0x2af: {  	v56 =	vld [tilespmem:s24+$0xC940];
	v4 =	vadd.f32 v55, v4  }
0x2b0: {  	v7 =	vshll.u32 v3, $0x10  }
0x2b1: {  	v57 =	vld [tilespmem:s24+$0xC980];
	v4 =	vadd.f32 v7, v4  }
0x2b2: {  	v8 =	vshll.u32 v54, $0x10  }
0x2b3: {  	v58 =	vld [tilespmem:s24+$0xC9C0];
	v4 =	vadd.f32 v8, v4  }
0x2b4: {  	v9 =	vshll.u32 v56, $0x10  }
0x2b5: {  	v59 =	vld [tilespmem:s24+$0xCA00];
	v4 =	vadd.f32 v9, v4  }
0x2b6: {  	v10 =	vshll.u32 v57, $0x10  }
0x2b7: {  	v60 =	vld [tilespmem:s24+$0xCA40];
	v0 =	vand.u32 $0xFFFF0000, v0;
	v1 =	vand.u32 $0xFFFF0000, v1;
	v4 =	vadd.f32 v10, v4  }
0x2b8: {  	v0 =	vadd.f32 v1, v0;
	v1 =	vshll.u32 v58, $0x10  }
0x2b9: {  	v61 =	vld [tilespmem:s24+$0xCA80];
	v2 =	vand.u32 $0xFFFF0000, v2;
	v1 =	vadd.f32 v1, v4  }
0x2ba: {  	v0 =	vadd.f32 v2, v0;
	v2 =	vshll.u32 v59, $0x10  }
0x2bb: {  	v3 =	vand.u32 $0xFFFF0000, v3;
	v1 =	vadd.f32 v2, v1;
	v2 =	vld [tilespmem:s24+$0xCAC0]  }
0x2bc: {  	v0 =	vadd.f32 v3, v0;
	v3 =	vshll.u32 v60, $0x10  }
0x2bd: {  	v5 =	vand.u32 $0xFFFF0000, v54;
	v1 =	vadd.f32 v3, v1;
	v3 =	vld [tilespmem:s24+$0xCB00]  }
0x2be: {  	v62 =	vshll.u32 v61, $0x10;
	v0 =	vadd.f32 v5, v0  }
0x2bf: {  	v63 =	vld [tilespmem:s24+$0xCB40];
	v6 =	vand.u32 $0xFFFF0000, v56;
	v1 =	vadd.f32 v62, v1  }
0x2c0: {  	v0 =	vadd.f32 v6, v0;
	v11 =	vshll.u32 v2, $0x10  }
0x2c1: {  	v12 =	vld [tilespmem:s24+$0xCB80];
	v7 =	vand.u32 $0xFFFF0000, v57;
	v1 =	vadd.f32 v11, v1  }
0x2c2: {  	v0 =	vadd.f32 v7, v0;
	v13 =	vshll.u32 v3, $0x10  }
0x2c3: {  	v14 =	vld [tilespmem:s24+$0xCBC0];
	v8 =	vand.u32 $0xFFFF0000, v58;
	v1 =	vadd.f32 v13, v1  }
0x2c4: {  	v15 =	vshll.u32 v63, $0x10;
	v0 =	vadd.f32 v8, v0  }
0x2c5: {  	v16 =	vld [tilespmem:s24+$0xCC00];
	v9 =	vand.u32 $0xFFFF0000, v59;
	v1 =	vadd.f32 v15, v1  }
0x2c6: {  	v17 =	vshll.u32 v12, $0x10;
	v0 =	vadd.f32 v9, v0  }
0x2c7: {  	v18 =	vld [tilespmem:s24+$0xCC40];
	v10 =	vand.u32 $0xFFFF0000, v60;
	v1 =	vadd.f32 v17, v1  }
0x2c8: {  	v19 =	vshll.u32 v14, $0x10;
	v0 =	vadd.f32 v10, v0  }
0x2c9: {  	v20 =	vld [tilespmem:s24+$0xCC80];
	v4 =	vand.u32 $0xFFFF0000, v61;
	v1 =	vadd.f32 v19, v1  }
0x2ca: {  	v21 =	vshll.u32 v16, $0x10;
	v0 =	vadd.f32 v4, v0  }
0x2cb: {  	v22 =	vld [tilespmem:s24+$0xCCC0];
	v2 =	vand.u32 $0xFFFF0000, v2;
	v1 =	vadd.f32 v21, v1  }
0x2cc: {  	v0 =	vadd.f32 v2, v0;
	v2 =	vshll.u32 v18, $0x10  }
0x2cd: {  	v3 =	vand.u32 $0xFFFF0000, v3;
	v1 =	vadd.f32 v2, v1;
	v2 =	vld [tilespmem:s24+$0xCD00]  }
0x2ce: {  	v0 =	vadd.f32 v3, v0;
	v3 =	vshll.u32 v20, $0x10  }
0x2cf: {  	v5 =	vand.u32 $0xFFFF0000, v63;
	v1 =	vadd.f32 v3, v1;
	v3 =	vld [tilespmem:s24+$0xCD40]  }
0x2d0: {  	v23 =	vshll.u32 v22, $0x10;
	v0 =	vadd.f32 v5, v0  }
0x2d1: {  	v24 =	vld [tilespmem:s24+$0xCD80];
	v6 =	vand.u32 $0xFFFF0000, v12;
	v1 =	vadd.f32 v23, v1  }
0x2d2: {  	v0 =	vadd.f32 v6, v0;
	v25 =	vshll.u32 v2, $0x10  }
0x2d3: {  	v26 =	vld [tilespmem:s24+$0xCDC0];
	v7 =	vand.u32 $0xFFFF0000, v14;
	v1 =	vadd.f32 v25, v1  }
0x2d4: {  	v0 =	vadd.f32 v7, v0;
	v27 =	vshll.u32 v3, $0x10  }
0x2d5: {  	v28 =	vld [tilespmem:s24+$0xCE00];
	v8 =	vand.u32 $0xFFFF0000, v16;
	v1 =	vadd.f32 v27, v1  }
0x2d6: {  	v29 =	vshll.u32 v24, $0x10;
	v0 =	vadd.f32 v8, v0  }
0x2d7: {  	v30 =	vld [tilespmem:s24+$0xCE40];
	v9 =	vand.u32 $0xFFFF0000, v18;
	v1 =	vadd.f32 v29, v1  }
0x2d8: {  	v31 =	vshll.u32 v26, $0x10;
	v0 =	vadd.f32 v9, v0  }
0x2d9: {  	v32 =	vld [tilespmem:s24+$0xCE80];
	v10 =	vand.u32 $0xFFFF0000, v20;
	v1 =	vadd.f32 v31, v1  }
0x2da: {  	v33 =	vshll.u32 v28, $0x10;
	v0 =	vadd.f32 v10, v0  }
0x2db: {  	v34 =	vld [tilespmem:s24+$0xCEC0];
	v4 =	vand.u32 $0xFFFF0000, v22;
	v1 =	vadd.f32 v33, v1  }
0x2dc: {  	v35 =	vshll.u32 v30, $0x10;
	v0 =	vadd.f32 v4, v0  }
0x2dd: {  	v36 =	vld [tilespmem:s24+$0xCF00];
	v2 =	vand.u32 $0xFFFF0000, v2;
	v1 =	vadd.f32 v35, v1  }
0x2de: {  	v0 =	vadd.f32 v2, v0;
	v2 =	vshll.u32 v32, $0x10  }
0x2df: {  	v3 =	vand.u32 $0xFFFF0000, v3;
	v1 =	vadd.f32 v2, v1;
	v2 =	vld [tilespmem:s24+$0xCF40]  }
0x2e0: {  	v0 =	vadd.f32 v3, v0;
	v3 =	vshll.u32 v34, $0x10  }
0x2e1: {  	v5 =	vand.u32 $0xFFFF0000, v24;
	v1 =	vadd.f32 v3, v1;
	v3 =	vld [tilespmem:s24+$0xCF80]  }
0x2e2: {  	v37 =	vshll.u32 v36, $0x10;
	v0 =	vadd.f32 v5, v0  }
0x2e3: {  	v38 =	vld [tilespmem:s24+$0xCFC0];
	v6 =	vand.u32 $0xFFFF0000, v26;
	v1 =	vadd.f32 v37, v1  }
0x2e4: {  	s20 =	simm.s32 $0x11470;
	v0 =	vadd.f32 v6, v0;
	v39 =	vshll.u32 v2, $0x10  }
0x2e5: {  	s21 =	simm.s32 $0x10C70;
	v40 =	vld [tilespmem:s20+$0xFFFFFF90];
	v7 =	vand.u32 $0xFFFF0000, v28;
	v1 =	vadd.f32 v39, v1  }
0x2e6: {  	v11 =	vld [tilespmem:s21+$0xFFFFFF90];
	v0 =	vadd.f32 v7, v0;
	v41 =	vshll.u32 v3, $0x10  }
0x2e7: {  	v8 =	vand.u32 $0xFFFF0000, v30;
	v1 =	vadd.f32 v41, v1  }
0x2e8: {  	v42 =	vshll.u32 v38, $0x10;
	v0 =	vadd.f32 v8, v0  }
0x2e9: {  	v43 =	vand.u32 $0xFFFF0000, v32;
	v1 =	vadd.f32 v42, v1  }
0x2ea: {  	v0 =	vadd.f32 v43, v0  }
0x2eb: {  	v44 =	vand.u32 $0xFFFF0000, v34;
	v6 =	vadd.f32 v40, v11;
	v1 =	vmul.f32 $3.125000000e-02, v1  }
0x2ec: {  	v0 =	vadd.f32 v44, v0  }
0x2ed: {  	v4 =	vand.u32 $0xFFFF0000, v36;
	v1 =	vadd.f32 v1, v6  }
0x2ee: {  	s22 =	simm.s32 $0x11C70;
	v0 =	vadd.f32 v4, v0  }
0x2ef: {  	v2 =	vand.u32 $0xFFFF0000, v2;
	[tilespmem:s22+$0xFFFFFF90] =	vst v1  }
0x2f0: {  	v0 =	vadd.f32 v2, v0;
	v1 =	vld [tilespmem:s21+$0xFFFFFFA0]  }
0x2f1: {  	v2 =	vand.u32 $0xFFFF0000, v3;
	v3 =	vld [tilespmem:s20+$0xFFFFFFA0]  }
0x2f2: {  	v0 =	vadd.f32 v2, v0  }
0x2f3: {  	v2 =	vand.u32 $0xFFFF0000, v38  }
0x2f4: {  	v0 =	vadd.f32 v2, v0;
	_ =	sdelay $0x1  }
0x2f5: {  	v0 =	vmul.f32 $3.125000000e-02, v0;
	v1 =	vadd.f32 v3, v1;
	_ =	sdelay $0x1  }
0x2f6: {  	v0 =	vadd.f32 v1, v0;
	_ =	sdelay $0x1  }
0x2f7: {  	[tilespmem:s22+$0xFFFFFFA0] =	vst v0  }
0x2f8: {  	v0 =	vld [tilespmem:s24+$0xC810]  }
0x2f9: {  	v1 =	vld [tilespmem:s24+$0xC850];
	_ =	sdelay $0x1  }
0x2fa: {  	v2 =	vld [tilespmem:s24+$0xC890];
	_ =	sdelay $0x1  }
0x2fb: {  	v3 =	vld [tilespmem:s24+$0xC8D0]  }
0x2fc: {  	v45 =	vshll.u32 v0, $0x10;
	v46 =	vshll.u32 v1, $0x10  }
0x2fd: {  	v47 =	vld [tilespmem:s24+$0xC910];
	v4 =	vadd.f32 v46, v45  }
0x2fe: {  	v48 =	vshll.u32 v2, $0x10  }
0x2ff: {  	v49 =	vld [tilespmem:s24+$0xC950];
	v4 =	vadd.f32 v48, v4  }
0x300: {  	v50 =	vshll.u32 v3, $0x10  }
0x301: {  	v51 =	vld [tilespmem:s24+$0xC990];
	v4 =	vadd.f32 v50, v4  }
0x302: {  	v52 =	vshll.u32 v47, $0x10  }
0x303: {  	v53 =	vld [tilespmem:s24+$0xC9D0];
	v4 =	vadd.f32 v52, v4  }
0x304: {  	v54 =	vshll.u32 v49, $0x10  }
0x305: {  	v55 =	vld [tilespmem:s24+$0xCA10];
	v4 =	vadd.f32 v54, v4  }
0x306: {  	v56 =	vshll.u32 v51, $0x10  }
0x307: {  	v57 =	vld [tilespmem:s24+$0xCA50];
	v0 =	vand.u32 $0xFFFF0000, v0;
	v1 =	vand.u32 $0xFFFF0000, v1;
	v4 =	vadd.f32 v56, v4  }
0x308: {  	v0 =	vadd.f32 v1, v0;
	v1 =	vshll.u32 v53, $0x10  }
0x309: {  	v58 =	vld [tilespmem:s24+$0xCA90];
	v2 =	vand.u32 $0xFFFF0000, v2;
	v1 =	vadd.f32 v1, v4  }
0x30a: {  	v0 =	vadd.f32 v2, v0;
	v2 =	vshll.u32 v55, $0x10  }
0x30b: {  	v3 =	vand.u32 $0xFFFF0000, v3;
	v1 =	vadd.f32 v2, v1;
	v2 =	vld [tilespmem:s24+$0xCAD0]  }
0x30c: {  	v0 =	vadd.f32 v3, v0;
	v3 =	vshll.u32 v57, $0x10  }
0x30d: {  	v5 =	vand.u32 $0xFFFF0000, v47;
	v1 =	vadd.f32 v3, v1;
	v3 =	vld [tilespmem:s24+$0xCB10]  }
0x30e: {  	v59 =	vshll.u32 v58, $0x10;
	v0 =	vadd.f32 v5, v0  }
0x30f: {  	v60 =	vld [tilespmem:s24+$0xCB50];
	v6 =	vand.u32 $0xFFFF0000, v49;
	v1 =	vadd.f32 v59, v1  }
0x310: {  	v0 =	vadd.f32 v6, v0;
	v61 =	vshll.u32 v2, $0x10  }
0x311: {  	v62 =	vld [tilespmem:s24+$0xCB90];
	v7 =	vand.u32 $0xFFFF0000, v51;
	v1 =	vadd.f32 v61, v1  }
0x312: {  	v0 =	vadd.f32 v7, v0;
	v63 =	vshll.u32 v3, $0x10  }
0x313: {  	v12 =	vld [tilespmem:s24+$0xCBD0];
	v8 =	vand.u32 $0xFFFF0000, v53;
	v1 =	vadd.f32 v63, v1  }
0x314: {  	v13 =	vshll.u32 v60, $0x10;
	v0 =	vadd.f32 v8, v0  }
0x315: {  	v14 =	vld [tilespmem:s24+$0xCC10];
	v9 =	vand.u32 $0xFFFF0000, v55;
	v1 =	vadd.f32 v13, v1  }
0x316: {  	v15 =	vshll.u32 v62, $0x10;
	v0 =	vadd.f32 v9, v0  }
0x317: {  	v16 =	vld [tilespmem:s24+$0xCC50];
	v10 =	vand.u32 $0xFFFF0000, v57;
	v1 =	vadd.f32 v15, v1  }
0x318: {  	v17 =	vshll.u32 v12, $0x10;
	v0 =	vadd.f32 v10, v0  }
0x319: {  	v18 =	vld [tilespmem:s24+$0xCC90];
	v4 =	vand.u32 $0xFFFF0000, v58;
	v1 =	vadd.f32 v17, v1  }
0x31a: {  	v19 =	vshll.u32 v14, $0x10;
	v0 =	vadd.f32 v4, v0  }
0x31b: {  	v20 =	vld [tilespmem:s24+$0xCCD0];
	v2 =	vand.u32 $0xFFFF0000, v2;
	v1 =	vadd.f32 v19, v1  }
0x31c: {  	v0 =	vadd.f32 v2, v0;
	v2 =	vshll.u32 v16, $0x10  }
0x31d: {  	v3 =	vand.u32 $0xFFFF0000, v3;
	v1 =	vadd.f32 v2, v1;
	v2 =	vld [tilespmem:s24+$0xCD10]  }
0x31e: {  	v0 =	vadd.f32 v3, v0;
	v3 =	vshll.u32 v18, $0x10  }
0x31f: {  	v5 =	vand.u32 $0xFFFF0000, v60;
	v1 =	vadd.f32 v3, v1;
	v3 =	vld [tilespmem:s24+$0xCD50]  }
0x320: {  	v21 =	vshll.u32 v20, $0x10;
	v0 =	vadd.f32 v5, v0  }
0x321: {  	v22 =	vld [tilespmem:s24+$0xCD90];
	v6 =	vand.u32 $0xFFFF0000, v62;
	v1 =	vadd.f32 v21, v1  }
0x322: {  	v0 =	vadd.f32 v6, v0;
	v23 =	vshll.u32 v2, $0x10  }
0x323: {  	v24 =	vld [tilespmem:s24+$0xCDD0];
	v7 =	vand.u32 $0xFFFF0000, v12;
	v1 =	vadd.f32 v23, v1  }
0x324: {  	v0 =	vadd.f32 v7, v0;
	v25 =	vshll.u32 v3, $0x10  }
0x325: {  	v26 =	vld [tilespmem:s24+$0xCE10];
	v8 =	vand.u32 $0xFFFF0000, v14;
	v1 =	vadd.f32 v25, v1  }
0x326: {  	v27 =	vshll.u32 v22, $0x10;
	v0 =	vadd.f32 v8, v0  }
0x327: {  	v28 =	vld [tilespmem:s24+$0xCE50];
	v9 =	vand.u32 $0xFFFF0000, v16;
	v1 =	vadd.f32 v27, v1  }
0x328: {  	v29 =	vshll.u32 v24, $0x10;
	v0 =	vadd.f32 v9, v0  }
0x329: {  	v30 =	vld [tilespmem:s24+$0xCE90];
	v10 =	vand.u32 $0xFFFF0000, v18;
	v1 =	vadd.f32 v29, v1  }
0x32a: {  	v31 =	vshll.u32 v26, $0x10;
	v0 =	vadd.f32 v10, v0  }
0x32b: {  	v32 =	vld [tilespmem:s24+$0xCED0];
	v4 =	vand.u32 $0xFFFF0000, v20;
	v1 =	vadd.f32 v31, v1  }
0x32c: {  	v33 =	vshll.u32 v28, $0x10;
	v0 =	vadd.f32 v4, v0  }
0x32d: {  	v34 =	vld [tilespmem:s24+$0xCF10];
	v2 =	vand.u32 $0xFFFF0000, v2;
	v1 =	vadd.f32 v33, v1  }
0x32e: {  	v0 =	vadd.f32 v2, v0;
	v2 =	vshll.u32 v30, $0x10  }
0x32f: {  	v3 =	vand.u32 $0xFFFF0000, v3;
	v1 =	vadd.f32 v2, v1;
	v2 =	vld [tilespmem:s24+$0xCF50]  }
0x330: {  	v0 =	vadd.f32 v3, v0;
	v3 =	vshll.u32 v32, $0x10  }
0x331: {  	v5 =	vand.u32 $0xFFFF0000, v22;
	v1 =	vadd.f32 v3, v1;
	v3 =	vld [tilespmem:s24+$0xCF90]  }
0x332: {  	v35 =	vshll.u32 v34, $0x10;
	v0 =	vadd.f32 v5, v0  }
0x333: {  	v36 =	vld [tilespmem:s24+$0xCFD0];
	v6 =	vand.u32 $0xFFFF0000, v24;
	v1 =	vadd.f32 v35, v1  }
0x334: {  	v0 =	vadd.f32 v6, v0;
	v37 =	vshll.u32 v2, $0x10  }
0x335: {  	v38 =	vld [tilespmem:s20+$0xFFFFFFB0];
	v7 =	vand.u32 $0xFFFF0000, v26;
	v1 =	vadd.f32 v37, v1  }
0x336: {  	v40 =	vld [tilespmem:s21+$0xFFFFFFB0];
	v0 =	vadd.f32 v7, v0;
	v39 =	vshll.u32 v3, $0x10  }
0x337: {  	v8 =	vand.u32 $0xFFFF0000, v28;
	v1 =	vadd.f32 v39, v1  }
0x338: {  	v41 =	vshll.u32 v36, $0x10;
	v0 =	vadd.f32 v8, v0  }
0x339: {  	v42 =	vand.u32 $0xFFFF0000, v30;
	v1 =	vadd.f32 v41, v1  }
0x33a: {  	v0 =	vadd.f32 v42, v0  }
0x33b: {  	v43 =	vand.u32 $0xFFFF0000, v32;
	v6 =	vadd.f32 v38, v40;
	v1 =	vmul.f32 $3.125000000e-02, v1  }
0x33c: {  	v0 =	vadd.f32 v43, v0  }
0x33d: {  	v4 =	vand.u32 $0xFFFF0000, v34;
	v1 =	vadd.f32 v1, v6  }
0x33e: {  	v0 =	vadd.f32 v4, v0  }
0x33f: {  	v2 =	vand.u32 $0xFFFF0000, v2;
	[tilespmem:s22+$0xFFFFFFB0] =	vst v1  }
0x340: {  	v0 =	vadd.f32 v2, v0;
	v1 =	vld [tilespmem:s21+$0xFFFFFFC0]  }
0x341: {  	v2 =	vand.u32 $0xFFFF0000, v3;
	v3 =	vld [tilespmem:s20+$0xFFFFFFC0]  }
0x342: {  	v0 =	vadd.f32 v2, v0  }
0x343: {  	v2 =	vand.u32 $0xFFFF0000, v36  }
0x344: {  	v0 =	vadd.f32 v2, v0;
	_ =	sdelay $0x1  }
0x345: {  	v0 =	vmul.f32 $3.125000000e-02, v0;
	v1 =	vadd.f32 v3, v1;
	_ =	sdelay $0x1  }
0x346: {  	v0 =	vadd.f32 v1, v0;
	_ =	sdelay $0x1  }
0x347: {  	[tilespmem:s22+$0xFFFFFFC0] =	vst v0  }
0x348: {  	v0 =	vld [tilespmem:s24+$0xC820]  }
0x349: {  	v1 =	vld [tilespmem:s24+$0xC860];
	_ =	sdelay $0x1  }
0x34a: {  	v2 =	vld [tilespmem:s24+$0xC8A0];
	_ =	sdelay $0x1  }
0x34b: {  	v3 =	vld [tilespmem:s24+$0xC8E0]  }
0x34c: {  	v44 =	vshll.u32 v0, $0x10;
	v45 =	vshll.u32 v1, $0x10  }
0x34d: {  	v46 =	vld [tilespmem:s24+$0xC920];
	v4 =	vadd.f32 v45, v44  }
0x34e: {  	v47 =	vshll.u32 v2, $0x10  }
0x34f: {  	v48 =	vld [tilespmem:s24+$0xC960];
	v4 =	vadd.f32 v47, v4  }
0x350: {  	v49 =	vshll.u32 v3, $0x10  }
0x351: {  	v50 =	vld [tilespmem:s24+$0xC9A0];
	v4 =	vadd.f32 v49, v4  }
0x352: {  	v51 =	vshll.u32 v46, $0x10  }
0x353: {  	v52 =	vld [tilespmem:s24+$0xC9E0];
	v4 =	vadd.f32 v51, v4  }
0x354: {  	v53 =	vshll.u32 v48, $0x10  }
0x355: {  	v54 =	vld [tilespmem:s24+$0xCA20];
	v4 =	vadd.f32 v53, v4  }
0x356: {  	v55 =	vshll.u32 v50, $0x10  }
0x357: {  	v56 =	vld [tilespmem:s24+$0xCA60];
	v0 =	vand.u32 $0xFFFF0000, v0;
	v1 =	vand.u32 $0xFFFF0000, v1;
	v4 =	vadd.f32 v55, v4  }
0x358: {  	v0 =	vadd.f32 v1, v0;
	v1 =	vshll.u32 v52, $0x10  }
0x359: {  	v57 =	vld [tilespmem:s24+$0xCAA0];
	v2 =	vand.u32 $0xFFFF0000, v2;
	v1 =	vadd.f32 v1, v4  }
0x35a: {  	v0 =	vadd.f32 v2, v0;
	v2 =	vshll.u32 v54, $0x10  }
0x35b: {  	v58 =	vld [tilespmem:s24+$0xCAE0];
	v3 =	vand.u32 $0xFFFF0000, v3;
	v1 =	vadd.f32 v2, v1  }
0x35c: {  	v0 =	vadd.f32 v3, v0;
	v2 =	vshll.u32 v56, $0x10  }
0x35d: {  	v59 =	vld [tilespmem:s24+$0xCB20];
	v3 =	vand.u32 $0xFFFF0000, v46;
	v1 =	vadd.f32 v2, v1  }
0x35e: {  	v0 =	vadd.f32 v3, v0;
	v2 =	vshll.u32 v57, $0x10  }
0x35f: {  	v7 =	vand.u32 $0xFFFF0000, v48;
	v3 =	vld [tilespmem:s24+$0xCB60];
	v1 =	vadd.f32 v2, v1  }
0x360: {  	v0 =	vadd.f32 v7, v0;
	v2 =	vshll.u32 v58, $0x10  }
0x361: {  	v60 =	vld [tilespmem:s24+$0xCBA0];
	v8 =	vand.u32 $0xFFFF0000, v50;
	v1 =	vadd.f32 v2, v1  }
0x362: {  	v0 =	vadd.f32 v8, v0;
	v2 =	vshll.u32 v59, $0x10  }
0x363: {  	v61 =	vld [tilespmem:s24+$0xCBE0];
	v9 =	vand.u32 $0xFFFF0000, v52;
	v1 =	vadd.f32 v2, v1  }
0x364: {  	v0 =	vadd.f32 v9, v0;
	v2 =	vshll.u32 v3, $0x10  }
0x365: {  	v62 =	vld [tilespmem:s24+$0xCC20];
	v10 =	vand.u32 $0xFFFF0000, v54;
	v1 =	vadd.f32 v2, v1  }
0x366: {  	v0 =	vadd.f32 v10, v0;
	v2 =	vshll.u32 v60, $0x10  }
0x367: {  	v63 =	vld [tilespmem:s24+$0xCC60];
	v11 =	vand.u32 $0xFFFF0000, v56;
	v1 =	vadd.f32 v2, v1  }
0x368: {  	v0 =	vadd.f32 v11, v0;
	v2 =	vshll.u32 v61, $0x10  }
0x369: {  	v12 =	vld [tilespmem:s24+$0xCCA0];
	v5 =	vand.u32 $0xFFFF0000, v57;
	v1 =	vadd.f32 v2, v1  }
0x36a: {  	v0 =	vadd.f32 v5, v0;
	v2 =	vshll.u32 v62, $0x10  }
0x36b: {  	v13 =	vld [tilespmem:s24+$0xCCE0];
	v4 =	vand.u32 $0xFFFF0000, v58;
	v1 =	vadd.f32 v2, v1  }
0x36c: {  	v0 =	vadd.f32 v4, v0;
	v2 =	vshll.u32 v63, $0x10  }
0x36d: {  	v14 =	vld [tilespmem:s24+$0xCD20];
	v6 =	vand.u32 $0xFFFF0000, v59;
	v1 =	vadd.f32 v2, v1  }
0x36e: {  	v0 =	vadd.f32 v6, v0;
	v2 =	vshll.u32 v12, $0x10  }
0x36f: {  	v15 =	vld [tilespmem:s24+$0xCD60];
	v3 =	vand.u32 $0xFFFF0000, v3;
	v1 =	vadd.f32 v2, v1  }
0x370: {  	v0 =	vadd.f32 v3, v0;
	v2 =	vshll.u32 v13, $0x10  }
0x371: {  	v7 =	vand.u32 $0xFFFF0000, v60;
	v3 =	vld [tilespmem:s24+$0xCDA0];
	v1 =	vadd.f32 v2, v1  }
0x372: {  	v0 =	vadd.f32 v7, v0;
	v2 =	vshll.u32 v14, $0x10  }
0x373: {  	v16 =	vld [tilespmem:s24+$0xCDE0];
	v8 =	vand.u32 $0xFFFF0000, v61;
	v1 =	vadd.f32 v2, v1  }
0x374: {  	v0 =	vadd.f32 v8, v0;
	v2 =	vshll.u32 v15, $0x10  }
0x375: {  	v17 =	vld [tilespmem:s24+$0xCE20];
	v9 =	vand.u32 $0xFFFF0000, v62;
	v1 =	vadd.f32 v2, v1  }
0x376: {  	v0 =	vadd.f32 v9, v0;
	v2 =	vshll.u32 v3, $0x10  }
0x377: {  	v18 =	vld [tilespmem:s24+$0xCE60];
	v10 =	vand.u32 $0xFFFF0000, v63;
	v1 =	vadd.f32 v2, v1  }
0x378: {  	v0 =	vadd.f32 v10, v0;
	v2 =	vshll.u32 v16, $0x10  }
0x379: {  	v19 =	vld [tilespmem:s24+$0xCEA0];
	v11 =	vand.u32 $0xFFFF0000, v12;
	v1 =	vadd.f32 v2, v1  }
0x37a: {  	v0 =	vadd.f32 v11, v0;
	v2 =	vshll.u32 v17, $0x10  }
0x37b: {  	v20 =	vld [tilespmem:s24+$0xCEE0];
	v5 =	vand.u32 $0xFFFF0000, v13;
	v1 =	vadd.f32 v2, v1  }
0x37c: {  	v0 =	vadd.f32 v5, v0;
	v2 =	vshll.u32 v18, $0x10  }
0x37d: {  	v21 =	vld [tilespmem:s24+$0xCF20];
	v4 =	vand.u32 $0xFFFF0000, v14;
	v1 =	vadd.f32 v2, v1  }
0x37e: {  	v0 =	vadd.f32 v4, v0;
	v2 =	vshll.u32 v19, $0x10  }
0x37f: {  	v22 =	vld [tilespmem:s24+$0xCF60];
	v6 =	vand.u32 $0xFFFF0000, v15;
	v1 =	vadd.f32 v2, v1  }
0x380: {  	v0 =	vadd.f32 v6, v0;
	v2 =	vshll.u32 v20, $0x10  }
0x381: {  	v23 =	vld [tilespmem:s24+$0xCFA0];
	v3 =	vand.u32 $0xFFFF0000, v3;
	v1 =	vadd.f32 v2, v1  }
0x382: {  	v0 =	vadd.f32 v3, v0;
	v2 =	vshll.u32 v21, $0x10  }
0x383: {  	v7 =	vand.u32 $0xFFFF0000, v16;
	v3 =	vld [tilespmem:s24+$0xCFE0];
	v1 =	vadd.f32 v2, v1  }
0x384: {  	v0 =	vadd.f32 v7, v0;
	v2 =	vshll.u32 v22, $0x10  }
0x385: {  	v26 =	vld [tilespmem:s21+$0xFFFFFFD0];
	v24 =	vand.u32 $0xFFFF0000, v17;
	v1 =	vadd.f32 v2, v1  }
0x386: {  	v25 =	vshll.u32 v23, $0x10;
	v0 =	vadd.f32 v24, v0;
	v2 =	vld [tilespmem:s20+$0xFFFFFFD0]  }
0x387: {  	v9 =	vand.u32 $0xFFFF0000, v18;
	v1 =	vadd.f32 v25, v1  }
0x388: {  	v27 =	vshll.u32 v3, $0x10;
	v0 =	vadd.f32 v9, v0  }
0x389: {  	v28 =	vand.u32 $0xFFFF0000, v19;
	v1 =	vadd.f32 v27, v1  }
0x38a: {  	v0 =	vadd.f32 v28, v0  }
0x38b: {  	v29 =	vand.u32 $0xFFFF0000, v20;
	v2 =	vadd.f32 v2, v26;
	v1 =	vmul.f32 $3.125000000e-02, v1  }
0x38c: {  	v0 =	vadd.f32 v29, v0  }
0x38d: {  	v5 =	vand.u32 $0xFFFF0000, v21;
	v1 =	vadd.f32 v1, v2  }
0x38e: {  	v0 =	vadd.f32 v5, v0  }
0x38f: {  	v2 =	vand.u32 $0xFFFF0000, v22;
	[tilespmem:s22+$0xFFFFFFD0] =	vst v1  }
0x390: {  	v0 =	vadd.f32 v2, v0;
	v1 =	vld [tilespmem:s21+$0xFFFFFFE0]  }
0x391: {  	v2 =	vand.u32 $0xFFFF0000, v23;
	v30 =	vld [tilespmem:s20+$0xFFFFFFE0]  }
0x392: {  	v0 =	vadd.f32 v2, v0  }
0x393: {  	v2 =	vand.u32 $0xFFFF0000, v3  }
0x394: {  	v0 =	vadd.f32 v2, v0;
	_ =	sdelay $0x1  }
0x395: {  	v0 =	vmul.f32 $3.125000000e-02, v0;
	v1 =	vadd.f32 v30, v1;
	_ =	sdelay $0x1  }
0x396: {  	v0 =	vadd.f32 v1, v0;
	_ =	sdelay $0x1  }
0x397: {  	[tilespmem:s22+$0xFFFFFFE0] =	vst v0  }
0x398: {  	v0 =	vld [tilespmem:s24+$0xC830]  }
0x399: {  	v1 =	vld [tilespmem:s24+$0xC870];
	_ =	sdelay $0x1  }
0x39a: {  	v2 =	vld [tilespmem:s24+$0xC8B0];
	_ =	sdelay $0x1  }
0x39b: {  	v3 =	vld [tilespmem:s24+$0xC8F0]  }
0x39c: {  	v31 =	vshll.u32 v0, $0x10;
	v32 =	vshll.u32 v1, $0x10  }
0x39d: {  	v33 =	vld [tilespmem:s24+$0xC930];
	v4 =	vadd.f32 v32, v31  }
0x39e: {  	v34 =	vshll.u32 v2, $0x10  }
0x39f: {  	v35 =	vld [tilespmem:s24+$0xC970];
	v4 =	vadd.f32 v34, v4  }
0x3a0: {  	v36 =	vshll.u32 v3, $0x10  }
0x3a1: {  	v37 =	vld [tilespmem:s24+$0xC9B0];
	v4 =	vadd.f32 v36, v4  }
0x3a2: {  	v38 =	vshll.u32 v33, $0x10  }
0x3a3: {  	v39 =	vld [tilespmem:s24+$0xC9F0];
	v0 =	vand.u32 $0xFFFF0000, v0;
	v1 =	vand.u32 $0xFFFF0000, v1;
	v4 =	vadd.f32 v38, v4  }
0x3a4: {  	v0 =	vadd.f32 v1, v0;
	v1 =	vshll.u32 v35, $0x10  }
0x3a5: {  	v40 =	vld [tilespmem:s24+$0xCA30];
	v2 =	vand.u32 $0xFFFF0000, v2;
	v1 =	vadd.f32 v1, v4  }
0x3a6: {  	v0 =	vadd.f32 v2, v0;
	v2 =	vshll.u32 v37, $0x10  }
0x3a7: {  	v41 =	vld [tilespmem:s24+$0xCA70];
	v3 =	vand.u32 $0xFFFF0000, v3;
	v1 =	vadd.f32 v2, v1  }
0x3a8: {  	v0 =	vadd.f32 v3, v0;
	v2 =	vshll.u32 v39, $0x10  }
0x3a9: {  	v6 =	vand.u32 $0xFFFF0000, v33;
	v3 =	vld [tilespmem:s24+$0xCAB0];
	v1 =	vadd.f32 v2, v1  }
0x3aa: {  	v0 =	vadd.f32 v6, v0;
	v2 =	vshll.u32 v40, $0x10  }
0x3ab: {  	v42 =	vld [tilespmem:s24+$0xCAF0];
	v7 =	vand.u32 $0xFFFF0000, v35;
	v1 =	vadd.f32 v2, v1  }
0x3ac: {  	v0 =	vadd.f32 v7, v0;
	v2 =	vshll.u32 v41, $0x10  }
0x3ad: {  	v43 =	vld [tilespmem:s24+$0xCB30];
	v8 =	vand.u32 $0xFFFF0000, v37;
	v1 =	vadd.f32 v2, v1  }
0x3ae: {  	v0 =	vadd.f32 v8, v0;
	v2 =	vshll.u32 v3, $0x10  }
0x3af: {  	v44 =	vld [tilespmem:s24+$0xCB70];
	v9 =	vand.u32 $0xFFFF0000, v39;
	v1 =	vadd.f32 v2, v1  }
0x3b0: {  	v0 =	vadd.f32 v9, v0;
	v2 =	vshll.u32 v42, $0x10  }
0x3b1: {  	v45 =	vld [tilespmem:s24+$0xCBB0];
	v5 =	vand.u32 $0xFFFF0000, v40;
	v1 =	vadd.f32 v2, v1  }
0x3b2: {  	v0 =	vadd.f32 v5, v0;
	v2 =	vshll.u32 v43, $0x10  }
0x3b3: {  	v46 =	vld [tilespmem:s24+$0xCBF0];
	v4 =	vand.u32 $0xFFFF0000, v41;
	v1 =	vadd.f32 v2, v1  }
0x3b4: {  	v0 =	vadd.f32 v4, v0;
	v2 =	vshll.u32 v44, $0x10  }
0x3b5: {  	v47 =	vld [tilespmem:s24+$0xCC30];
	v3 =	vand.u32 $0xFFFF0000, v3;
	v1 =	vadd.f32 v2, v1  }
0x3b6: {  	v0 =	vadd.f32 v3, v0;
	v2 =	vshll.u32 v45, $0x10  }
0x3b7: {  	v6 =	vand.u32 $0xFFFF0000, v42;
	v3 =	vld [tilespmem:s24+$0xCC70];
	v1 =	vadd.f32 v2, v1  }
0x3b8: {  	v0 =	vadd.f32 v6, v0;
	v2 =	vshll.u32 v46, $0x10  }
0x3b9: {  	v48 =	vld [tilespmem:s24+$0xCCB0];
	v7 =	vand.u32 $0xFFFF0000, v43;
	v1 =	vadd.f32 v2, v1  }
0x3ba: {  	v0 =	vadd.f32 v7, v0;
	v2 =	vshll.u32 v47, $0x10  }
0x3bb: {  	v49 =	vld [tilespmem:s24+$0xCCF0];
	v8 =	vand.u32 $0xFFFF0000, v44;
	v1 =	vadd.f32 v2, v1  }
0x3bc: {  	v0 =	vadd.f32 v8, v0;
	v2 =	vshll.u32 v3, $0x10  }
0x3bd: {  	v50 =	vld [tilespmem:s24+$0xCD30];
	v9 =	vand.u32 $0xFFFF0000, v45;
	v1 =	vadd.f32 v2, v1  }
0x3be: {  	v0 =	vadd.f32 v9, v0;
	v2 =	vshll.u32 v48, $0x10  }
0x3bf: {  	v51 =	vld [tilespmem:s24+$0xCD70];
	v5 =	vand.u32 $0xFFFF0000, v46;
	v1 =	vadd.f32 v2, v1  }
0x3c0: {  	v0 =	vadd.f32 v5, v0;
	v2 =	vshll.u32 v49, $0x10  }
0x3c1: {  	v52 =	vld [tilespmem:s24+$0xCDB0];
	v4 =	vand.u32 $0xFFFF0000, v47;
	v1 =	vadd.f32 v2, v1  }
0x3c2: {  	v0 =	vadd.f32 v4, v0;
	v2 =	vshll.u32 v50, $0x10  }
0x3c3: {  	v53 =	vld [tilespmem:s24+$0xCDF0];
	v3 =	vand.u32 $0xFFFF0000, v3;
	v1 =	vadd.f32 v2, v1  }
0x3c4: {  	v0 =	vadd.f32 v3, v0;
	v2 =	vshll.u32 v51, $0x10  }
0x3c5: {  	v6 =	vand.u32 $0xFFFF0000, v48;
	v3 =	vld [tilespmem:s24+$0xCE30];
	v1 =	vadd.f32 v2, v1  }
0x3c6: {  	v0 =	vadd.f32 v6, v0;
	v2 =	vshll.u32 v52, $0x10  }
0x3c7: {  	v54 =	vld [tilespmem:s24+$0xCE70];
	v7 =	vand.u32 $0xFFFF0000, v49;
	v1 =	vadd.f32 v2, v1  }
0x3c8: {  	v0 =	vadd.f32 v7, v0;
	v2 =	vshll.u32 v53, $0x10  }
0x3c9: {  	v55 =	vld [tilespmem:s24+$0xCEB0];
	v8 =	vand.u32 $0xFFFF0000, v50;
	v1 =	vadd.f32 v2, v1  }
0x3ca: {  	v0 =	vadd.f32 v8, v0;
	v2 =	vshll.u32 v3, $0x10  }
0x3cb: {  	v56 =	vld [tilespmem:s24+$0xCEF0];
	v9 =	vand.u32 $0xFFFF0000, v51;
	v1 =	vadd.f32 v2, v1  }
0x3cc: {  	v0 =	vadd.f32 v9, v0;
	v2 =	vshll.u32 v54, $0x10  }
0x3cd: {  	v57 =	vld [tilespmem:s24+$0xCF30];
	v5 =	vand.u32 $0xFFFF0000, v52;
	v1 =	vadd.f32 v2, v1  }
0x3ce: {  	v0 =	vadd.f32 v5, v0;
	v2 =	vshll.u32 v55, $0x10  }
0x3cf: {  	v58 =	vld [tilespmem:s24+$0xCF70];
	v4 =	vand.u32 $0xFFFF0000, v53;
	v1 =	vadd.f32 v2, v1  }
0x3d0: {  	v0 =	vadd.f32 v4, v0;
	v2 =	vshll.u32 v56, $0x10  }
0x3d1: {  	v59 =	vld [tilespmem:s24+$0xCFB0];
	v3 =	vand.u32 $0xFFFF0000, v3;
	v1 =	vadd.f32 v2, v1  }
0x3d2: {  	v0 =	vadd.f32 v3, v0;
	v2 =	vshll.u32 v57, $0x10  }
0x3d3: {  	v6 =	vand.u32 $0xFFFF0000, v54;
	v3 =	vld [tilespmem:s24+$0xCFF0];
	v1 =	vadd.f32 v2, v1  }
0x3d4: {  	v0 =	vadd.f32 v6, v0;
	v2 =	vshll.u32 v58, $0x10  }
0x3d5: {  	v60 =	vld [tilespmem:s21+$0xFFFFFFF0];
	v7 =	vand.u32 $0xFFFF0000, v55;
	v1 =	vadd.f32 v2, v1  }
0x3d6: {  	v61 =	vshll.u32 v59, $0x10;
	v0 =	vadd.f32 v7, v0;
	v2 =	vld [tilespmem:s20+$0xFFFFFFF0]  }
0x3d7: {  	v8 =	vand.u32 $0xFFFF0000, v56;
	v1 =	vadd.f32 v61, v1  }
0x3d8: {  	v62 =	vshll.u32 v3, $0x10;
	v0 =	vadd.f32 v8, v0  }
0x3d9: {  	v63 =	vand.u32 $0xFFFF0000, v57;
	v1 =	vadd.f32 v62, v1  }
0x3da: {  	v0 =	vadd.f32 v63, v0  }
0x3db: {  	v5 =	vand.u32 $0xFFFF0000, v58;
	v2 =	vadd.f32 v2, v60;
	v1 =	vmul.f32 $3.125000000e-02, v1  }
0x3dc: {  	v0 =	vadd.f32 v5, v0  }
0x3dd: {  	v4 =	vand.u32 $0xFFFF0000, v59;
	v1 =	vadd.f32 v1, v2  }
0x3de: {  	v0 =	vadd.f32 v4, v0  }
0x3df: {  	v2 =	vand.u32 $0xFFFF0000, v3;
	[tilespmem:s22+$0xFFFFFFF0] =	vst v1  }
0x3e0: {  	s28 =	simm.s32 $0x2000;
	s24 =	simm.s32 $0x11C70;
	v0 =	vadd.f32 v2, v0;
	v1 =	vld [tilespmem:s21+$0x0]  }
.LBB2_7:
0x3e1: {  	v2 =	vld [tilespmem:s20+$0x0];
	s21 =	sadd.s32 $0x80, s21;
	s20 =	sadd.s32 $0x80, s20;
	s22 =	sadd.s32 $0x80, s22  }
0x3e2: {  	p1 =	sne.s32 s28, $0xE000;
	s13 =	smov.u32 s28;
	s28 =	sadd.s32 $0x2000, s28  }
0x3e3: {  	_ =	sdelay $0x2  }
0x3e4: {  	v0 =	vmul.f32 $3.125000000e-02, v0;
	v1 =	vadd.f32 v2, v1;
	_ =	sdelay $0x1  }
0x3e5: {  	v0 =	vadd.f32 v1, v0;
	_ =	sdelay $0x1  }
0x3e6: {  	s13 =	sshra.s32 s13, $0x2;
	[tilespmem:s24+$0x0] =	vst v0;
	s24 =	smov.u32 s22  }
0x3e7: {  	v0 =	vld [tilespmem:s13+$0xC880]  }
0x3e8: {  	v1 =	vld [tilespmem:s13+$0xC800]  }
0x3e9: {  	v2 =	vld [tilespmem:s13+$0xC840];
	_ =	sdelay $0x3  }
0x3ea: {  	v3 =	vld [tilespmem:s13+$0xC8C0]  }
0x3eb: {  	v6 =	vshll.u32 v0, $0x10;
	v4 =	vshll.u32 v1, $0x10;
	v5 =	vshll.u32 v2, $0x10  }
0x3ec: {  	v1 =	vand.u32 $0xFFFF0000, v1;
	v2 =	vand.u32 $0xFFFF0000, v2;
	v4 =	vadd.f32 v5, v4;
	v5 =	vld [tilespmem:s13+$0xC900]  }
0x3ed: {  	v1 =	vadd.f32 v2, v1  }
0x3ee: {  	v0 =	vand.u32 $0xFFFF0000, v0;
	v2 =	vadd.f32 v6, v4;
	v4 =	vld [tilespmem:s13+$0xC940]  }
0x3ef: {  	v0 =	vadd.f32 v0, v1;
	v1 =	vshll.u32 v3, $0x10  }
0x3f0: {  	v1 =	vadd.f32 v1, v2;
	v2 =	vand.u32 $0xFFFF0000, v3;
	v3 =	vld [tilespmem:s13+$0xC980]  }
0x3f1: {  	v0 =	vadd.f32 v2, v0;
	v2 =	vshll.u32 v5, $0x10  }
0x3f2: {  	v1 =	vadd.f32 v2, v1;
	v2 =	vand.u32 $0xFFFF0000, v5;
	v5 =	vld [tilespmem:s13+$0xC9C0]  }
0x3f3: {  	v0 =	vadd.f32 v2, v0;
	v2 =	vshll.u32 v4, $0x10  }
0x3f4: {  	v1 =	vadd.f32 v2, v1;
	v2 =	vand.u32 $0xFFFF0000, v4;
	v4 =	vld [tilespmem:s13+$0xCA00]  }
0x3f5: {  	v0 =	vadd.f32 v2, v0;
	v2 =	vshll.u32 v3, $0x10  }
0x3f6: {  	v1 =	vadd.f32 v2, v1;
	v2 =	vand.u32 $0xFFFF0000, v3;
	v3 =	vld [tilespmem:s13+$0xCA40]  }
0x3f7: {  	v0 =	vadd.f32 v2, v0;
	v2 =	vshll.u32 v5, $0x10  }
0x3f8: {  	v1 =	vadd.f32 v2, v1;
	v2 =	vand.u32 $0xFFFF0000, v5;
	v5 =	vld [tilespmem:s13+$0xCA80]  }
0x3f9: {  	v0 =	vadd.f32 v2, v0;
	v2 =	vshll.u32 v4, $0x10  }
0x3fa: {  	v1 =	vadd.f32 v2, v1;
	v2 =	vand.u32 $0xFFFF0000, v4;
	v4 =	vld [tilespmem:s13+$0xCAC0]  }
0x3fb: {  	v0 =	vadd.f32 v2, v0;
	v2 =	vshll.u32 v3, $0x10  }
0x3fc: {  	v1 =	vadd.f32 v2, v1;
	v2 =	vand.u32 $0xFFFF0000, v3;
	v3 =	vld [tilespmem:s13+$0xCB00]  }
0x3fd: {  	v0 =	vadd.f32 v2, v0;
	v2 =	vshll.u32 v5, $0x10  }
0x3fe: {  	v1 =	vadd.f32 v2, v1;
	v2 =	vand.u32 $0xFFFF0000, v5;
	v5 =	vld [tilespmem:s13+$0xCB40]  }
0x3ff: {  	v0 =	vadd.f32 v2, v0;
	v2 =	vshll.u32 v4, $0x10  }
0x400: {  	v1 =	vadd.f32 v2, v1;
	v2 =	vand.u32 $0xFFFF0000, v4;
	v4 =	vld [tilespmem:s13+$0xCB80]  }
0x401: {  	v0 =	vadd.f32 v2, v0;
	v2 =	vshll.u32 v3, $0x10  }
0x402: {  	v1 =	vadd.f32 v2, v1;
	v2 =	vand.u32 $0xFFFF0000, v3;
	v3 =	vld [tilespmem:s13+$0xCBC0]  }
0x403: {  	v0 =	vadd.f32 v2, v0;
	v2 =	vshll.u32 v5, $0x10  }
0x404: {  	v1 =	vadd.f32 v2, v1;
	v2 =	vand.u32 $0xFFFF0000, v5;
	v5 =	vld [tilespmem:s13+$0xCC00]  }
0x405: {  	v0 =	vadd.f32 v2, v0;
	v2 =	vshll.u32 v4, $0x10  }
0x406: {  	v1 =	vadd.f32 v2, v1;
	v2 =	vand.u32 $0xFFFF0000, v4;
	v4 =	vld [tilespmem:s13+$0xCC40]  }
0x407: {  	v0 =	vadd.f32 v2, v0;
	v2 =	vshll.u32 v3, $0x10  }
0x408: {  	v1 =	vadd.f32 v2, v1;
	v2 =	vand.u32 $0xFFFF0000, v3;
	v3 =	vld [tilespmem:s13+$0xCC80]  }
0x409: {  	v0 =	vadd.f32 v2, v0;
	v2 =	vshll.u32 v5, $0x10  }
0x40a: {  	v1 =	vadd.f32 v2, v1;
	v2 =	vand.u32 $0xFFFF0000, v5;
	v5 =	vld [tilespmem:s13+$0xCCC0]  }
0x40b: {  	v0 =	vadd.f32 v2, v0;
	v2 =	vshll.u32 v4, $0x10  }
0x40c: {  	v1 =	vadd.f32 v2, v1;
	v2 =	vand.u32 $0xFFFF0000, v4;
	v4 =	vld [tilespmem:s13+$0xCD00]  }
0x40d: {  	v0 =	vadd.f32 v2, v0;
	v2 =	vshll.u32 v3, $0x10  }
0x40e: {  	v1 =	vadd.f32 v2, v1;
	v2 =	vand.u32 $0xFFFF0000, v3;
	v3 =	vld [tilespmem:s13+$0xCD40]  }
0x40f: {  	v0 =	vadd.f32 v2, v0;
	v2 =	vshll.u32 v5, $0x10  }
0x410: {  	v1 =	vadd.f32 v2, v1;
	v2 =	vand.u32 $0xFFFF0000, v5;
	v5 =	vld [tilespmem:s13+$0xCD80]  }
0x411: {  	v0 =	vadd.f32 v2, v0;
	v2 =	vshll.u32 v4, $0x10  }
0x412: {  	v1 =	vadd.f32 v2, v1;
	v2 =	vand.u32 $0xFFFF0000, v4;
	v4 =	vld [tilespmem:s13+$0xCDC0]  }
0x413: {  	v0 =	vadd.f32 v2, v0;
	v2 =	vshll.u32 v3, $0x10  }
0x414: {  	v1 =	vadd.f32 v2, v1;
	v2 =	vand.u32 $0xFFFF0000, v3;
	v3 =	vld [tilespmem:s13+$0xCE00]  }
0x415: {  	v0 =	vadd.f32 v2, v0;
	v2 =	vshll.u32 v5, $0x10  }
0x416: {  	v1 =	vadd.f32 v2, v1;
	v2 =	vand.u32 $0xFFFF0000, v5;
	v5 =	vld [tilespmem:s13+$0xCE40]  }
0x417: {  	v0 =	vadd.f32 v2, v0;
	v2 =	vshll.u32 v4, $0x10  }
0x418: {  	v1 =	vadd.f32 v2, v1;
	v2 =	vand.u32 $0xFFFF0000, v4;
	v4 =	vld [tilespmem:s13+$0xCE80]  }
0x419: {  	v0 =	vadd.f32 v2, v0;
	v2 =	vshll.u32 v3, $0x10  }
0x41a: {  	v1 =	vadd.f32 v2, v1;
	v2 =	vand.u32 $0xFFFF0000, v3;
	v3 =	vld [tilespmem:s13+$0xCEC0]  }
0x41b: {  	v0 =	vadd.f32 v2, v0;
	v2 =	vshll.u32 v5, $0x10  }
0x41c: {  	v1 =	vadd.f32 v2, v1;
	v2 =	vand.u32 $0xFFFF0000, v5;
	v5 =	vld [tilespmem:s13+$0xCF00]  }
0x41d: {  	v0 =	vadd.f32 v2, v0;
	v2 =	vshll.u32 v4, $0x10  }
0x41e: {  	v1 =	vadd.f32 v2, v1;
	v2 =	vand.u32 $0xFFFF0000, v4;
	v4 =	vld [tilespmem:s13+$0xCF40]  }
0x41f: {  	v0 =	vadd.f32 v2, v0;
	v2 =	vshll.u32 v3, $0x10  }
0x420: {  	v1 =	vadd.f32 v2, v1;
	v2 =	vand.u32 $0xFFFF0000, v3;
	v3 =	vld [tilespmem:s13+$0xCF80]  }
0x421: {  	v0 =	vadd.f32 v2, v0;
	v2 =	vshll.u32 v5, $0x10  }
0x422: {  	v1 =	vadd.f32 v2, v1;
	v2 =	vand.u32 $0xFFFF0000, v5;
	v5 =	vld [tilespmem:s13+$0xCFC0]  }
0x423: {  	v0 =	vadd.f32 v2, v0;
	v2 =	vshll.u32 v4, $0x10  }
0x424: {  	v1 =	vadd.f32 v2, v1;
	v2 =	vand.u32 $0xFFFF0000, v4;
	v4 =	vld [tilespmem:s20+$0xFFFFFF90]  }
0x425: {  	v0 =	vadd.f32 v2, v0;
	v2 =	vshll.u32 v3, $0x10;
	v6 =	vld [tilespmem:s21+$0xFFFFFF90]  }
0x426: {  	v1 =	vadd.f32 v2, v1;
	v2 =	vand.u32 $0xFFFF0000, v3  }
0x427: {  	v0 =	vadd.f32 v2, v0;
	v2 =	vshll.u32 v5, $0x10  }
0x428: {  	v1 =	vadd.f32 v2, v1;
	v2 =	vand.u32 $0xFFFF0000, v5  }
0x429: {  	v0 =	vadd.f32 v2, v0  }
0x42a: {  	v2 =	vadd.f32 v4, v6;
	v1 =	vmul.f32 $3.125000000e-02, v1;
	_ =	sdelay $0x1  }
0x42b: {  	v1 =	vadd.f32 v1, v2;
	_ =	sdelay $0x1  }
0x42c: {  	[tilespmem:s22+$0xFFFFFF90] =	vst v1  }
0x42d: {  	v1 =	vld [tilespmem:s21+$0xFFFFFFA0]  }
0x42e: {  	v2 =	vld [tilespmem:s20+$0xFFFFFFA0];
	_ =	sdelay $0x4  }
0x42f: {  	v0 =	vmul.f32 $3.125000000e-02, v0;
	v1 =	vadd.f32 v2, v1;
	_ =	sdelay $0x1  }
0x430: {  	v0 =	vadd.f32 v1, v0;
	_ =	sdelay $0x1  }
0x431: {  	[tilespmem:s22+$0xFFFFFFA0] =	vst v0  }
0x432: {  	v0 =	vld [tilespmem:s13+$0xC810]  }
0x433: {  	v1 =	vld [tilespmem:s13+$0xC850]  }
0x434: {  	v2 =	vld [tilespmem:s13+$0xC890];
	_ =	sdelay $0x2  }
0x435: {  	v3 =	vshll.u32 v0, $0x10;
	v4 =	vld [tilespmem:s13+$0xC8D0]  }
0x436: {  	v0 =	vand.u32 $0xFFFF0000, v0;
	v5 =	vshll.u32 v1, $0x10;
	v1 =	vand.u32 $0xFFFF0000, v1  }
0x437: {  	v3 =	vadd.f32 v5, v3;
	v0 =	vadd.f32 v1, v0;
	v1 =	vld [tilespmem:s13+$0xC910]  }
0x438: {  	v5 =	vshll.u32 v2, $0x10;
	v2 =	vand.u32 $0xFFFF0000, v2  }
0x439: {  	v3 =	vadd.f32 v5, v3;
	v0 =	vadd.f32 v2, v0;
	v2 =	vld [tilespmem:s13+$0xC950]  }
0x43a: {  	v5 =	vshll.u32 v4, $0x10;
	v4 =	vand.u32 $0xFFFF0000, v4  }
0x43b: {  	v3 =	vadd.f32 v5, v3;
	v0 =	vadd.f32 v4, v0;
	v4 =	vld [tilespmem:s13+$0xC990]  }
0x43c: {  	v5 =	vshll.u32 v1, $0x10;
	v1 =	vand.u32 $0xFFFF0000, v1  }
0x43d: {  	v3 =	vadd.f32 v5, v3;
	v0 =	vadd.f32 v1, v0;
	v1 =	vld [tilespmem:s13+$0xC9D0]  }
0x43e: {  	v5 =	vshll.u32 v2, $0x10;
	v2 =	vand.u32 $0xFFFF0000, v2  }
0x43f: {  	v3 =	vadd.f32 v5, v3;
	v0 =	vadd.f32 v2, v0;
	v2 =	vld [tilespmem:s13+$0xCA10]  }
0x440: {  	v5 =	vshll.u32 v4, $0x10;
	v4 =	vand.u32 $0xFFFF0000, v4  }
0x441: {  	v3 =	vadd.f32 v5, v3;
	v0 =	vadd.f32 v4, v0;
	v4 =	vld [tilespmem:s13+$0xCA50]  }
0x442: {  	v5 =	vshll.u32 v1, $0x10;
	v1 =	vand.u32 $0xFFFF0000, v1  }
0x443: {  	v3 =	vadd.f32 v5, v3;
	v0 =	vadd.f32 v1, v0;
	v1 =	vld [tilespmem:s13+$0xCA90]  }
0x444: {  	v5 =	vshll.u32 v2, $0x10;
	v2 =	vand.u32 $0xFFFF0000, v2  }
0x445: {  	v3 =	vadd.f32 v5, v3;
	v0 =	vadd.f32 v2, v0;
	v2 =	vld [tilespmem:s13+$0xCAD0]  }
0x446: {  	v5 =	vshll.u32 v4, $0x10;
	v4 =	vand.u32 $0xFFFF0000, v4  }
0x447: {  	v3 =	vadd.f32 v5, v3;
	v0 =	vadd.f32 v4, v0;
	v4 =	vld [tilespmem:s13+$0xCB10]  }
0x448: {  	v5 =	vshll.u32 v1, $0x10;
	v1 =	vand.u32 $0xFFFF0000, v1  }
0x449: {  	v3 =	vadd.f32 v5, v3;
	v0 =	vadd.f32 v1, v0;
	v1 =	vld [tilespmem:s13+$0xCB50]  }
0x44a: {  	v5 =	vshll.u32 v2, $0x10;
	v2 =	vand.u32 $0xFFFF0000, v2  }
0x44b: {  	v3 =	vadd.f32 v5, v3;
	v0 =	vadd.f32 v2, v0;
	v2 =	vld [tilespmem:s13+$0xCB90]  }
0x44c: {  	v5 =	vshll.u32 v4, $0x10;
	v4 =	vand.u32 $0xFFFF0000, v4  }
0x44d: {  	v3 =	vadd.f32 v5, v3;
	v0 =	vadd.f32 v4, v0;
	v4 =	vld [tilespmem:s13+$0xCBD0]  }
0x44e: {  	v5 =	vshll.u32 v1, $0x10;
	v1 =	vand.u32 $0xFFFF0000, v1  }
0x44f: {  	v3 =	vadd.f32 v5, v3;
	v0 =	vadd.f32 v1, v0;
	v1 =	vld [tilespmem:s13+$0xCC10]  }
0x450: {  	v5 =	vshll.u32 v2, $0x10;
	v2 =	vand.u32 $0xFFFF0000, v2  }
0x451: {  	v3 =	vadd.f32 v5, v3;
	v0 =	vadd.f32 v2, v0;
	v2 =	vld [tilespmem:s13+$0xCC50]  }
0x452: {  	v5 =	vshll.u32 v4, $0x10;
	v4 =	vand.u32 $0xFFFF0000, v4  }
0x453: {  	v3 =	vadd.f32 v5, v3;
	v0 =	vadd.f32 v4, v0;
	v4 =	vld [tilespmem:s13+$0xCC90]  }
0x454: {  	v5 =	vshll.u32 v1, $0x10;
	v1 =	vand.u32 $0xFFFF0000, v1  }
0x455: {  	v3 =	vadd.f32 v5, v3;
	v0 =	vadd.f32 v1, v0;
	v1 =	vld [tilespmem:s13+$0xCCD0]  }
0x456: {  	v5 =	vshll.u32 v2, $0x10;
	v2 =	vand.u32 $0xFFFF0000, v2  }
0x457: {  	v3 =	vadd.f32 v5, v3;
	v0 =	vadd.f32 v2, v0;
	v2 =	vld [tilespmem:s13+$0xCD10]  }
0x458: {  	v5 =	vshll.u32 v4, $0x10;
	v4 =	vand.u32 $0xFFFF0000, v4  }
0x459: {  	v3 =	vadd.f32 v5, v3;
	v0 =	vadd.f32 v4, v0;
	v4 =	vld [tilespmem:s13+$0xCD50]  }
0x45a: {  	v5 =	vshll.u32 v1, $0x10;
	v1 =	vand.u32 $0xFFFF0000, v1  }
0x45b: {  	v3 =	vadd.f32 v5, v3;
	v0 =	vadd.f32 v1, v0;
	v1 =	vld [tilespmem:s13+$0xCD90]  }
0x45c: {  	v5 =	vshll.u32 v2, $0x10;
	v2 =	vand.u32 $0xFFFF0000, v2  }
0x45d: {  	v3 =	vadd.f32 v5, v3;
	v0 =	vadd.f32 v2, v0;
	v2 =	vld [tilespmem:s13+$0xCDD0]  }
0x45e: {  	v5 =	vshll.u32 v4, $0x10;
	v4 =	vand.u32 $0xFFFF0000, v4  }
0x45f: {  	v3 =	vadd.f32 v5, v3;
	v0 =	vadd.f32 v4, v0;
	v4 =	vld [tilespmem:s13+$0xCE10]  }
0x460: {  	v5 =	vshll.u32 v1, $0x10;
	v1 =	vand.u32 $0xFFFF0000, v1  }
0x461: {  	v3 =	vadd.f32 v5, v3;
	v0 =	vadd.f32 v1, v0;
	v1 =	vld [tilespmem:s13+$0xCE50]  }
0x462: {  	v5 =	vshll.u32 v2, $0x10;
	v2 =	vand.u32 $0xFFFF0000, v2  }
0x463: {  	v3 =	vadd.f32 v5, v3;
	v0 =	vadd.f32 v2, v0;
	v2 =	vld [tilespmem:s13+$0xCE90]  }
0x464: {  	v5 =	vshll.u32 v4, $0x10;
	v4 =	vand.u32 $0xFFFF0000, v4  }
0x465: {  	v3 =	vadd.f32 v5, v3;
	v0 =	vadd.f32 v4, v0;
	v4 =	vld [tilespmem:s13+$0xCED0]  }
0x466: {  	v5 =	vshll.u32 v1, $0x10;
	v1 =	vand.u32 $0xFFFF0000, v1  }
0x467: {  	v3 =	vadd.f32 v5, v3;
	v0 =	vadd.f32 v1, v0;
	v1 =	vld [tilespmem:s13+$0xCF10]  }
0x468: {  	v5 =	vshll.u32 v2, $0x10;
	v2 =	vand.u32 $0xFFFF0000, v2  }
0x469: {  	v3 =	vadd.f32 v5, v3;
	v0 =	vadd.f32 v2, v0;
	v2 =	vld [tilespmem:s13+$0xCF50]  }
0x46a: {  	v5 =	vshll.u32 v4, $0x10;
	v4 =	vand.u32 $0xFFFF0000, v4  }
0x46b: {  	v3 =	vadd.f32 v5, v3;
	v0 =	vadd.f32 v4, v0;
	v4 =	vld [tilespmem:s13+$0xCF90]  }
0x46c: {  	v5 =	vshll.u32 v1, $0x10;
	v1 =	vand.u32 $0xFFFF0000, v1  }
0x46d: {  	v3 =	vadd.f32 v5, v3;
	v0 =	vadd.f32 v1, v0;
	v1 =	vld [tilespmem:s13+$0xCFD0]  }
0x46e: {  	v5 =	vshll.u32 v2, $0x10;
	v2 =	vand.u32 $0xFFFF0000, v2  }
0x46f: {  	v3 =	vadd.f32 v5, v3;
	v0 =	vadd.f32 v2, v0;
	v2 =	vld [tilespmem:s20+$0xFFFFFFB0]  }
0x470: {  	v5 =	vshll.u32 v4, $0x10;
	v4 =	vand.u32 $0xFFFF0000, v4;
	v6 =	vld [tilespmem:s21+$0xFFFFFFB0]  }
0x471: {  	v3 =	vadd.f32 v5, v3;
	v0 =	vadd.f32 v4, v0  }
0x472: {  	v4 =	vshll.u32 v1, $0x10;
	v1 =	vand.u32 $0xFFFF0000, v1  }
0x473: {  	v3 =	vadd.f32 v4, v3;
	v0 =	vadd.f32 v1, v0;
	_ =	sdelay $0x1  }
0x474: {  	v1 =	vadd.f32 v2, v6;
	v2 =	vmul.f32 $3.125000000e-02, v3;
	_ =	sdelay $0x1  }
0x475: {  	v1 =	vadd.f32 v2, v1;
	_ =	sdelay $0x1  }
0x476: {  	[tilespmem:s22+$0xFFFFFFB0] =	vst v1  }
0x477: {  	v1 =	vld [tilespmem:s21+$0xFFFFFFC0]  }
0x478: {  	v2 =	vld [tilespmem:s20+$0xFFFFFFC0];
	_ =	sdelay $0x4  }
0x479: {  	v0 =	vmul.f32 $3.125000000e-02, v0;
	v1 =	vadd.f32 v2, v1;
	_ =	sdelay $0x1  }
0x47a: {  	v0 =	vadd.f32 v1, v0;
	_ =	sdelay $0x1  }
0x47b: {  	[tilespmem:s22+$0xFFFFFFC0] =	vst v0  }
0x47c: {  	v0 =	vld [tilespmem:s13+$0xC820]  }
0x47d: {  	v1 =	vld [tilespmem:s13+$0xC860]  }
0x47e: {  	v2 =	vld [tilespmem:s13+$0xC8A0]  }
0x47f: {  	v3 =	vld [tilespmem:s13+$0xC8E0]  }
0x480: {  	v4 =	vld [tilespmem:s13+$0xC920]  }
0x481: {  	v5 =	vshll.u32 v0, $0x10;
	v6 =	vld [tilespmem:s13+$0xC960]  }
0x482: {  	v0 =	vand.u32 $0xFFFF0000, v0;
	v7 =	vshll.u32 v1, $0x10;
	v1 =	vand.u32 $0xFFFF0000, v1;
	v8 =	vld [tilespmem:s13+$0xC9A0]  }
0x483: {  	v5 =	vadd.f32 v7, v5;
	v0 =	vadd.f32 v1, v0;
	v1 =	vld [tilespmem:s13+$0xC9E0]  }
0x484: {  	v7 =	vshll.u32 v2, $0x10;
	v2 =	vand.u32 $0xFFFF0000, v2;
	v9 =	vld [tilespmem:s13+$0xCA20]  }
0x485: {  	v5 =	vadd.f32 v7, v5;
	v0 =	vadd.f32 v2, v0;
	v2 =	vld [tilespmem:s13+$0xCA60]  }
0x486: {  	v7 =	vshll.u32 v3, $0x10;
	v3 =	vand.u32 $0xFFFF0000, v3;
	v10 =	vld [tilespmem:s13+$0xCAA0]  }
0x487: {  	v5 =	vadd.f32 v7, v5;
	v0 =	vadd.f32 v3, v0;
	v3 =	vld [tilespmem:s13+$0xCAE0]  }
0x488: {  	v7 =	vshll.u32 v4, $0x10;
	v4 =	vand.u32 $0xFFFF0000, v4;
	v11 =	vld [tilespmem:s13+$0xCB20]  }
0x489: {  	v5 =	vadd.f32 v7, v5;
	v0 =	vadd.f32 v4, v0;
	v4 =	vld [tilespmem:s13+$0xCB60]  }
0x48a: {  	v7 =	vshll.u32 v6, $0x10;
	v6 =	vand.u32 $0xFFFF0000, v6;
	v12 =	vld [tilespmem:s13+$0xCBA0]  }
0x48b: {  	v5 =	vadd.f32 v7, v5;
	v0 =	vadd.f32 v6, v0;
	v6 =	vld [tilespmem:s13+$0xCBE0]  }
0x48c: {  	v7 =	vshll.u32 v8, $0x10;
	v8 =	vand.u32 $0xFFFF0000, v8;
	v13 =	vld [tilespmem:s13+$0xCC20]  }
0x48d: {  	v5 =	vadd.f32 v7, v5;
	v0 =	vadd.f32 v8, v0;
	v7 =	vld [tilespmem:s13+$0xCC60]  }
0x48e: {  	v8 =	vshll.u32 v1, $0x10;
	v1 =	vand.u32 $0xFFFF0000, v1;
	v14 =	vld [tilespmem:s13+$0xCCA0]  }
0x48f: {  	v5 =	vadd.f32 v8, v5;
	v0 =	vadd.f32 v1, v0;
	v1 =	vld [tilespmem:s13+$0xCCE0]  }
0x490: {  	v8 =	vshll.u32 v9, $0x10;
	v9 =	vand.u32 $0xFFFF0000, v9;
	v15 =	vld [tilespmem:s13+$0xCD20]  }
0x491: {  	v5 =	vadd.f32 v8, v5;
	v0 =	vadd.f32 v9, v0;
	v8 =	vld [tilespmem:s13+$0xCD60]  }
0x492: {  	v9 =	vshll.u32 v2, $0x10;
	v2 =	vand.u32 $0xFFFF0000, v2;
	v16 =	vld [tilespmem:s13+$0xCDA0]  }
0x493: {  	v5 =	vadd.f32 v9, v5;
	v0 =	vadd.f32 v2, v0;
	v2 =	vld [tilespmem:s13+$0xCDE0]  }
0x494: {  	v9 =	vshll.u32 v10, $0x10;
	v10 =	vand.u32 $0xFFFF0000, v10;
	v17 =	vld [tilespmem:s13+$0xCE20]  }
0x495: {  	v5 =	vadd.f32 v9, v5;
	v0 =	vadd.f32 v10, v0;
	v9 =	vld [tilespmem:s13+$0xCE60]  }
0x496: {  	v10 =	vshll.u32 v3, $0x10;
	v3 =	vand.u32 $0xFFFF0000, v3;
	v18 =	vld [tilespmem:s13+$0xCEA0]  }
0x497: {  	v5 =	vadd.f32 v10, v5;
	v0 =	vadd.f32 v3, v0;
	v3 =	vld [tilespmem:s13+$0xCEE0]  }
0x498: {  	v10 =	vshll.u32 v11, $0x10;
	v11 =	vand.u32 $0xFFFF0000, v11;
	v19 =	vld [tilespmem:s13+$0xCF20]  }
0x499: {  	v5 =	vadd.f32 v10, v5;
	v0 =	vadd.f32 v11, v0;
	v10 =	vld [tilespmem:s13+$0xCF60]  }
0x49a: {  	v11 =	vshll.u32 v4, $0x10;
	v4 =	vand.u32 $0xFFFF0000, v4;
	v20 =	vld [tilespmem:s13+$0xCFA0]  }
0x49b: {  	v5 =	vadd.f32 v11, v5;
	v0 =	vadd.f32 v4, v0;
	v4 =	vld [tilespmem:s13+$0xCFE0]  }
0x49c: {  	v11 =	vshll.u32 v12, $0x10;
	v12 =	vand.u32 $0xFFFF0000, v12  }
0x49d: {  	v5 =	vadd.f32 v11, v5;
	v0 =	vadd.f32 v12, v0  }
0x49e: {  	v11 =	vshll.u32 v6, $0x10;
	v6 =	vand.u32 $0xFFFF0000, v6  }
0x49f: {  	v5 =	vadd.f32 v11, v5;
	v0 =	vadd.f32 v6, v0  }
0x4a0: {  	v6 =	vshll.u32 v13, $0x10;
	v11 =	vand.u32 $0xFFFF0000, v13  }
0x4a1: {  	v5 =	vadd.f32 v6, v5;
	v0 =	vadd.f32 v11, v0  }
0x4a2: {  	v6 =	vshll.u32 v7, $0x10;
	v7 =	vand.u32 $0xFFFF0000, v7  }
0x4a3: {  	v5 =	vadd.f32 v6, v5;
	v0 =	vadd.f32 v7, v0  }
0x4a4: {  	v6 =	vshll.u32 v14, $0x10;
	v7 =	vand.u32 $0xFFFF0000, v14  }
0x4a5: {  	v5 =	vadd.f32 v6, v5;
	v0 =	vadd.f32 v7, v0  }
0x4a6: {  	v6 =	vshll.u32 v1, $0x10;
	v1 =	vand.u32 $0xFFFF0000, v1  }
0x4a7: {  	v5 =	vadd.f32 v6, v5;
	v0 =	vadd.f32 v1, v0  }
0x4a8: {  	v1 =	vshll.u32 v15, $0x10;
	v6 =	vand.u32 $0xFFFF0000, v15  }
0x4a9: {  	v1 =	vadd.f32 v1, v5;
	v0 =	vadd.f32 v6, v0  }
0x4aa: {  	v5 =	vshll.u32 v8, $0x10;
	v6 =	vand.u32 $0xFFFF0000, v8  }
0x4ab: {  	v1 =	vadd.f32 v5, v1;
	v0 =	vadd.f32 v6, v0  }
0x4ac: {  	v5 =	vshll.u32 v16, $0x10;
	v6 =	vand.u32 $0xFFFF0000, v16  }
0x4ad: {  	v1 =	vadd.f32 v5, v1;
	v0 =	vadd.f32 v6, v0  }
0x4ae: {  	v5 =	vshll.u32 v2, $0x10;
	v2 =	vand.u32 $0xFFFF0000, v2  }
0x4af: {  	v1 =	vadd.f32 v5, v1;
	v0 =	vadd.f32 v2, v0  }
0x4b0: {  	v2 =	vshll.u32 v17, $0x10;
	v5 =	vand.u32 $0xFFFF0000, v17  }
0x4b1: {  	v1 =	vadd.f32 v2, v1;
	v0 =	vadd.f32 v5, v0  }
0x4b2: {  	v2 =	vshll.u32 v9, $0x10;
	v5 =	vand.u32 $0xFFFF0000, v9  }
0x4b3: {  	v1 =	vadd.f32 v2, v1;
	v0 =	vadd.f32 v5, v0  }
0x4b4: {  	v2 =	vshll.u32 v18, $0x10;
	v5 =	vand.u32 $0xFFFF0000, v18  }
0x4b5: {  	v1 =	vadd.f32 v2, v1;
	v0 =	vadd.f32 v5, v0  }
0x4b6: {  	v2 =	vshll.u32 v3, $0x10;
	v3 =	vand.u32 $0xFFFF0000, v3  }
0x4b7: {  	v1 =	vadd.f32 v2, v1;
	v0 =	vadd.f32 v3, v0  }
0x4b8: {  	v2 =	vshll.u32 v19, $0x10;
	v3 =	vand.u32 $0xFFFF0000, v19  }
0x4b9: {  	v1 =	vadd.f32 v2, v1;
	v0 =	vadd.f32 v3, v0  }
0x4ba: {  	v2 =	vshll.u32 v10, $0x10;
	v3 =	vand.u32 $0xFFFF0000, v10  }
0x4bb: {  	v1 =	vadd.f32 v2, v1;
	v0 =	vadd.f32 v3, v0;
	v2 =	vld [tilespmem:s20+$0xFFFFFFD0]  }
0x4bc: {  	v5 =	vand.u32 $0xFFFF0000, v20;
	v3 =	vshll.u32 v20, $0x10;
	v6 =	vld [tilespmem:s21+$0xFFFFFFD0]  }
0x4bd: {  	v1 =	vadd.f32 v3, v1;
	v0 =	vadd.f32 v5, v0  }
0x4be: {  	v3 =	vshll.u32 v4, $0x10;
	v4 =	vand.u32 $0xFFFF0000, v4  }
0x4bf: {  	v1 =	vadd.f32 v3, v1;
	v0 =	vadd.f32 v4, v0;
	_ =	sdelay $0x1  }
0x4c0: {  	v2 =	vadd.f32 v2, v6;
	v1 =	vmul.f32 $3.125000000e-02, v1;
	_ =	sdelay $0x1  }
0x4c1: {  	v1 =	vadd.f32 v1, v2;
	_ =	sdelay $0x1  }
0x4c2: {  	[tilespmem:s22+$0xFFFFFFD0] =	vst v1  }
0x4c3: {  	v1 =	vld [tilespmem:s21+$0xFFFFFFE0]  }
0x4c4: {  	v2 =	vld [tilespmem:s20+$0xFFFFFFE0];
	_ =	sdelay $0x4  }
0x4c5: {  	v0 =	vmul.f32 $3.125000000e-02, v0;
	v1 =	vadd.f32 v2, v1;
	_ =	sdelay $0x1  }
0x4c6: {  	v0 =	vadd.f32 v1, v0;
	_ =	sdelay $0x1  }
0x4c7: {  	[tilespmem:s22+$0xFFFFFFE0] =	vst v0  }
0x4c8: {  	v0 =	vld [tilespmem:s13+$0xC830]  }
0x4c9: {  	v1 =	vld [tilespmem:s13+$0xC870]  }
0x4ca: {  	v2 =	vld [tilespmem:s13+$0xC8B0]  }
0x4cb: {  	v3 =	vld [tilespmem:s13+$0xC8F0]  }
0x4cc: {  	v4 =	vld [tilespmem:s13+$0xC930]  }
0x4cd: {  	v5 =	vand.u32 $0xFFFF0000, v0;
	v6 =	vld [tilespmem:s13+$0xC970]  }
0x4ce: {  	v0 =	vshll.u32 v0, $0x10;
	v7 =	vshll.u32 v1, $0x10;
	v1 =	vand.u32 $0xFFFF0000, v1;
	v8 =	vld [tilespmem:s13+$0xC9B0]  }
0x4cf: {  	v0 =	vadd.f32 v7, v0;
	v1 =	vadd.f32 v1, v5;
	v5 =	vld [tilespmem:s13+$0xC9F0]  }
0x4d0: {  	v7 =	vshll.u32 v2, $0x10;
	v2 =	vand.u32 $0xFFFF0000, v2;
	v9 =	vld [tilespmem:s13+$0xCA30]  }
0x4d1: {  	v0 =	vadd.f32 v7, v0;
	v1 =	vadd.f32 v2, v1;
	v2 =	vld [tilespmem:s13+$0xCA70]  }
0x4d2: {  	v7 =	vshll.u32 v3, $0x10;
	v3 =	vand.u32 $0xFFFF0000, v3;
	v10 =	vld [tilespmem:s13+$0xCAB0]  }
0x4d3: {  	v0 =	vadd.f32 v7, v0;
	v1 =	vadd.f32 v3, v1;
	v3 =	vld [tilespmem:s13+$0xCAF0]  }
0x4d4: {  	v7 =	vshll.u32 v4, $0x10;
	v4 =	vand.u32 $0xFFFF0000, v4;
	v11 =	vld [tilespmem:s13+$0xCB30]  }
0x4d5: {  	v0 =	vadd.f32 v7, v0;
	v1 =	vadd.f32 v4, v1;
	v4 =	vld [tilespmem:s13+$0xCB70]  }
0x4d6: {  	v7 =	vshll.u32 v6, $0x10;
	v6 =	vand.u32 $0xFFFF0000, v6;
	v12 =	vld [tilespmem:s13+$0xCBB0]  }
0x4d7: {  	v0 =	vadd.f32 v7, v0;
	v1 =	vadd.f32 v6, v1;
	v6 =	vld [tilespmem:s13+$0xCBF0]  }
0x4d8: {  	v7 =	vshll.u32 v8, $0x10;
	v8 =	vand.u32 $0xFFFF0000, v8;
	v13 =	vld [tilespmem:s13+$0xCC30]  }
0x4d9: {  	v0 =	vadd.f32 v7, v0;
	v1 =	vadd.f32 v8, v1;
	v7 =	vld [tilespmem:s13+$0xCC70]  }
0x4da: {  	v8 =	vshll.u32 v5, $0x10;
	v5 =	vand.u32 $0xFFFF0000, v5;
	v14 =	vld [tilespmem:s13+$0xCCB0]  }
0x4db: {  	v0 =	vadd.f32 v8, v0;
	v1 =	vadd.f32 v5, v1;
	v5 =	vld [tilespmem:s13+$0xCCF0]  }
0x4dc: {  	v8 =	vshll.u32 v9, $0x10;
	v9 =	vand.u32 $0xFFFF0000, v9;
	v15 =	vld [tilespmem:s13+$0xCD30]  }
0x4dd: {  	v0 =	vadd.f32 v8, v0;
	v1 =	vadd.f32 v9, v1;
	v8 =	vld [tilespmem:s13+$0xCD70]  }
0x4de: {  	v9 =	vshll.u32 v2, $0x10;
	v2 =	vand.u32 $0xFFFF0000, v2;
	v16 =	vld [tilespmem:s13+$0xCDB0]  }
0x4df: {  	v0 =	vadd.f32 v9, v0;
	v1 =	vadd.f32 v2, v1;
	v2 =	vld [tilespmem:s13+$0xCDF0]  }
0x4e0: {  	v9 =	vshll.u32 v10, $0x10;
	v10 =	vand.u32 $0xFFFF0000, v10;
	v17 =	vld [tilespmem:s13+$0xCE30]  }
0x4e1: {  	v0 =	vadd.f32 v9, v0;
	v1 =	vadd.f32 v10, v1;
	v9 =	vld [tilespmem:s13+$0xCE70]  }
0x4e2: {  	v10 =	vshll.u32 v3, $0x10;
	v3 =	vand.u32 $0xFFFF0000, v3;
	v18 =	vld [tilespmem:s13+$0xCEB0]  }
0x4e3: {  	v0 =	vadd.f32 v10, v0;
	v1 =	vadd.f32 v3, v1;
	v3 =	vld [tilespmem:s13+$0xCEF0]  }
0x4e4: {  	v10 =	vshll.u32 v11, $0x10;
	v11 =	vand.u32 $0xFFFF0000, v11;
	v19 =	vld [tilespmem:s13+$0xCF30]  }
0x4e5: {  	v0 =	vadd.f32 v10, v0;
	v1 =	vadd.f32 v11, v1;
	v10 =	vld [tilespmem:s13+$0xCF70]  }
0x4e6: {  	v11 =	vshll.u32 v4, $0x10;
	v4 =	vand.u32 $0xFFFF0000, v4;
	v20 =	vld [tilespmem:s13+$0xCFB0]  }
0x4e7: {  	v0 =	vadd.f32 v11, v0;
	v1 =	vadd.f32 v4, v1;
	v4 =	vld [tilespmem:s13+$0xCFF0]  }
0x4e8: {  	v11 =	vshll.u32 v12, $0x10;
	v12 =	vand.u32 $0xFFFF0000, v12;
	v21 =	vld [tilespmem:s21+$0xFFFFFFF0]  }
0x4e9: {  	v0 =	vadd.f32 v11, v0;
	v1 =	vadd.f32 v12, v1;
	v11 =	vld [tilespmem:s20+$0xFFFFFFF0]  }
0x4ea: {  	v12 =	vshll.u32 v6, $0x10;
	v6 =	vand.u32 $0xFFFF0000, v6  }
0x4eb: {  	v0 =	vadd.f32 v12, v0;
	v1 =	vadd.f32 v6, v1  }
0x4ec: {  	v6 =	vshll.u32 v13, $0x10;
	v12 =	vand.u32 $0xFFFF0000, v13  }
0x4ed: {  	v0 =	vadd.f32 v6, v0;
	v1 =	vadd.f32 v12, v1  }
0x4ee: {  	v6 =	vshll.u32 v7, $0x10;
	v7 =	vand.u32 $0xFFFF0000, v7  }
0x4ef: {  	v0 =	vadd.f32 v6, v0;
	v1 =	vadd.f32 v7, v1  }
0x4f0: {  	v6 =	vshll.u32 v14, $0x10;
	v7 =	vand.u32 $0xFFFF0000, v14  }
0x4f1: {  	v0 =	vadd.f32 v6, v0;
	v1 =	vadd.f32 v7, v1  }
0x4f2: {  	v6 =	vshll.u32 v5, $0x10;
	v5 =	vand.u32 $0xFFFF0000, v5  }
0x4f3: {  	v0 =	vadd.f32 v6, v0;
	v1 =	vadd.f32 v5, v1  }
0x4f4: {  	v5 =	vshll.u32 v15, $0x10;
	v6 =	vand.u32 $0xFFFF0000, v15  }
0x4f5: {  	v0 =	vadd.f32 v5, v0;
	v1 =	vadd.f32 v6, v1  }
0x4f6: {  	v5 =	vshll.u32 v8, $0x10;
	v6 =	vand.u32 $0xFFFF0000, v8  }
0x4f7: {  	v0 =	vadd.f32 v5, v0;
	v1 =	vadd.f32 v6, v1  }
0x4f8: {  	v5 =	vshll.u32 v16, $0x10;
	v6 =	vand.u32 $0xFFFF0000, v16  }
0x4f9: {  	v0 =	vadd.f32 v5, v0;
	v1 =	vadd.f32 v6, v1  }
0x4fa: {  	v5 =	vshll.u32 v2, $0x10;
	v2 =	vand.u32 $0xFFFF0000, v2  }
0x4fb: {  	v0 =	vadd.f32 v5, v0;
	v1 =	vadd.f32 v2, v1  }
0x4fc: {  	v2 =	vshll.u32 v17, $0x10;
	v5 =	vand.u32 $0xFFFF0000, v17  }
0x4fd: {  	v0 =	vadd.f32 v2, v0;
	v1 =	vadd.f32 v5, v1  }
0x4fe: {  	v2 =	vshll.u32 v9, $0x10;
	v5 =	vand.u32 $0xFFFF0000, v9  }
0x4ff: {  	v0 =	vadd.f32 v2, v0;
	v1 =	vadd.f32 v5, v1  }
0x500: {  	v2 =	vshll.u32 v18, $0x10;
	v5 =	vand.u32 $0xFFFF0000, v18  }
0x501: {  	v0 =	vadd.f32 v2, v0;
	v1 =	vadd.f32 v5, v1  }
0x502: {  	v2 =	vshll.u32 v3, $0x10;
	v3 =	vand.u32 $0xFFFF0000, v3  }
0x503: {  	v0 =	vadd.f32 v2, v0;
	v1 =	vadd.f32 v3, v1  }
0x504: {  	v2 =	vshll.u32 v19, $0x10;
	v3 =	vand.u32 $0xFFFF0000, v19  }
0x505: {  	v0 =	vadd.f32 v2, v0;
	v1 =	vadd.f32 v3, v1  }
0x506: {  	v2 =	vshll.u32 v10, $0x10;
	v3 =	vand.u32 $0xFFFF0000, v10  }
0x507: {  	v0 =	vadd.f32 v2, v0;
	v1 =	vadd.f32 v3, v1  }
0x508: {  	v2 =	vshll.u32 v20, $0x10;
	v3 =	vand.u32 $0xFFFF0000, v20  }
0x509: {  	v0 =	vadd.f32 v2, v0;
	v1 =	vadd.f32 v3, v1  }
0x50a: {  	v2 =	vshll.u32 v4, $0x10;
	v3 =	vand.u32 $0xFFFF0000, v4  }
0x50b: {  	v2 =	vadd.f32 v2, v0;
	v0 =	vadd.f32 v3, v1;
	_ =	sdelay $0x1  }
0x50c: {  	v1 =	vadd.f32 v11, v21;
	v2 =	vmul.f32 $3.125000000e-02, v2  }
.Ltmp4:
0x50d: {  	(pc) =	sbr.rel @p1 .LBB2_7-.Ltmp4, $3  }
0x50e: {  	v1 =	vadd.f32 v2, v1;
	_ =	sdelay $0x1  }
0x50f: {  	[tilespmem:s22+$0xFFFFFFF0] =	vst v1  }
0x510: {  	v1 =	vld [tilespmem:s21+$0x0]  }
0x511: {  	v2 =	vld [tilespmem:s20+$0x0];
	_ =	sdelay $0x4  }
0x512: {  	v0 =	vmul.f32 $3.125000000e-02, v0;
	s13 =	sadd.s32 s18, s7;
	v1 =	vadd.f32 v2, v1  }
0x513: {  	s13 =	sshll.u32 s13, $0x7  }
0x514: {  	s13 =	sadd.s32 $0x80, s13;
	v0 =	vadd.f32 v1, v0  }
0x515: {  	s13 =	sand.u32 $0x1FFFFF80, s13  }
.Ltmp5:
0x516: {  	s13 =	sadd.s32 s4, s13;
	[tilespmem:s24+$0x0] =	vst v0;
	(pc) =	sbr.rel @p0 .LBB2_10-.Ltmp5, $4  }
0x517: {  	[hbm4b:s13+s5] =	stream.linear.scatter [tilespmem:s3], [sflag:$0x3], $0x400, $0x38;
	[tilespmem:$0x12000] =	vst v63  }
0x518: {  	_ =	swait.ge [sflag:s12], $0x400  }
0x519: {  	[sflag:s12] =	ssyncset.done $0x0  }
0x51a: {  	[sflag:s12] =	ssyncadd.s32 $0xFFFFFC00  }
0x51b: {  	s13 =	sadd.s32 $0x3, s18  }
0x51c: {  	s18 =	sshll.u32 s13, $0x8  }
0x51d: {  	s18 =	sand.u32 $0x3FFFFF00, s18  }
0x51e: {  	s20 =	sadd.s32 $0x400, s18  }
0x51f: {  	[tilespmem:s23], [sflag:$0x2] =	stream.indirect.gather [hbm4b:s6+s15], $0x40, s20, s15, $0xb8;
	[tilespmem:$0x12000] =	vst v63  }
0x520: {  	s18 =	sadd.s32 $0x480, s18  }
0x521: {  	[tilespmem:s25], [sflag:$0x2] =	stream.indirect.gather [hbm4b:s6+s15], $0x40, s18, s15, $0xb8;
	[tilespmem:$0x12000] =	vst v63  }
.Ltmp6:
0x522: {  	_ = 	snop;
	(pc) =	sbr.rel .LBB2_4-.Ltmp6, $4  }
0x523: {  	s13 =	sshll.u32 s13, $0x3  }
0x524: {  	[tilespmem:s26], [sflag:$0x2] =	stream.indirect.gather [hbm4b:s1+s19], $0x80, s13, s19, $0xb8;
	[tilespmem:$0x12000] =	vst v63  }
0x525: {  	s17 =	sadd.s32 $0x1, s17;
	s13 =	sadd.s32 $0x8400, s13  }
0x526: {  	[tilespmem:s29], [sflag:$0x2] =	stream.indirect.gather [hbm4b:s2+s19], $0x80, s13, s19, $0xb8;
	[tilespmem:$0x12000] =	vst v63  }
.LBB2_11:
0x527: {  	_ =	sfence.sel $0x180000  }
0x528: {  	[bflag:$0x0] =	sbarrier.arrive $0xFFFF  }
0x529: {  	_ =	strace $0x90000047  }
0x52a: {  	s0 =	stileid.u32;
	[bflag:$0x2] =	sbarrier.arrive $0xFFFF  }
0x52b: {  	p0 =	sne.s32 s0, $0x0;
	s0 =	rddreg [dreg:$0x7]  }
0x52c: {  	s0 =	sadd.s32 @!p0 $0x100000, s0  }
0x52d: {  	[sflag:s0] =	ssyncadd.tile.s32 @!p0 $0x1;
	_ =	shalt  }
.Lfunc_end2:
_tile_overlayer_lowered:
.L_overlay_start_2:
0x52e: {  	(tag) =	ssettag $0x2  }
0x52f: {  	s0 =	rddreg [dreg:$0x0];
	s2 =	stileid.u32  }
0x530: {  	s1 =	rddreg [dreg:$0x1];
	p0 =	sne.s32 s2, $0x0  }
0x531: {  	s3 =	rddreg [dreg:$0x2];
	[bflag:$0x3] =	sbarrier.arrive $0xFFFF;
	s2 =	simm.s32 @!p0 $0x1C03  }
0x532: {  	[timem:s3], [sflag:s2] =	dma.local @!p0 [hbm:s0], s1  }
0x533: {  	s0 =	simm.s32 @!p0 $0x3  }
0x534: {  	_ =	swait.ge @!p0 [sflag:s0], s1  }
0x535: {  	s1 =	ssub.s32 @!p0 $0x0, s1;
	[sflag:s0] =	ssyncset.done @!p0 $0x0  }
0x536: {  	[sflag:s0] =	ssyncadd.s32 @!p0 s1  }
0x537: {  	[bflag:$0x3] =	sbarrier.arrive $0xFFFF  }
0x538: {  	_ =	shalt  }

</sc_bundles>
